<compile_context>
chip_gen: v7x
topology: tpu7x:2x2x1
jax: 0.10.2.dev20260603
libtpu: 0.0.44.dev20260713+nightly
codegen_flags: <defaults>
</compile_context>

<pallas_src>
import functools

import jax
import jax.numpy as jnp
from jax import lax
from jax.experimental import pallas as pl
from jax.experimental.pallas import tpu as pltpu
from jax.experimental.pallas import tpu_sc as plsc

_NC = 2
_NS = 16
_K = 128


def _round_up(v, m):
    return (v + m - 1) // m * m




def _deg_body(cpt, rpt, src_ref, dst_ref, out_ref, idx_s, idx_d, ones_v, zbuf,
              deg_o, deg_i, sem):
    c = lax.axis_index("c")
    s = lax.axis_index("s")
    wid = c * _NS + s

    pltpu.sync_copy(src_ref.at[pl.ds(wid * cpt, cpt)], idx_s)
    pltpu.sync_copy(dst_ref.at[pl.ds(wid * cpt, cpt)], idx_d)
    for j in range(8):
        ones_v[pl.ds(j * 16, 16)] = jnp.ones((16,), jnp.float32)

    def zloop(i, carry):
        zbuf[pl.ds(i * 16, 16)] = jnp.zeros((16,), jnp.float32)
        return carry

    lax.fori_loop(0, rpt // 16, zloop, 0)
    pltpu.sync_copy(zbuf, deg_o.at[pl.ds(s * rpt, rpt)])
    pltpu.sync_copy(zbuf, deg_i.at[pl.ds(s * rpt, rpt)])
    plsc.subcore_barrier()

    def eloop(k, carry):
        pltpu.async_copy(ones_v, deg_o.at[idx_s.at[k]], sem, add=True)
        pltpu.async_copy(ones_v, deg_i.at[idx_d.at[k]], sem, add=True)
        return carry

    lax.fori_loop(0, cpt, eloop, 0)

    def dloop(k, carry):
        pltpu.make_async_copy(ones_v, deg_o.at[idx_s.at[k]], sem).wait()
        pltpu.make_async_copy(ones_v, deg_i.at[idx_d.at[k]], sem).wait()
        return carry

    lax.fori_loop(0, cpt, dloop, 0)
    plsc.subcore_barrier()
    pltpu.sync_copy(deg_o.at[pl.ds(s * rpt, rpt)],
                    out_ref.at[c, 0, pl.ds(s * rpt, rpt)])
    pltpu.sync_copy(deg_i.at[pl.ds(s * rpt, rpt)],
                    out_ref.at[c, 1, pl.ds(s * rpt, rpt)])


def _agg_body(cpt, rpt, h_ref, src_ref, dst_ref, out_ref, isr, idr,
              rows0, rows1, agg, is0, is1, is2, is3, gs0, gs1, ss0, ss1):
    c = lax.axis_index("c")
    s = lax.axis_index("s")
    wid = c * _NS + s
    base = wid * cpt
    rows = (rows0, rows1)
    gsem = (gs0, gs1)
    ssem = (ss0, ss1)
    isem = (is0, is1, is2, is3)

    def zloop(i, carry):
        rows0[i // 8, pl.ds((i % 8) * 16, 16)] = jnp.zeros((16,), jnp.float32)
        return carry

    lax.fori_loop(0, 128 * 8, zloop, 0)
    for j in range(rpt // 128):
        pltpu.sync_copy(rows0, agg.at[pl.ds(s * rpt + j * 128, 128)])

    for sl in range(4):
        pltpu.async_copy(src_ref.at[base + sl], isr.at[sl], isem[sl])
        pltpu.async_copy(dst_ref.at[base + sl], idr.at[sl], isem[sl])
    plsc.subcore_barrier()

    def eloop(gg, carry):
        for q in range(2):
            g = gg * 2 + q
            for b in range(2):
                k = g * 2 + b
                sl = 2 * q + b
                psl = (sl + 2) % 4

                @pl.when(g > 0)
                def _():
                    pltpu.make_async_copy(
                        rows[b], agg.at[idr.at[sl]], ssem[b]).wait()

                @pl.when(g < cpt // 2 - 1)
                def _():
                    pltpu.async_copy(src_ref.at[base + k + 2], isr.at[psl],
                                     isem[psl])
                    pltpu.async_copy(dst_ref.at[base + k + 2], idr.at[psl],
                                     isem[psl])

                pltpu.make_async_copy(src_ref.at[base + k], isr.at[sl],
                                      isem[sl]).wait()
                pltpu.make_async_copy(dst_ref.at[base + k], idr.at[sl],
                                      isem[sl]).wait()
                pltpu.async_copy(h_ref.at[isr.at[sl]], rows[b], gsem[b])
            for b in range(2):
                sl = 2 * q + b
                pltpu.make_async_copy(h_ref.at[isr.at[sl]], rows[b],
                                      gsem[b]).wait()
                pltpu.async_copy(rows[b], agg.at[idr.at[sl]], ssem[b],
                                 add=True)
        return carry

    lax.fori_loop(0, cpt // 4, eloop, 0)
    for b in range(2):
        pltpu.make_async_copy(rows[b], agg.at[idr.at[b]], ssem[b]).wait()
    plsc.subcore_barrier()
    pltpu.sync_copy(agg.at[pl.ds(s * rpt, rpt)],
                    out_ref.at[c, pl.ds(s * rpt, rpt)])


@functools.lru_cache(maxsize=None)
def _make_deg_kernel(ep, np_):
    cpt = ep // (_NC * _NS * _K)
    rpt = np_ // _NS
    mesh = plsc.VectorSubcoreMesh(core_axis_name="c", subcore_axis_name="s")
    return pl.kernel(
        functools.partial(_deg_body, cpt, rpt),
        out_type=jax.ShapeDtypeStruct((_NC, 2, np_), jnp.float32),
        mesh=mesh,
        scratch_types=[
            pltpu.VMEM((cpt, _K), jnp.int32),
            pltpu.VMEM((cpt, _K), jnp.int32),
            pltpu.VMEM((_K,), jnp.float32),
            pltpu.VMEM((rpt,), jnp.float32),
            pltpu.VMEM_SHARED((np_,), jnp.float32),
            pltpu.VMEM_SHARED((np_,), jnp.float32),
            pltpu.SemaphoreType.DMA,
        ],
    )


@functools.lru_cache(maxsize=None)
def _make_agg_kernel(ep, np_, d):
    cpt = ep // (_NC * _NS * _K)
    rpt = np_ // _NS
    mesh = plsc.VectorSubcoreMesh(core_axis_name="c", subcore_axis_name="s")
    return pl.kernel(
        functools.partial(_agg_body, cpt, rpt),
        out_type=jax.ShapeDtypeStruct((_NC, np_, d), jnp.float32),
        mesh=mesh,
        scratch_types=[
            pltpu.VMEM((4, _K), jnp.int32),
            pltpu.VMEM((4, _K), jnp.int32),
            pltpu.VMEM((_K, d), jnp.float32),
            pltpu.VMEM((_K, d), jnp.float32),
            pltpu.VMEM_SHARED((np_, d), jnp.float32),
        ] + [pltpu.SemaphoreType.DMA] * 8,
    )




def _prep_tc_body(x_ref, dinv_ref, out_ref):
    out_ref[...] = x_ref[...] * dinv_ref[...]


def _layer_tc_body(p_ref, di_ref, do_ref, w_ref, b_ref, g_ref, be_ref,
                   out_ref):
    t = (p_ref[0] + p_ref[1]) * di_ref[...]
    y = jnp.dot(t, w_ref[...], preferred_element_type=jnp.float32)
    y = y + b_ref[...]
    e = jnp.where(y > 0, y, jnp.exp(jnp.minimum(y, 0.0)) - 1.0)
    mu = jnp.mean(e, axis=-1, keepdims=True)
    d = e - mu
    var = jnp.mean(d * d, axis=-1, keepdims=True)
    ln = d * lax.rsqrt(var + 1e-5) * g_ref[...] + be_ref[...]
    out_ref[...] = ln * do_ref[...]


def _final_tc_body(p_ref, di_ref, w_ref, b_ref, out_ref):
    t = (p_ref[0] + p_ref[1]) * di_ref[...]
    y = jnp.dot(t, w_ref[...], preferred_element_type=jnp.float32)
    out_ref[...] = y + b_ref[...]


def _prep_tc(x_p, dinv_o):
    np_, d = x_p.shape
    blk = 512
    return pl.pallas_call(
        _prep_tc_body,
        grid=(np_ // blk,),
        in_specs=[
            pl.BlockSpec((blk, d), lambda i: (i, 0)),
            pl.BlockSpec((blk, 1), lambda i: (i, 0)),
        ],
        out_specs=pl.BlockSpec((blk, d), lambda i: (i, 0)),
        out_shape=jax.ShapeDtypeStruct((np_, d), jnp.float32),
    )(x_p, dinv_o)


def _layer_tc(p, dinv_i, dinv_o, w, b, g, be):
    _, np_, d = p.shape
    h = w.shape[1]
    blk = 512
    return pl.pallas_call(
        _layer_tc_body,
        grid=(np_ // blk,),
        in_specs=[
            pl.BlockSpec((_NC, blk, d), lambda i: (0, i, 0)),
            pl.BlockSpec((blk, 1), lambda i: (i, 0)),
            pl.BlockSpec((blk, 1), lambda i: (i, 0)),
            pl.BlockSpec((d, h), lambda i: (0, 0)),
            pl.BlockSpec((1, h), lambda i: (0, 0)),
            pl.BlockSpec((1, h), lambda i: (0, 0)),
            pl.BlockSpec((1, h), lambda i: (0, 0)),
        ],
        out_specs=pl.BlockSpec((blk, h), lambda i: (i, 0)),
        out_shape=jax.ShapeDtypeStruct((np_, h), jnp.float32),
    )(p, dinv_i, dinv_o, w, b, g, be)


def _final_tc(p, dinv_i, w, b):
    _, np_, d = p.shape
    h = w.shape[1]
    blk = 512
    return pl.pallas_call(
        _final_tc_body,
        grid=(np_ // blk,),
        in_specs=[
            pl.BlockSpec((_NC, blk, d), lambda i: (0, i, 0)),
            pl.BlockSpec((blk, 1), lambda i: (i, 0)),
            pl.BlockSpec((d, h), lambda i: (0, 0)),
            pl.BlockSpec((1, h), lambda i: (0, 0)),
        ],
        out_specs=pl.BlockSpec((blk, h), lambda i: (i, 0)),
        out_shape=jax.ShapeDtypeStruct((np_, h), jnp.float32),
    )(p, dinv_i, w, b)




def kernel(x, edge_index, W1, b1, g1, be1, W2, b2, g2, be2, W3, b3):
    n, d = x.shape
    e = edge_index.shape[1]
    c = W3.shape[1]
    np_ = _NS * _round_up(-(-n // _NS), 128)
    ep = _round_up(e, _NC * _NS * _K * 2)
    dump = np_ - 1

    src = jnp.pad(edge_index[0], (0, ep - e),
                  constant_values=dump).reshape(ep // _K, _K)
    dst = jnp.pad(edge_index[1], (0, ep - e),
                  constant_values=dump).reshape(ep // _K, _K)
    x_p = jnp.pad(x, ((0, np_ - n), (0, 0)))

    degp = _make_deg_kernel(ep, np_)(src, dst)
    deg_o = jnp.maximum(degp[0, 0] + degp[1, 0], 1.0)
    deg_i = jnp.maximum(degp[0, 1] + degp[1, 1], 1.0)
    dinv_o = lax.rsqrt(deg_o).reshape(np_, 1)
    dinv_i = lax.rsqrt(deg_i).reshape(np_, 1)

    agg = _make_agg_kernel(ep, np_, d)

    hs = _prep_tc(x_p, dinv_o)
    p = agg(hs, src, dst)
    hs = _layer_tc(p, dinv_i, dinv_o, W1, b1.reshape(1, -1),
                   g1.reshape(1, -1), be1.reshape(1, -1))
    p = agg(hs, src, dst)
    hs = _layer_tc(p, dinv_i, dinv_o, W2, b2.reshape(1, -1),
                   g2.reshape(1, -1), be2.reshape(1, -1))
    p = agg(hs, src, dst)

    w3p = jnp.pad(W3, ((0, 0), (0, d - c)))
    b3p = jnp.pad(b3, (0, d - c)).reshape(1, -1)
    out = _final_tc(p, dinv_i, w3p, b3p)
    return out[:n, :c]

# --- scband reference (transcript-rebuilt; emitter-appended) ---
"""Pipeline reference for scband-gcn-32091995636146 (READ-ONLY COPY).

The authoritative reference and input builder live on the scoring server;
editing this copy changes nothing except your own understanding.
"""

import jax, jax.numpy as jnp
import numpy as np

N = 10000
E = 320000
D = 128
H = 128
C = 40


def setup_inputs(seed: int = 0) -> dict:
    key = jax.random.key(seed)
    ks = jax.random.split(key, 12)
    x = jax.random.normal(ks[0], (N, D), dtype=jnp.float32)
    edge_index = jax.random.randint(ks[1], (2, E), 0, N, dtype=jnp.int32)
    W1 = jax.random.normal(ks[2], (D, H), dtype=jnp.float32) / np.sqrt(D)
    b1 = jnp.zeros((H,), dtype=jnp.float32)
    g1 = jnp.ones((H,), dtype=jnp.float32)
    be1 = jnp.zeros((H,), dtype=jnp.float32)
    W2 = jax.random.normal(ks[3], (H, H), dtype=jnp.float32) / np.sqrt(H)
    b2 = jnp.zeros((H,), dtype=jnp.float32)
    g2 = jnp.ones((H,), dtype=jnp.float32)
    be2 = jnp.zeros((H,), dtype=jnp.float32)
    W3 = jax.random.normal(ks[4], (H, C), dtype=jnp.float32) / np.sqrt(H)
    b3 = jnp.zeros((C,), dtype=jnp.float32)
    return {"x": x, "edge_index": edge_index, "W1": W1, "b1": b1, "g1": g1, "be1": be1,
            "W2": W2, "b2": b2, "g2": g2, "be2": be2, "W3": W3, "b3": b3}


def _graph_conv(h, src, dst, dinv_out, dinv_in, W, b):
    # DGL GraphConv with norm='both': D^{-1/2} A D^{-1/2} H W + b
    h = h * dinv_out[:, None]
    msg = h[src]                               # gather (SparseCore)
    agg = jnp.zeros((h.shape[0], h.shape[1]), h.dtype).at[dst].add(msg)  # scatter-add
    agg = agg * dinv_in[:, None]
    return agg @ W + b


def _layer_norm(h, g, b, eps=1e-5):
    mu = jnp.mean(h, axis=-1, keepdims=True)
    var = jnp.var(h, axis=-1, keepdims=True)
    return (h - mu) / jnp.sqrt(var + eps) * g + b


def reference(x, edge_index, W1, b1, g1, be1, W2, b2, g2, be2, W3, b3):
    src = edge_index[0]
    dst = edge_index[1]
    n = x.shape[0]
    deg_out = jnp.clip(jnp.zeros((n,), x.dtype).at[src].add(1.0), 1.0)
    deg_in = jnp.clip(jnp.zeros((n,), x.dtype).at[dst].add(1.0), 1.0)
    dinv_out = 1.0 / jnp.sqrt(deg_out)
    dinv_in = 1.0 / jnp.sqrt(deg_in)
    # layer 1: conv + elu, dropout (eval -> identity), layer norm
    h = jax.nn.elu(_graph_conv(x, src, dst, dinv_out, dinv_in, W1, b1))
    h = _layer_norm(h, g1, be1)
    # layer 2: conv + elu, dropout (eval -> identity), layer norm
    h = jax.nn.elu(_graph_conv(h, src, dst, dinv_out, dinv_in, W2, b2))
    h = _layer_norm(h, g2, be2)
    # output conv (no activation)
    out = _graph_conv(h, src, dst, dinv_out, dinv_in, W3, b3)
    return out

if __name__ == "__main__":
    import jax
    _d = setup_inputs()
    print(jax.jit(kernel)(*tuple(_d.values())))

</pallas_src>

<mosaic_0001>
#map = affine_map<(d0, d1) -> (0, 0)>
#map1 = affine_map<(d0, d1) -> (0, 0, 0)>
module attributes {stable_mosaic.version = 14 : i64} {
  func.func @_deg_body(%arg0: i32, %arg1: i32, %arg2: memref<2560x128xi32, #tpu.memory_space<hbm>>, %arg3: memref<2560x128xi32, #tpu.memory_space<hbm>>, %arg4: memref<2x2x10240xf32, #tpu.memory_space<hbm>>, %arg5: memref<80x128xi32, #tpu.memory_space<vmem>>, %arg6: memref<80x128xi32, #tpu.memory_space<vmem>>, %arg7: memref<128xf32, #tpu.memory_space<vmem>>, %arg8: memref<640xf32, #tpu.memory_space<vmem>>, %arg9: memref<10240xf32, #tpu.memory_space<vmem_shared>>, %arg10: memref<10240xf32, #tpu.memory_space<vmem_shared>>, %arg11: memref<!tpu.dma_semaphore, #tpu.memory_space<semaphore_mem>>) attributes {dimension_semantics = [#tpu.dimension_semantics<core_parallel>, #tpu.dimension_semantics<subcore_parallel>], iteration_bounds = array<i64: 2, 16>, scalar_prefetch = 0 : i64, scratch_operands = 7 : i64, tpu.core_type = #tpu.core_type<sc_vector_subcore>, window_params = [{transform_indices = #map}, {transform_indices = #map}, {transform_indices = #map1}]} {
    %mul3A = arith.constant 16 : i32
    %mul3A_0 = arith.muli %arg0, %mul3A : i32
    %add3A = arith.addi %mul3A_0, %arg1 : i32
    %mul3A_1 = arith.constant 80 : i32
    %mul3A_2 = arith.muli %add3A, %mul3A_1 : i32
    "tpu.region"() ({
      %run_scoped3A_82 = tpu.sem_alloc : memref<!tpu.dma_semaphore, #tpu.memory_space<semaphore_mem>>
      %dma_start3A = arith.constant 0 : i32
      %dma_start3A_83 = tpu.memref_slice %arg2[%mul3A_2, %dma_start3A] : memref<2560x128xi32, #tpu.memory_space<hbm>> -> memref<80x128xi32, #tpu.memory_space<hbm>>
      %dma_start3A_84 = arith.constant 0 : i32
      %dma_start3A_85 = tpu.memref_slice %arg2[%mul3A_2, %dma_start3A_84] : memref<2560x128xi32, #tpu.memory_space<hbm>> -> memref<80x128xi32, #tpu.memory_space<hbm>>
      tpu.enqueue_dma source(%dma_start3A_85 : memref<80x128xi32, #tpu.memory_space<hbm>>) target(%arg5 : memref<80x128xi32, #tpu.memory_space<vmem>>) target_semaphore(%run_scoped3A_82 : memref<!tpu.dma_semaphore, #tpu.memory_space<semaphore_mem>>)
      %dma_wait3A = arith.constant 0 : i32
      %dma_wait3A_86 = tpu.memref_slice %arg2[%mul3A_2, %dma_wait3A] : memref<2560x128xi32, #tpu.memory_space<hbm>> -> memref<80x128xi32, #tpu.memory_space<hbm>>
      %dma_wait3A_87 = arith.constant 0 : i32
      %dma_wait3A_88 = tpu.memref_slice %arg2[%mul3A_2, %dma_wait3A_87] : memref<2560x128xi32, #tpu.memory_space<hbm>> -> memref<80x128xi32, #tpu.memory_space<hbm>>
      tpu.wait_dma2 semaphore(%run_scoped3A_82 : memref<!tpu.dma_semaphore, #tpu.memory_space<semaphore_mem>>) src(%dma_wait3A_88 : memref<80x128xi32, #tpu.memory_space<hbm>>) dst(%arg5 : memref<80x128xi32, #tpu.memory_space<vmem>>)
      tpu.yield
    }) : () -> ()
    %mul3A_3 = arith.constant 80 : i32
    %mul3A_4 = arith.muli %add3A, %mul3A_3 : i32
    "tpu.region"() ({
      %run_scoped3A_82 = tpu.sem_alloc : memref<!tpu.dma_semaphore, #tpu.memory_space<semaphore_mem>>
      %dma_start3A = arith.constant 0 : i32
      %dma_start3A_83 = tpu.memref_slice %arg3[%mul3A_4, %dma_start3A] : memref<2560x128xi32, #tpu.memory_space<hbm>> -> memref<80x128xi32, #tpu.memory_space<hbm>>
      %dma_start3A_84 = arith.constant 0 : i32
      %dma_start3A_85 = tpu.memref_slice %arg3[%mul3A_4, %dma_start3A_84] : memref<2560x128xi32, #tpu.memory_space<hbm>> -> memref<80x128xi32, #tpu.memory_space<hbm>>
      tpu.enqueue_dma source(%dma_start3A_85 : memref<80x128xi32, #tpu.memory_space<hbm>>) target(%arg6 : memref<80x128xi32, #tpu.memory_space<vmem>>) target_semaphore(%run_scoped3A_82 : memref<!tpu.dma_semaphore, #tpu.memory_space<semaphore_mem>>)
      %dma_wait3A = arith.constant 0 : i32
      %dma_wait3A_86 = tpu.memref_slice %arg3[%mul3A_4, %dma_wait3A] : memref<2560x128xi32, #tpu.memory_space<hbm>> -> memref<80x128xi32, #tpu.memory_space<hbm>>
      %dma_wait3A_87 = arith.constant 0 : i32
      %dma_wait3A_88 = tpu.memref_slice %arg3[%mul3A_4, %dma_wait3A_87] : memref<2560x128xi32, #tpu.memory_space<hbm>> -> memref<80x128xi32, #tpu.memory_space<hbm>>
      tpu.wait_dma2 semaphore(%run_scoped3A_82 : memref<!tpu.dma_semaphore, #tpu.memory_space<semaphore_mem>>) src(%dma_wait3A_88 : memref<80x128xi32, #tpu.memory_space<hbm>>) dst(%arg6 : memref<80x128xi32, #tpu.memory_space<vmem>>)
      tpu.yield
    }) : () -> ()
    %broadcast_in_dim3A = arith.constant 1.000000e+00 : f32
    %broadcast_in_dim3A_5 = vector.broadcast %broadcast_in_dim3A : f32 to vector<16xf32>
    %swap3A = arith.constant 0 : index
    %swap3A_6 = tpu.vector_load %arg7[%swap3A] {strides = array<i32>} : memref<128xf32, #tpu.memory_space<vmem>>, vector<16xf32>,
    %swap3A_7 = vector.shape_cast %swap3A_6 : vector<16xf32> to vector<16xf32>
    %swap3A_8 = vector.shape_cast %broadcast_in_dim3A_5 : vector<16xf32> to vector<16xf32>
    tpu.vector_store %arg7[%swap3A], %swap3A_8 {strides = array<i32>} : memref<128xf32, #tpu.memory_space<vmem>>, vector<16xf32>,
    %broadcast_in_dim3A_9 = arith.constant 1.000000e+00 : f32
    %broadcast_in_dim3A_10 = vector.broadcast %broadcast_in_dim3A_9 : f32 to vector<16xf32>
    %swap3A_11 = arith.constant 16 : index
    %swap3A_12 = tpu.vector_load %arg7[%swap3A_11] {strides = array<i32>} : memref<128xf32, #tpu.memory_space<vmem>>, vector<16xf32>,
    %swap3A_13 = vector.shape_cast %swap3A_12 : vector<16xf32> to vector<16xf32>
    %swap3A_14 = vector.shape_cast %broadcast_in_dim3A_10 : vector<16xf32> to vector<16xf32>
    tpu.vector_store %arg7[%swap3A_11], %swap3A_14 {strides = array<i32>} : memref<128xf32, #tpu.memory_space<vmem>>, vector<16xf32>,
    %broadcast_in_dim3A_15 = arith.constant 1.000000e+00 : f32
    %broadcast_in_dim3A_16 = vector.broadcast %broadcast_in_dim3A_15 : f32 to vector<16xf32>
    %swap3A_17 = arith.constant 32 : index
    %swap3A_18 = tpu.vector_load %arg7[%swap3A_17] {strides = array<i32>} : memref<128xf32, #tpu.memory_space<vmem>>, vector<16xf32>,
    %swap3A_19 = vector.shape_cast %swap3A_18 : vector<16xf32> to vector<16xf32>
    %swap3A_20 = vector.shape_cast %broadcast_in_dim3A_16 : vector<16xf32> to vector<16xf32>
    tpu.vector_store %arg7[%swap3A_17], %swap3A_20 {strides = array<i32>} : memref<128xf32, #tpu.memory_space<vmem>>, vector<16xf32>,
    %broadcast_in_dim3A_21 = arith.constant 1.000000e+00 : f32
    %broadcast_in_dim3A_22 = vector.broadcast %broadcast_in_dim3A_21 : f32 to vector<16xf32>
    %swap3A_23 = arith.constant 48 : index
    %swap3A_24 = tpu.vector_load %arg7[%swap3A_23] {strides = array<i32>} : memref<128xf32, #tpu.memory_space<vmem>>, vector<16xf32>,
    %swap3A_25 = vector.shape_cast %swap3A_24 : vector<16xf32> to vector<16xf32>
    %swap3A_26 = vector.shape_cast %broadcast_in_dim3A_22 : vector<16xf32> to vector<16xf32>
    tpu.vector_store %arg7[%swap3A_23], %swap3A_26 {strides = array<i32>} : memref<128xf32, #tpu.memory_space<vmem>>, vector<16xf32>,
    %broadcast_in_dim3A_27 = arith.constant 1.000000e+00 : f32
    %broadcast_in_dim3A_28 = vector.broadcast %broadcast_in_dim3A_27 : f32 to vector<16xf32>
    %swap3A_29 = arith.constant 64 : index
    %swap3A_30 = tpu.vector_load %arg7[%swap3A_29] {strides = array<i32>} : memref<128xf32, #tpu.memory_space<vmem>>, vector<16xf32>,
    %swap3A_31 = vector.shape_cast %swap3A_30 : vector<16xf32> to vector<16xf32>
    %swap3A_32 = vector.shape_cast %broadcast_in_dim3A_28 : vector<16xf32> to vector<16xf32>
    tpu.vector_store %arg7[%swap3A_29], %swap3A_32 {strides = array<i32>} : memref<128xf32, #tpu.memory_space<vmem>>, vector<16xf32>,
    %broadcast_in_dim3A_33 = arith.constant 1.000000e+00 : f32
    %broadcast_in_dim3A_34 = vector.broadcast %broadcast_in_dim3A_33 : f32 to vector<16xf32>
    %swap3A_35 = arith.constant 80 : index
    %swap3A_36 = tpu.vector_load %arg7[%swap3A_35] {strides = array<i32>} : memref<128xf32, #tpu.memory_space<vmem>>, vector<16xf32>,
    %swap3A_37 = vector.shape_cast %swap3A_36 : vector<16xf32> to vector<16xf32>
    %swap3A_38 = vector.shape_cast %broadcast_in_dim3A_34 : vector<16xf32> to vector<16xf32>
    tpu.vector_store %arg7[%swap3A_35], %swap3A_38 {strides = array<i32>} : memref<128xf32, #tpu.memory_space<vmem>>, vector<16xf32>,
    %broadcast_in_dim3A_39 = arith.constant 1.000000e+00 : f32
    %broadcast_in_dim3A_40 = vector.broadcast %broadcast_in_dim3A_39 : f32 to vector<16xf32>
    %swap3A_41 = arith.constant 96 : index
    %swap3A_42 = tpu.vector_load %arg7[%swap3A_41] {strides = array<i32>} : memref<128xf32, #tpu.memory_space<vmem>>, vector<16xf32>,
    %swap3A_43 = vector.shape_cast %swap3A_42 : vector<16xf32> to vector<16xf32>
    %swap3A_44 = vector.shape_cast %broadcast_in_dim3A_40 : vector<16xf32> to vector<16xf32>
    tpu.vector_store %arg7[%swap3A_41], %swap3A_44 {strides = array<i32>} : memref<128xf32, #tpu.memory_space<vmem>>, vector<16xf32>,
    %broadcast_in_dim3A_45 = arith.constant 1.000000e+00 : f32
    %broadcast_in_dim3A_46 = vector.broadcast %broadcast_in_dim3A_45 : f32 to vector<16xf32>
    %swap3A_47 = arith.constant 112 : index
    %swap3A_48 = tpu.vector_load %arg7[%swap3A_47] {strides = array<i32>} : memref<128xf32, #tpu.memory_space<vmem>>, vector<16xf32>,
    %swap3A_49 = vector.shape_cast %swap3A_48 : vector<16xf32> to vector<16xf32>
    %swap3A_50 = vector.shape_cast %broadcast_in_dim3A_46 : vector<16xf32> to vector<16xf32>
    tpu.vector_store %arg7[%swap3A_47], %swap3A_50 {strides = array<i32>} : memref<128xf32, #tpu.memory_space<vmem>>, vector<16xf32>,
    %scan3A = arith.constant 0 : i32
    %scan3A_51 = arith.constant 0 : i32
    %scan3A_52 = arith.constant 40 : i32
    %scan3A_53 = arith.addi %scan3A_51, %scan3A_52 : i32
    %scan3A_54 = arith.constant 1 : i32
    scf.for %scan3A_82 = %scan3A_51 to %scan3A_53 step %scan3A_54  : i32 {
      %broadcast_in_dim3A_83 = arith.constant 0.000000e+00 : f32
      %broadcast_in_dim3A_84 = vector.broadcast %broadcast_in_dim3A_83 : f32 to vector<16xf32>
      %mul3A_85 = arith.constant 16 : i32
      %mul3A_86 = arith.muli %scan3A_82, %mul3A_85 : i32
      %swap3A_87 = arith.index_cast %mul3A_86 : i32 to index
      %swap3A_88 = tpu.vector_load %arg8[%swap3A_87] {strides = array<i32>} : memref<640xf32, #tpu.memory_space<vmem>>, vector<16xf32>,
      %swap3A_89 = vector.shape_cast %swap3A_88 : vector<16xf32> to vector<16xf32>
      %swap3A_90 = vector.shape_cast %broadcast_in_dim3A_84 : vector<16xf32> to vector<16xf32>
      tpu.vector_store %arg8[%swap3A_87], %swap3A_90 {strides = array<i32>} : memref<640xf32, #tpu.memory_space<vmem>>, vector<16xf32>,
    }
    %scan3A_55 = arith.constant 40 : i32
    %mul3A_56 = arith.constant 640 : i32
    %mul3A_57 = arith.muli %arg1, %mul3A_56 : i32
    "tpu.region"() ({
      %run_scoped3A_82 = tpu.sem_alloc : memref<!tpu.dma_semaphore, #tpu.memory_space<semaphore_mem>>
      %dma_start3A = tpu.memref_slice %arg9[%mul3A_57] : memref<10240xf32, #tpu.memory_space<vmem_shared>> -> memref<640xf32, #tpu.memory_space<vmem_shared>>
      %dma_start3A_83 = tpu.memref_slice %arg9[%mul3A_57] : memref<10240xf32, #tpu.memory_space<vmem_shared>> -> memref<640xf32, #tpu.memory_space<vmem_shared>>
      tpu.enqueue_dma source(%arg8 : memref<640xf32, #tpu.memory_space<vmem>>) target(%dma_start3A_83 : memref<640xf32, #tpu.memory_space<vmem_shared>>) target_semaphore(%run_scoped3A_82 : memref<!tpu.dma_semaphore, #tpu.memory_space<semaphore_mem>>)
      %dma_wait3A = tpu.memref_slice %arg9[%mul3A_57] : memref<10240xf32, #tpu.memory_space<vmem_shared>> -> memref<640xf32, #tpu.memory_space<vmem_shared>>
      %dma_wait3A_84 = tpu.memref_slice %arg9[%mul3A_57] : memref<10240xf32, #tpu.memory_space<vmem_shared>> -> memref<640xf32, #tpu.memory_space<vmem_shared>>
      tpu.wait_dma2 semaphore(%run_scoped3A_82 : memref<!tpu.dma_semaphore, #tpu.memory_space<semaphore_mem>>) src(%arg8 : memref<640xf32, #tpu.memory_space<vmem>>) dst(%dma_wait3A_84 : memref<640xf32, #tpu.memory_space<vmem_shared>>)
      tpu.yield
    }) : () -> ()
    %mul3A_58 = arith.constant 640 : i32
    %mul3A_59 = arith.muli %arg1, %mul3A_58 : i32
    "tpu.region"() ({
      %run_scoped3A_82 = tpu.sem_alloc : memref<!tpu.dma_semaphore, #tpu.memory_space<semaphore_mem>>
      %dma_start3A = tpu.memref_slice %arg10[%mul3A_59] : memref<10240xf32, #tpu.memory_space<vmem_shared>> -> memref<640xf32, #tpu.memory_space<vmem_shared>>
      %dma_start3A_83 = tpu.memref_slice %arg10[%mul3A_59] : memref<10240xf32, #tpu.memory_space<vmem_shared>> -> memref<640xf32, #tpu.memory_space<vmem_shared>>
      tpu.enqueue_dma source(%arg8 : memref<640xf32, #tpu.memory_space<vmem>>) target(%dma_start3A_83 : memref<640xf32, #tpu.memory_space<vmem_shared>>) target_semaphore(%run_scoped3A_82 : memref<!tpu.dma_semaphore, #tpu.memory_space<semaphore_mem>>)
      %dma_wait3A = tpu.memref_slice %arg10[%mul3A_59] : memref<10240xf32, #tpu.memory_space<vmem_shared>> -> memref<640xf32, #tpu.memory_space<vmem_shared>>
      %dma_wait3A_84 = tpu.memref_slice %arg10[%mul3A_59] : memref<10240xf32, #tpu.memory_space<vmem_shared>> -> memref<640xf32, #tpu.memory_space<vmem_shared>>
      tpu.wait_dma2 semaphore(%run_scoped3A_82 : memref<!tpu.dma_semaphore, #tpu.memory_space<semaphore_mem>>) src(%arg8 : memref<640xf32, #tpu.memory_space<vmem>>) dst(%dma_wait3A_84 : memref<640xf32, #tpu.memory_space<vmem_shared>>)
      tpu.yield
    }) : () -> ()
    %barrier3A = arith.constant 0 : index
    tpu.barrier barrier_id(%barrier3A)
    %scan3A_60 = arith.constant 0 : i32
    %scan3A_61 = arith.constant 0 : i32
    %scan3A_62 = arith.constant 80 : i32
    %scan3A_63 = arith.addi %scan3A_61, %scan3A_62 : i32
    %scan3A_64 = arith.constant 1 : i32
    scf.for %scan3A_82 = %scan3A_61 to %scan3A_63 step %scan3A_64  : i32 {
      %dma_start3A = arith.constant 0 : i32
      %dma_start3A_83 = tpu.memref_slice %arg5[%scan3A_82, %dma_start3A] : memref<80x128xi32, #tpu.memory_space<vmem>> -> memref<1x128xi32, #tpu.memory_space<vmem>>
      %dma_start3A_84 = tpu.memref_squeeze %dma_start3A_83 : memref<1x128xi32, #tpu.memory_space<vmem>> -> memref<128xi32, #tpu.memory_space<vmem>>
      %dma_start3A_85 = arith.constant 0 : i32
      %dma_start3A_86 = tpu.memref_slice %arg9[%dma_start3A_85] : memref<10240xf32, #tpu.memory_space<vmem_shared>> -> memref<10240xf32, #tpu.memory_space<vmem_shared>>
      tpu.enqueue_indirect_dma source(%arg7 : memref<128xf32, #tpu.memory_space<vmem>>) target(%dma_start3A_86 : memref<10240xf32, #tpu.memory_space<vmem_shared>>) offsets(%dma_start3A_84 : memref<128xi32, #tpu.memory_space<vmem>>) semaphore(%arg11 : memref<!tpu.dma_semaphore, #tpu.memory_space<semaphore_mem>>) {add = true}
      %dma_start3A_87 = arith.constant 0 : i32
      %dma_start3A_88 = tpu.memref_slice %arg6[%scan3A_82, %dma_start3A_87] : memref<80x128xi32, #tpu.memory_space<vmem>> -> memref<1x128xi32, #tpu.memory_space<vmem>>
      %dma_start3A_89 = tpu.memref_squeeze %dma_start3A_88 : memref<1x128xi32, #tpu.memory_space<vmem>> -> memref<128xi32, #tpu.memory_space<vmem>>
      %dma_start3A_90 = arith.constant 0 : i32
      %dma_start3A_91 = tpu.memref_slice %arg10[%dma_start3A_90] : memref<10240xf32, #tpu.memory_space<vmem_shared>> -> memref<10240xf32, #tpu.memory_space<vmem_shared>>
      tpu.enqueue_indirect_dma source(%arg7 : memref<128xf32, #tpu.memory_space<vmem>>) target(%dma_start3A_91 : memref<10240xf32, #tpu.memory_space<vmem_shared>>) offsets(%dma_start3A_89 : memref<128xi32, #tpu.memory_space<vmem>>) semaphore(%arg11 : memref<!tpu.dma_semaphore, #tpu.memory_space<semaphore_mem>>) {add = true}
    }
    %scan3A_65 = arith.constant 80 : i32
    %scan3A_66 = arith.constant 0 : i32
    %scan3A_67 = arith.constant 0 : i32
    %scan3A_68 = arith.constant 80 : i32
    %scan3A_69 = arith.addi %scan3A_67, %scan3A_68 : i32
    %scan3A_70 = arith.constant 1 : i32
    scf.for %scan3A_82 = %scan3A_67 to %scan3A_69 step %scan3A_70  : i32 {
      %dma_wait3A = arith.constant 0 : i32
      %dma_wait3A_83 = tpu.memref_slice %arg5[%scan3A_82, %dma_wait3A] : memref<80x128xi32, #tpu.memory_space<vmem>> -> memref<1x128xi32, #tpu.memory_space<vmem>>
      %dma_wait3A_84 = tpu.memref_squeeze %dma_wait3A_83 : memref<1x128xi32, #tpu.memory_space<vmem>> -> memref<128xi32, #tpu.memory_space<vmem>>
      %dma_wait3A_85 = arith.constant 0 : i32
      %dma_wait3A_86 = tpu.memref_slice %arg9[%dma_wait3A_85] : memref<10240xf32, #tpu.memory_space<vmem_shared>> -> memref<10240xf32, #tpu.memory_space<vmem_shared>>
      tpu.wait_indirect_dma semaphore(%arg11 : memref<!tpu.dma_semaphore, #tpu.memory_space<semaphore_mem>>) src(%arg7 : memref<128xf32, #tpu.memory_space<vmem>>) dst(%dma_wait3A_86 : memref<10240xf32, #tpu.memory_space<vmem_shared>>)
      %dma_wait3A_87 = arith.constant 0 : i32
      %dma_wait3A_88 = tpu.memref_slice %arg6[%scan3A_82, %dma_wait3A_87] : memref<80x128xi32, #tpu.memory_space<vmem>> -> memref<1x128xi32, #tpu.memory_space<vmem>>
      %dma_wait3A_89 = tpu.memref_squeeze %dma_wait3A_88 : memref<1x128xi32, #tpu.memory_space<vmem>> -> memref<128xi32, #tpu.memory_space<vmem>>
      %dma_wait3A_90 = arith.constant 0 : i32
      %dma_wait3A_91 = tpu.memref_slice %arg10[%dma_wait3A_90] : memref<10240xf32, #tpu.memory_space<vmem_shared>> -> memref<10240xf32, #tpu.memory_space<vmem_shared>>
      tpu.wait_indirect_dma semaphore(%arg11 : memref<!tpu.dma_semaphore, #tpu.memory_space<semaphore_mem>>) src(%arg7 : memref<128xf32, #tpu.memory_space<vmem>>) dst(%dma_wait3A_91 : memref<10240xf32, #tpu.memory_space<vmem_shared>>)
    }
    %scan3A_71 = arith.constant 80 : i32
    %barrier3A_72 = arith.constant 0 : index
    tpu.barrier barrier_id(%barrier3A_72)
    %mul3A_73 = arith.constant 640 : i32
    %mul3A_74 = arith.muli %arg1, %mul3A_73 : i32
    %mul3A_75 = arith.constant 640 : i32
    %mul3A_76 = arith.muli %arg1, %mul3A_75 : i32
    %run_scoped3A = arith.constant 0 : i32
    "tpu.region"() ({
      %run_scoped3A_82 = tpu.sem_alloc : memref<!tpu.dma_semaphore, #tpu.memory_space<semaphore_mem>>
      %dma_start3A = tpu.memref_slice %arg4[%arg0, %run_scoped3A, %mul3A_76] : memref<2x2x10240xf32, #tpu.memory_space<hbm>> -> memref<1x1x640xf32, #tpu.memory_space<hbm>>
      %dma_start3A_83 = tpu.memref_squeeze %dma_start3A : memref<1x1x640xf32, #tpu.memory_space<hbm>> -> memref<640xf32, #tpu.memory_space<hbm>>
      %dma_start3A_84 = tpu.memref_slice %arg9[%mul3A_74] : memref<10240xf32, #tpu.memory_space<vmem_shared>> -> memref<640xf32, #tpu.memory_space<vmem_shared>>
      tpu.enqueue_dma source(%dma_start3A_84 : memref<640xf32, #tpu.memory_space<vmem_shared>>) target(%dma_start3A_83 : memref<640xf32, #tpu.memory_space<hbm>>) target_semaphore(%run_scoped3A_82 : memref<!tpu.dma_semaphore, #tpu.memory_space<semaphore_mem>>)
      %dma_wait3A = tpu.memref_slice %arg4[%arg0, %run_scoped3A, %mul3A_76] : memref<2x2x10240xf32, #tpu.memory_space<hbm>> -> memref<1x1x640xf32, #tpu.memory_space<hbm>>
      %dma_wait3A_85 = tpu.memref_squeeze %dma_wait3A : memref<1x1x640xf32, #tpu.memory_space<hbm>> -> memref<640xf32, #tpu.memory_space<hbm>>
      %dma_wait3A_86 = tpu.memref_slice %arg9[%mul3A_74] : memref<10240xf32, #tpu.memory_space<vmem_shared>> -> memref<640xf32, #tpu.memory_space<vmem_shared>>
      tpu.wait_dma2 semaphore(%run_scoped3A_82 : memref<!tpu.dma_semaphore, #tpu.memory_space<semaphore_mem>>) src(%dma_wait3A_86 : memref<640xf32, #tpu.memory_space<vmem_shared>>) dst(%dma_wait3A_85 : memref<640xf32, #tpu.memory_space<hbm>>)
      tpu.yield
    }) : () -> ()
    %mul3A_77 = arith.constant 640 : i32
    %mul3A_78 = arith.muli %arg1, %mul3A_77 : i32
    %mul3A_79 = arith.constant 640 : i32
    %mul3A_80 = arith.muli %arg1, %mul3A_79 : i32
    %run_scoped3A_81 = arith.constant 1 : i32
    "tpu.region"() ({
      %run_scoped3A_82 = tpu.sem_alloc : memref<!tpu.dma_semaphore, #tpu.memory_space<semaphore_mem>>
      %dma_start3A = tpu.memref_slice %arg4[%arg0, %run_scoped3A_81, %mul3A_80] : memref<2x2x10240xf32, #tpu.memory_space<hbm>> -> memref<1x1x640xf32, #tpu.memory_space<hbm>>
      %dma_start3A_83 = tpu.memref_squeeze %dma_start3A : memref<1x1x640xf32, #tpu.memory_space<hbm>> -> memref<640xf32, #tpu.memory_space<hbm>>
      %dma_start3A_84 = tpu.memref_slice %arg10[%mul3A_78] : memref<10240xf32, #tpu.memory_space<vmem_shared>> -> memref<640xf32, #tpu.memory_space<vmem_shared>>
      tpu.enqueue_dma source(%dma_start3A_84 : memref<640xf32, #tpu.memory_space<vmem_shared>>) target(%dma_start3A_83 : memref<640xf32, #tpu.memory_space<hbm>>) target_semaphore(%run_scoped3A_82 : memref<!tpu.dma_semaphore, #tpu.memory_space<semaphore_mem>>)
      %dma_wait3A = tpu.memref_slice %arg4[%arg0, %run_scoped3A_81, %mul3A_80] : memref<2x2x10240xf32, #tpu.memory_space<hbm>> -> memref<1x1x640xf32, #tpu.memory_space<hbm>>
      %dma_wait3A_85 = tpu.memref_squeeze %dma_wait3A : memref<1x1x640xf32, #tpu.memory_space<hbm>> -> memref<640xf32, #tpu.memory_space<hbm>>
      %dma_wait3A_86 = tpu.memref_slice %arg10[%mul3A_78] : memref<10240xf32, #tpu.memory_space<vmem_shared>> -> memref<640xf32, #tpu.memory_space<vmem_shared>>
      tpu.wait_dma2 semaphore(%run_scoped3A_82 : memref<!tpu.dma_semaphore, #tpu.memory_space<semaphore_mem>>) src(%dma_wait3A_86 : memref<640xf32, #tpu.memory_space<vmem_shared>>) dst(%dma_wait3A_85 : memref<640xf32, #tpu.memory_space<hbm>>)
      tpu.yield
    }) : () -> ()
    return
  }
}

#map = affine_map<(d0, d1) -> (0, 0)>
#map1 = affine_map<(d0, d1) -> (0, 0, 0)>
module attributes {stable_mosaic.version = 14 : i64} {
  func.func @_agg_body(%arg0: i32, %arg1: i32, %arg2: memref<10240x128xf32, #tpu.memory_space<hbm>>, %arg3: memref<2560x128xi32, #tpu.memory_space<hbm>>, %arg4: memref<2560x128xi32, #tpu.memory_space<hbm>>, %arg5: memref<2x10240x128xf32, #tpu.memory_space<hbm>>, %arg6: memref<4x128xi32, #tpu.memory_space<vmem>>, %arg7: memref<4x128xi32, #tpu.memory_space<vmem>>, %arg8: memref<128x128xf32, #tpu.memory_space<vmem>>, %arg9: memref<128x128xf32, #tpu.memory_space<vmem>>, %arg10: memref<10240x128xf32, #tpu.memory_space<vmem_shared>>, %arg11: memref<!tpu.dma_semaphore, #tpu.memory_space<semaphore_mem>>, %arg12: memref<!tpu.dma_semaphore, #tpu.memory_space<semaphore_mem>>, %arg13: memref<!tpu.dma_semaphore, #tpu.memory_space<semaphore_mem>>, %arg14: memref<!tpu.dma_semaphore, #tpu.memory_space<semaphore_mem>>, %arg15: memref<!tpu.dma_semaphore, #tpu.memory_space<semaphore_mem>>, %arg16: memref<!tpu.dma_semaphore, #tpu.memory_space<semaphore_mem>>, %arg17: memref<!tpu.dma_semaphore, #tpu.memory_space<semaphore_mem>>, %arg18: memref<!tpu.dma_semaphore, #tpu.memory_space<semaphore_mem>>) attributes {dimension_semantics = [#tpu.dimension_semantics<core_parallel>, #tpu.dimension_semantics<subcore_parallel>], iteration_bounds = array<i64: 2, 16>, scalar_prefetch = 0 : i64, scratch_operands = 13 : i64, tpu.core_type = #tpu.core_type<sc_vector_subcore>, window_params = [{transform_indices = #map}, {transform_indices = #map}, {transform_indices = #map}, {transform_indices = #map1}]} {
    %mul3A = arith.constant 16 : i32
    %mul3A_0 = arith.muli %arg0, %mul3A : i32
    %add3A = arith.addi %mul3A_0, %arg1 : i32
    %mul3A_1 = arith.constant 80 : i32
    %mul3A_2 = arith.muli %add3A, %mul3A_1 : i32
    %scan3A = arith.constant 0 : i32
    %scan3A_3 = arith.constant 0 : i32
    %scan3A_4 = arith.constant 1024 : i32
    %scan3A_5 = arith.addi %scan3A_3, %scan3A_4 : i32
    %scan3A_6 = arith.constant 1 : i32
    scf.for %scan3A_171 = %scan3A_3 to %scan3A_5 step %scan3A_6  : i32 {
      %broadcast_in_dim3A = arith.constant 0.000000e+00 : f32
      %broadcast_in_dim3A_172 = vector.broadcast %broadcast_in_dim3A : f32 to vector<16xf32>
      %jit3A = arith.constant 8 : i32
      %div3A = arith.divsi %scan3A_171, %jit3A : i32
      %sign3A = arith.constant 0 : i32
      %sign3A_173 = arith.cmpi sgt, %scan3A_171, %sign3A : i32
      %sign3A_174 = arith.extui %sign3A_173 : i1 to i32
      %sign3A_175 = arith.constant 0 : i32
      %sign3A_176 = arith.cmpi slt, %scan3A_171, %sign3A_175 : i32
      %sign3A_177 = arith.extui %sign3A_176 : i1 to i32
      %sign3A_178 = arith.subi %sign3A_174, %sign3A_177 : i32
      %sign3A_179 = arith.constant 0 : i32
      %sign3A_180 = arith.cmpi sgt, %jit3A, %sign3A_179 : i32
      %sign3A_181 = arith.extui %sign3A_180 : i1 to i32
      %sign3A_182 = arith.constant 0 : i32
      %sign3A_183 = arith.cmpi slt, %jit3A, %sign3A_182 : i32
      %sign3A_184 = arith.extui %sign3A_183 : i1 to i32
      %sign3A_185 = arith.subi %sign3A_181, %sign3A_184 : i32
      %ne3A = arith.cmpi ne, %sign3A_178, %sign3A_185 : i32
      %rem3A = arith.remsi %scan3A_171, %jit3A : i32
      %ne3A_186 = arith.constant 0 : i32
      %ne3A_187 = arith.cmpi ne, %rem3A, %ne3A_186 : i32
      %and3A = arith.andi %ne3A, %ne3A_187 : i1
      %sub3A = arith.constant 1 : i32
      %sub3A_188 = arith.subi %div3A, %sub3A : i32
      %select_n3A = arith.select %and3A, %sub3A_188, %div3A : i32
      %jit3A_189 = arith.constant 8 : i32
      %eq3A = arith.constant 0 : i32
      %eq3A_190 = arith.cmpi eq, %jit3A_189, %eq3A : i32
      %jit3A_191 = arith.constant 1 : i32
      %select_n3A_192 = arith.select %eq3A_190, %jit3A_191, %jit3A_189 : i32
      %rem3A_193 = arith.remsi %scan3A_171, %select_n3A_192 : i32
      %ne3A_194 = arith.constant 0 : i32
      %ne3A_195 = arith.cmpi ne, %rem3A_193, %ne3A_194 : i32
      %lt3A = arith.constant 0 : i32
      %lt3A_196 = arith.cmpi slt, %rem3A_193, %lt3A : i32
      %lt3A_197 = arith.constant 0 : i32
      %lt3A_198 = arith.cmpi slt, %select_n3A_192, %lt3A_197 : i32
      %ne3A_199 = arith.xori %lt3A_196, %lt3A_198 : i1
      %and3A_200 = arith.andi %ne3A_199, %ne3A_195 : i1
      %add3A_201 = arith.addi %rem3A_193, %select_n3A_192 : i32
      %select_n3A_202 = arith.select %and3A_200, %add3A_201, %rem3A_193 : i32
      %mul3A_203 = arith.constant 16 : i32
      %mul3A_204 = arith.muli %select_n3A_202, %mul3A_203 : i32
      %swap3A = arith.index_cast %select_n3A : i32 to index
      %swap3A_205 = arith.index_cast %mul3A_204 : i32 to index
      %swap3A_206 = tpu.vector_load %arg8[%swap3A, %swap3A_205] {strides = array<i32>} : memref<128x128xf32, #tpu.memory_space<vmem>>, vector<1x16xf32>,
      %swap3A_207 = vector.shape_cast %swap3A_206 : vector<1x16xf32> to vector<16xf32>
      %swap3A_208 = vector.shape_cast %broadcast_in_dim3A_172 : vector<16xf32> to vector<1x16xf32>
      tpu.vector_store %arg8[%swap3A, %swap3A_205], %swap3A_208 {strides = array<i32>} : memref<128x128xf32, #tpu.memory_space<vmem>>, vector<1x16xf32>,
    }
    %scan3A_7 = arith.constant 1024 : i32
    %mul3A_8 = arith.constant 640 : i32
    %mul3A_9 = arith.muli %arg1, %mul3A_8 : i32
    %add3A_10 = arith.constant 0 : i32
    %add3A_11 = arith.addi %mul3A_9, %add3A_10 : i32
    "tpu.region"() ({
      %run_scoped3A = tpu.sem_alloc : memref<!tpu.dma_semaphore, #tpu.memory_space<semaphore_mem>>
      %dma_start3A_171 = arith.constant 0 : i32
      %dma_start3A_172 = tpu.memref_slice %arg10[%add3A_11, %dma_start3A_171] : memref<10240x128xf32, #tpu.memory_space<vmem_shared>> -> memref<128x128xf32, #tpu.memory_space<vmem_shared>>
      %dma_start3A_173 = arith.constant 0 : i32
      %dma_start3A_174 = tpu.memref_slice %arg10[%add3A_11, %dma_start3A_173] : memref<10240x128xf32, #tpu.memory_space<vmem_shared>> -> memref<128x128xf32, #tpu.memory_space<vmem_shared>>
      tpu.enqueue_dma source(%arg8 : memref<128x128xf32, #tpu.memory_space<vmem>>) target(%dma_start3A_174 : memref<128x128xf32, #tpu.memory_space<vmem_shared>>) target_semaphore(%run_scoped3A : memref<!tpu.dma_semaphore, #tpu.memory_space<semaphore_mem>>)
      %dma_wait3A_175 = arith.constant 0 : i32
      %dma_wait3A_176 = tpu.memref_slice %arg10[%add3A_11, %dma_wait3A_175] : memref<10240x128xf32, #tpu.memory_space<vmem_shared>> -> memref<128x128xf32, #tpu.memory_space<vmem_shared>>
      %dma_wait3A_177 = arith.constant 0 : i32
      %dma_wait3A_178 = tpu.memref_slice %arg10[%add3A_11, %dma_wait3A_177] : memref<10240x128xf32, #tpu.memory_space<vmem_shared>> -> memref<128x128xf32, #tpu.memory_space<vmem_shared>>
      tpu.wait_dma2 semaphore(%run_scoped3A : memref<!tpu.dma_semaphore, #tpu.memory_space<semaphore_mem>>) src(%arg8 : memref<128x128xf32, #tpu.memory_space<vmem>>) dst(%dma_wait3A_178 : memref<128x128xf32, #tpu.memory_space<vmem_shared>>)
      tpu.yield
    }) : () -> ()
    %mul3A_12 = arith.constant 640 : i32
    %mul3A_13 = arith.muli %arg1, %mul3A_12 : i32
    %add3A_14 = arith.constant 128 : i32
    %add3A_15 = arith.addi %mul3A_13, %add3A_14 : i32
    "tpu.region"() ({
      %run_scoped3A = tpu.sem_alloc : memref<!tpu.dma_semaphore, #tpu.memory_space<semaphore_mem>>
      %dma_start3A_171 = arith.constant 0 : i32
      %dma_start3A_172 = tpu.memref_slice %arg10[%add3A_15, %dma_start3A_171] : memref<10240x128xf32, #tpu.memory_space<vmem_shared>> -> memref<128x128xf32, #tpu.memory_space<vmem_shared>>
      %dma_start3A_173 = arith.constant 0 : i32
      %dma_start3A_174 = tpu.memref_slice %arg10[%add3A_15, %dma_start3A_173] : memref<10240x128xf32, #tpu.memory_space<vmem_shared>> -> memref<128x128xf32, #tpu.memory_space<vmem_shared>>
      tpu.enqueue_dma source(%arg8 : memref<128x128xf32, #tpu.memory_space<vmem>>) target(%dma_start3A_174 : memref<128x128xf32, #tpu.memory_space<vmem_shared>>) target_semaphore(%run_scoped3A : memref<!tpu.dma_semaphore, #tpu.memory_space<semaphore_mem>>)
      %dma_wait3A_175 = arith.constant 0 : i32
      %dma_wait3A_176 = tpu.memref_slice %arg10[%add3A_15, %dma_wait3A_175] : memref<10240x128xf32, #tpu.memory_space<vmem_shared>> -> memref<128x128xf32, #tpu.memory_space<vmem_shared>>
      %dma_wait3A_177 = arith.constant 0 : i32
      %dma_wait3A_178 = tpu.memref_slice %arg10[%add3A_15, %dma_wait3A_177] : memref<10240x128xf32, #tpu.memory_space<vmem_shared>> -> memref<128x128xf32, #tpu.memory_space<vmem_shared>>
      tpu.wait_dma2 semaphore(%run_scoped3A : memref<!tpu.dma_semaphore, #tpu.memory_space<semaphore_mem>>) src(%arg8 : memref<128x128xf32, #tpu.memory_space<vmem>>) dst(%dma_wait3A_178 : memref<128x128xf32, #tpu.memory_space<vmem_shared>>)
      tpu.yield
    }) : () -> ()
    %mul3A_16 = arith.constant 640 : i32
    %mul3A_17 = arith.muli %arg1, %mul3A_16 : i32
    %add3A_18 = arith.constant 256 : i32
    %add3A_19 = arith.addi %mul3A_17, %add3A_18 : i32
    "tpu.region"() ({
      %run_scoped3A = tpu.sem_alloc : memref<!tpu.dma_semaphore, #tpu.memory_space<semaphore_mem>>
      %dma_start3A_171 = arith.constant 0 : i32
      %dma_start3A_172 = tpu.memref_slice %arg10[%add3A_19, %dma_start3A_171] : memref<10240x128xf32, #tpu.memory_space<vmem_shared>> -> memref<128x128xf32, #tpu.memory_space<vmem_shared>>
      %dma_start3A_173 = arith.constant 0 : i32
      %dma_start3A_174 = tpu.memref_slice %arg10[%add3A_19, %dma_start3A_173] : memref<10240x128xf32, #tpu.memory_space<vmem_shared>> -> memref<128x128xf32, #tpu.memory_space<vmem_shared>>
      tpu.enqueue_dma source(%arg8 : memref<128x128xf32, #tpu.memory_space<vmem>>) target(%dma_start3A_174 : memref<128x128xf32, #tpu.memory_space<vmem_shared>>) target_semaphore(%run_scoped3A : memref<!tpu.dma_semaphore, #tpu.memory_space<semaphore_mem>>)
      %dma_wait3A_175 = arith.constant 0 : i32
      %dma_wait3A_176 = tpu.memref_slice %arg10[%add3A_19, %dma_wait3A_175] : memref<10240x128xf32, #tpu.memory_space<vmem_shared>> -> memref<128x128xf32, #tpu.memory_space<vmem_shared>>
      %dma_wait3A_177 = arith.constant 0 : i32
      %dma_wait3A_178 = tpu.memref_slice %arg10[%add3A_19, %dma_wait3A_177] : memref<10240x128xf32, #tpu.memory_space<vmem_shared>> -> memref<128x128xf32, #tpu.memory_space<vmem_shared>>
      tpu.wait_dma2 semaphore(%run_scoped3A : memref<!tpu.dma_semaphore, #tpu.memory_space<semaphore_mem>>) src(%arg8 : memref<128x128xf32, #tpu.memory_space<vmem>>) dst(%dma_wait3A_178 : memref<128x128xf32, #tpu.memory_space<vmem_shared>>)
      tpu.yield
    }) : () -> ()
    %mul3A_20 = arith.constant 640 : i32
    %mul3A_21 = arith.muli %arg1, %mul3A_20 : i32
    %add3A_22 = arith.constant 384 : i32
    %add3A_23 = arith.addi %mul3A_21, %add3A_22 : i32
    "tpu.region"() ({
      %run_scoped3A = tpu.sem_alloc : memref<!tpu.dma_semaphore, #tpu.memory_space<semaphore_mem>>
      %dma_start3A_171 = arith.constant 0 : i32
      %dma_start3A_172 = tpu.memref_slice %arg10[%add3A_23, %dma_start3A_171] : memref<10240x128xf32, #tpu.memory_space<vmem_shared>> -> memref<128x128xf32, #tpu.memory_space<vmem_shared>>
      %dma_start3A_173 = arith.constant 0 : i32
      %dma_start3A_174 = tpu.memref_slice %arg10[%add3A_23, %dma_start3A_173] : memref<10240x128xf32, #tpu.memory_space<vmem_shared>> -> memref<128x128xf32, #tpu.memory_space<vmem_shared>>
      tpu.enqueue_dma source(%arg8 : memref<128x128xf32, #tpu.memory_space<vmem>>) target(%dma_start3A_174 : memref<128x128xf32, #tpu.memory_space<vmem_shared>>) target_semaphore(%run_scoped3A : memref<!tpu.dma_semaphore, #tpu.memory_space<semaphore_mem>>)
      %dma_wait3A_175 = arith.constant 0 : i32
      %dma_wait3A_176 = tpu.memref_slice %arg10[%add3A_23, %dma_wait3A_175] : memref<10240x128xf32, #tpu.memory_space<vmem_shared>> -> memref<128x128xf32, #tpu.memory_space<vmem_shared>>
      %dma_wait3A_177 = arith.constant 0 : i32
      %dma_wait3A_178 = tpu.memref_slice %arg10[%add3A_23, %dma_wait3A_177] : memref<10240x128xf32, #tpu.memory_space<vmem_shared>> -> memref<128x128xf32, #tpu.memory_space<vmem_shared>>
      tpu.wait_dma2 semaphore(%run_scoped3A : memref<!tpu.dma_semaphore, #tpu.memory_space<semaphore_mem>>) src(%arg8 : memref<128x128xf32, #tpu.memory_space<vmem>>) dst(%dma_wait3A_178 : memref<128x128xf32, #tpu.memory_space<vmem_shared>>)
      tpu.yield
    }) : () -> ()
    %mul3A_24 = arith.constant 640 : i32
    %mul3A_25 = arith.muli %arg1, %mul3A_24 : i32
    %add3A_26 = arith.constant 512 : i32
    %add3A_27 = arith.addi %mul3A_25, %add3A_26 : i32
    "tpu.region"() ({
      %run_scoped3A = tpu.sem_alloc : memref<!tpu.dma_semaphore, #tpu.memory_space<semaphore_mem>>
      %dma_start3A_171 = arith.constant 0 : i32
      %dma_start3A_172 = tpu.memref_slice %arg10[%add3A_27, %dma_start3A_171] : memref<10240x128xf32, #tpu.memory_space<vmem_shared>> -> memref<128x128xf32, #tpu.memory_space<vmem_shared>>
      %dma_start3A_173 = arith.constant 0 : i32
      %dma_start3A_174 = tpu.memref_slice %arg10[%add3A_27, %dma_start3A_173] : memref<10240x128xf32, #tpu.memory_space<vmem_shared>> -> memref<128x128xf32, #tpu.memory_space<vmem_shared>>
      tpu.enqueue_dma source(%arg8 : memref<128x128xf32, #tpu.memory_space<vmem>>) target(%dma_start3A_174 : memref<128x128xf32, #tpu.memory_space<vmem_shared>>) target_semaphore(%run_scoped3A : memref<!tpu.dma_semaphore, #tpu.memory_space<semaphore_mem>>)
      %dma_wait3A_175 = arith.constant 0 : i32
      %dma_wait3A_176 = tpu.memref_slice %arg10[%add3A_27, %dma_wait3A_175] : memref<10240x128xf32, #tpu.memory_space<vmem_shared>> -> memref<128x128xf32, #tpu.memory_space<vmem_shared>>
      %dma_wait3A_177 = arith.constant 0 : i32
      %dma_wait3A_178 = tpu.memref_slice %arg10[%add3A_27, %dma_wait3A_177] : memref<10240x128xf32, #tpu.memory_space<vmem_shared>> -> memref<128x128xf32, #tpu.memory_space<vmem_shared>>
      tpu.wait_dma2 semaphore(%run_scoped3A : memref<!tpu.dma_semaphore, #tpu.memory_space<semaphore_mem>>) src(%arg8 : memref<128x128xf32, #tpu.memory_space<vmem>>) dst(%dma_wait3A_178 : memref<128x128xf32, #tpu.memory_space<vmem_shared>>)
      tpu.yield
    }) : () -> ()
    %add3A_28 = arith.constant 0 : i32
    %add3A_29 = arith.addi %mul3A_2, %add3A_28 : i32
    %dma_start3A = arith.constant 0 : i32
    %dma_start3A_30 = arith.constant 0 : i32
    %dma_start3A_31 = tpu.memref_slice %arg6[%dma_start3A, %dma_start3A_30] : memref<4x128xi32, #tpu.memory_space<vmem>> -> memref<1x128xi32, #tpu.memory_space<vmem>>
    %dma_start3A_32 = tpu.memref_squeeze %dma_start3A_31 : memref<1x128xi32, #tpu.memory_space<vmem>> -> memref<128xi32, #tpu.memory_space<vmem>>
    %dma_start3A_33 = arith.constant 0 : i32
    %dma_start3A_34 = tpu.memref_slice %arg3[%add3A_29, %dma_start3A_33] : memref<2560x128xi32, #tpu.memory_space<hbm>> -> memref<1x128xi32, #tpu.memory_space<hbm>>
    %dma_start3A_35 = tpu.memref_squeeze %dma_start3A_34 : memref<1x128xi32, #tpu.memory_space<hbm>> -> memref<128xi32, #tpu.memory_space<hbm>>
    %dma_start3A_36 = arith.constant 0 : i32
    %dma_start3A_37 = tpu.memref_slice %arg6[%dma_start3A, %dma_start3A_36] : memref<4x128xi32, #tpu.memory_space<vmem>> -> memref<1x128xi32, #tpu.memory_space<vmem>>
    %dma_start3A_38 = tpu.memref_squeeze %dma_start3A_37 : memref<1x128xi32, #tpu.memory_space<vmem>> -> memref<128xi32, #tpu.memory_space<vmem>>
    %dma_start3A_39 = arith.constant 0 : i32
    %dma_start3A_40 = tpu.memref_slice %arg3[%add3A_29, %dma_start3A_39] : memref<2560x128xi32, #tpu.memory_space<hbm>> -> memref<1x128xi32, #tpu.memory_space<hbm>>
    %dma_start3A_41 = tpu.memref_squeeze %dma_start3A_40 : memref<1x128xi32, #tpu.memory_space<hbm>> -> memref<128xi32, #tpu.memory_space<hbm>>
    tpu.enqueue_dma source(%dma_start3A_41 : memref<128xi32, #tpu.memory_space<hbm>>) target(%dma_start3A_38 : memref<128xi32, #tpu.memory_space<vmem>>) target_semaphore(%arg11 : memref<!tpu.dma_semaphore, #tpu.memory_space<semaphore_mem>>)
    %add3A_42 = arith.constant 0 : i32
    %add3A_43 = arith.addi %mul3A_2, %add3A_42 : i32
    %dma_start3A_44 = arith.constant 0 : i32
    %dma_start3A_45 = arith.constant 0 : i32
    %dma_start3A_46 = tpu.memref_slice %arg7[%dma_start3A_44, %dma_start3A_45] : memref<4x128xi32, #tpu.memory_space<vmem>> -> memref<1x128xi32, #tpu.memory_space<vmem>>
    %dma_start3A_47 = tpu.memref_squeeze %dma_start3A_46 : memref<1x128xi32, #tpu.memory_space<vmem>> -> memref<128xi32, #tpu.memory_space<vmem>>
    %dma_start3A_48 = arith.constant 0 : i32
    %dma_start3A_49 = tpu.memref_slice %arg4[%add3A_43, %dma_start3A_48] : memref<2560x128xi32, #tpu.memory_space<hbm>> -> memref<1x128xi32, #tpu.memory_space<hbm>>
    %dma_start3A_50 = tpu.memref_squeeze %dma_start3A_49 : memref<1x128xi32, #tpu.memory_space<hbm>> -> memref<128xi32, #tpu.memory_space<hbm>>
    %dma_start3A_51 = arith.constant 0 : i32
    %dma_start3A_52 = tpu.memref_slice %arg7[%dma_start3A_44, %dma_start3A_51] : memref<4x128xi32, #tpu.memory_space<vmem>> -> memref<1x128xi32, #tpu.memory_space<vmem>>
    %dma_start3A_53 = tpu.memref_squeeze %dma_start3A_52 : memref<1x128xi32, #tpu.memory_space<vmem>> -> memref<128xi32, #tpu.memory_space<vmem>>
    %dma_start3A_54 = arith.constant 0 : i32
    %dma_start3A_55 = tpu.memref_slice %arg4[%add3A_43, %dma_start3A_54] : memref<2560x128xi32, #tpu.memory_space<hbm>> -> memref<1x128xi32, #tpu.memory_space<hbm>>
    %dma_start3A_56 = tpu.memref_squeeze %dma_start3A_55 : memref<1x128xi32, #tpu.memory_space<hbm>> -> memref<128xi32, #tpu.memory_space<hbm>>
    tpu.enqueue_dma source(%dma_start3A_56 : memref<128xi32, #tpu.memory_space<hbm>>) target(%dma_start3A_53 : memref<128xi32, #tpu.memory_space<vmem>>) target_semaphore(%arg11 : memref<!tpu.dma_semaphore, #tpu.memory_space<semaphore_mem>>)
    %add3A_57 = arith.constant 1 : i32
    %add3A_58 = arith.addi %mul3A_2, %add3A_57 : i32
    %dma_start3A_59 = arith.constant 1 : i32
    %dma_start3A_60 = arith.constant 0 : i32
    %dma_start3A_61 = tpu.memref_slice %arg6[%dma_start3A_59, %dma_start3A_60] : memref<4x128xi32, #tpu.memory_space<vmem>> -> memref<1x128xi32, #tpu.memory_space<vmem>>
    %dma_start3A_62 = tpu.memref_squeeze %dma_start3A_61 : memref<1x128xi32, #tpu.memory_space<vmem>> -> memref<128xi32, #tpu.memory_space<vmem>>
    %dma_start3A_63 = arith.constant 0 : i32
    %dma_start3A_64 = tpu.memref_slice %arg3[%add3A_58, %dma_start3A_63] : memref<2560x128xi32, #tpu.memory_space<hbm>> -> memref<1x128xi32, #tpu.memory_space<hbm>>
    %dma_start3A_65 = tpu.memref_squeeze %dma_start3A_64 : memref<1x128xi32, #tpu.memory_space<hbm>> -> memref<128xi32, #tpu.memory_space<hbm>>
    %dma_start3A_66 = arith.constant 0 : i32
    %dma_start3A_67 = tpu.memref_slice %arg6[%dma_start3A_59, %dma_start3A_66] : memref<4x128xi32, #tpu.memory_space<vmem>> -> memref<1x128xi32, #tpu.memory_space<vmem>>
    %dma_start3A_68 = tpu.memref_squeeze %dma_start3A_67 : memref<1x128xi32, #tpu.memory_space<vmem>> -> memref<128xi32, #tpu.memory_space<vmem>>
    %dma_start3A_69 = arith.constant 0 : i32
    %dma_start3A_70 = tpu.memref_slice %arg3[%add3A_58, %dma_start3A_69] : memref<2560x128xi32, #tpu.memory_space<hbm>> -> memref<1x128xi32, #tpu.memory_space<hbm>>
    %dma_start3A_71 = tpu.memref_squeeze %dma_start3A_70 : memref<1x128xi32, #tpu.memory_space<hbm>> -> memref<128xi32, #tpu.memory_space<hbm>>
    tpu.enqueue_dma source(%dma_start3A_71 : memref<128xi32, #tpu.memory_space<hbm>>) target(%dma_start3A_68 : memref<128xi32, #tpu.memory_space<vmem>>) target_semaphore(%arg12 : memref<!tpu.dma_semaphore, #tpu.memory_space<semaphore_mem>>)
    %add3A_72 = arith.constant 1 : i32
    %add3A_73 = arith.addi %mul3A_2, %add3A_72 : i32
    %dma_start3A_74 = arith.constant 1 : i32
    %dma_start3A_75 = arith.constant 0 : i32
    %dma_start3A_76 = tpu.memref_slice %arg7[%dma_start3A_74, %dma_start3A_75] : memref<4x128xi32, #tpu.memory_space<vmem>> -> memref<1x128xi32, #tpu.memory_space<vmem>>
    %dma_start3A_77 = tpu.memref_squeeze %dma_start3A_76 : memref<1x128xi32, #tpu.memory_space<vmem>> -> memref<128xi32, #tpu.memory_space<vmem>>
    %dma_start3A_78 = arith.constant 0 : i32
    %dma_start3A_79 = tpu.memref_slice %arg4[%add3A_73, %dma_start3A_78] : memref<2560x128xi32, #tpu.memory_space<hbm>> -> memref<1x128xi32, #tpu.memory_space<hbm>>
    %dma_start3A_80 = tpu.memref_squeeze %dma_start3A_79 : memref<1x128xi32, #tpu.memory_space<hbm>> -> memref<128xi32, #tpu.memory_space<hbm>>
    %dma_start3A_81 = arith.constant 0 : i32
    %dma_start3A_82 = tpu.memref_slice %arg7[%dma_start3A_74, %dma_start3A_81] : memref<4x128xi32, #tpu.memory_space<vmem>> -> memref<1x128xi32, #tpu.memory_space<vmem>>
    %dma_start3A_83 = tpu.memref_squeeze %dma_start3A_82 : memref<1x128xi32, #tpu.memory_space<vmem>> -> memref<128xi32, #tpu.memory_space<vmem>>
    %dma_start3A_84 = arith.constant 0 : i32
    %dma_start3A_85 = tpu.memref_slice %arg4[%add3A_73, %dma_start3A_84] : memref<2560x128xi32, #tpu.memory_space<hbm>> -> memref<1x128xi32, #tpu.memory_space<hbm>>
    %dma_start3A_86 = tpu.memref_squeeze %dma_start3A_85 : memref<1x128xi32, #tpu.memory_space<hbm>> -> memref<128xi32, #tpu.memory_space<hbm>>
    tpu.enqueue_dma source(%dma_start3A_86 : memref<128xi32, #tpu.memory_space<hbm>>) target(%dma_start3A_83 : memref<128xi32, #tpu.memory_space<vmem>>) target_semaphore(%arg12 : memref<!tpu.dma_semaphore, #tpu.memory_space<semaphore_mem>>)
    %add3A_87 = arith.constant 2 : i32
    %add3A_88 = arith.addi %mul3A_2, %add3A_87 : i32
    %dma_start3A_89 = arith.constant 2 : i32
    %dma_start3A_90 = arith.constant 0 : i32
    %dma_start3A_91 = tpu.memref_slice %arg6[%dma_start3A_89, %dma_start3A_90] : memref<4x128xi32, #tpu.memory_space<vmem>> -> memref<1x128xi32, #tpu.memory_space<vmem>>
    %dma_start3A_92 = tpu.memref_squeeze %dma_start3A_91 : memref<1x128xi32, #tpu.memory_space<vmem>> -> memref<128xi32, #tpu.memory_space<vmem>>
    %dma_start3A_93 = arith.constant 0 : i32
    %dma_start3A_94 = tpu.memref_slice %arg3[%add3A_88, %dma_start3A_93] : memref<2560x128xi32, #tpu.memory_space<hbm>> -> memref<1x128xi32, #tpu.memory_space<hbm>>
    %dma_start3A_95 = tpu.memref_squeeze %dma_start3A_94 : memref<1x128xi32, #tpu.memory_space<hbm>> -> memref<128xi32, #tpu.memory_space<hbm>>
    %dma_start3A_96 = arith.constant 0 : i32
    %dma_start3A_97 = tpu.memref_slice %arg6[%dma_start3A_89, %dma_start3A_96] : memref<4x128xi32, #tpu.memory_space<vmem>> -> memref<1x128xi32, #tpu.memory_space<vmem>>
    %dma_start3A_98 = tpu.memref_squeeze %dma_start3A_97 : memref<1x128xi32, #tpu.memory_space<vmem>> -> memref<128xi32, #tpu.memory_space<vmem>>
    %dma_start3A_99 = arith.constant 0 : i32
    %dma_start3A_100 = tpu.memref_slice %arg3[%add3A_88, %dma_start3A_99] : memref<2560x128xi32, #tpu.memory_space<hbm>> -> memref<1x128xi32, #tpu.memory_space<hbm>>
    %dma_start3A_101 = tpu.memref_squeeze %dma_start3A_100 : memref<1x128xi32, #tpu.memory_space<hbm>> -> memref<128xi32, #tpu.memory_space<hbm>>
    tpu.enqueue_dma source(%dma_start3A_101 : memref<128xi32, #tpu.memory_space<hbm>>) target(%dma_start3A_98 : memref<128xi32, #tpu.memory_space<vmem>>) target_semaphore(%arg13 : memref<!tpu.dma_semaphore, #tpu.memory_space<semaphore_mem>>)
    %add3A_102 = arith.constant 2 : i32
    %add3A_103 = arith.addi %mul3A_2, %add3A_102 : i32
    %dma_start3A_104 = arith.constant 2 : i32
    %dma_start3A_105 = arith.constant 0 : i32
    %dma_start3A_106 = tpu.memref_slice %arg7[%dma_start3A_104, %dma_start3A_105] : memref<4x128xi32, #tpu.memory_space<vmem>> -> memref<1x128xi32, #tpu.memory_space<vmem>>
    %dma_start3A_107 = tpu.memref_squeeze %dma_start3A_106 : memref<1x128xi32, #tpu.memory_space<vmem>> -> memref<128xi32, #tpu.memory_space<vmem>>
    %dma_start3A_108 = arith.constant 0 : i32
    %dma_start3A_109 = tpu.memref_slice %arg4[%add3A_103, %dma_start3A_108] : memref<2560x128xi32, #tpu.memory_space<hbm>> -> memref<1x128xi32, #tpu.memory_space<hbm>>
    %dma_start3A_110 = tpu.memref_squeeze %dma_start3A_109 : memref<1x128xi32, #tpu.memory_space<hbm>> -> memref<128xi32, #tpu.memory_space<hbm>>
    %dma_start3A_111 = arith.constant 0 : i32
    %dma_start3A_112 = tpu.memref_slice %arg7[%dma_start3A_104, %dma_start3A_111] : memref<4x128xi32, #tpu.memory_space<vmem>> -> memref<1x128xi32, #tpu.memory_space<vmem>>
    %dma_start3A_113 = tpu.memref_squeeze %dma_start3A_112 : memref<1x128xi32, #tpu.memory_space<vmem>> -> memref<128xi32, #tpu.memory_space<vmem>>
    %dma_start3A_114 = arith.constant 0 : i32
    %dma_start3A_115 = tpu.memref_slice %arg4[%add3A_103, %dma_start3A_114] : memref<2560x128xi32, #tpu.memory_space<hbm>> -> memref<1x128xi32, #tpu.memory_space<hbm>>
    %dma_start3A_116 = tpu.memref_squeeze %dma_start3A_115 : memref<1x128xi32, #tpu.memory_space<hbm>> -> memref<128xi32, #tpu.memory_space<hbm>>
    tpu.enqueue_dma source(%dma_start3A_116 : memref<128xi32, #tpu.memory_space<hbm>>) target(%dma_start3A_113 : memref<128xi32, #tpu.memory_space<vmem>>) target_semaphore(%arg13 : memref<!tpu.dma_semaphore, #tpu.memory_space<semaphore_mem>>)
    %add3A_117 = arith.constant 3 : i32
    %add3A_118 = arith.addi %mul3A_2, %add3A_117 : i32
    %dma_start3A_119 = arith.constant 3 : i32
    %dma_start3A_120 = arith.constant 0 : i32
    %dma_start3A_121 = tpu.memref_slice %arg6[%dma_start3A_119, %dma_start3A_120] : memref<4x128xi32, #tpu.memory_space<vmem>> -> memref<1x128xi32, #tpu.memory_space<vmem>>
    %dma_start3A_122 = tpu.memref_squeeze %dma_start3A_121 : memref<1x128xi32, #tpu.memory_space<vmem>> -> memref<128xi32, #tpu.memory_space<vmem>>
    %dma_start3A_123 = arith.constant 0 : i32
    %dma_start3A_124 = tpu.memref_slice %arg3[%add3A_118, %dma_start3A_123] : memref<2560x128xi32, #tpu.memory_space<hbm>> -> memref<1x128xi32, #tpu.memory_space<hbm>>
    %dma_start3A_125 = tpu.memref_squeeze %dma_start3A_124 : memref<1x128xi32, #tpu.memory_space<hbm>> -> memref<128xi32, #tpu.memory_space<hbm>>
    %dma_start3A_126 = arith.constant 0 : i32
    %dma_start3A_127 = tpu.memref_slice %arg6[%dma_start3A_119, %dma_start3A_126] : memref<4x128xi32, #tpu.memory_space<vmem>> -> memref<1x128xi32, #tpu.memory_space<vmem>>
    %dma_start3A_128 = tpu.memref_squeeze %dma_start3A_127 : memref<1x128xi32, #tpu.memory_space<vmem>> -> memref<128xi32, #tpu.memory_space<vmem>>
    %dma_start3A_129 = arith.constant 0 : i32
    %dma_start3A_130 = tpu.memref_slice %arg3[%add3A_118, %dma_start3A_129] : memref<2560x128xi32, #tpu.memory_space<hbm>> -> memref<1x128xi32, #tpu.memory_space<hbm>>
    %dma_start3A_131 = tpu.memref_squeeze %dma_start3A_130 : memref<1x128xi32, #tpu.memory_space<hbm>> -> memref<128xi32, #tpu.memory_space<hbm>>
    tpu.enqueue_dma source(%dma_start3A_131 : memref<128xi32, #tpu.memory_space<hbm>>) target(%dma_start3A_128 : memref<128xi32, #tpu.memory_space<vmem>>) target_semaphore(%arg14 : memref<!tpu.dma_semaphore, #tpu.memory_space<semaphore_mem>>)
    %add3A_132 = arith.constant 3 : i32
    %add3A_133 = arith.addi %mul3A_2, %add3A_132 : i32
    %dma_start3A_134 = arith.constant 3 : i32
    %dma_start3A_135 = arith.constant 0 : i32
    %dma_start3A_136 = tpu.memref_slice %arg7[%dma_start3A_134, %dma_start3A_135] : memref<4x128xi32, #tpu.memory_space<vmem>> -> memref<1x128xi32, #tpu.memory_space<vmem>>
    %dma_start3A_137 = tpu.memref_squeeze %dma_start3A_136 : memref<1x128xi32, #tpu.memory_space<vmem>> -> memref<128xi32, #tpu.memory_space<vmem>>
    %dma_start3A_138 = arith.constant 0 : i32
    %dma_start3A_139 = tpu.memref_slice %arg4[%add3A_133, %dma_start3A_138] : memref<2560x128xi32, #tpu.memory_space<hbm>> -> memref<1x128xi32, #tpu.memory_space<hbm>>
    %dma_start3A_140 = tpu.memref_squeeze %dma_start3A_139 : memref<1x128xi32, #tpu.memory_space<hbm>> -> memref<128xi32, #tpu.memory_space<hbm>>
    %dma_start3A_141 = arith.constant 0 : i32
    %dma_start3A_142 = tpu.memref_slice %arg7[%dma_start3A_134, %dma_start3A_141] : memref<4x128xi32, #tpu.memory_space<vmem>> -> memref<1x128xi32, #tpu.memory_space<vmem>>
    %dma_start3A_143 = tpu.memref_squeeze %dma_start3A_142 : memref<1x128xi32, #tpu.memory_space<vmem>> -> memref<128xi32, #tpu.memory_space<vmem>>
    %dma_start3A_144 = arith.constant 0 : i32
    %dma_start3A_145 = tpu.memref_slice %arg4[%add3A_133, %dma_start3A_144] : memref<2560x128xi32, #tpu.memory_space<hbm>> -> memref<1x128xi32, #tpu.memory_space<hbm>>
    %dma_start3A_146 = tpu.memref_squeeze %dma_start3A_145 : memref<1x128xi32, #tpu.memory_space<hbm>> -> memref<128xi32, #tpu.memory_space<hbm>>
    tpu.enqueue_dma source(%dma_start3A_146 : memref<128xi32, #tpu.memory_space<hbm>>) target(%dma_start3A_143 : memref<128xi32, #tpu.memory_space<vmem>>) target_semaphore(%arg14 : memref<!tpu.dma_semaphore, #tpu.memory_space<semaphore_mem>>)
    %barrier3A = arith.constant 0 : index
    tpu.barrier barrier_id(%barrier3A)
    %scan3A_147 = arith.constant 0 : i32
    %scan3A_148 = arith.constant 0 : i32
    %scan3A_149 = arith.constant 20 : i32
    %scan3A_150 = arith.addi %scan3A_148, %scan3A_149 : i32
    %scan3A_151 = arith.constant 1 : i32
    scf.for %scan3A_171 = %scan3A_148 to %scan3A_150 step %scan3A_151  : i32 {
      %mul3A_172 = arith.constant 2 : i32
      %mul3A_173 = arith.muli %scan3A_171, %mul3A_172 : i32
      %add3A_174 = arith.constant 0 : i32
      %add3A_175 = arith.addi %mul3A_173, %add3A_174 : i32
      %mul3A_176 = arith.constant 2 : i32
      %mul3A_177 = arith.muli %add3A_175, %mul3A_176 : i32
      %add3A_178 = arith.constant 0 : i32
      %add3A_179 = arith.addi %mul3A_177, %add3A_178 : i32
      %gt3A = arith.constant 0 : i32
      %gt3A_180 = arith.cmpi sgt, %add3A_175, %gt3A : i32
      %convert_element_type3A = arith.extui %gt3A_180 : i1 to i32
      %cond3A = arith.constant 0 : i32
      %cond3A_181 = arith.cmpi ne, %convert_element_type3A, %cond3A : i32
      scf.if %cond3A_181 {
        %dma_wait3A_428 = arith.constant 0 : i32
        %dma_wait3A_429 = arith.constant 0 : i32
        %dma_wait3A_430 = tpu.memref_slice %arg7[%dma_wait3A_428, %dma_wait3A_429] : memref<4x128xi32, #tpu.memory_space<vmem>> -> memref<1x128xi32, #tpu.memory_space<vmem>>
        %dma_wait3A_431 = tpu.memref_squeeze %dma_wait3A_430 : memref<1x128xi32, #tpu.memory_space<vmem>> -> memref<128xi32, #tpu.memory_space<vmem>>
        %dma_wait3A_432 = arith.constant 0 : i32
        %dma_wait3A_433 = arith.constant 0 : i32
        %dma_wait3A_434 = tpu.memref_slice %arg10[%dma_wait3A_432, %dma_wait3A_433] : memref<10240x128xf32, #tpu.memory_space<vmem_shared>> -> memref<10240x128xf32, #tpu.memory_space<vmem_shared>>
        tpu.wait_indirect_dma semaphore(%arg17 : memref<!tpu.dma_semaphore, #tpu.memory_space<semaphore_mem>>) src(%arg8 : memref<128x128xf32, #tpu.memory_space<vmem>>) dst(%dma_wait3A_434 : memref<10240x128xf32, #tpu.memory_space<vmem_shared>>)
      } else {
      }
      %lt3A = arith.constant 39 : i32
      %lt3A_182 = arith.cmpi slt, %add3A_175, %lt3A : i32
      %convert_element_type3A_183 = arith.extui %lt3A_182 : i1 to i32
      %cond3A_184 = arith.constant 0 : i32
      %cond3A_185 = arith.cmpi ne, %convert_element_type3A_183, %cond3A_184 : i32
      scf.if %cond3A_185 {
        %add3A_428 = arith.addi %mul3A_2, %add3A_179 : i32
        %add3A_429 = arith.constant 2 : i32
        %add3A_430 = arith.addi %add3A_428, %add3A_429 : i32
        %dma_start3A_431 = arith.constant 2 : i32
        %dma_start3A_432 = arith.constant 0 : i32
        %dma_start3A_433 = tpu.memref_slice %arg6[%dma_start3A_431, %dma_start3A_432] : memref<4x128xi32, #tpu.memory_space<vmem>> -> memref<1x128xi32, #tpu.memory_space<vmem>>
        %dma_start3A_434 = tpu.memref_squeeze %dma_start3A_433 : memref<1x128xi32, #tpu.memory_space<vmem>> -> memref<128xi32, #tpu.memory_space<vmem>>
        %dma_start3A_435 = arith.constant 0 : i32
        %dma_start3A_436 = tpu.memref_slice %arg3[%add3A_430, %dma_start3A_435] : memref<2560x128xi32, #tpu.memory_space<hbm>> -> memref<1x128xi32, #tpu.memory_space<hbm>>
        %dma_start3A_437 = tpu.memref_squeeze %dma_start3A_436 : memref<1x128xi32, #tpu.memory_space<hbm>> -> memref<128xi32, #tpu.memory_space<hbm>>
        %dma_start3A_438 = arith.constant 0 : i32
        %dma_start3A_439 = tpu.memref_slice %arg6[%dma_start3A_431, %dma_start3A_438] : memref<4x128xi32, #tpu.memory_space<vmem>> -> memref<1x128xi32, #tpu.memory_space<vmem>>
        %dma_start3A_440 = tpu.memref_squeeze %dma_start3A_439 : memref<1x128xi32, #tpu.memory_space<vmem>> -> memref<128xi32, #tpu.memory_space<vmem>>
        %dma_start3A_441 = arith.constant 0 : i32
        %dma_start3A_442 = tpu.memref_slice %arg3[%add3A_430, %dma_start3A_441] : memref<2560x128xi32, #tpu.memory_space<hbm>> -> memref<1x128xi32, #tpu.memory_space<hbm>>
        %dma_start3A_443 = tpu.memref_squeeze %dma_start3A_442 : memref<1x128xi32, #tpu.memory_space<hbm>> -> memref<128xi32, #tpu.memory_space<hbm>>
        tpu.enqueue_dma source(%dma_start3A_443 : memref<128xi32, #tpu.memory_space<hbm>>) target(%dma_start3A_440 : memref<128xi32, #tpu.memory_space<vmem>>) target_semaphore(%arg13 : memref<!tpu.dma_semaphore, #tpu.memory_space<semaphore_mem>>)
        %add3A_444 = arith.addi %mul3A_2, %add3A_179 : i32
        %add3A_445 = arith.constant 2 : i32
        %add3A_446 = arith.addi %add3A_444, %add3A_445 : i32
        %dma_start3A_447 = arith.constant 2 : i32
        %dma_start3A_448 = arith.constant 0 : i32
        %dma_start3A_449 = tpu.memref_slice %arg7[%dma_start3A_447, %dma_start3A_448] : memref<4x128xi32, #tpu.memory_space<vmem>> -> memref<1x128xi32, #tpu.memory_space<vmem>>
        %dma_start3A_450 = tpu.memref_squeeze %dma_start3A_449 : memref<1x128xi32, #tpu.memory_space<vmem>> -> memref<128xi32, #tpu.memory_space<vmem>>
        %dma_start3A_451 = arith.constant 0 : i32
        %dma_start3A_452 = tpu.memref_slice %arg4[%add3A_446, %dma_start3A_451] : memref<2560x128xi32, #tpu.memory_space<hbm>> -> memref<1x128xi32, #tpu.memory_space<hbm>>
        %dma_start3A_453 = tpu.memref_squeeze %dma_start3A_452 : memref<1x128xi32, #tpu.memory_space<hbm>> -> memref<128xi32, #tpu.memory_space<hbm>>
        %dma_start3A_454 = arith.constant 0 : i32
        %dma_start3A_455 = tpu.memref_slice %arg7[%dma_start3A_447, %dma_start3A_454] : memref<4x128xi32, #tpu.memory_space<vmem>> -> memref<1x128xi32, #tpu.memory_space<vmem>>
        %dma_start3A_456 = tpu.memref_squeeze %dma_start3A_455 : memref<1x128xi32, #tpu.memory_space<vmem>> -> memref<128xi32, #tpu.memory_space<vmem>>
        %dma_start3A_457 = arith.constant 0 : i32
        %dma_start3A_458 = tpu.memref_slice %arg4[%add3A_446, %dma_start3A_457] : memref<2560x128xi32, #tpu.memory_space<hbm>> -> memref<1x128xi32, #tpu.memory_space<hbm>>
        %dma_start3A_459 = tpu.memref_squeeze %dma_start3A_458 : memref<1x128xi32, #tpu.memory_space<hbm>> -> memref<128xi32, #tpu.memory_space<hbm>>
        tpu.enqueue_dma source(%dma_start3A_459 : memref<128xi32, #tpu.memory_space<hbm>>) target(%dma_start3A_456 : memref<128xi32, #tpu.memory_space<vmem>>) target_semaphore(%arg13 : memref<!tpu.dma_semaphore, #tpu.memory_space<semaphore_mem>>)
      } else {
      }
      %add3A_186 = arith.addi %mul3A_2, %add3A_179 : i32
      %dma_wait3A_187 = arith.constant 0 : i32
      %dma_wait3A_188 = arith.constant 0 : i32
      %dma_wait3A_189 = tpu.memref_slice %arg6[%dma_wait3A_187, %dma_wait3A_188] : memref<4x128xi32, #tpu.memory_space<vmem>> -> memref<1x128xi32, #tpu.memory_space<vmem>>
      %dma_wait3A_190 = tpu.memref_squeeze %dma_wait3A_189 : memref<1x128xi32, #tpu.memory_space<vmem>> -> memref<128xi32, #tpu.memory_space<vmem>>
      %dma_wait3A_191 = arith.constant 0 : i32
      %dma_wait3A_192 = tpu.memref_slice %arg3[%add3A_186, %dma_wait3A_191] : memref<2560x128xi32, #tpu.memory_space<hbm>> -> memref<1x128xi32, #tpu.memory_space<hbm>>
      %dma_wait3A_193 = tpu.memref_squeeze %dma_wait3A_192 : memref<1x128xi32, #tpu.memory_space<hbm>> -> memref<128xi32, #tpu.memory_space<hbm>>
      %dma_wait3A_194 = arith.constant 0 : i32
      %dma_wait3A_195 = tpu.memref_slice %arg6[%dma_wait3A_187, %dma_wait3A_194] : memref<4x128xi32, #tpu.memory_space<vmem>> -> memref<1x128xi32, #tpu.memory_space<vmem>>
      %dma_wait3A_196 = tpu.memref_squeeze %dma_wait3A_195 : memref<1x128xi32, #tpu.memory_space<vmem>> -> memref<128xi32, #tpu.memory_space<vmem>>
      %dma_wait3A_197 = arith.constant 0 : i32
      %dma_wait3A_198 = tpu.memref_slice %arg3[%add3A_186, %dma_wait3A_197] : memref<2560x128xi32, #tpu.memory_space<hbm>> -> memref<1x128xi32, #tpu.memory_space<hbm>>
      %dma_wait3A_199 = tpu.memref_squeeze %dma_wait3A_198 : memref<1x128xi32, #tpu.memory_space<hbm>> -> memref<128xi32, #tpu.memory_space<hbm>>
      tpu.wait_dma2 semaphore(%arg11 : memref<!tpu.dma_semaphore, #tpu.memory_space<semaphore_mem>>) src(%dma_wait3A_199 : memref<128xi32, #tpu.memory_space<hbm>>) dst(%dma_wait3A_196 : memref<128xi32, #tpu.memory_space<vmem>>)
      %add3A_200 = arith.addi %mul3A_2, %add3A_179 : i32
      %dma_wait3A_201 = arith.constant 0 : i32
      %dma_wait3A_202 = arith.constant 0 : i32
      %dma_wait3A_203 = tpu.memref_slice %arg7[%dma_wait3A_201, %dma_wait3A_202] : memref<4x128xi32, #tpu.memory_space<vmem>> -> memref<1x128xi32, #tpu.memory_space<vmem>>
      %dma_wait3A_204 = tpu.memref_squeeze %dma_wait3A_203 : memref<1x128xi32, #tpu.memory_space<vmem>> -> memref<128xi32, #tpu.memory_space<vmem>>
      %dma_wait3A_205 = arith.constant 0 : i32
      %dma_wait3A_206 = tpu.memref_slice %arg4[%add3A_200, %dma_wait3A_205] : memref<2560x128xi32, #tpu.memory_space<hbm>> -> memref<1x128xi32, #tpu.memory_space<hbm>>
      %dma_wait3A_207 = tpu.memref_squeeze %dma_wait3A_206 : memref<1x128xi32, #tpu.memory_space<hbm>> -> memref<128xi32, #tpu.memory_space<hbm>>
      %dma_wait3A_208 = arith.constant 0 : i32
      %dma_wait3A_209 = tpu.memref_slice %arg7[%dma_wait3A_201, %dma_wait3A_208] : memref<4x128xi32, #tpu.memory_space<vmem>> -> memref<1x128xi32, #tpu.memory_space<vmem>>
      %dma_wait3A_210 = tpu.memref_squeeze %dma_wait3A_209 : memref<1x128xi32, #tpu.memory_space<vmem>> -> memref<128xi32, #tpu.memory_space<vmem>>
      %dma_wait3A_211 = arith.constant 0 : i32
      %dma_wait3A_212 = tpu.memref_slice %arg4[%add3A_200, %dma_wait3A_211] : memref<2560x128xi32, #tpu.memory_space<hbm>> -> memref<1x128xi32, #tpu.memory_space<hbm>>
      %dma_wait3A_213 = tpu.memref_squeeze %dma_wait3A_212 : memref<1x128xi32, #tpu.memory_space<hbm>> -> memref<128xi32, #tpu.memory_space<hbm>>
      tpu.wait_dma2 semaphore(%arg11 : memref<!tpu.dma_semaphore, #tpu.memory_space<semaphore_mem>>) src(%dma_wait3A_213 : memref<128xi32, #tpu.memory_space<hbm>>) dst(%dma_wait3A_210 : memref<128xi32, #tpu.memory_space<vmem>>)
      %dma_start3A_214 = arith.constant 0 : i32
      %dma_start3A_215 = arith.constant 0 : i32
      %dma_start3A_216 = tpu.memref_slice %arg6[%dma_start3A_214, %dma_start3A_215] : memref<4x128xi32, #tpu.memory_space<vmem>> -> memref<1x128xi32, #tpu.memory_space<vmem>>
      %dma_start3A_217 = tpu.memref_squeeze %dma_start3A_216 : memref<1x128xi32, #tpu.memory_space<vmem>> -> memref<128xi32, #tpu.memory_space<vmem>>
      %dma_start3A_218 = arith.constant 0 : i32
      %dma_start3A_219 = arith.constant 0 : i32
      %dma_start3A_220 = tpu.memref_slice %arg2[%dma_start3A_218, %dma_start3A_219] : memref<10240x128xf32, #tpu.memory_space<hbm>> -> memref<10240x128xf32, #tpu.memory_space<hbm>>
      tpu.enqueue_indirect_dma source(%dma_start3A_220 : memref<10240x128xf32, #tpu.memory_space<hbm>>) target(%arg8 : memref<128x128xf32, #tpu.memory_space<vmem>>) offsets(%dma_start3A_217 : memref<128xi32, #tpu.memory_space<vmem>>) semaphore(%arg15 : memref<!tpu.dma_semaphore, #tpu.memory_space<semaphore_mem>>)
      %mul3A_221 = arith.constant 2 : i32
      %mul3A_222 = arith.muli %add3A_175, %mul3A_221 : i32
      %add3A_223 = arith.constant 1 : i32
      %add3A_224 = arith.addi %mul3A_222, %add3A_223 : i32
      %gt3A_225 = arith.constant 0 : i32
      %gt3A_226 = arith.cmpi sgt, %add3A_175, %gt3A_225 : i32
      %convert_element_type3A_227 = arith.extui %gt3A_226 : i1 to i32
      %cond3A_228 = arith.constant 0 : i32
      %cond3A_229 = arith.cmpi ne, %convert_element_type3A_227, %cond3A_228 : i32
      scf.if %cond3A_229 {
        %dma_wait3A_428 = arith.constant 1 : i32
        %dma_wait3A_429 = arith.constant 0 : i32
        %dma_wait3A_430 = tpu.memref_slice %arg7[%dma_wait3A_428, %dma_wait3A_429] : memref<4x128xi32, #tpu.memory_space<vmem>> -> memref<1x128xi32, #tpu.memory_space<vmem>>
        %dma_wait3A_431 = tpu.memref_squeeze %dma_wait3A_430 : memref<1x128xi32, #tpu.memory_space<vmem>> -> memref<128xi32, #tpu.memory_space<vmem>>
        %dma_wait3A_432 = arith.constant 0 : i32
        %dma_wait3A_433 = arith.constant 0 : i32
        %dma_wait3A_434 = tpu.memref_slice %arg10[%dma_wait3A_432, %dma_wait3A_433] : memref<10240x128xf32, #tpu.memory_space<vmem_shared>> -> memref<10240x128xf32, #tpu.memory_space<vmem_shared>>
        tpu.wait_indirect_dma semaphore(%arg18 : memref<!tpu.dma_semaphore, #tpu.memory_space<semaphore_mem>>) src(%arg9 : memref<128x128xf32, #tpu.memory_space<vmem>>) dst(%dma_wait3A_434 : memref<10240x128xf32, #tpu.memory_space<vmem_shared>>)
      } else {
      }
      %lt3A_230 = arith.constant 39 : i32
      %lt3A_231 = arith.cmpi slt, %add3A_175, %lt3A_230 : i32
      %convert_element_type3A_232 = arith.extui %lt3A_231 : i1 to i32
      %cond3A_233 = arith.constant 0 : i32
      %cond3A_234 = arith.cmpi ne, %convert_element_type3A_232, %cond3A_233 : i32
      scf.if %cond3A_234 {
        %add3A_428 = arith.addi %mul3A_2, %add3A_224 : i32
        %add3A_429 = arith.constant 2 : i32
        %add3A_430 = arith.addi %add3A_428, %add3A_429 : i32
        %dma_start3A_431 = arith.constant 3 : i32
        %dma_start3A_432 = arith.constant 0 : i32
        %dma_start3A_433 = tpu.memref_slice %arg6[%dma_start3A_431, %dma_start3A_432] : memref<4x128xi32, #tpu.memory_space<vmem>> -> memref<1x128xi32, #tpu.memory_space<vmem>>
        %dma_start3A_434 = tpu.memref_squeeze %dma_start3A_433 : memref<1x128xi32, #tpu.memory_space<vmem>> -> memref<128xi32, #tpu.memory_space<vmem>>
        %dma_start3A_435 = arith.constant 0 : i32
        %dma_start3A_436 = tpu.memref_slice %arg3[%add3A_430, %dma_start3A_435] : memref<2560x128xi32, #tpu.memory_space<hbm>> -> memref<1x128xi32, #tpu.memory_space<hbm>>
        %dma_start3A_437 = tpu.memref_squeeze %dma_start3A_436 : memref<1x128xi32, #tpu.memory_space<hbm>> -> memref<128xi32, #tpu.memory_space<hbm>>
        %dma_start3A_438 = arith.constant 0 : i32
        %dma_start3A_439 = tpu.memref_slice %arg6[%dma_start3A_431, %dma_start3A_438] : memref<4x128xi32, #tpu.memory_space<vmem>> -> memref<1x128xi32, #tpu.memory_space<vmem>>
        %dma_start3A_440 = tpu.memref_squeeze %dma_start3A_439 : memref<1x128xi32, #tpu.memory_space<vmem>> -> memref<128xi32, #tpu.memory_space<vmem>>
        %dma_start3A_441 = arith.constant 0 : i32
        %dma_start3A_442 = tpu.memref_slice %arg3[%add3A_430, %dma_start3A_441] : memref<2560x128xi32, #tpu.memory_space<hbm>> -> memref<1x128xi32, #tpu.memory_space<hbm>>
        %dma_start3A_443 = tpu.memref_squeeze %dma_start3A_442 : memref<1x128xi32, #tpu.memory_space<hbm>> -> memref<128xi32, #tpu.memory_space<hbm>>
        tpu.enqueue_dma source(%dma_start3A_443 : memref<128xi32, #tpu.memory_space<hbm>>) target(%dma_start3A_440 : memref<128xi32, #tpu.memory_space<vmem>>) target_semaphore(%arg14 : memref<!tpu.dma_semaphore, #tpu.memory_space<semaphore_mem>>)
        %add3A_444 = arith.addi %mul3A_2, %add3A_224 : i32
        %add3A_445 = arith.constant 2 : i32
        %add3A_446 = arith.addi %add3A_444, %add3A_445 : i32
        %dma_start3A_447 = arith.constant 3 : i32
        %dma_start3A_448 = arith.constant 0 : i32
        %dma_start3A_449 = tpu.memref_slice %arg7[%dma_start3A_447, %dma_start3A_448] : memref<4x128xi32, #tpu.memory_space<vmem>> -> memref<1x128xi32, #tpu.memory_space<vmem>>
        %dma_start3A_450 = tpu.memref_squeeze %dma_start3A_449 : memref<1x128xi32, #tpu.memory_space<vmem>> -> memref<128xi32, #tpu.memory_space<vmem>>
        %dma_start3A_451 = arith.constant 0 : i32
        %dma_start3A_452 = tpu.memref_slice %arg4[%add3A_446, %dma_start3A_451] : memref<2560x128xi32, #tpu.memory_space<hbm>> -> memref<1x128xi32, #tpu.memory_space<hbm>>
        %dma_start3A_453 = tpu.memref_squeeze %dma_start3A_452 : memref<1x128xi32, #tpu.memory_space<hbm>> -> memref<128xi32, #tpu.memory_space<hbm>>
        %dma_start3A_454 = arith.constant 0 : i32
        %dma_start3A_455 = tpu.memref_slice %arg7[%dma_start3A_447, %dma_start3A_454] : memref<4x128xi32, #tpu.memory_space<vmem>> -> memref<1x128xi32, #tpu.memory_space<vmem>>
        %dma_start3A_456 = tpu.memref_squeeze %dma_start3A_455 : memref<1x128xi32, #tpu.memory_space<vmem>> -> memref<128xi32, #tpu.memory_space<vmem>>
        %dma_start3A_457 = arith.constant 0 : i32
        %dma_start3A_458 = tpu.memref_slice %arg4[%add3A_446, %dma_start3A_457] : memref<2560x128xi32, #tpu.memory_space<hbm>> -> memref<1x128xi32, #tpu.memory_space<hbm>>
        %dma_start3A_459 = tpu.memref_squeeze %dma_start3A_458 : memref<1x128xi32, #tpu.memory_space<hbm>> -> memref<128xi32, #tpu.memory_space<hbm>>
        tpu.enqueue_dma source(%dma_start3A_459 : memref<128xi32, #tpu.memory_space<hbm>>) target(%dma_start3A_456 : memref<128xi32, #tpu.memory_space<vmem>>) target_semaphore(%arg14 : memref<!tpu.dma_semaphore, #tpu.memory_space<semaphore_mem>>)
      } else {
      }
      %add3A_235 = arith.addi %mul3A_2, %add3A_224 : i32
      %dma_wait3A_236 = arith.constant 1 : i32
      %dma_wait3A_237 = arith.constant 0 : i32
      %dma_wait3A_238 = tpu.memref_slice %arg6[%dma_wait3A_236, %dma_wait3A_237] : memref<4x128xi32, #tpu.memory_space<vmem>> -> memref<1x128xi32, #tpu.memory_space<vmem>>
      %dma_wait3A_239 = tpu.memref_squeeze %dma_wait3A_238 : memref<1x128xi32, #tpu.memory_space<vmem>> -> memref<128xi32, #tpu.memory_space<vmem>>
      %dma_wait3A_240 = arith.constant 0 : i32
      %dma_wait3A_241 = tpu.memref_slice %arg3[%add3A_235, %dma_wait3A_240] : memref<2560x128xi32, #tpu.memory_space<hbm>> -> memref<1x128xi32, #tpu.memory_space<hbm>>
      %dma_wait3A_242 = tpu.memref_squeeze %dma_wait3A_241 : memref<1x128xi32, #tpu.memory_space<hbm>> -> memref<128xi32, #tpu.memory_space<hbm>>
      %dma_wait3A_243 = arith.constant 0 : i32
      %dma_wait3A_244 = tpu.memref_slice %arg6[%dma_wait3A_236, %dma_wait3A_243] : memref<4x128xi32, #tpu.memory_space<vmem>> -> memref<1x128xi32, #tpu.memory_space<vmem>>
      %dma_wait3A_245 = tpu.memref_squeeze %dma_wait3A_244 : memref<1x128xi32, #tpu.memory_space<vmem>> -> memref<128xi32, #tpu.memory_space<vmem>>
      %dma_wait3A_246 = arith.constant 0 : i32
      %dma_wait3A_247 = tpu.memref_slice %arg3[%add3A_235, %dma_wait3A_246] : memref<2560x128xi32, #tpu.memory_space<hbm>> -> memref<1x128xi32, #tpu.memory_space<hbm>>
      %dma_wait3A_248 = tpu.memref_squeeze %dma_wait3A_247 : memref<1x128xi32, #tpu.memory_space<hbm>> -> memref<128xi32, #tpu.memory_space<hbm>>
      tpu.wait_dma2 semaphore(%arg12 : memref<!tpu.dma_semaphore, #tpu.memory_space<semaphore_mem>>) src(%dma_wait3A_248 : memref<128xi32, #tpu.memory_space<hbm>>) dst(%dma_wait3A_245 : memref<128xi32, #tpu.memory_space<vmem>>)
      %add3A_249 = arith.addi %mul3A_2, %add3A_224 : i32
      %dma_wait3A_250 = arith.constant 1 : i32
      %dma_wait3A_251 = arith.constant 0 : i32
      %dma_wait3A_252 = tpu.memref_slice %arg7[%dma_wait3A_250, %dma_wait3A_251] : memref<4x128xi32, #tpu.memory_space<vmem>> -> memref<1x128xi32, #tpu.memory_space<vmem>>
      %dma_wait3A_253 = tpu.memref_squeeze %dma_wait3A_252 : memref<1x128xi32, #tpu.memory_space<vmem>> -> memref<128xi32, #tpu.memory_space<vmem>>
      %dma_wait3A_254 = arith.constant 0 : i32
      %dma_wait3A_255 = tpu.memref_slice %arg4[%add3A_249, %dma_wait3A_254] : memref<2560x128xi32, #tpu.memory_space<hbm>> -> memref<1x128xi32, #tpu.memory_space<hbm>>
      %dma_wait3A_256 = tpu.memref_squeeze %dma_wait3A_255 : memref<1x128xi32, #tpu.memory_space<hbm>> -> memref<128xi32, #tpu.memory_space<hbm>>
      %dma_wait3A_257 = arith.constant 0 : i32
      %dma_wait3A_258 = tpu.memref_slice %arg7[%dma_wait3A_250, %dma_wait3A_257] : memref<4x128xi32, #tpu.memory_space<vmem>> -> memref<1x128xi32, #tpu.memory_space<vmem>>
      %dma_wait3A_259 = tpu.memref_squeeze %dma_wait3A_258 : memref<1x128xi32, #tpu.memory_space<vmem>> -> memref<128xi32, #tpu.memory_space<vmem>>
      %dma_wait3A_260 = arith.constant 0 : i32
      %dma_wait3A_261 = tpu.memref_slice %arg4[%add3A_249, %dma_wait3A_260] : memref<2560x128xi32, #tpu.memory_space<hbm>> -> memref<1x128xi32, #tpu.memory_space<hbm>>
      %dma_wait3A_262 = tpu.memref_squeeze %dma_wait3A_261 : memref<1x128xi32, #tpu.memory_space<hbm>> -> memref<128xi32, #tpu.memory_space<hbm>>
      tpu.wait_dma2 semaphore(%arg12 : memref<!tpu.dma_semaphore, #tpu.memory_space<semaphore_mem>>) src(%dma_wait3A_262 : memref<128xi32, #tpu.memory_space<hbm>>) dst(%dma_wait3A_259 : memref<128xi32, #tpu.memory_space<vmem>>)
      %dma_start3A_263 = arith.constant 1 : i32
      %dma_start3A_264 = arith.constant 0 : i32
      %dma_start3A_265 = tpu.memref_slice %arg6[%dma_start3A_263, %dma_start3A_264] : memref<4x128xi32, #tpu.memory_space<vmem>> -> memref<1x128xi32, #tpu.memory_space<vmem>>
      %dma_start3A_266 = tpu.memref_squeeze %dma_start3A_265 : memref<1x128xi32, #tpu.memory_space<vmem>> -> memref<128xi32, #tpu.memory_space<vmem>>
      %dma_start3A_267 = arith.constant 0 : i32
      %dma_start3A_268 = arith.constant 0 : i32
      %dma_start3A_269 = tpu.memref_slice %arg2[%dma_start3A_267, %dma_start3A_268] : memref<10240x128xf32, #tpu.memory_space<hbm>> -> memref<10240x128xf32, #tpu.memory_space<hbm>>
      tpu.enqueue_indirect_dma source(%dma_start3A_269 : memref<10240x128xf32, #tpu.memory_space<hbm>>) target(%arg9 : memref<128x128xf32, #tpu.memory_space<vmem>>) offsets(%dma_start3A_266 : memref<128xi32, #tpu.memory_space<vmem>>) semaphore(%arg16 : memref<!tpu.dma_semaphore, #tpu.memory_space<semaphore_mem>>)
      %dma_wait3A_270 = arith.constant 0 : i32
      %dma_wait3A_271 = arith.constant 0 : i32
      %dma_wait3A_272 = tpu.memref_slice %arg6[%dma_wait3A_270, %dma_wait3A_271] : memref<4x128xi32, #tpu.memory_space<vmem>> -> memref<1x128xi32, #tpu.memory_space<vmem>>
      %dma_wait3A_273 = tpu.memref_squeeze %dma_wait3A_272 : memref<1x128xi32, #tpu.memory_space<vmem>> -> memref<128xi32, #tpu.memory_space<vmem>>
      %dma_wait3A_274 = arith.constant 0 : i32
      %dma_wait3A_275 = arith.constant 0 : i32
      %dma_wait3A_276 = tpu.memref_slice %arg2[%dma_wait3A_274, %dma_wait3A_275] : memref<10240x128xf32, #tpu.memory_space<hbm>> -> memref<10240x128xf32, #tpu.memory_space<hbm>>
      tpu.wait_indirect_dma semaphore(%arg15 : memref<!tpu.dma_semaphore, #tpu.memory_space<semaphore_mem>>) src(%dma_wait3A_276 : memref<10240x128xf32, #tpu.memory_space<hbm>>) dst(%arg8 : memref<128x128xf32, #tpu.memory_space<vmem>>)
      %dma_start3A_277 = arith.constant 0 : i32
      %dma_start3A_278 = arith.constant 0 : i32
      %dma_start3A_279 = tpu.memref_slice %arg7[%dma_start3A_277, %dma_start3A_278] : memref<4x128xi32, #tpu.memory_space<vmem>> -> memref<1x128xi32, #tpu.memory_space<vmem>>
      %dma_start3A_280 = tpu.memref_squeeze %dma_start3A_279 : memref<1x128xi32, #tpu.memory_space<vmem>> -> memref<128xi32, #tpu.memory_space<vmem>>
      %dma_start3A_281 = arith.constant 0 : i32
      %dma_start3A_282 = arith.constant 0 : i32
      %dma_start3A_283 = tpu.memref_slice %arg10[%dma_start3A_281, %dma_start3A_282] : memref<10240x128xf32, #tpu.memory_space<vmem_shared>> -> memref<10240x128xf32, #tpu.memory_space<vmem_shared>>
      tpu.enqueue_indirect_dma source(%arg8 : memref<128x128xf32, #tpu.memory_space<vmem>>) target(%dma_start3A_283 : memref<10240x128xf32, #tpu.memory_space<vmem_shared>>) offsets(%dma_start3A_280 : memref<128xi32, #tpu.memory_space<vmem>>) semaphore(%arg17 : memref<!tpu.dma_semaphore, #tpu.memory_space<semaphore_mem>>) {add = true}
      %dma_wait3A_284 = arith.constant 1 : i32
      %dma_wait3A_285 = arith.constant 0 : i32
      %dma_wait3A_286 = tpu.memref_slice %arg6[%dma_wait3A_284, %dma_wait3A_285] : memref<4x128xi32, #tpu.memory_space<vmem>> -> memref<1x128xi32, #tpu.memory_space<vmem>>
      %dma_wait3A_287 = tpu.memref_squeeze %dma_wait3A_286 : memref<1x128xi32, #tpu.memory_space<vmem>> -> memref<128xi32, #tpu.memory_space<vmem>>
      %dma_wait3A_288 = arith.constant 0 : i32
      %dma_wait3A_289 = arith.constant 0 : i32
      %dma_wait3A_290 = tpu.memref_slice %arg2[%dma_wait3A_288, %dma_wait3A_289] : memref<10240x128xf32, #tpu.memory_space<hbm>> -> memref<10240x128xf32, #tpu.memory_space<hbm>>
      tpu.wait_indirect_dma semaphore(%arg16 : memref<!tpu.dma_semaphore, #tpu.memory_space<semaphore_mem>>) src(%dma_wait3A_290 : memref<10240x128xf32, #tpu.memory_space<hbm>>) dst(%arg9 : memref<128x128xf32, #tpu.memory_space<vmem>>)
      %dma_start3A_291 = arith.constant 1 : i32
      %dma_start3A_292 = arith.constant 0 : i32
      %dma_start3A_293 = tpu.memref_slice %arg7[%dma_start3A_291, %dma_start3A_292] : memref<4x128xi32, #tpu.memory_space<vmem>> -> memref<1x128xi32, #tpu.memory_space<vmem>>
      %dma_start3A_294 = tpu.memref_squeeze %dma_start3A_293 : memref<1x128xi32, #tpu.memory_space<vmem>> -> memref<128xi32, #tpu.memory_space<vmem>>
      %dma_start3A_295 = arith.constant 0 : i32
      %dma_start3A_296 = arith.constant 0 : i32
      %dma_start3A_297 = tpu.memref_slice %arg10[%dma_start3A_295, %dma_start3A_296] : memref<10240x128xf32, #tpu.memory_space<vmem_shared>> -> memref<10240x128xf32, #tpu.memory_space<vmem_shared>>
      tpu.enqueue_indirect_dma source(%arg9 : memref<128x128xf32, #tpu.memory_space<vmem>>) target(%dma_start3A_297 : memref<10240x128xf32, #tpu.memory_space<vmem_shared>>) offsets(%dma_start3A_294 : memref<128xi32, #tpu.memory_space<vmem>>) semaphore(%arg18 : memref<!tpu.dma_semaphore, #tpu.memory_space<semaphore_mem>>) {add = true}
      %mul3A_298 = arith.constant 2 : i32
      %mul3A_299 = arith.muli %scan3A_171, %mul3A_298 : i32
      %add3A_300 = arith.constant 1 : i32
      %add3A_301 = arith.addi %mul3A_299, %add3A_300 : i32
      %mul3A_302 = arith.constant 2 : i32
      %mul3A_303 = arith.muli %add3A_301, %mul3A_302 : i32
      %add3A_304 = arith.constant 0 : i32
      %add3A_305 = arith.addi %mul3A_303, %add3A_304 : i32
      %gt3A_306 = arith.constant 0 : i32
      %gt3A_307 = arith.cmpi sgt, %add3A_301, %gt3A_306 : i32
      %convert_element_type3A_308 = arith.extui %gt3A_307 : i1 to i32
      %cond3A_309 = arith.constant 0 : i32
      %cond3A_310 = arith.cmpi ne, %convert_element_type3A_308, %cond3A_309 : i32
      scf.if %cond3A_310 {
        %dma_wait3A_428 = arith.constant 2 : i32
        %dma_wait3A_429 = arith.constant 0 : i32
        %dma_wait3A_430 = tpu.memref_slice %arg7[%dma_wait3A_428, %dma_wait3A_429] : memref<4x128xi32, #tpu.memory_space<vmem>> -> memref<1x128xi32, #tpu.memory_space<vmem>>
        %dma_wait3A_431 = tpu.memref_squeeze %dma_wait3A_430 : memref<1x128xi32, #tpu.memory_space<vmem>> -> memref<128xi32, #tpu.memory_space<vmem>>
        %dma_wait3A_432 = arith.constant 0 : i32
        %dma_wait3A_433 = arith.constant 0 : i32
        %dma_wait3A_434 = tpu.memref_slice %arg10[%dma_wait3A_432, %dma_wait3A_433] : memref<10240x128xf32, #tpu.memory_space<vmem_shared>> -> memref<10240x128xf32, #tpu.memory_space<vmem_shared>>
        tpu.wait_indirect_dma semaphore(%arg17 : memref<!tpu.dma_semaphore, #tpu.memory_space<semaphore_mem>>) src(%arg8 : memref<128x128xf32, #tpu.memory_space<vmem>>) dst(%dma_wait3A_434 : memref<10240x128xf32, #tpu.memory_space<vmem_shared>>)
      } else {
      }
      %lt3A_311 = arith.constant 39 : i32
      %lt3A_312 = arith.cmpi slt, %add3A_301, %lt3A_311 : i32
      %convert_element_type3A_313 = arith.extui %lt3A_312 : i1 to i32
      %cond3A_314 = arith.constant 0 : i32
      %cond3A_315 = arith.cmpi ne, %convert_element_type3A_313, %cond3A_314 : i32
      scf.if %cond3A_315 {
        %add3A_428 = arith.addi %mul3A_2, %add3A_305 : i32
        %add3A_429 = arith.constant 2 : i32
        %add3A_430 = arith.addi %add3A_428, %add3A_429 : i32
        %dma_start3A_431 = arith.constant 0 : i32
        %dma_start3A_432 = arith.constant 0 : i32
        %dma_start3A_433 = tpu.memref_slice %arg6[%dma_start3A_431, %dma_start3A_432] : memref<4x128xi32, #tpu.memory_space<vmem>> -> memref<1x128xi32, #tpu.memory_space<vmem>>
        %dma_start3A_434 = tpu.memref_squeeze %dma_start3A_433 : memref<1x128xi32, #tpu.memory_space<vmem>> -> memref<128xi32, #tpu.memory_space<vmem>>
        %dma_start3A_435 = arith.constant 0 : i32
        %dma_start3A_436 = tpu.memref_slice %arg3[%add3A_430, %dma_start3A_435] : memref<2560x128xi32, #tpu.memory_space<hbm>> -> memref<1x128xi32, #tpu.memory_space<hbm>>
        %dma_start3A_437 = tpu.memref_squeeze %dma_start3A_436 : memref<1x128xi32, #tpu.memory_space<hbm>> -> memref<128xi32, #tpu.memory_space<hbm>>
        %dma_start3A_438 = arith.constant 0 : i32
        %dma_start3A_439 = tpu.memref_slice %arg6[%dma_start3A_431, %dma_start3A_438] : memref<4x128xi32, #tpu.memory_space<vmem>> -> memref<1x128xi32, #tpu.memory_space<vmem>>
        %dma_start3A_440 = tpu.memref_squeeze %dma_start3A_439 : memref<1x128xi32, #tpu.memory_space<vmem>> -> memref<128xi32, #tpu.memory_space<vmem>>
        %dma_start3A_441 = arith.constant 0 : i32
        %dma_start3A_442 = tpu.memref_slice %arg3[%add3A_430, %dma_start3A_441] : memref<2560x128xi32, #tpu.memory_space<hbm>> -> memref<1x128xi32, #tpu.memory_space<hbm>>
        %dma_start3A_443 = tpu.memref_squeeze %dma_start3A_442 : memref<1x128xi32, #tpu.memory_space<hbm>> -> memref<128xi32, #tpu.memory_space<hbm>>
        tpu.enqueue_dma source(%dma_start3A_443 : memref<128xi32, #tpu.memory_space<hbm>>) target(%dma_start3A_440 : memref<128xi32, #tpu.memory_space<vmem>>) target_semaphore(%arg11 : memref<!tpu.dma_semaphore, #tpu.memory_space<semaphore_mem>>)
        %add3A_444 = arith.addi %mul3A_2, %add3A_305 : i32
        %add3A_445 = arith.constant 2 : i32
        %add3A_446 = arith.addi %add3A_444, %add3A_445 : i32
        %dma_start3A_447 = arith.constant 0 : i32
        %dma_start3A_448 = arith.constant 0 : i32
        %dma_start3A_449 = tpu.memref_slice %arg7[%dma_start3A_447, %dma_start3A_448] : memref<4x128xi32, #tpu.memory_space<vmem>> -> memref<1x128xi32, #tpu.memory_space<vmem>>
        %dma_start3A_450 = tpu.memref_squeeze %dma_start3A_449 : memref<1x128xi32, #tpu.memory_space<vmem>> -> memref<128xi32, #tpu.memory_space<vmem>>
        %dma_start3A_451 = arith.constant 0 : i32
        %dma_start3A_452 = tpu.memref_slice %arg4[%add3A_446, %dma_start3A_451] : memref<2560x128xi32, #tpu.memory_space<hbm>> -> memref<1x128xi32, #tpu.memory_space<hbm>>
        %dma_start3A_453 = tpu.memref_squeeze %dma_start3A_452 : memref<1x128xi32, #tpu.memory_space<hbm>> -> memref<128xi32, #tpu.memory_space<hbm>>
        %dma_start3A_454 = arith.constant 0 : i32
        %dma_start3A_455 = tpu.memref_slice %arg7[%dma_start3A_447, %dma_start3A_454] : memref<4x128xi32, #tpu.memory_space<vmem>> -> memref<1x128xi32, #tpu.memory_space<vmem>>
        %dma_start3A_456 = tpu.memref_squeeze %dma_start3A_455 : memref<1x128xi32, #tpu.memory_space<vmem>> -> memref<128xi32, #tpu.memory_space<vmem>>
        %dma_start3A_457 = arith.constant 0 : i32
        %dma_start3A_458 = tpu.memref_slice %arg4[%add3A_446, %dma_start3A_457] : memref<2560x128xi32, #tpu.memory_space<hbm>> -> memref<1x128xi32, #tpu.memory_space<hbm>>
        %dma_start3A_459 = tpu.memref_squeeze %dma_start3A_458 : memref<1x128xi32, #tpu.memory_space<hbm>> -> memref<128xi32, #tpu.memory_space<hbm>>
        tpu.enqueue_dma source(%dma_start3A_459 : memref<128xi32, #tpu.memory_space<hbm>>) target(%dma_start3A_456 : memref<128xi32, #tpu.memory_space<vmem>>) target_semaphore(%arg11 : memref<!tpu.dma_semaphore, #tpu.memory_space<semaphore_mem>>)
      } else {
      }
      %add3A_316 = arith.addi %mul3A_2, %add3A_305 : i32
      %dma_wait3A_317 = arith.constant 2 : i32
      %dma_wait3A_318 = arith.constant 0 : i32
      %dma_wait3A_319 = tpu.memref_slice %arg6[%dma_wait3A_317, %dma_wait3A_318] : memref<4x128xi32, #tpu.memory_space<vmem>> -> memref<1x128xi32, #tpu.memory_space<vmem>>
      %dma_wait3A_320 = tpu.memref_squeeze %dma_wait3A_319 : memref<1x128xi32, #tpu.memory_space<vmem>> -> memref<128xi32, #tpu.memory_space<vmem>>
      %dma_wait3A_321 = arith.constant 0 : i32
      %dma_wait3A_322 = tpu.memref_slice %arg3[%add3A_316, %dma_wait3A_321] : memref<2560x128xi32, #tpu.memory_space<hbm>> -> memref<1x128xi32, #tpu.memory_space<hbm>>
      %dma_wait3A_323 = tpu.memref_squeeze %dma_wait3A_322 : memref<1x128xi32, #tpu.memory_space<hbm>> -> memref<128xi32, #tpu.memory_space<hbm>>
      %dma_wait3A_324 = arith.constant 0 : i32
      %dma_wait3A_325 = tpu.memref_slice %arg6[%dma_wait3A_317, %dma_wait3A_324] : memref<4x128xi32, #tpu.memory_space<vmem>> -> memref<1x128xi32, #tpu.memory_space<vmem>>
      %dma_wait3A_326 = tpu.memref_squeeze %dma_wait3A_325 : memref<1x128xi32, #tpu.memory_space<vmem>> -> memref<128xi32, #tpu.memory_space<vmem>>
      %dma_wait3A_327 = arith.constant 0 : i32
      %dma_wait3A_328 = tpu.memref_slice %arg3[%add3A_316, %dma_wait3A_327] : memref<2560x128xi32, #tpu.memory_space<hbm>> -> memref<1x128xi32, #tpu.memory_space<hbm>>
      %dma_wait3A_329 = tpu.memref_squeeze %dma_wait3A_328 : memref<1x128xi32, #tpu.memory_space<hbm>> -> memref<128xi32, #tpu.memory_space<hbm>>
      tpu.wait_dma2 semaphore(%arg13 : memref<!tpu.dma_semaphore, #tpu.memory_space<semaphore_mem>>) src(%dma_wait3A_329 : memref<128xi32, #tpu.memory_space<hbm>>) dst(%dma_wait3A_326 : memref<128xi32, #tpu.memory_space<vmem>>)
      %add3A_330 = arith.addi %mul3A_2, %add3A_305 : i32
      %dma_wait3A_331 = arith.constant 2 : i32
      %dma_wait3A_332 = arith.constant 0 : i32
      %dma_wait3A_333 = tpu.memref_slice %arg7[%dma_wait3A_331, %dma_wait3A_332] : memref<4x128xi32, #tpu.memory_space<vmem>> -> memref<1x128xi32, #tpu.memory_space<vmem>>
      %dma_wait3A_334 = tpu.memref_squeeze %dma_wait3A_333 : memref<1x128xi32, #tpu.memory_space<vmem>> -> memref<128xi32, #tpu.memory_space<vmem>>
      %dma_wait3A_335 = arith.constant 0 : i32
      %dma_wait3A_336 = tpu.memref_slice %arg4[%add3A_330, %dma_wait3A_335] : memref<2560x128xi32, #tpu.memory_space<hbm>> -> memref<1x128xi32, #tpu.memory_space<hbm>>
      %dma_wait3A_337 = tpu.memref_squeeze %dma_wait3A_336 : memref<1x128xi32, #tpu.memory_space<hbm>> -> memref<128xi32, #tpu.memory_space<hbm>>
      %dma_wait3A_338 = arith.constant 0 : i32
      %dma_wait3A_339 = tpu.memref_slice %arg7[%dma_wait3A_331, %dma_wait3A_338] : memref<4x128xi32, #tpu.memory_space<vmem>> -> memref<1x128xi32, #tpu.memory_space<vmem>>
      %dma_wait3A_340 = tpu.memref_squeeze %dma_wait3A_339 : memref<1x128xi32, #tpu.memory_space<vmem>> -> memref<128xi32, #tpu.memory_space<vmem>>
      %dma_wait3A_341 = arith.constant 0 : i32
      %dma_wait3A_342 = tpu.memref_slice %arg4[%add3A_330, %dma_wait3A_341] : memref<2560x128xi32, #tpu.memory_space<hbm>> -> memref<1x128xi32, #tpu.memory_space<hbm>>
      %dma_wait3A_343 = tpu.memref_squeeze %dma_wait3A_342 : memref<1x128xi32, #tpu.memory_space<hbm>> -> memref<128xi32, #tpu.memory_space<hbm>>
      tpu.wait_dma2 semaphore(%arg13 : memref<!tpu.dma_semaphore, #tpu.memory_space<semaphore_mem>>) src(%dma_wait3A_343 : memref<128xi32, #tpu.memory_space<hbm>>) dst(%dma_wait3A_340 : memref<128xi32, #tpu.memory_space<vmem>>)
      %dma_start3A_344 = arith.constant 2 : i32
      %dma_start3A_345 = arith.constant 0 : i32
      %dma_start3A_346 = tpu.memref_slice %arg6[%dma_start3A_344, %dma_start3A_345] : memref<4x128xi32, #tpu.memory_space<vmem>> -> memref<1x128xi32, #tpu.memory_space<vmem>>
      %dma_start3A_347 = tpu.memref_squeeze %dma_start3A_346 : memref<1x128xi32, #tpu.memory_space<vmem>> -> memref<128xi32, #tpu.memory_space<vmem>>
      %dma_start3A_348 = arith.constant 0 : i32
      %dma_start3A_349 = arith.constant 0 : i32
      %dma_start3A_350 = tpu.memref_slice %arg2[%dma_start3A_348, %dma_start3A_349] : memref<10240x128xf32, #tpu.memory_space<hbm>> -> memref<10240x128xf32, #tpu.memory_space<hbm>>
      tpu.enqueue_indirect_dma source(%dma_start3A_350 : memref<10240x128xf32, #tpu.memory_space<hbm>>) target(%arg8 : memref<128x128xf32, #tpu.memory_space<vmem>>) offsets(%dma_start3A_347 : memref<128xi32, #tpu.memory_space<vmem>>) semaphore(%arg15 : memref<!tpu.dma_semaphore, #tpu.memory_space<semaphore_mem>>)
      %mul3A_351 = arith.constant 2 : i32
      %mul3A_352 = arith.muli %add3A_301, %mul3A_351 : i32
      %add3A_353 = arith.constant 1 : i32
      %add3A_354 = arith.addi %mul3A_352, %add3A_353 : i32
      %gt3A_355 = arith.constant 0 : i32
      %gt3A_356 = arith.cmpi sgt, %add3A_301, %gt3A_355 : i32
      %convert_element_type3A_357 = arith.extui %gt3A_356 : i1 to i32
      %cond3A_358 = arith.constant 0 : i32
      %cond3A_359 = arith.cmpi ne, %convert_element_type3A_357, %cond3A_358 : i32
      scf.if %cond3A_359 {
        %dma_wait3A_428 = arith.constant 3 : i32
        %dma_wait3A_429 = arith.constant 0 : i32
        %dma_wait3A_430 = tpu.memref_slice %arg7[%dma_wait3A_428, %dma_wait3A_429] : memref<4x128xi32, #tpu.memory_space<vmem>> -> memref<1x128xi32, #tpu.memory_space<vmem>>
        %dma_wait3A_431 = tpu.memref_squeeze %dma_wait3A_430 : memref<1x128xi32, #tpu.memory_space<vmem>> -> memref<128xi32, #tpu.memory_space<vmem>>
        %dma_wait3A_432 = arith.constant 0 : i32
        %dma_wait3A_433 = arith.constant 0 : i32
        %dma_wait3A_434 = tpu.memref_slice %arg10[%dma_wait3A_432, %dma_wait3A_433] : memref<10240x128xf32, #tpu.memory_space<vmem_shared>> -> memref<10240x128xf32, #tpu.memory_space<vmem_shared>>
        tpu.wait_indirect_dma semaphore(%arg18 : memref<!tpu.dma_semaphore, #tpu.memory_space<semaphore_mem>>) src(%arg9 : memref<128x128xf32, #tpu.memory_space<vmem>>) dst(%dma_wait3A_434 : memref<10240x128xf32, #tpu.memory_space<vmem_shared>>)
      } else {
      }
      %lt3A_360 = arith.constant 39 : i32
      %lt3A_361 = arith.cmpi slt, %add3A_301, %lt3A_360 : i32
      %convert_element_type3A_362 = arith.extui %lt3A_361 : i1 to i32
      %cond3A_363 = arith.constant 0 : i32
      %cond3A_364 = arith.cmpi ne, %convert_element_type3A_362, %cond3A_363 : i32
      scf.if %cond3A_364 {
        %add3A_428 = arith.addi %mul3A_2, %add3A_354 : i32
        %add3A_429 = arith.constant 2 : i32
        %add3A_430 = arith.addi %add3A_428, %add3A_429 : i32
        %dma_start3A_431 = arith.constant 1 : i32
        %dma_start3A_432 = arith.constant 0 : i32
        %dma_start3A_433 = tpu.memref_slice %arg6[%dma_start3A_431, %dma_start3A_432] : memref<4x128xi32, #tpu.memory_space<vmem>> -> memref<1x128xi32, #tpu.memory_space<vmem>>
        %dma_start3A_434 = tpu.memref_squeeze %dma_start3A_433 : memref<1x128xi32, #tpu.memory_space<vmem>> -> memref<128xi32, #tpu.memory_space<vmem>>
        %dma_start3A_435 = arith.constant 0 : i32
        %dma_start3A_436 = tpu.memref_slice %arg3[%add3A_430, %dma_start3A_435] : memref<2560x128xi32, #tpu.memory_space<hbm>> -> memref<1x128xi32, #tpu.memory_space<hbm>>
        %dma_start3A_437 = tpu.memref_squeeze %dma_start3A_436 : memref<1x128xi32, #tpu.memory_space<hbm>> -> memref<128xi32, #tpu.memory_space<hbm>>
        %dma_start3A_438 = arith.constant 0 : i32
        %dma_start3A_439 = tpu.memref_slice %arg6[%dma_start3A_431, %dma_start3A_438] : memref<4x128xi32, #tpu.memory_space<vmem>> -> memref<1x128xi32, #tpu.memory_space<vmem>>
        %dma_start3A_440 = tpu.memref_squeeze %dma_start3A_439 : memref<1x128xi32, #tpu.memory_space<vmem>> -> memref<128xi32, #tpu.memory_space<vmem>>
        %dma_start3A_441 = arith.constant 0 : i32
        %dma_start3A_442 = tpu.memref_slice %arg3[%add3A_430, %dma_start3A_441] : memref<2560x128xi32, #tpu.memory_space<hbm>> -> memref<1x128xi32, #tpu.memory_space<hbm>>
        %dma_start3A_443 = tpu.memref_squeeze %dma_start3A_442 : memref<1x128xi32, #tpu.memory_space<hbm>> -> memref<128xi32, #tpu.memory_space<hbm>>
        tpu.enqueue_dma source(%dma_start3A_443 : memref<128xi32, #tpu.memory_space<hbm>>) target(%dma_start3A_440 : memref<128xi32, #tpu.memory_space<vmem>>) target_semaphore(%arg12 : memref<!tpu.dma_semaphore, #tpu.memory_space<semaphore_mem>>)
        %add3A_444 = arith.addi %mul3A_2, %add3A_354 : i32
        %add3A_445 = arith.constant 2 : i32
        %add3A_446 = arith.addi %add3A_444, %add3A_445 : i32
        %dma_start3A_447 = arith.constant 1 : i32
        %dma_start3A_448 = arith.constant 0 : i32
        %dma_start3A_449 = tpu.memref_slice %arg7[%dma_start3A_447, %dma_start3A_448] : memref<4x128xi32, #tpu.memory_space<vmem>> -> memref<1x128xi32, #tpu.memory_space<vmem>>
        %dma_start3A_450 = tpu.memref_squeeze %dma_start3A_449 : memref<1x128xi32, #tpu.memory_space<vmem>> -> memref<128xi32, #tpu.memory_space<vmem>>
        %dma_start3A_451 = arith.constant 0 : i32
        %dma_start3A_452 = tpu.memref_slice %arg4[%add3A_446, %dma_start3A_451] : memref<2560x128xi32, #tpu.memory_space<hbm>> -> memref<1x128xi32, #tpu.memory_space<hbm>>
        %dma_start3A_453 = tpu.memref_squeeze %dma_start3A_452 : memref<1x128xi32, #tpu.memory_space<hbm>> -> memref<128xi32, #tpu.memory_space<hbm>>
        %dma_start3A_454 = arith.constant 0 : i32
        %dma_start3A_455 = tpu.memref_slice %arg7[%dma_start3A_447, %dma_start3A_454] : memref<4x128xi32, #tpu.memory_space<vmem>> -> memref<1x128xi32, #tpu.memory_space<vmem>>
        %dma_start3A_456 = tpu.memref_squeeze %dma_start3A_455 : memref<1x128xi32, #tpu.memory_space<vmem>> -> memref<128xi32, #tpu.memory_space<vmem>>
        %dma_start3A_457 = arith.constant 0 : i32
        %dma_start3A_458 = tpu.memref_slice %arg4[%add3A_446, %dma_start3A_457] : memref<2560x128xi32, #tpu.memory_space<hbm>> -> memref<1x128xi32, #tpu.memory_space<hbm>>
        %dma_start3A_459 = tpu.memref_squeeze %dma_start3A_458 : memref<1x128xi32, #tpu.memory_space<hbm>> -> memref<128xi32, #tpu.memory_space<hbm>>
        tpu.enqueue_dma source(%dma_start3A_459 : memref<128xi32, #tpu.memory_space<hbm>>) target(%dma_start3A_456 : memref<128xi32, #tpu.memory_space<vmem>>) target_semaphore(%arg12 : memref<!tpu.dma_semaphore, #tpu.memory_space<semaphore_mem>>)
      } else {
      }
      %add3A_365 = arith.addi %mul3A_2, %add3A_354 : i32
      %dma_wait3A_366 = arith.constant 3 : i32
      %dma_wait3A_367 = arith.constant 0 : i32
      %dma_wait3A_368 = tpu.memref_slice %arg6[%dma_wait3A_366, %dma_wait3A_367] : memref<4x128xi32, #tpu.memory_space<vmem>> -> memref<1x128xi32, #tpu.memory_space<vmem>>
      %dma_wait3A_369 = tpu.memref_squeeze %dma_wait3A_368 : memref<1x128xi32, #tpu.memory_space<vmem>> -> memref<128xi32, #tpu.memory_space<vmem>>
      %dma_wait3A_370 = arith.constant 0 : i32
      %dma_wait3A_371 = tpu.memref_slice %arg3[%add3A_365, %dma_wait3A_370] : memref<2560x128xi32, #tpu.memory_space<hbm>> -> memref<1x128xi32, #tpu.memory_space<hbm>>
      %dma_wait3A_372 = tpu.memref_squeeze %dma_wait3A_371 : memref<1x128xi32, #tpu.memory_space<hbm>> -> memref<128xi32, #tpu.memory_space<hbm>>
      %dma_wait3A_373 = arith.constant 0 : i32
      %dma_wait3A_374 = tpu.memref_slice %arg6[%dma_wait3A_366, %dma_wait3A_373] : memref<4x128xi32, #tpu.memory_space<vmem>> -> memref<1x128xi32, #tpu.memory_space<vmem>>
      %dma_wait3A_375 = tpu.memref_squeeze %dma_wait3A_374 : memref<1x128xi32, #tpu.memory_space<vmem>> -> memref<128xi32, #tpu.memory_space<vmem>>
      %dma_wait3A_376 = arith.constant 0 : i32
      %dma_wait3A_377 = tpu.memref_slice %arg3[%add3A_365, %dma_wait3A_376] : memref<2560x128xi32, #tpu.memory_space<hbm>> -> memref<1x128xi32, #tpu.memory_space<hbm>>
      %dma_wait3A_378 = tpu.memref_squeeze %dma_wait3A_377 : memref<1x128xi32, #tpu.memory_space<hbm>> -> memref<128xi32, #tpu.memory_space<hbm>>
      tpu.wait_dma2 semaphore(%arg14 : memref<!tpu.dma_semaphore, #tpu.memory_space<semaphore_mem>>) src(%dma_wait3A_378 : memref<128xi32, #tpu.memory_space<hbm>>) dst(%dma_wait3A_375 : memref<128xi32, #tpu.memory_space<vmem>>)
      %add3A_379 = arith.addi %mul3A_2, %add3A_354 : i32
      %dma_wait3A_380 = arith.constant 3 : i32
      %dma_wait3A_381 = arith.constant 0 : i32
      %dma_wait3A_382 = tpu.memref_slice %arg7[%dma_wait3A_380, %dma_wait3A_381] : memref<4x128xi32, #tpu.memory_space<vmem>> -> memref<1x128xi32, #tpu.memory_space<vmem>>
      %dma_wait3A_383 = tpu.memref_squeeze %dma_wait3A_382 : memref<1x128xi32, #tpu.memory_space<vmem>> -> memref<128xi32, #tpu.memory_space<vmem>>
      %dma_wait3A_384 = arith.constant 0 : i32
      %dma_wait3A_385 = tpu.memref_slice %arg4[%add3A_379, %dma_wait3A_384] : memref<2560x128xi32, #tpu.memory_space<hbm>> -> memref<1x128xi32, #tpu.memory_space<hbm>>
      %dma_wait3A_386 = tpu.memref_squeeze %dma_wait3A_385 : memref<1x128xi32, #tpu.memory_space<hbm>> -> memref<128xi32, #tpu.memory_space<hbm>>
      %dma_wait3A_387 = arith.constant 0 : i32
      %dma_wait3A_388 = tpu.memref_slice %arg7[%dma_wait3A_380, %dma_wait3A_387] : memref<4x128xi32, #tpu.memory_space<vmem>> -> memref<1x128xi32, #tpu.memory_space<vmem>>
      %dma_wait3A_389 = tpu.memref_squeeze %dma_wait3A_388 : memref<1x128xi32, #tpu.memory_space<vmem>> -> memref<128xi32, #tpu.memory_space<vmem>>
      %dma_wait3A_390 = arith.constant 0 : i32
      %dma_wait3A_391 = tpu.memref_slice %arg4[%add3A_379, %dma_wait3A_390] : memref<2560x128xi32, #tpu.memory_space<hbm>> -> memref<1x128xi32, #tpu.memory_space<hbm>>
      %dma_wait3A_392 = tpu.memref_squeeze %dma_wait3A_391 : memref<1x128xi32, #tpu.memory_space<hbm>> -> memref<128xi32, #tpu.memory_space<hbm>>
      tpu.wait_dma2 semaphore(%arg14 : memref<!tpu.dma_semaphore, #tpu.memory_space<semaphore_mem>>) src(%dma_wait3A_392 : memref<128xi32, #tpu.memory_space<hbm>>) dst(%dma_wait3A_389 : memref<128xi32, #tpu.memory_space<vmem>>)
      %dma_start3A_393 = arith.constant 3 : i32
      %dma_start3A_394 = arith.constant 0 : i32
      %dma_start3A_395 = tpu.memref_slice %arg6[%dma_start3A_393, %dma_start3A_394] : memref<4x128xi32, #tpu.memory_space<vmem>> -> memref<1x128xi32, #tpu.memory_space<vmem>>
      %dma_start3A_396 = tpu.memref_squeeze %dma_start3A_395 : memref<1x128xi32, #tpu.memory_space<vmem>> -> memref<128xi32, #tpu.memory_space<vmem>>
      %dma_start3A_397 = arith.constant 0 : i32
      %dma_start3A_398 = arith.constant 0 : i32
      %dma_start3A_399 = tpu.memref_slice %arg2[%dma_start3A_397, %dma_start3A_398] : memref<10240x128xf32, #tpu.memory_space<hbm>> -> memref<10240x128xf32, #tpu.memory_space<hbm>>
      tpu.enqueue_indirect_dma source(%dma_start3A_399 : memref<10240x128xf32, #tpu.memory_space<hbm>>) target(%arg9 : memref<128x128xf32, #tpu.memory_space<vmem>>) offsets(%dma_start3A_396 : memref<128xi32, #tpu.memory_space<vmem>>) semaphore(%arg16 : memref<!tpu.dma_semaphore, #tpu.memory_space<semaphore_mem>>)
      %dma_wait3A_400 = arith.constant 2 : i32
      %dma_wait3A_401 = arith.constant 0 : i32
      %dma_wait3A_402 = tpu.memref_slice %arg6[%dma_wait3A_400, %dma_wait3A_401] : memref<4x128xi32, #tpu.memory_space<vmem>> -> memref<1x128xi32, #tpu.memory_space<vmem>>
      %dma_wait3A_403 = tpu.memref_squeeze %dma_wait3A_402 : memref<1x128xi32, #tpu.memory_space<vmem>> -> memref<128xi32, #tpu.memory_space<vmem>>
      %dma_wait3A_404 = arith.constant 0 : i32
      %dma_wait3A_405 = arith.constant 0 : i32
      %dma_wait3A_406 = tpu.memref_slice %arg2[%dma_wait3A_404, %dma_wait3A_405] : memref<10240x128xf32, #tpu.memory_space<hbm>> -> memref<10240x128xf32, #tpu.memory_space<hbm>>
      tpu.wait_indirect_dma semaphore(%arg15 : memref<!tpu.dma_semaphore, #tpu.memory_space<semaphore_mem>>) src(%dma_wait3A_406 : memref<10240x128xf32, #tpu.memory_space<hbm>>) dst(%arg8 : memref<128x128xf32, #tpu.memory_space<vmem>>)
      %dma_start3A_407 = arith.constant 2 : i32
      %dma_start3A_408 = arith.constant 0 : i32
      %dma_start3A_409 = tpu.memref_slice %arg7[%dma_start3A_407, %dma_start3A_408] : memref<4x128xi32, #tpu.memory_space<vmem>> -> memref<1x128xi32, #tpu.memory_space<vmem>>
      %dma_start3A_410 = tpu.memref_squeeze %dma_start3A_409 : memref<1x128xi32, #tpu.memory_space<vmem>> -> memref<128xi32, #tpu.memory_space<vmem>>
      %dma_start3A_411 = arith.constant 0 : i32
      %dma_start3A_412 = arith.constant 0 : i32
      %dma_start3A_413 = tpu.memref_slice %arg10[%dma_start3A_411, %dma_start3A_412] : memref<10240x128xf32, #tpu.memory_space<vmem_shared>> -> memref<10240x128xf32, #tpu.memory_space<vmem_shared>>
      tpu.enqueue_indirect_dma source(%arg8 : memref<128x128xf32, #tpu.memory_space<vmem>>) target(%dma_start3A_413 : memref<10240x128xf32, #tpu.memory_space<vmem_shared>>) offsets(%dma_start3A_410 : memref<128xi32, #tpu.memory_space<vmem>>) semaphore(%arg17 : memref<!tpu.dma_semaphore, #tpu.memory_space<semaphore_mem>>) {add = true}
      %dma_wait3A_414 = arith.constant 3 : i32
      %dma_wait3A_415 = arith.constant 0 : i32
      %dma_wait3A_416 = tpu.memref_slice %arg6[%dma_wait3A_414, %dma_wait3A_415] : memref<4x128xi32, #tpu.memory_space<vmem>> -> memref<1x128xi32, #tpu.memory_space<vmem>>
      %dma_wait3A_417 = tpu.memref_squeeze %dma_wait3A_416 : memref<1x128xi32, #tpu.memory_space<vmem>> -> memref<128xi32, #tpu.memory_space<vmem>>
      %dma_wait3A_418 = arith.constant 0 : i32
      %dma_wait3A_419 = arith.constant 0 : i32
      %dma_wait3A_420 = tpu.memref_slice %arg2[%dma_wait3A_418, %dma_wait3A_419] : memref<10240x128xf32, #tpu.memory_space<hbm>> -> memref<10240x128xf32, #tpu.memory_space<hbm>>
      tpu.wait_indirect_dma semaphore(%arg16 : memref<!tpu.dma_semaphore, #tpu.memory_space<semaphore_mem>>) src(%dma_wait3A_420 : memref<10240x128xf32, #tpu.memory_space<hbm>>) dst(%arg9 : memref<128x128xf32, #tpu.memory_space<vmem>>)
      %dma_start3A_421 = arith.constant 3 : i32
      %dma_start3A_422 = arith.constant 0 : i32
      %dma_start3A_423 = tpu.memref_slice %arg7[%dma_start3A_421, %dma_start3A_422] : memref<4x128xi32, #tpu.memory_space<vmem>> -> memref<1x128xi32, #tpu.memory_space<vmem>>
      %dma_start3A_424 = tpu.memref_squeeze %dma_start3A_423 : memref<1x128xi32, #tpu.memory_space<vmem>> -> memref<128xi32, #tpu.memory_space<vmem>>
      %dma_start3A_425 = arith.constant 0 : i32
      %dma_start3A_426 = arith.constant 0 : i32
      %dma_start3A_427 = tpu.memref_slice %arg10[%dma_start3A_425, %dma_start3A_426] : memref<10240x128xf32, #tpu.memory_space<vmem_shared>> -> memref<10240x128xf32, #tpu.memory_space<vmem_shared>>
      tpu.enqueue_indirect_dma source(%arg9 : memref<128x128xf32, #tpu.memory_space<vmem>>) target(%dma_start3A_427 : memref<10240x128xf32, #tpu.memory_space<vmem_shared>>) offsets(%dma_start3A_424 : memref<128xi32, #tpu.memory_space<vmem>>) semaphore(%arg18 : memref<!tpu.dma_semaphore, #tpu.memory_space<semaphore_mem>>) {add = true}
    }
    %scan3A_152 = arith.constant 20 : i32
    %dma_wait3A = arith.constant 0 : i32
    %dma_wait3A_153 = arith.constant 0 : i32
    %dma_wait3A_154 = tpu.memref_slice %arg7[%dma_wait3A, %dma_wait3A_153] : memref<4x128xi32, #tpu.memory_space<vmem>> -> memref<1x128xi32, #tpu.memory_space<vmem>>
    %dma_wait3A_155 = tpu.memref_squeeze %dma_wait3A_154 : memref<1x128xi32, #tpu.memory_space<vmem>> -> memref<128xi32, #tpu.memory_space<vmem>>
    %dma_wait3A_156 = arith.constant 0 : i32
    %dma_wait3A_157 = arith.constant 0 : i32
    %dma_wait3A_158 = tpu.memref_slice %arg10[%dma_wait3A_156, %dma_wait3A_157] : memref<10240x128xf32, #tpu.memory_space<vmem_shared>> -> memref<10240x128xf32, #tpu.memory_space<vmem_shared>>
    tpu.wait_indirect_dma semaphore(%arg17 : memref<!tpu.dma_semaphore, #tpu.memory_space<semaphore_mem>>) src(%arg8 : memref<128x128xf32, #tpu.memory_space<vmem>>) dst(%dma_wait3A_158 : memref<10240x128xf32, #tpu.memory_space<vmem_shared>>)
    %dma_wait3A_159 = arith.constant 1 : i32
    %dma_wait3A_160 = arith.constant 0 : i32
    %dma_wait3A_161 = tpu.memref_slice %arg7[%dma_wait3A_159, %dma_wait3A_160] : memref<4x128xi32, #tpu.memory_space<vmem>> -> memref<1x128xi32, #tpu.memory_space<vmem>>
    %dma_wait3A_162 = tpu.memref_squeeze %dma_wait3A_161 : memref<1x128xi32, #tpu.memory_space<vmem>> -> memref<128xi32, #tpu.memory_space<vmem>>
    %dma_wait3A_163 = arith.constant 0 : i32
    %dma_wait3A_164 = arith.constant 0 : i32
    %dma_wait3A_165 = tpu.memref_slice %arg10[%dma_wait3A_163, %dma_wait3A_164] : memref<10240x128xf32, #tpu.memory_space<vmem_shared>> -> memref<10240x128xf32, #tpu.memory_space<vmem_shared>>
    tpu.wait_indirect_dma semaphore(%arg18 : memref<!tpu.dma_semaphore, #tpu.memory_space<semaphore_mem>>) src(%arg9 : memref<128x128xf32, #tpu.memory_space<vmem>>) dst(%dma_wait3A_165 : memref<10240x128xf32, #tpu.memory_space<vmem_shared>>)
    %barrier3A_166 = arith.constant 0 : index
    tpu.barrier barrier_id(%barrier3A_166)
    %mul3A_167 = arith.constant 640 : i32
    %mul3A_168 = arith.muli %arg1, %mul3A_167 : i32
    %mul3A_169 = arith.constant 640 : i32
    %mul3A_170 = arith.muli %arg1, %mul3A_169 : i32
    "tpu.region"() ({
      %run_scoped3A = tpu.sem_alloc : memref<!tpu.dma_semaphore, #tpu.memory_space<semaphore_mem>>
      %dma_start3A_171 = arith.constant 0 : i32
      %dma_start3A_172 = tpu.memref_slice %arg5[%arg0, %mul3A_170, %dma_start3A_171] : memref<2x10240x128xf32, #tpu.memory_space<hbm>> -> memref<1x640x128xf32, #tpu.memory_space<hbm>>
      %dma_start3A_173 = tpu.memref_squeeze %dma_start3A_172 : memref<1x640x128xf32, #tpu.memory_space<hbm>> -> memref<640x128xf32, #tpu.memory_space<hbm>>
      %dma_start3A_174 = arith.constant 0 : i32
      %dma_start3A_175 = tpu.memref_slice %arg10[%mul3A_168, %dma_start3A_174] : memref<10240x128xf32, #tpu.memory_space<vmem_shared>> -> memref<640x128xf32, #tpu.memory_space<vmem_shared>>
      tpu.enqueue_dma source(%dma_start3A_175 : memref<640x128xf32, #tpu.memory_space<vmem_shared>>) target(%dma_start3A_173 : memref<640x128xf32, #tpu.memory_space<hbm>>) target_semaphore(%run_scoped3A : memref<!tpu.dma_semaphore, #tpu.memory_space<semaphore_mem>>)
      %dma_wait3A_176 = arith.constant 0 : i32
      %dma_wait3A_177 = tpu.memref_slice %arg5[%arg0, %mul3A_170, %dma_wait3A_176] : memref<2x10240x128xf32, #tpu.memory_space<hbm>> -> memref<1x640x128xf32, #tpu.memory_space<hbm>>
      %dma_wait3A_178 = tpu.memref_squeeze %dma_wait3A_177 : memref<1x640x128xf32, #tpu.memory_space<hbm>> -> memref<640x128xf32, #tpu.memory_space<hbm>>
      %dma_wait3A_179 = arith.constant 0 : i32
      %dma_wait3A_180 = tpu.memref_slice %arg10[%mul3A_168, %dma_wait3A_179] : memref<10240x128xf32, #tpu.memory_space<vmem_shared>> -> memref<640x128xf32, #tpu.memory_space<vmem_shared>>
      tpu.wait_dma2 semaphore(%run_scoped3A : memref<!tpu.dma_semaphore, #tpu.memory_space<semaphore_mem>>) src(%dma_wait3A_180 : memref<640x128xf32, #tpu.memory_space<vmem_shared>>) dst(%dma_wait3A_178 : memref<640x128xf32, #tpu.memory_space<hbm>>)
      tpu.yield
    }) : () -> ()
    return
  }
}

#map = affine_map<(d0, d1) -> (0, 0)>
#map1 = affine_map<(d0, d1) -> (0, 0, 0)>
module attributes {stable_mosaic.version = 14 : i64} {
  func.func @_agg_body(%arg0: i32, %arg1: i32, %arg2: memref<10240x128xf32, #tpu.memory_space<hbm>>, %arg3: memref<2560x128xi32, #tpu.memory_space<hbm>>, %arg4: memref<2560x128xi32, #tpu.memory_space<hbm>>, %arg5: memref<2x10240x128xf32, #tpu.memory_space<hbm>>, %arg6: memref<4x128xi32, #tpu.memory_space<vmem>>, %arg7: memref<4x128xi32, #tpu.memory_space<vmem>>, %arg8: memref<128x128xf32, #tpu.memory_space<vmem>>, %arg9: memref<128x128xf32, #tpu.memory_space<vmem>>, %arg10: memref<10240x128xf32, #tpu.memory_space<vmem_shared>>, %arg11: memref<!tpu.dma_semaphore, #tpu.memory_space<semaphore_mem>>, %arg12: memref<!tpu.dma_semaphore, #tpu.memory_space<semaphore_mem>>, %arg13: memref<!tpu.dma_semaphore, #tpu.memory_space<semaphore_mem>>, %arg14: memref<!tpu.dma_semaphore, #tpu.memory_space<semaphore_mem>>, %arg15: memref<!tpu.dma_semaphore, #tpu.memory_space<semaphore_mem>>, %arg16: memref<!tpu.dma_semaphore, #tpu.memory_space<semaphore_mem>>, %arg17: memref<!tpu.dma_semaphore, #tpu.memory_space<semaphore_mem>>, %arg18: memref<!tpu.dma_semaphore, #tpu.memory_space<semaphore_mem>>) attributes {dimension_semantics = [#tpu.dimension_semantics<core_parallel>, #tpu.dimension_semantics<subcore_parallel>], iteration_bounds = array<i64: 2, 16>, scalar_prefetch = 0 : i64, scratch_operands = 13 : i64, tpu.core_type = #tpu.core_type<sc_vector_subcore>, window_params = [{transform_indices = #map}, {transform_indices = #map}, {transform_indices = #map}, {transform_indices = #map1}]} {
    %mul3A = arith.constant 16 : i32
    %mul3A_0 = arith.muli %arg0, %mul3A : i32
    %add3A = arith.addi %mul3A_0, %arg1 : i32
    %mul3A_1 = arith.constant 80 : i32
    %mul3A_2 = arith.muli %add3A, %mul3A_1 : i32
    %scan3A = arith.constant 0 : i32
    %scan3A_3 = arith.constant 0 : i32
    %scan3A_4 = arith.constant 1024 : i32
    %scan3A_5 = arith.addi %scan3A_3, %scan3A_4 : i32
    %scan3A_6 = arith.constant 1 : i32
    scf.for %scan3A_171 = %scan3A_3 to %scan3A_5 step %scan3A_6  : i32 {
      %broadcast_in_dim3A = arith.constant 0.000000e+00 : f32
      %broadcast_in_dim3A_172 = vector.broadcast %broadcast_in_dim3A : f32 to vector<16xf32>
      %jit3A = arith.constant 8 : i32
      %div3A = arith.divsi %scan3A_171, %jit3A : i32
      %sign3A = arith.constant 0 : i32
      %sign3A_173 = arith.cmpi sgt, %scan3A_171, %sign3A : i32
      %sign3A_174 = arith.extui %sign3A_173 : i1 to i32
      %sign3A_175 = arith.constant 0 : i32
      %sign3A_176 = arith.cmpi slt, %scan3A_171, %sign3A_175 : i32
      %sign3A_177 = arith.extui %sign3A_176 : i1 to i32
      %sign3A_178 = arith.subi %sign3A_174, %sign3A_177 : i32
      %sign3A_179 = arith.constant 0 : i32
      %sign3A_180 = arith.cmpi sgt, %jit3A, %sign3A_179 : i32
      %sign3A_181 = arith.extui %sign3A_180 : i1 to i32
      %sign3A_182 = arith.constant 0 : i32
      %sign3A_183 = arith.cmpi slt, %jit3A, %sign3A_182 : i32
      %sign3A_184 = arith.extui %sign3A_183 : i1 to i32
      %sign3A_185 = arith.subi %sign3A_181, %sign3A_184 : i32
      %ne3A = arith.cmpi ne, %sign3A_178, %sign3A_185 : i32
      %rem3A = arith.remsi %scan3A_171, %jit3A : i32
      %ne3A_186 = arith.constant 0 : i32
      %ne3A_187 = arith.cmpi ne, %rem3A, %ne3A_186 : i32
      %and3A = arith.andi %ne3A, %ne3A_187 : i1
      %sub3A = arith.constant 1 : i32
      %sub3A_188 = arith.subi %div3A, %sub3A : i32
      %select_n3A = arith.select %and3A, %sub3A_188, %div3A : i32
      %jit3A_189 = arith.constant 8 : i32
      %eq3A = arith.constant 0 : i32
      %eq3A_190 = arith.cmpi eq, %jit3A_189, %eq3A : i32
      %jit3A_191 = arith.constant 1 : i32
      %select_n3A_192 = arith.select %eq3A_190, %jit3A_191, %jit3A_189 : i32
      %rem3A_193 = arith.remsi %scan3A_171, %select_n3A_192 : i32
      %ne3A_194 = arith.constant 0 : i32
      %ne3A_195 = arith.cmpi ne, %rem3A_193, %ne3A_194 : i32
      %lt3A = arith.constant 0 : i32
      %lt3A_196 = arith.cmpi slt, %rem3A_193, %lt3A : i32
      %lt3A_197 = arith.constant 0 : i32
      %lt3A_198 = arith.cmpi slt, %select_n3A_192, %lt3A_197 : i32
      %ne3A_199 = arith.xori %lt3A_196, %lt3A_198 : i1
      %and3A_200 = arith.andi %ne3A_199, %ne3A_195 : i1
      %add3A_201 = arith.addi %rem3A_193, %select_n3A_192 : i32
      %select_n3A_202 = arith.select %and3A_200, %add3A_201, %rem3A_193 : i32
      %mul3A_203 = arith.constant 16 : i32
      %mul3A_204 = arith.muli %select_n3A_202, %mul3A_203 : i32
      %swap3A = arith.index_cast %select_n3A : i32 to index
      %swap3A_205 = arith.index_cast %mul3A_204 : i32 to index
      %swap3A_206 = tpu.vector_load %arg8[%swap3A, %swap3A_205] {strides = array<i32>} : memref<128x128xf32, #tpu.memory_space<vmem>>, vector<1x16xf32>,
      %swap3A_207 = vector.shape_cast %swap3A_206 : vector<1x16xf32> to vector<16xf32>
      %swap3A_208 = vector.shape_cast %broadcast_in_dim3A_172 : vector<16xf32> to vector<1x16xf32>
      tpu.vector_store %arg8[%swap3A, %swap3A_205], %swap3A_208 {strides = array<i32>} : memref<128x128xf32, #tpu.memory_space<vmem>>, vector<1x16xf32>,
    }
    %scan3A_7 = arith.constant 1024 : i32
    %mul3A_8 = arith.constant 640 : i32
    %mul3A_9 = arith.muli %arg1, %mul3A_8 : i32
    %add3A_10 = arith.constant 0 : i32
    %add3A_11 = arith.addi %mul3A_9, %add3A_10 : i32
    "tpu.region"() ({
      %run_scoped3A = tpu.sem_alloc : memref<!tpu.dma_semaphore, #tpu.memory_space<semaphore_mem>>
      %dma_start3A_171 = arith.constant 0 : i32
      %dma_start3A_172 = tpu.memref_slice %arg10[%add3A_11, %dma_start3A_171] : memref<10240x128xf32, #tpu.memory_space<vmem_shared>> -> memref<128x128xf32, #tpu.memory_space<vmem_shared>>
      %dma_start3A_173 = arith.constant 0 : i32
      %dma_start3A_174 = tpu.memref_slice %arg10[%add3A_11, %dma_start3A_173] : memref<10240x128xf32, #tpu.memory_space<vmem_shared>> -> memref<128x128xf32, #tpu.memory_space<vmem_shared>>
      tpu.enqueue_dma source(%arg8 : memref<128x128xf32, #tpu.memory_space<vmem>>) target(%dma_start3A_174 : memref<128x128xf32, #tpu.memory_space<vmem_shared>>) target_semaphore(%run_scoped3A : memref<!tpu.dma_semaphore, #tpu.memory_space<semaphore_mem>>)
      %dma_wait3A_175 = arith.constant 0 : i32
      %dma_wait3A_176 = tpu.memref_slice %arg10[%add3A_11, %dma_wait3A_175] : memref<10240x128xf32, #tpu.memory_space<vmem_shared>> -> memref<128x128xf32, #tpu.memory_space<vmem_shared>>
      %dma_wait3A_177 = arith.constant 0 : i32
      %dma_wait3A_178 = tpu.memref_slice %arg10[%add3A_11, %dma_wait3A_177] : memref<10240x128xf32, #tpu.memory_space<vmem_shared>> -> memref<128x128xf32, #tpu.memory_space<vmem_shared>>
      tpu.wait_dma2 semaphore(%run_scoped3A : memref<!tpu.dma_semaphore, #tpu.memory_space<semaphore_mem>>) src(%arg8 : memref<128x128xf32, #tpu.memory_space<vmem>>) dst(%dma_wait3A_178 : memref<128x128xf32, #tpu.memory_space<vmem_shared>>)
      tpu.yield
    }) : () -> ()
    %mul3A_12 = arith.constant 640 : i32
    %mul3A_13 = arith.muli %arg1, %mul3A_12 : i32
    %add3A_14 = arith.constant 128 : i32
    %add3A_15 = arith.addi %mul3A_13, %add3A_14 : i32
    "tpu.region"() ({
      %run_scoped3A = tpu.sem_alloc : memref<!tpu.dma_semaphore, #tpu.memory_space<semaphore_mem>>
      %dma_start3A_171 = arith.constant 0 : i32
      %dma_start3A_172 = tpu.memref_slice %arg10[%add3A_15, %dma_start3A_171] : memref<10240x128xf32, #tpu.memory_space<vmem_shared>> -> memref<128x128xf32, #tpu.memory_space<vmem_shared>>
      %dma_start3A_173 = arith.constant 0 : i32
      %dma_start3A_174 = tpu.memref_slice %arg10[%add3A_15, %dma_start3A_173] : memref<10240x128xf32, #tpu.memory_space<vmem_shared>> -> memref<128x128xf32, #tpu.memory_space<vmem_shared>>
      tpu.enqueue_dma source(%arg8 : memref<128x128xf32, #tpu.memory_space<vmem>>) target(%dma_start3A_174 : memref<128x128xf32, #tpu.memory_space<vmem_shared>>) target_semaphore(%run_scoped3A : memref<!tpu.dma_semaphore, #tpu.memory_space<semaphore_mem>>)
      %dma_wait3A_175 = arith.constant 0 : i32
      %dma_wait3A_176 = tpu.memref_slice %arg10[%add3A_15, %dma_wait3A_175] : memref<10240x128xf32, #tpu.memory_space<vmem_shared>> -> memref<128x128xf32, #tpu.memory_space<vmem_shared>>
      %dma_wait3A_177 = arith.constant 0 : i32
      %dma_wait3A_178 = tpu.memref_slice %arg10[%add3A_15, %dma_wait3A_177] : memref<10240x128xf32, #tpu.memory_space<vmem_shared>> -> memref<128x128xf32, #tpu.memory_space<vmem_shared>>
      tpu.wait_dma2 semaphore(%run_scoped3A : memref<!tpu.dma_semaphore, #tpu.memory_space<semaphore_mem>>) src(%arg8 : memref<128x128xf32, #tpu.memory_space<vmem>>) dst(%dma_wait3A_178 : memref<128x128xf32, #tpu.memory_space<vmem_shared>>)
      tpu.yield
    }) : () -> ()
    %mul3A_16 = arith.constant 640 : i32
    %mul3A_17 = arith.muli %arg1, %mul3A_16 : i32
    %add3A_18 = arith.constant 256 : i32
    %add3A_19 = arith.addi %mul3A_17, %add3A_18 : i32
    "tpu.region"() ({
      %run_scoped3A = tpu.sem_alloc : memref<!tpu.dma_semaphore, #tpu.memory_space<semaphore_mem>>
      %dma_start3A_171 = arith.constant 0 : i32
      %dma_start3A_172 = tpu.memref_slice %arg10[%add3A_19, %dma_start3A_171] : memref<10240x128xf32, #tpu.memory_space<vmem_shared>> -> memref<128x128xf32, #tpu.memory_space<vmem_shared>>
      %dma_start3A_173 = arith.constant 0 : i32
      %dma_start3A_174 = tpu.memref_slice %arg10[%add3A_19, %dma_start3A_173] : memref<10240x128xf32, #tpu.memory_space<vmem_shared>> -> memref<128x128xf32, #tpu.memory_space<vmem_shared>>
      tpu.enqueue_dma source(%arg8 : memref<128x128xf32, #tpu.memory_space<vmem>>) target(%dma_start3A_174 : memref<128x128xf32, #tpu.memory_space<vmem_shared>>) target_semaphore(%run_scoped3A : memref<!tpu.dma_semaphore, #tpu.memory_space<semaphore_mem>>)
      %dma_wait3A_175 = arith.constant 0 : i32
      %dma_wait3A_176 = tpu.memref_slice %arg10[%add3A_19, %dma_wait3A_175] : memref<10240x128xf32, #tpu.memory_space<vmem_shared>> -> memref<128x128xf32, #tpu.memory_space<vmem_shared>>
      %dma_wait3A_177 = arith.constant 0 : i32
      %dma_wait3A_178 = tpu.memref_slice %arg10[%add3A_19, %dma_wait3A_177] : memref<10240x128xf32, #tpu.memory_space<vmem_shared>> -> memref<128x128xf32, #tpu.memory_space<vmem_shared>>
      tpu.wait_dma2 semaphore(%run_scoped3A : memref<!tpu.dma_semaphore, #tpu.memory_space<semaphore_mem>>) src(%arg8 : memref<128x128xf32, #tpu.memory_space<vmem>>) dst(%dma_wait3A_178 : memref<128x128xf32, #tpu.memory_space<vmem_shared>>)
      tpu.yield
    }) : () -> ()
    %mul3A_20 = arith.constant 640 : i32
    %mul3A_21 = arith.muli %arg1, %mul3A_20 : i32
    %add3A_22 = arith.constant 384 : i32
    %add3A_23 = arith.addi %mul3A_21, %add3A_22 : i32
    "tpu.region"() ({
      %run_scoped3A = tpu.sem_alloc : memref<!tpu.dma_semaphore, #tpu.memory_space<semaphore_mem>>
      %dma_start3A_171 = arith.constant 0 : i32
      %dma_start3A_172 = tpu.memref_slice %arg10[%add3A_23, %dma_start3A_171] : memref<10240x128xf32, #tpu.memory_space<vmem_shared>> -> memref<128x128xf32, #tpu.memory_space<vmem_shared>>
      %dma_start3A_173 = arith.constant 0 : i32
      %dma_start3A_174 = tpu.memref_slice %arg10[%add3A_23, %dma_start3A_173] : memref<10240x128xf32, #tpu.memory_space<vmem_shared>> -> memref<128x128xf32, #tpu.memory_space<vmem_shared>>
      tpu.enqueue_dma source(%arg8 : memref<128x128xf32, #tpu.memory_space<vmem>>) target(%dma_start3A_174 : memref<128x128xf32, #tpu.memory_space<vmem_shared>>) target_semaphore(%run_scoped3A : memref<!tpu.dma_semaphore, #tpu.memory_space<semaphore_mem>>)
      %dma_wait3A_175 = arith.constant 0 : i32
      %dma_wait3A_176 = tpu.memref_slice %arg10[%add3A_23, %dma_wait3A_175] : memref<10240x128xf32, #tpu.memory_space<vmem_shared>> -> memref<128x128xf32, #tpu.memory_space<vmem_shared>>
      %dma_wait3A_177 = arith.constant 0 : i32
      %dma_wait3A_178 = tpu.memref_slice %arg10[%add3A_23, %dma_wait3A_177] : memref<10240x128xf32, #tpu.memory_space<vmem_shared>> -> memref<128x128xf32, #tpu.memory_space<vmem_shared>>
      tpu.wait_dma2 semaphore(%run_scoped3A : memref<!tpu.dma_semaphore, #tpu.memory_space<semaphore_mem>>) src(%arg8 : memref<128x128xf32, #tpu.memory_space<vmem>>) dst(%dma_wait3A_178 : memref<128x128xf32, #tpu.memory_space<vmem_shared>>)
      tpu.yield
    }) : () -> ()
    %mul3A_24 = arith.constant 640 : i32
    %mul3A_25 = arith.muli %arg1, %mul3A_24 : i32
    %add3A_26 = arith.constant 512 : i32
    %add3A_27 = arith.addi %mul3A_25, %add3A_26 : i32
    "tpu.region"() ({
      %run_scoped3A = tpu.sem_alloc : memref<!tpu.dma_semaphore, #tpu.memory_space<semaphore_mem>>
      %dma_start3A_171 = arith.constant 0 : i32
      %dma_start3A_172 = tpu.memref_slice %arg10[%add3A_27, %dma_start3A_171] : memref<10240x128xf32, #tpu.memory_space<vmem_shared>> -> memref<128x128xf32, #tpu.memory_space<vmem_shared>>
      %dma_start3A_173 = arith.constant 0 : i32
      %dma_start3A_174 = tpu.memref_slice %arg10[%add3A_27, %dma_start3A_173] : memref<10240x128xf32, #tpu.memory_space<vmem_shared>> -> memref<128x128xf32, #tpu.memory_space<vmem_shared>>
      tpu.enqueue_dma source(%arg8 : memref<128x128xf32, #tpu.memory_space<vmem>>) target(%dma_start3A_174 : memref<128x128xf32, #tpu.memory_space<vmem_shared>>) target_semaphore(%run_scoped3A : memref<!tpu.dma_semaphore, #tpu.memory_space<semaphore_mem>>)
      %dma_wait3A_175 = arith.constant 0 : i32
      %dma_wait3A_176 = tpu.memref_slice %arg10[%add3A_27, %dma_wait3A_175] : memref<10240x128xf32, #tpu.memory_space<vmem_shared>> -> memref<128x128xf32, #tpu.memory_space<vmem_shared>>
      %dma_wait3A_177 = arith.constant 0 : i32
      %dma_wait3A_178 = tpu.memref_slice %arg10[%add3A_27, %dma_wait3A_177] : memref<10240x128xf32, #tpu.memory_space<vmem_shared>> -> memref<128x128xf32, #tpu.memory_space<vmem_shared>>
      tpu.wait_dma2 semaphore(%run_scoped3A : memref<!tpu.dma_semaphore, #tpu.memory_space<semaphore_mem>>) src(%arg8 : memref<128x128xf32, #tpu.memory_space<vmem>>) dst(%dma_wait3A_178 : memref<128x128xf32, #tpu.memory_space<vmem_shared>>)
      tpu.yield
    }) : () -> ()
    %add3A_28 = arith.constant 0 : i32
    %add3A_29 = arith.addi %mul3A_2, %add3A_28 : i32
    %dma_start3A = arith.constant 0 : i32
    %dma_start3A_30 = arith.constant 0 : i32
    %dma_start3A_31 = tpu.memref_slice %arg6[%dma_start3A, %dma_start3A_30] : memref<4x128xi32, #tpu.memory_space<vmem>> -> memref<1x128xi32, #tpu.memory_space<vmem>>
    %dma_start3A_32 = tpu.memref_squeeze %dma_start3A_31 : memref<1x128xi32, #tpu.memory_space<vmem>> -> memref<128xi32, #tpu.memory_space<vmem>>
    %dma_start3A_33 = arith.constant 0 : i32
    %dma_start3A_34 = tpu.memref_slice %arg3[%add3A_29, %dma_start3A_33] : memref<2560x128xi32, #tpu.memory_space<hbm>> -> memref<1x128xi32, #tpu.memory_space<hbm>>
    %dma_start3A_35 = tpu.memref_squeeze %dma_start3A_34 : memref<1x128xi32, #tpu.memory_space<hbm>> -> memref<128xi32, #tpu.memory_space<hbm>>
    %dma_start3A_36 = arith.constant 0 : i32
    %dma_start3A_37 = tpu.memref_slice %arg6[%dma_start3A, %dma_start3A_36] : memref<4x128xi32, #tpu.memory_space<vmem>> -> memref<1x128xi32, #tpu.memory_space<vmem>>
    %dma_start3A_38 = tpu.memref_squeeze %dma_start3A_37 : memref<1x128xi32, #tpu.memory_space<vmem>> -> memref<128xi32, #tpu.memory_space<vmem>>
    %dma_start3A_39 = arith.constant 0 : i32
    %dma_start3A_40 = tpu.memref_slice %arg3[%add3A_29, %dma_start3A_39] : memref<2560x128xi32, #tpu.memory_space<hbm>> -> memref<1x128xi32, #tpu.memory_space<hbm>>
    %dma_start3A_41 = tpu.memref_squeeze %dma_start3A_40 : memref<1x128xi32, #tpu.memory_space<hbm>> -> memref<128xi32, #tpu.memory_space<hbm>>
    tpu.enqueue_dma source(%dma_start3A_41 : memref<128xi32, #tpu.memory_space<hbm>>) target(%dma_start3A_38 : memref<128xi32, #tpu.memory_space<vmem>>) target_semaphore(%arg11 : memref<!tpu.dma_semaphore, #tpu.memory_space<semaphore_mem>>)
    %add3A_42 = arith.constant 0 : i32
    %add3A_43 = arith.addi %mul3A_2, %add3A_42 : i32
    %dma_start3A_44 = arith.constant 0 : i32
    %dma_start3A_45 = arith.constant 0 : i32
    %dma_start3A_46 = tpu.memref_slice %arg7[%dma_start3A_44, %dma_start3A_45] : memref<4x128xi32, #tpu.memory_space<vmem>> -> memref<1x128xi32, #tpu.memory_space<vmem>>
    %dma_start3A_47 = tpu.memref_squeeze %dma_start3A_46 : memref<1x128xi32, #tpu.memory_space<vmem>> -> memref<128xi32, #tpu.memory_space<vmem>>
    %dma_start3A_48 = arith.constant 0 : i32
    %dma_start3A_49 = tpu.memref_slice %arg4[%add3A_43, %dma_start3A_48] : memref<2560x128xi32, #tpu.memory_space<hbm>> -> memref<1x128xi32, #tpu.memory_space<hbm>>
    %dma_start3A_50 = tpu.memref_squeeze %dma_start3A_49 : memref<1x128xi32, #tpu.memory_space<hbm>> -> memref<128xi32, #tpu.memory_space<hbm>>
    %dma_start3A_51 = arith.constant 0 : i32
    %dma_start3A_52 = tpu.memref_slice %arg7[%dma_start3A_44, %dma_start3A_51] : memref<4x128xi32, #tpu.memory_space<vmem>> -> memref<1x128xi32, #tpu.memory_space<vmem>>
    %dma_start3A_53 = tpu.memref_squeeze %dma_start3A_52 : memref<1x128xi32, #tpu.memory_space<vmem>> -> memref<128xi32, #tpu.memory_space<vmem>>
    %dma_start3A_54 = arith.constant 0 : i32
    %dma_start3A_55 = tpu.memref_slice %arg4[%add3A_43, %dma_start3A_54] : memref<2560x128xi32, #tpu.memory_space<hbm>> -> memref<1x128xi32, #tpu.memory_space<hbm>>
    %dma_start3A_56 = tpu.memref_squeeze %dma_start3A_55 : memref<1x128xi32, #tpu.memory_space<hbm>> -> memref<128xi32, #tpu.memory_space<hbm>>
    tpu.enqueue_dma source(%dma_start3A_56 : memref<128xi32, #tpu.memory_space<hbm>>) target(%dma_start3A_53 : memref<128xi32, #tpu.memory_space<vmem>>) target_semaphore(%arg11 : memref<!tpu.dma_semaphore, #tpu.memory_space<semaphore_mem>>)
    %add3A_57 = arith.constant 1 : i32
    %add3A_58 = arith.addi %mul3A_2, %add3A_57 : i32
    %dma_start3A_59 = arith.constant 1 : i32
    %dma_start3A_60 = arith.constant 0 : i32
    %dma_start3A_61 = tpu.memref_slice %arg6[%dma_start3A_59, %dma_start3A_60] : memref<4x128xi32, #tpu.memory_space<vmem>> -> memref<1x128xi32, #tpu.memory_space<vmem>>
    %dma_start3A_62 = tpu.memref_squeeze %dma_start3A_61 : memref<1x128xi32, #tpu.memory_space<vmem>> -> memref<128xi32, #tpu.memory_space<vmem>>
    %dma_start3A_63 = arith.constant 0 : i32
    %dma_start3A_64 = tpu.memref_slice %arg3[%add3A_58, %dma_start3A_63] : memref<2560x128xi32, #tpu.memory_space<hbm>> -> memref<1x128xi32, #tpu.memory_space<hbm>>
    %dma_start3A_65 = tpu.memref_squeeze %dma_start3A_64 : memref<1x128xi32, #tpu.memory_space<hbm>> -> memref<128xi32, #tpu.memory_space<hbm>>
    %dma_start3A_66 = arith.constant 0 : i32
    %dma_start3A_67 = tpu.memref_slice %arg6[%dma_start3A_59, %dma_start3A_66] : memref<4x128xi32, #tpu.memory_space<vmem>> -> memref<1x128xi32, #tpu.memory_space<vmem>>
    %dma_start3A_68 = tpu.memref_squeeze %dma_start3A_67 : memref<1x128xi32, #tpu.memory_space<vmem>> -> memref<128xi32, #tpu.memory_space<vmem>>
    %dma_start3A_69 = arith.constant 0 : i32
    %dma_start3A_70 = tpu.memref_slice %arg3[%add3A_58, %dma_start3A_69] : memref<2560x128xi32, #tpu.memory_space<hbm>> -> memref<1x128xi32, #tpu.memory_space<hbm>>
    %dma_start3A_71 = tpu.memref_squeeze %dma_start3A_70 : memref<1x128xi32, #tpu.memory_space<hbm>> -> memref<128xi32, #tpu.memory_space<hbm>>
    tpu.enqueue_dma source(%dma_start3A_71 : memref<128xi32, #tpu.memory_space<hbm>>) target(%dma_start3A_68 : memref<128xi32, #tpu.memory_space<vmem>>) target_semaphore(%arg12 : memref<!tpu.dma_semaphore, #tpu.memory_space<semaphore_mem>>)
    %add3A_72 = arith.constant 1 : i32
    %add3A_73 = arith.addi %mul3A_2, %add3A_72 : i32
    %dma_start3A_74 = arith.constant 1 : i32
    %dma_start3A_75 = arith.constant 0 : i32
    %dma_start3A_76 = tpu.memref_slice %arg7[%dma_start3A_74, %dma_start3A_75] : memref<4x128xi32, #tpu.memory_space<vmem>> -> memref<1x128xi32, #tpu.memory_space<vmem>>
    %dma_start3A_77 = tpu.memref_squeeze %dma_start3A_76 : memref<1x128xi32, #tpu.memory_space<vmem>> -> memref<128xi32, #tpu.memory_space<vmem>>
    %dma_start3A_78 = arith.constant 0 : i32
    %dma_start3A_79 = tpu.memref_slice %arg4[%add3A_73, %dma_start3A_78] : memref<2560x128xi32, #tpu.memory_space<hbm>> -> memref<1x128xi32, #tpu.memory_space<hbm>>
    %dma_start3A_80 = tpu.memref_squeeze %dma_start3A_79 : memref<1x128xi32, #tpu.memory_space<hbm>> -> memref<128xi32, #tpu.memory_space<hbm>>
    %dma_start3A_81 = arith.constant 0 : i32
    %dma_start3A_82 = tpu.memref_slice %arg7[%dma_start3A_74, %dma_start3A_81] : memref<4x128xi32, #tpu.memory_space<vmem>> -> memref<1x128xi32, #tpu.memory_space<vmem>>
    %dma_start3A_83 = tpu.memref_squeeze %dma_start3A_82 : memref<1x128xi32, #tpu.memory_space<vmem>> -> memref<128xi32, #tpu.memory_space<vmem>>
    %dma_start3A_84 = arith.constant 0 : i32
    %dma_start3A_85 = tpu.memref_slice %arg4[%add3A_73, %dma_start3A_84] : memref<2560x128xi32, #tpu.memory_space<hbm>> -> memref<1x128xi32, #tpu.memory_space<hbm>>
    %dma_start3A_86 = tpu.memref_squeeze %dma_start3A_85 : memref<1x128xi32, #tpu.memory_space<hbm>> -> memref<128xi32, #tpu.memory_space<hbm>>
    tpu.enqueue_dma source(%dma_start3A_86 : memref<128xi32, #tpu.memory_space<hbm>>) target(%dma_start3A_83 : memref<128xi32, #tpu.memory_space<vmem>>) target_semaphore(%arg12 : memref<!tpu.dma_semaphore, #tpu.memory_space<semaphore_mem>>)
    %add3A_87 = arith.constant 2 : i32
    %add3A_88 = arith.addi %mul3A_2, %add3A_87 : i32
    %dma_start3A_89 = arith.constant 2 : i32
    %dma_start3A_90 = arith.constant 0 : i32
    %dma_start3A_91 = tpu.memref_slice %arg6[%dma_start3A_89, %dma_start3A_90] : memref<4x128xi32, #tpu.memory_space<vmem>> -> memref<1x128xi32, #tpu.memory_space<vmem>>
    %dma_start3A_92 = tpu.memref_squeeze %dma_start3A_91 : memref<1x128xi32, #tpu.memory_space<vmem>> -> memref<128xi32, #tpu.memory_space<vmem>>
    %dma_start3A_93 = arith.constant 0 : i32
    %dma_start3A_94 = tpu.memref_slice %arg3[%add3A_88, %dma_start3A_93] : memref<2560x128xi32, #tpu.memory_space<hbm>> -> memref<1x128xi32, #tpu.memory_space<hbm>>
    %dma_start3A_95 = tpu.memref_squeeze %dma_start3A_94 : memref<1x128xi32, #tpu.memory_space<hbm>> -> memref<128xi32, #tpu.memory_space<hbm>>
    %dma_start3A_96 = arith.constant 0 : i32
    %dma_start3A_97 = tpu.memref_slice %arg6[%dma_start3A_89, %dma_start3A_96] : memref<4x128xi32, #tpu.memory_space<vmem>> -> memref<1x128xi32, #tpu.memory_space<vmem>>
    %dma_start3A_98 = tpu.memref_squeeze %dma_start3A_97 : memref<1x128xi32, #tpu.memory_space<vmem>> -> memref<128xi32, #tpu.memory_space<vmem>>
    %dma_start3A_99 = arith.constant 0 : i32
    %dma_start3A_100 = tpu.memref_slice %arg3[%add3A_88, %dma_start3A_99] : memref<2560x128xi32, #tpu.memory_space<hbm>> -> memref<1x128xi32, #tpu.memory_space<hbm>>
    %dma_start3A_101 = tpu.memref_squeeze %dma_start3A_100 : memref<1x128xi32, #tpu.memory_space<hbm>> -> memref<128xi32, #tpu.memory_space<hbm>>
    tpu.enqueue_dma source(%dma_start3A_101 : memref<128xi32, #tpu.memory_space<hbm>>) target(%dma_start3A_98 : memref<128xi32, #tpu.memory_space<vmem>>) target_semaphore(%arg13 : memref<!tpu.dma_semaphore, #tpu.memory_space<semaphore_mem>>)
    %add3A_102 = arith.constant 2 : i32
    %add3A_103 = arith.addi %mul3A_2, %add3A_102 : i32
    %dma_start3A_104 = arith.constant 2 : i32
    %dma_start3A_105 = arith.constant 0 : i32
    %dma_start3A_106 = tpu.memref_slice %arg7[%dma_start3A_104, %dma_start3A_105] : memref<4x128xi32, #tpu.memory_space<vmem>> -> memref<1x128xi32, #tpu.memory_space<vmem>>
    %dma_start3A_107 = tpu.memref_squeeze %dma_start3A_106 : memref<1x128xi32, #tpu.memory_space<vmem>> -> memref<128xi32, #tpu.memory_space<vmem>>
    %dma_start3A_108 = arith.constant 0 : i32
    %dma_start3A_109 = tpu.memref_slice %arg4[%add3A_103, %dma_start3A_108] : memref<2560x128xi32, #tpu.memory_space<hbm>> -> memref<1x128xi32, #tpu.memory_space<hbm>>
    %dma_start3A_110 = tpu.memref_squeeze %dma_start3A_109 : memref<1x128xi32, #tpu.memory_space<hbm>> -> memref<128xi32, #tpu.memory_space<hbm>>
    %dma_start3A_111 = arith.constant 0 : i32
    %dma_start3A_112 = tpu.memref_slice %arg7[%dma_start3A_104, %dma_start3A_111] : memref<4x128xi32, #tpu.memory_space<vmem>> -> memref<1x128xi32, #tpu.memory_space<vmem>>
    %dma_start3A_113 = tpu.memref_squeeze %dma_start3A_112 : memref<1x128xi32, #tpu.memory_space<vmem>> -> memref<128xi32, #tpu.memory_space<vmem>>
    %dma_start3A_114 = arith.constant 0 : i32
    %dma_start3A_115 = tpu.memref_slice %arg4[%add3A_103, %dma_start3A_114] : memref<2560x128xi32, #tpu.memory_space<hbm>> -> memref<1x128xi32, #tpu.memory_space<hbm>>
    %dma_start3A_116 = tpu.memref_squeeze %dma_start3A_115 : memref<1x128xi32, #tpu.memory_space<hbm>> -> memref<128xi32, #tpu.memory_space<hbm>>
    tpu.enqueue_dma source(%dma_start3A_116 : memref<128xi32, #tpu.memory_space<hbm>>) target(%dma_start3A_113 : memref<128xi32, #tpu.memory_space<vmem>>) target_semaphore(%arg13 : memref<!tpu.dma_semaphore, #tpu.memory_space<semaphore_mem>>)
    %add3A_117 = arith.constant 3 : i32
    %add3A_118 = arith.addi %mul3A_2, %add3A_117 : i32
    %dma_start3A_119 = arith.constant 3 : i32
    %dma_start3A_120 = arith.constant 0 : i32
    %dma_start3A_121 = tpu.memref_slice %arg6[%dma_start3A_119, %dma_start3A_120] : memref<4x128xi32, #tpu.memory_space<vmem>> -> memref<1x128xi32, #tpu.memory_space<vmem>>
    %dma_start3A_122 = tpu.memref_squeeze %dma_start3A_121 : memref<1x128xi32, #tpu.memory_space<vmem>> -> memref<128xi32, #tpu.memory_space<vmem>>
    %dma_start3A_123 = arith.constant 0 : i32
    %dma_start3A_124 = tpu.memref_slice %arg3[%add3A_118, %dma_start3A_123] : memref<2560x128xi32, #tpu.memory_space<hbm>> -> memref<1x128xi32, #tpu.memory_space<hbm>>
    %dma_start3A_125 = tpu.memref_squeeze %dma_start3A_124 : memref<1x128xi32, #tpu.memory_space<hbm>> -> memref<128xi32, #tpu.memory_space<hbm>>
    %dma_start3A_126 = arith.constant 0 : i32
    %dma_start3A_127 = tpu.memref_slice %arg6[%dma_start3A_119, %dma_start3A_126] : memref<4x128xi32, #tpu.memory_space<vmem>> -> memref<1x128xi32, #tpu.memory_space<vmem>>
    %dma_start3A_128 = tpu.memref_squeeze %dma_start3A_127 : memref<1x128xi32, #tpu.memory_space<vmem>> -> memref<128xi32, #tpu.memory_space<vmem>>
    %dma_start3A_129 = arith.constant 0 : i32
    %dma_start3A_130 = tpu.memref_slice %arg3[%add3A_118, %dma_start3A_129] : memref<2560x128xi32, #tpu.memory_space<hbm>> -> memref<1x128xi32, #tpu.memory_space<hbm>>
    %dma_start3A_131 = tpu.memref_squeeze %dma_start3A_130 : memref<1x128xi32, #tpu.memory_space<hbm>> -> memref<128xi32, #tpu.memory_space<hbm>>
    tpu.enqueue_dma source(%dma_start3A_131 : memref<128xi32, #tpu.memory_space<hbm>>) target(%dma_start3A_128 : memref<128xi32, #tpu.memory_space<vmem>>) target_semaphore(%arg14 : memref<!tpu.dma_semaphore, #tpu.memory_space<semaphore_mem>>)
    %add3A_132 = arith.constant 3 : i32
    %add3A_133 = arith.addi %mul3A_2, %add3A_132 : i32
    %dma_start3A_134 = arith.constant 3 : i32
    %dma_start3A_135 = arith.constant 0 : i32
    %dma_start3A_136 = tpu.memref_slice %arg7[%dma_start3A_134, %dma_start3A_135] : memref<4x128xi32, #tpu.memory_space<vmem>> -> memref<1x128xi32, #tpu.memory_space<vmem>>
    %dma_start3A_137 = tpu.memref_squeeze %dma_start3A_136 : memref<1x128xi32, #tpu.memory_space<vmem>> -> memref<128xi32, #tpu.memory_space<vmem>>
    %dma_start3A_138 = arith.constant 0 : i32
    %dma_start3A_139 = tpu.memref_slice %arg4[%add3A_133, %dma_start3A_138] : memref<2560x128xi32, #tpu.memory_space<hbm>> -> memref<1x128xi32, #tpu.memory_space<hbm>>
    %dma_start3A_140 = tpu.memref_squeeze %dma_start3A_139 : memref<1x128xi32, #tpu.memory_space<hbm>> -> memref<128xi32, #tpu.memory_space<hbm>>
    %dma_start3A_141 = arith.constant 0 : i32
    %dma_start3A_142 = tpu.memref_slice %arg7[%dma_start3A_134, %dma_start3A_141] : memref<4x128xi32, #tpu.memory_space<vmem>> -> memref<1x128xi32, #tpu.memory_space<vmem>>
    %dma_start3A_143 = tpu.memref_squeeze %dma_start3A_142 : memref<1x128xi32, #tpu.memory_space<vmem>> -> memref<128xi32, #tpu.memory_space<vmem>>
    %dma_start3A_144 = arith.constant 0 : i32
    %dma_start3A_145 = tpu.memref_slice %arg4[%add3A_133, %dma_start3A_144] : memref<2560x128xi32, #tpu.memory_space<hbm>> -> memref<1x128xi32, #tpu.memory_space<hbm>>
    %dma_start3A_146 = tpu.memref_squeeze %dma_start3A_145 : memref<1x128xi32, #tpu.memory_space<hbm>> -> memref<128xi32, #tpu.memory_space<hbm>>
    tpu.enqueue_dma source(%dma_start3A_146 : memref<128xi32, #tpu.memory_space<hbm>>) target(%dma_start3A_143 : memref<128xi32, #tpu.memory_space<vmem>>) target_semaphore(%arg14 : memref<!tpu.dma_semaphore, #tpu.memory_space<semaphore_mem>>)
    %barrier3A = arith.constant 0 : index
    tpu.barrier barrier_id(%barrier3A)
    %scan3A_147 = arith.constant 0 : i32
    %scan3A_148 = arith.constant 0 : i32
    %scan3A_149 = arith.constant 20 : i32
    %scan3A_150 = arith.addi %scan3A_148, %scan3A_149 : i32
    %scan3A_151 = arith.constant 1 : i32
    scf.for %scan3A_171 = %scan3A_148 to %scan3A_150 step %scan3A_151  : i32 {
      %mul3A_172 = arith.constant 2 : i32
      %mul3A_173 = arith.muli %scan3A_171, %mul3A_172 : i32
      %add3A_174 = arith.constant 0 : i32
      %add3A_175 = arith.addi %mul3A_173, %add3A_174 : i32
      %mul3A_176 = arith.constant 2 : i32
      %mul3A_177 = arith.muli %add3A_175, %mul3A_176 : i32
      %add3A_178 = arith.constant 0 : i32
      %add3A_179 = arith.addi %mul3A_177, %add3A_178 : i32
      %gt3A = arith.constant 0 : i32
      %gt3A_180 = arith.cmpi sgt, %add3A_175, %gt3A : i32
      %convert_element_type3A = arith.extui %gt3A_180 : i1 to i32
      %cond3A = arith.constant 0 : i32
      %cond3A_181 = arith.cmpi ne, %convert_element_type3A, %cond3A : i32
      scf.if %cond3A_181 {
        %dma_wait3A_428 = arith.constant 0 : i32
        %dma_wait3A_429 = arith.constant 0 : i32
        %dma_wait3A_430 = tpu.memref_slice %arg7[%dma_wait3A_428, %dma_wait3A_429] : memref<4x128xi32, #tpu.memory_space<vmem>> -> memref<1x128xi32, #tpu.memory_space<vmem>>
        %dma_wait3A_431 = tpu.memref_squeeze %dma_wait3A_430 : memref<1x128xi32, #tpu.memory_space<vmem>> -> memref<128xi32, #tpu.memory_space<vmem>>
        %dma_wait3A_432 = arith.constant 0 : i32
        %dma_wait3A_433 = arith.constant 0 : i32
        %dma_wait3A_434 = tpu.memref_slice %arg10[%dma_wait3A_432, %dma_wait3A_433] : memref<10240x128xf32, #tpu.memory_space<vmem_shared>> -> memref<10240x128xf32, #tpu.memory_space<vmem_shared>>
        tpu.wait_indirect_dma semaphore(%arg17 : memref<!tpu.dma_semaphore, #tpu.memory_space<semaphore_mem>>) src(%arg8 : memref<128x128xf32, #tpu.memory_space<vmem>>) dst(%dma_wait3A_434 : memref<10240x128xf32, #tpu.memory_space<vmem_shared>>)
      } else {
      }
      %lt3A = arith.constant 39 : i32
      %lt3A_182 = arith.cmpi slt, %add3A_175, %lt3A : i32
      %convert_element_type3A_183 = arith.extui %lt3A_182 : i1 to i32
      %cond3A_184 = arith.constant 0 : i32
      %cond3A_185 = arith.cmpi ne, %convert_element_type3A_183, %cond3A_184 : i32
      scf.if %cond3A_185 {
        %add3A_428 = arith.addi %mul3A_2, %add3A_179 : i32
        %add3A_429 = arith.constant 2 : i32
        %add3A_430 = arith.addi %add3A_428, %add3A_429 : i32
        %dma_start3A_431 = arith.constant 2 : i32
        %dma_start3A_432 = arith.constant 0 : i32
        %dma_start3A_433 = tpu.memref_slice %arg6[%dma_start3A_431, %dma_start3A_432] : memref<4x128xi32, #tpu.memory_space<vmem>> -> memref<1x128xi32, #tpu.memory_space<vmem>>
        %dma_start3A_434 = tpu.memref_squeeze %dma_start3A_433 : memref<1x128xi32, #tpu.memory_space<vmem>> -> memref<128xi32, #tpu.memory_space<vmem>>
        %dma_start3A_435 = arith.constant 0 : i32
        %dma_start3A_436 = tpu.memref_slice %arg3[%add3A_430, %dma_start3A_435] : memref<2560x128xi32, #tpu.memory_space<hbm>> -> memref<1x128xi32, #tpu.memory_space<hbm>>
        %dma_start3A_437 = tpu.memref_squeeze %dma_start3A_436 : memref<1x128xi32, #tpu.memory_space<hbm>> -> memref<128xi32, #tpu.memory_space<hbm>>
        %dma_start3A_438 = arith.constant 0 : i32
        %dma_start3A_439 = tpu.memref_slice %arg6[%dma_start3A_431, %dma_start3A_438] : memref<4x128xi32, #tpu.memory_space<vmem>> -> memref<1x128xi32, #tpu.memory_space<vmem>>
        %dma_start3A_440 = tpu.memref_squeeze %dma_start3A_439 : memref<1x128xi32, #tpu.memory_space<vmem>> -> memref<128xi32, #tpu.memory_space<vmem>>
        %dma_start3A_441 = arith.constant 0 : i32
        %dma_start3A_442 = tpu.memref_slice %arg3[%add3A_430, %dma_start3A_441] : memref<2560x128xi32, #tpu.memory_space<hbm>> -> memref<1x128xi32, #tpu.memory_space<hbm>>
        %dma_start3A_443 = tpu.memref_squeeze %dma_start3A_442 : memref<1x128xi32, #tpu.memory_space<hbm>> -> memref<128xi32, #tpu.memory_space<hbm>>
        tpu.enqueue_dma source(%dma_start3A_443 : memref<128xi32, #tpu.memory_space<hbm>>) target(%dma_start3A_440 : memref<128xi32, #tpu.memory_space<vmem>>) target_semaphore(%arg13 : memref<!tpu.dma_semaphore, #tpu.memory_space<semaphore_mem>>)
        %add3A_444 = arith.addi %mul3A_2, %add3A_179 : i32
        %add3A_445 = arith.constant 2 : i32
        %add3A_446 = arith.addi %add3A_444, %add3A_445 : i32
        %dma_start3A_447 = arith.constant 2 : i32
        %dma_start3A_448 = arith.constant 0 : i32
        %dma_start3A_449 = tpu.memref_slice %arg7[%dma_start3A_447, %dma_start3A_448] : memref<4x128xi32, #tpu.memory_space<vmem>> -> memref<1x128xi32, #tpu.memory_space<vmem>>
        %dma_start3A_450 = tpu.memref_squeeze %dma_start3A_449 : memref<1x128xi32, #tpu.memory_space<vmem>> -> memref<128xi32, #tpu.memory_space<vmem>>
        %dma_start3A_451 = arith.constant 0 : i32
        %dma_start3A_452 = tpu.memref_slice %arg4[%add3A_446, %dma_start3A_451] : memref<2560x128xi32, #tpu.memory_space<hbm>> -> memref<1x128xi32, #tpu.memory_space<hbm>>
        %dma_start3A_453 = tpu.memref_squeeze %dma_start3A_452 : memref<1x128xi32, #tpu.memory_space<hbm>> -> memref<128xi32, #tpu.memory_space<hbm>>
        %dma_start3A_454 = arith.constant 0 : i32
        %dma_start3A_455 = tpu.memref_slice %arg7[%dma_start3A_447, %dma_start3A_454] : memref<4x128xi32, #tpu.memory_space<vmem>> -> memref<1x128xi32, #tpu.memory_space<vmem>>
        %dma_start3A_456 = tpu.memref_squeeze %dma_start3A_455 : memref<1x128xi32, #tpu.memory_space<vmem>> -> memref<128xi32, #tpu.memory_space<vmem>>
        %dma_start3A_457 = arith.constant 0 : i32
        %dma_start3A_458 = tpu.memref_slice %arg4[%add3A_446, %dma_start3A_457] : memref<2560x128xi32, #tpu.memory_space<hbm>> -> memref<1x128xi32, #tpu.memory_space<hbm>>
        %dma_start3A_459 = tpu.memref_squeeze %dma_start3A_458 : memref<1x128xi32, #tpu.memory_space<hbm>> -> memref<128xi32, #tpu.memory_space<hbm>>
        tpu.enqueue_dma source(%dma_start3A_459 : memref<128xi32, #tpu.memory_space<hbm>>) target(%dma_start3A_456 : memref<128xi32, #tpu.memory_space<vmem>>) target_semaphore(%arg13 : memref<!tpu.dma_semaphore, #tpu.memory_space<semaphore_mem>>)
      } else {
      }
      %add3A_186 = arith.addi %mul3A_2, %add3A_179 : i32
      %dma_wait3A_187 = arith.constant 0 : i32
      %dma_wait3A_188 = arith.constant 0 : i32
      %dma_wait3A_189 = tpu.memref_slice %arg6[%dma_wait3A_187, %dma_wait3A_188] : memref<4x128xi32, #tpu.memory_space<vmem>> -> memref<1x128xi32, #tpu.memory_space<vmem>>
      %dma_wait3A_190 = tpu.memref_squeeze %dma_wait3A_189 : memref<1x128xi32, #tpu.memory_space<vmem>> -> memref<128xi32, #tpu.memory_space<vmem>>
      %dma_wait3A_191 = arith.constant 0 : i32
      %dma_wait3A_192 = tpu.memref_slice %arg3[%add3A_186, %dma_wait3A_191] : memref<2560x128xi32, #tpu.memory_space<hbm>> -> memref<1x128xi32, #tpu.memory_space<hbm>>
      %dma_wait3A_193 = tpu.memref_squeeze %dma_wait3A_192 : memref<1x128xi32, #tpu.memory_space<hbm>> -> memref<128xi32, #tpu.memory_space<hbm>>
      %dma_wait3A_194 = arith.constant 0 : i32
      %dma_wait3A_195 = tpu.memref_slice %arg6[%dma_wait3A_187, %dma_wait3A_194] : memref<4x128xi32, #tpu.memory_space<vmem>> -> memref<1x128xi32, #tpu.memory_space<vmem>>
      %dma_wait3A_196 = tpu.memref_squeeze %dma_wait3A_195 : memref<1x128xi32, #tpu.memory_space<vmem>> -> memref<128xi32, #tpu.memory_space<vmem>>
      %dma_wait3A_197 = arith.constant 0 : i32
      %dma_wait3A_198 = tpu.memref_slice %arg3[%add3A_186, %dma_wait3A_197] : memref<2560x128xi32, #tpu.memory_space<hbm>> -> memref<1x128xi32, #tpu.memory_space<hbm>>
      %dma_wait3A_199 = tpu.memref_squeeze %dma_wait3A_198 : memref<1x128xi32, #tpu.memory_space<hbm>> -> memref<128xi32, #tpu.memory_space<hbm>>
      tpu.wait_dma2 semaphore(%arg11 : memref<!tpu.dma_semaphore, #tpu.memory_space<semaphore_mem>>) src(%dma_wait3A_199 : memref<128xi32, #tpu.memory_space<hbm>>) dst(%dma_wait3A_196 : memref<128xi32, #tpu.memory_space<vmem>>)
      %add3A_200 = arith.addi %mul3A_2, %add3A_179 : i32
      %dma_wait3A_201 = arith.constant 0 : i32
      %dma_wait3A_202 = arith.constant 0 : i32
      %dma_wait3A_203 = tpu.memref_slice %arg7[%dma_wait3A_201, %dma_wait3A_202] : memref<4x128xi32, #tpu.memory_space<vmem>> -> memref<1x128xi32, #tpu.memory_space<vmem>>
      %dma_wait3A_204 = tpu.memref_squeeze %dma_wait3A_203 : memref<1x128xi32, #tpu.memory_space<vmem>> -> memref<128xi32, #tpu.memory_space<vmem>>
      %dma_wait3A_205 = arith.constant 0 : i32
      %dma_wait3A_206 = tpu.memref_slice %arg4[%add3A_200, %dma_wait3A_205] : memref<2560x128xi32, #tpu.memory_space<hbm>> -> memref<1x128xi32, #tpu.memory_space<hbm>>
      %dma_wait3A_207 = tpu.memref_squeeze %dma_wait3A_206 : memref<1x128xi32, #tpu.memory_space<hbm>> -> memref<128xi32, #tpu.memory_space<hbm>>
      %dma_wait3A_208 = arith.constant 0 : i32
      %dma_wait3A_209 = tpu.memref_slice %arg7[%dma_wait3A_201, %dma_wait3A_208] : memref<4x128xi32, #tpu.memory_space<vmem>> -> memref<1x128xi32, #tpu.memory_space<vmem>>
      %dma_wait3A_210 = tpu.memref_squeeze %dma_wait3A_209 : memref<1x128xi32, #tpu.memory_space<vmem>> -> memref<128xi32, #tpu.memory_space<vmem>>
      %dma_wait3A_211 = arith.constant 0 : i32
      %dma_wait3A_212 = tpu.memref_slice %arg4[%add3A_200, %dma_wait3A_211] : memref<2560x128xi32, #tpu.memory_space<hbm>> -> memref<1x128xi32, #tpu.memory_space<hbm>>
      %dma_wait3A_213 = tpu.memref_squeeze %dma_wait3A_212 : memref<1x128xi32, #tpu.memory_space<hbm>> -> memref<128xi32, #tpu.memory_space<hbm>>
      tpu.wait_dma2 semaphore(%arg11 : memref<!tpu.dma_semaphore, #tpu.memory_space<semaphore_mem>>) src(%dma_wait3A_213 : memref<128xi32, #tpu.memory_space<hbm>>) dst(%dma_wait3A_210 : memref<128xi32, #tpu.memory_space<vmem>>)
      %dma_start3A_214 = arith.constant 0 : i32
      %dma_start3A_215 = arith.constant 0 : i32
      %dma_start3A_216 = tpu.memref_slice %arg6[%dma_start3A_214, %dma_start3A_215] : memref<4x128xi32, #tpu.memory_space<vmem>> -> memref<1x128xi32, #tpu.memory_space<vmem>>
      %dma_start3A_217 = tpu.memref_squeeze %dma_start3A_216 : memref<1x128xi32, #tpu.memory_space<vmem>> -> memref<128xi32, #tpu.memory_space<vmem>>
      %dma_start3A_218 = arith.constant 0 : i32
      %dma_start3A_219 = arith.constant 0 : i32
      %dma_start3A_220 = tpu.memref_slice %arg2[%dma_start3A_218, %dma_start3A_219] : memref<10240x128xf32, #tpu.memory_space<hbm>> -> memref<10240x128xf32, #tpu.memory_space<hbm>>
      tpu.enqueue_indirect_dma source(%dma_start3A_220 : memref<10240x128xf32, #tpu.memory_space<hbm>>) target(%arg8 : memref<128x128xf32, #tpu.memory_space<vmem>>) offsets(%dma_start3A_217 : memref<128xi32, #tpu.memory_space<vmem>>) semaphore(%arg15 : memref<!tpu.dma_semaphore, #tpu.memory_space<semaphore_mem>>)
      %mul3A_221 = arith.constant 2 : i32
      %mul3A_222 = arith.muli %add3A_175, %mul3A_221 : i32
      %add3A_223 = arith.constant 1 : i32
      %add3A_224 = arith.addi %mul3A_222, %add3A_223 : i32
      %gt3A_225 = arith.constant 0 : i32
      %gt3A_226 = arith.cmpi sgt, %add3A_175, %gt3A_225 : i32
      %convert_element_type3A_227 = arith.extui %gt3A_226 : i1 to i32
      %cond3A_228 = arith.constant 0 : i32
      %cond3A_229 = arith.cmpi ne, %convert_element_type3A_227, %cond3A_228 : i32
      scf.if %cond3A_229 {
        %dma_wait3A_428 = arith.constant 1 : i32
        %dma_wait3A_429 = arith.constant 0 : i32
        %dma_wait3A_430 = tpu.memref_slice %arg7[%dma_wait3A_428, %dma_wait3A_429] : memref<4x128xi32, #tpu.memory_space<vmem>> -> memref<1x128xi32, #tpu.memory_space<vmem>>
        %dma_wait3A_431 = tpu.memref_squeeze %dma_wait3A_430 : memref<1x128xi32, #tpu.memory_space<vmem>> -> memref<128xi32, #tpu.memory_space<vmem>>
        %dma_wait3A_432 = arith.constant 0 : i32
        %dma_wait3A_433 = arith.constant 0 : i32
        %dma_wait3A_434 = tpu.memref_slice %arg10[%dma_wait3A_432, %dma_wait3A_433] : memref<10240x128xf32, #tpu.memory_space<vmem_shared>> -> memref<10240x128xf32, #tpu.memory_space<vmem_shared>>
        tpu.wait_indirect_dma semaphore(%arg18 : memref<!tpu.dma_semaphore, #tpu.memory_space<semaphore_mem>>) src(%arg9 : memref<128x128xf32, #tpu.memory_space<vmem>>) dst(%dma_wait3A_434 : memref<10240x128xf32, #tpu.memory_space<vmem_shared>>)
      } else {
      }
      %lt3A_230 = arith.constant 39 : i32
      %lt3A_231 = arith.cmpi slt, %add3A_175, %lt3A_230 : i32
      %convert_element_type3A_232 = arith.extui %lt3A_231 : i1 to i32
      %cond3A_233 = arith.constant 0 : i32
      %cond3A_234 = arith.cmpi ne, %convert_element_type3A_232, %cond3A_233 : i32
      scf.if %cond3A_234 {
        %add3A_428 = arith.addi %mul3A_2, %add3A_224 : i32
        %add3A_429 = arith.constant 2 : i32
        %add3A_430 = arith.addi %add3A_428, %add3A_429 : i32
        %dma_start3A_431 = arith.constant 3 : i32
        %dma_start3A_432 = arith.constant 0 : i32
        %dma_start3A_433 = tpu.memref_slice %arg6[%dma_start3A_431, %dma_start3A_432] : memref<4x128xi32, #tpu.memory_space<vmem>> -> memref<1x128xi32, #tpu.memory_space<vmem>>
        %dma_start3A_434 = tpu.memref_squeeze %dma_start3A_433 : memref<1x128xi32, #tpu.memory_space<vmem>> -> memref<128xi32, #tpu.memory_space<vmem>>
        %dma_start3A_435 = arith.constant 0 : i32
        %dma_start3A_436 = tpu.memref_slice %arg3[%add3A_430, %dma_start3A_435] : memref<2560x128xi32, #tpu.memory_space<hbm>> -> memref<1x128xi32, #tpu.memory_space<hbm>>
        %dma_start3A_437 = tpu.memref_squeeze %dma_start3A_436 : memref<1x128xi32, #tpu.memory_space<hbm>> -> memref<128xi32, #tpu.memory_space<hbm>>
        %dma_start3A_438 = arith.constant 0 : i32
        %dma_start3A_439 = tpu.memref_slice %arg6[%dma_start3A_431, %dma_start3A_438] : memref<4x128xi32, #tpu.memory_space<vmem>> -> memref<1x128xi32, #tpu.memory_space<vmem>>
        %dma_start3A_440 = tpu.memref_squeeze %dma_start3A_439 : memref<1x128xi32, #tpu.memory_space<vmem>> -> memref<128xi32, #tpu.memory_space<vmem>>
        %dma_start3A_441 = arith.constant 0 : i32
        %dma_start3A_442 = tpu.memref_slice %arg3[%add3A_430, %dma_start3A_441] : memref<2560x128xi32, #tpu.memory_space<hbm>> -> memref<1x128xi32, #tpu.memory_space<hbm>>
        %dma_start3A_443 = tpu.memref_squeeze %dma_start3A_442 : memref<1x128xi32, #tpu.memory_space<hbm>> -> memref<128xi32, #tpu.memory_space<hbm>>
        tpu.enqueue_dma source(%dma_start3A_443 : memref<128xi32, #tpu.memory_space<hbm>>) target(%dma_start3A_440 : memref<128xi32, #tpu.memory_space<vmem>>) target_semaphore(%arg14 : memref<!tpu.dma_semaphore, #tpu.memory_space<semaphore_mem>>)
        %add3A_444 = arith.addi %mul3A_2, %add3A_224 : i32
        %add3A_445 = arith.constant 2 : i32
        %add3A_446 = arith.addi %add3A_444, %add3A_445 : i32
        %dma_start3A_447 = arith.constant 3 : i32
        %dma_start3A_448 = arith.constant 0 : i32
        %dma_start3A_449 = tpu.memref_slice %arg7[%dma_start3A_447, %dma_start3A_448] : memref<4x128xi32, #tpu.memory_space<vmem>> -> memref<1x128xi32, #tpu.memory_space<vmem>>
        %dma_start3A_450 = tpu.memref_squeeze %dma_start3A_449 : memref<1x128xi32, #tpu.memory_space<vmem>> -> memref<128xi32, #tpu.memory_space<vmem>>
        %dma_start3A_451 = arith.constant 0 : i32
        %dma_start3A_452 = tpu.memref_slice %arg4[%add3A_446, %dma_start3A_451] : memref<2560x128xi32, #tpu.memory_space<hbm>> -> memref<1x128xi32, #tpu.memory_space<hbm>>
        %dma_start3A_453 = tpu.memref_squeeze %dma_start3A_452 : memref<1x128xi32, #tpu.memory_space<hbm>> -> memref<128xi32, #tpu.memory_space<hbm>>
        %dma_start3A_454 = arith.constant 0 : i32
        %dma_start3A_455 = tpu.memref_slice %arg7[%dma_start3A_447, %dma_start3A_454] : memref<4x128xi32, #tpu.memory_space<vmem>> -> memref<1x128xi32, #tpu.memory_space<vmem>>
        %dma_start3A_456 = tpu.memref_squeeze %dma_start3A_455 : memref<1x128xi32, #tpu.memory_space<vmem>> -> memref<128xi32, #tpu.memory_space<vmem>>
        %dma_start3A_457 = arith.constant 0 : i32
        %dma_start3A_458 = tpu.memref_slice %arg4[%add3A_446, %dma_start3A_457] : memref<2560x128xi32, #tpu.memory_space<hbm>> -> memref<1x128xi32, #tpu.memory_space<hbm>>
        %dma_start3A_459 = tpu.memref_squeeze %dma_start3A_458 : memref<1x128xi32, #tpu.memory_space<hbm>> -> memref<128xi32, #tpu.memory_space<hbm>>
        tpu.enqueue_dma source(%dma_start3A_459 : memref<128xi32, #tpu.memory_space<hbm>>) target(%dma_start3A_456 : memref<128xi32, #tpu.memory_space<vmem>>) target_semaphore(%arg14 : memref<!tpu.dma_semaphore, #tpu.memory_space<semaphore_mem>>)
      } else {
      }
      %add3A_235 = arith.addi %mul3A_2, %add3A_224 : i32
      %dma_wait3A_236 = arith.constant 1 : i32
      %dma_wait3A_237 = arith.constant 0 : i32
      %dma_wait3A_238 = tpu.memref_slice %arg6[%dma_wait3A_236, %dma_wait3A_237] : memref<4x128xi32, #tpu.memory_space<vmem>> -> memref<1x128xi32, #tpu.memory_space<vmem>>
      %dma_wait3A_239 = tpu.memref_squeeze %dma_wait3A_238 : memref<1x128xi32, #tpu.memory_space<vmem>> -> memref<128xi32, #tpu.memory_space<vmem>>
      %dma_wait3A_240 = arith.constant 0 : i32
      %dma_wait3A_241 = tpu.memref_slice %arg3[%add3A_235, %dma_wait3A_240] : memref<2560x128xi32, #tpu.memory_space<hbm>> -> memref<1x128xi32, #tpu.memory_space<hbm>>
      %dma_wait3A_242 = tpu.memref_squeeze %dma_wait3A_241 : memref<1x128xi32, #tpu.memory_space<hbm>> -> memref<128xi32, #tpu.memory_space<hbm>>
      %dma_wait3A_243 = arith.constant 0 : i32
      %dma_wait3A_244 = tpu.memref_slice %arg6[%dma_wait3A_236, %dma_wait3A_243] : memref<4x128xi32, #tpu.memory_space<vmem>> -> memref<1x128xi32, #tpu.memory_space<vmem>>
      %dma_wait3A_245 = tpu.memref_squeeze %dma_wait3A_244 : memref<1x128xi32, #tpu.memory_space<vmem>> -> memref<128xi32, #tpu.memory_space<vmem>>
      %dma_wait3A_246 = arith.constant 0 : i32
      %dma_wait3A_247 = tpu.memref_slice %arg3[%add3A_235, %dma_wait3A_246] : memref<2560x128xi32, #tpu.memory_space<hbm>> -> memref<1x128xi32, #tpu.memory_space<hbm>>
      %dma_wait3A_248 = tpu.memref_squeeze %dma_wait3A_247 : memref<1x128xi32, #tpu.memory_space<hbm>> -> memref<128xi32, #tpu.memory_space<hbm>>
      tpu.wait_dma2 semaphore(%arg12 : memref<!tpu.dma_semaphore, #tpu.memory_space<semaphore_mem>>) src(%dma_wait3A_248 : memref<128xi32, #tpu.memory_space<hbm>>) dst(%dma_wait3A_245 : memref<128xi32, #tpu.memory_space<vmem>>)
      %add3A_249 = arith.addi %mul3A_2, %add3A_224 : i32
      %dma_wait3A_250 = arith.constant 1 : i32
      %dma_wait3A_251 = arith.constant 0 : i32
      %dma_wait3A_252 = tpu.memref_slice %arg7[%dma_wait3A_250, %dma_wait3A_251] : memref<4x128xi32, #tpu.memory_space<vmem>> -> memref<1x128xi32, #tpu.memory_space<vmem>>
      %dma_wait3A_253 = tpu.memref_squeeze %dma_wait3A_252 : memref<1x128xi32, #tpu.memory_space<vmem>> -> memref<128xi32, #tpu.memory_space<vmem>>
      %dma_wait3A_254 = arith.constant 0 : i32
      %dma_wait3A_255 = tpu.memref_slice %arg4[%add3A_249, %dma_wait3A_254] : memref<2560x128xi32, #tpu.memory_space<hbm>> -> memref<1x128xi32, #tpu.memory_space<hbm>>
      %dma_wait3A_256 = tpu.memref_squeeze %dma_wait3A_255 : memref<1x128xi32, #tpu.memory_space<hbm>> -> memref<128xi32, #tpu.memory_space<hbm>>
      %dma_wait3A_257 = arith.constant 0 : i32
      %dma_wait3A_258 = tpu.memref_slice %arg7[%dma_wait3A_250, %dma_wait3A_257] : memref<4x128xi32, #tpu.memory_space<vmem>> -> memref<1x128xi32, #tpu.memory_space<vmem>>
      %dma_wait3A_259 = tpu.memref_squeeze %dma_wait3A_258 : memref<1x128xi32, #tpu.memory_space<vmem>> -> memref<128xi32, #tpu.memory_space<vmem>>
      %dma_wait3A_260 = arith.constant 0 : i32
      %dma_wait3A_261 = tpu.memref_slice %arg4[%add3A_249, %dma_wait3A_260] : memref<2560x128xi32, #tpu.memory_space<hbm>> -> memref<1x128xi32, #tpu.memory_space<hbm>>
      %dma_wait3A_262 = tpu.memref_squeeze %dma_wait3A_261 : memref<1x128xi32, #tpu.memory_space<hbm>> -> memref<128xi32, #tpu.memory_space<hbm>>
      tpu.wait_dma2 semaphore(%arg12 : memref<!tpu.dma_semaphore, #tpu.memory_space<semaphore_mem>>) src(%dma_wait3A_262 : memref<128xi32, #tpu.memory_space<hbm>>) dst(%dma_wait3A_259 : memref<128xi32, #tpu.memory_space<vmem>>)
      %dma_start3A_263 = arith.constant 1 : i32
      %dma_start3A_264 = arith.constant 0 : i32
      %dma_start3A_265 = tpu.memref_slice %arg6[%dma_start3A_263, %dma_start3A_264] : memref<4x128xi32, #tpu.memory_space<vmem>> -> memref<1x128xi32, #tpu.memory_space<vmem>>
      %dma_start3A_266 = tpu.memref_squeeze %dma_start3A_265 : memref<1x128xi32, #tpu.memory_space<vmem>> -> memref<128xi32, #tpu.memory_space<vmem>>
      %dma_start3A_267 = arith.constant 0 : i32
      %dma_start3A_268 = arith.constant 0 : i32
      %dma_start3A_269 = tpu.memref_slice %arg2[%dma_start3A_267, %dma_start3A_268] : memref<10240x128xf32, #tpu.memory_space<hbm>> -> memref<10240x128xf32, #tpu.memory_space<hbm>>
      tpu.enqueue_indirect_dma source(%dma_start3A_269 : memref<10240x128xf32, #tpu.memory_space<hbm>>) target(%arg9 : memref<128x128xf32, #tpu.memory_space<vmem>>) offsets(%dma_start3A_266 : memref<128xi32, #tpu.memory_space<vmem>>) semaphore(%arg16 : memref<!tpu.dma_semaphore, #tpu.memory_space<semaphore_mem>>)
      %dma_wait3A_270 = arith.constant 0 : i32
      %dma_wait3A_271 = arith.constant 0 : i32
      %dma_wait3A_272 = tpu.memref_slice %arg6[%dma_wait3A_270, %dma_wait3A_271] : memref<4x128xi32, #tpu.memory_space<vmem>> -> memref<1x128xi32, #tpu.memory_space<vmem>>
      %dma_wait3A_273 = tpu.memref_squeeze %dma_wait3A_272 : memref<1x128xi32, #tpu.memory_space<vmem>> -> memref<128xi32, #tpu.memory_space<vmem>>
      %dma_wait3A_274 = arith.constant 0 : i32
      %dma_wait3A_275 = arith.constant 0 : i32
      %dma_wait3A_276 = tpu.memref_slice %arg2[%dma_wait3A_274, %dma_wait3A_275] : memref<10240x128xf32, #tpu.memory_space<hbm>> -> memref<10240x128xf32, #tpu.memory_space<hbm>>
      tpu.wait_indirect_dma semaphore(%arg15 : memref<!tpu.dma_semaphore, #tpu.memory_space<semaphore_mem>>) src(%dma_wait3A_276 : memref<10240x128xf32, #tpu.memory_space<hbm>>) dst(%arg8 : memref<128x128xf32, #tpu.memory_space<vmem>>)
      %dma_start3A_277 = arith.constant 0 : i32
      %dma_start3A_278 = arith.constant 0 : i32
      %dma_start3A_279 = tpu.memref_slice %arg7[%dma_start3A_277, %dma_start3A_278] : memref<4x128xi32, #tpu.memory_space<vmem>> -> memref<1x128xi32, #tpu.memory_space<vmem>>
      %dma_start3A_280 = tpu.memref_squeeze %dma_start3A_279 : memref<1x128xi32, #tpu.memory_space<vmem>> -> memref<128xi32, #tpu.memory_space<vmem>>
      %dma_start3A_281 = arith.constant 0 : i32
      %dma_start3A_282 = arith.constant 0 : i32
      %dma_start3A_283 = tpu.memref_slice %arg10[%dma_start3A_281, %dma_start3A_282] : memref<10240x128xf32, #tpu.memory_space<vmem_shared>> -> memref<10240x128xf32, #tpu.memory_space<vmem_shared>>
      tpu.enqueue_indirect_dma source(%arg8 : memref<128x128xf32, #tpu.memory_space<vmem>>) target(%dma_start3A_283 : memref<10240x128xf32, #tpu.memory_space<vmem_shared>>) offsets(%dma_start3A_280 : memref<128xi32, #tpu.memory_space<vmem>>) semaphore(%arg17 : memref<!tpu.dma_semaphore, #tpu.memory_space<semaphore_mem>>) {add = true}
      %dma_wait3A_284 = arith.constant 1 : i32
      %dma_wait3A_285 = arith.constant 0 : i32
      %dma_wait3A_286 = tpu.memref_slice %arg6[%dma_wait3A_284, %dma_wait3A_285] : memref<4x128xi32, #tpu.memory_space<vmem>> -> memref<1x128xi32, #tpu.memory_space<vmem>>
      %dma_wait3A_287 = tpu.memref_squeeze %dma_wait3A_286 : memref<1x128xi32, #tpu.memory_space<vmem>> -> memref<128xi32, #tpu.memory_space<vmem>>
      %dma_wait3A_288 = arith.constant 0 : i32
      %dma_wait3A_289 = arith.constant 0 : i32
      %dma_wait3A_290 = tpu.memref_slice %arg2[%dma_wait3A_288, %dma_wait3A_289] : memref<10240x128xf32, #tpu.memory_space<hbm>> -> memref<10240x128xf32, #tpu.memory_space<hbm>>
      tpu.wait_indirect_dma semaphore(%arg16 : memref<!tpu.dma_semaphore, #tpu.memory_space<semaphore_mem>>) src(%dma_wait3A_290 : memref<10240x128xf32, #tpu.memory_space<hbm>>) dst(%arg9 : memref<128x128xf32, #tpu.memory_space<vmem>>)
      %dma_start3A_291 = arith.constant 1 : i32
      %dma_start3A_292 = arith.constant 0 : i32
      %dma_start3A_293 = tpu.memref_slice %arg7[%dma_start3A_291, %dma_start3A_292] : memref<4x128xi32, #tpu.memory_space<vmem>> -> memref<1x128xi32, #tpu.memory_space<vmem>>
      %dma_start3A_294 = tpu.memref_squeeze %dma_start3A_293 : memref<1x128xi32, #tpu.memory_space<vmem>> -> memref<128xi32, #tpu.memory_space<vmem>>
      %dma_start3A_295 = arith.constant 0 : i32
      %dma_start3A_296 = arith.constant 0 : i32
      %dma_start3A_297 = tpu.memref_slice %arg10[%dma_start3A_295, %dma_start3A_296] : memref<10240x128xf32, #tpu.memory_space<vmem_shared>> -> memref<10240x128xf32, #tpu.memory_space<vmem_shared>>
      tpu.enqueue_indirect_dma source(%arg9 : memref<128x128xf32, #tpu.memory_space<vmem>>) target(%dma_start3A_297 : memref<10240x128xf32, #tpu.memory_space<vmem_shared>>) offsets(%dma_start3A_294 : memref<128xi32, #tpu.memory_space<vmem>>) semaphore(%arg18 : memref<!tpu.dma_semaphore, #tpu.memory_space<semaphore_mem>>) {add = true}
      %mul3A_298 = arith.constant 2 : i32
      %mul3A_299 = arith.muli %scan3A_171, %mul3A_298 : i32
      %add3A_300 = arith.constant 1 : i32
      %add3A_301 = arith.addi %mul3A_299, %add3A_300 : i32
      %mul3A_302 = arith.constant 2 : i32
      %mul3A_303 = arith.muli %add3A_301, %mul3A_302 : i32
      %add3A_304 = arith.constant 0 : i32
      %add3A_305 = arith.addi %mul3A_303, %add3A_304 : i32
      %gt3A_306 = arith.constant 0 : i32
      %gt3A_307 = arith.cmpi sgt, %add3A_301, %gt3A_306 : i32
      %convert_element_type3A_308 = arith.extui %gt3A_307 : i1 to i32
      %cond3A_309 = arith.constant 0 : i32
      %cond3A_310 = arith.cmpi ne, %convert_element_type3A_308, %cond3A_309 : i32
      scf.if %cond3A_310 {
        %dma_wait3A_428 = arith.constant 2 : i32
        %dma_wait3A_429 = arith.constant 0 : i32
        %dma_wait3A_430 = tpu.memref_slice %arg7[%dma_wait3A_428, %dma_wait3A_429] : memref<4x128xi32, #tpu.memory_space<vmem>> -> memref<1x128xi32, #tpu.memory_space<vmem>>
        %dma_wait3A_431 = tpu.memref_squeeze %dma_wait3A_430 : memref<1x128xi32, #tpu.memory_space<vmem>> -> memref<128xi32, #tpu.memory_space<vmem>>
        %dma_wait3A_432 = arith.constant 0 : i32
        %dma_wait3A_433 = arith.constant 0 : i32
        %dma_wait3A_434 = tpu.memref_slice %arg10[%dma_wait3A_432, %dma_wait3A_433] : memref<10240x128xf32, #tpu.memory_space<vmem_shared>> -> memref<10240x128xf32, #tpu.memory_space<vmem_shared>>
        tpu.wait_indirect_dma semaphore(%arg17 : memref<!tpu.dma_semaphore, #tpu.memory_space<semaphore_mem>>) src(%arg8 : memref<128x128xf32, #tpu.memory_space<vmem>>) dst(%dma_wait3A_434 : memref<10240x128xf32, #tpu.memory_space<vmem_shared>>)
      } else {
      }
      %lt3A_311 = arith.constant 39 : i32
      %lt3A_312 = arith.cmpi slt, %add3A_301, %lt3A_311 : i32
      %convert_element_type3A_313 = arith.extui %lt3A_312 : i1 to i32
      %cond3A_314 = arith.constant 0 : i32
      %cond3A_315 = arith.cmpi ne, %convert_element_type3A_313, %cond3A_314 : i32
      scf.if %cond3A_315 {
        %add3A_428 = arith.addi %mul3A_2, %add3A_305 : i32
        %add3A_429 = arith.constant 2 : i32
        %add3A_430 = arith.addi %add3A_428, %add3A_429 : i32
        %dma_start3A_431 = arith.constant 0 : i32
        %dma_start3A_432 = arith.constant 0 : i32
        %dma_start3A_433 = tpu.memref_slice %arg6[%dma_start3A_431, %dma_start3A_432] : memref<4x128xi32, #tpu.memory_space<vmem>> -> memref<1x128xi32, #tpu.memory_space<vmem>>
        %dma_start3A_434 = tpu.memref_squeeze %dma_start3A_433 : memref<1x128xi32, #tpu.memory_space<vmem>> -> memref<128xi32, #tpu.memory_space<vmem>>
        %dma_start3A_435 = arith.constant 0 : i32
        %dma_start3A_436 = tpu.memref_slice %arg3[%add3A_430, %dma_start3A_435] : memref<2560x128xi32, #tpu.memory_space<hbm>> -> memref<1x128xi32, #tpu.memory_space<hbm>>
        %dma_start3A_437 = tpu.memref_squeeze %dma_start3A_436 : memref<1x128xi32, #tpu.memory_space<hbm>> -> memref<128xi32, #tpu.memory_space<hbm>>
        %dma_start3A_438 = arith.constant 0 : i32
        %dma_start3A_439 = tpu.memref_slice %arg6[%dma_start3A_431, %dma_start3A_438] : memref<4x128xi32, #tpu.memory_space<vmem>> -> memref<1x128xi32, #tpu.memory_space<vmem>>
        %dma_start3A_440 = tpu.memref_squeeze %dma_start3A_439 : memref<1x128xi32, #tpu.memory_space<vmem>> -> memref<128xi32, #tpu.memory_space<vmem>>
        %dma_start3A_441 = arith.constant 0 : i32
        %dma_start3A_442 = tpu.memref_slice %arg3[%add3A_430, %dma_start3A_441] : memref<2560x128xi32, #tpu.memory_space<hbm>> -> memref<1x128xi32, #tpu.memory_space<hbm>>
        %dma_start3A_443 = tpu.memref_squeeze %dma_start3A_442 : memref<1x128xi32, #tpu.memory_space<hbm>> -> memref<128xi32, #tpu.memory_space<hbm>>
        tpu.enqueue_dma source(%dma_start3A_443 : memref<128xi32, #tpu.memory_space<hbm>>) target(%dma_start3A_440 : memref<128xi32, #tpu.memory_space<vmem>>) target_semaphore(%arg11 : memref<!tpu.dma_semaphore, #tpu.memory_space<semaphore_mem>>)
        %add3A_444 = arith.addi %mul3A_2, %add3A_305 : i32
        %add3A_445 = arith.constant 2 : i32
        %add3A_446 = arith.addi %add3A_444, %add3A_445 : i32
        %dma_start3A_447 = arith.constant 0 : i32
        %dma_start3A_448 = arith.constant 0 : i32
        %dma_start3A_449 = tpu.memref_slice %arg7[%dma_start3A_447, %dma_start3A_448] : memref<4x128xi32, #tpu.memory_space<vmem>> -> memref<1x128xi32, #tpu.memory_space<vmem>>
        %dma_start3A_450 = tpu.memref_squeeze %dma_start3A_449 : memref<1x128xi32, #tpu.memory_space<vmem>> -> memref<128xi32, #tpu.memory_space<vmem>>
        %dma_start3A_451 = arith.constant 0 : i32
        %dma_start3A_452 = tpu.memref_slice %arg4[%add3A_446, %dma_start3A_451] : memref<2560x128xi32, #tpu.memory_space<hbm>> -> memref<1x128xi32, #tpu.memory_space<hbm>>
        %dma_start3A_453 = tpu.memref_squeeze %dma_start3A_452 : memref<1x128xi32, #tpu.memory_space<hbm>> -> memref<128xi32, #tpu.memory_space<hbm>>
        %dma_start3A_454 = arith.constant 0 : i32
        %dma_start3A_455 = tpu.memref_slice %arg7[%dma_start3A_447, %dma_start3A_454] : memref<4x128xi32, #tpu.memory_space<vmem>> -> memref<1x128xi32, #tpu.memory_space<vmem>>
        %dma_start3A_456 = tpu.memref_squeeze %dma_start3A_455 : memref<1x128xi32, #tpu.memory_space<vmem>> -> memref<128xi32, #tpu.memory_space<vmem>>
        %dma_start3A_457 = arith.constant 0 : i32
        %dma_start3A_458 = tpu.memref_slice %arg4[%add3A_446, %dma_start3A_457] : memref<2560x128xi32, #tpu.memory_space<hbm>> -> memref<1x128xi32, #tpu.memory_space<hbm>>
        %dma_start3A_459 = tpu.memref_squeeze %dma_start3A_458 : memref<1x128xi32, #tpu.memory_space<hbm>> -> memref<128xi32, #tpu.memory_space<hbm>>
        tpu.enqueue_dma source(%dma_start3A_459 : memref<128xi32, #tpu.memory_space<hbm>>) target(%dma_start3A_456 : memref<128xi32, #tpu.memory_space<vmem>>) target_semaphore(%arg11 : memref<!tpu.dma_semaphore, #tpu.memory_space<semaphore_mem>>)
      } else {
      }
      %add3A_316 = arith.addi %mul3A_2, %add3A_305 : i32
      %dma_wait3A_317 = arith.constant 2 : i32
      %dma_wait3A_318 = arith.constant 0 : i32
      %dma_wait3A_319 = tpu.memref_slice %arg6[%dma_wait3A_317, %dma_wait3A_318] : memref<4x128xi32, #tpu.memory_space<vmem>> -> memref<1x128xi32, #tpu.memory_space<vmem>>
      %dma_wait3A_320 = tpu.memref_squeeze %dma_wait3A_319 : memref<1x128xi32, #tpu.memory_space<vmem>> -> memref<128xi32, #tpu.memory_space<vmem>>
      %dma_wait3A_321 = arith.constant 0 : i32
      %dma_wait3A_322 = tpu.memref_slice %arg3[%add3A_316, %dma_wait3A_321] : memref<2560x128xi32, #tpu.memory_space<hbm>> -> memref<1x128xi32, #tpu.memory_space<hbm>>
      %dma_wait3A_323 = tpu.memref_squeeze %dma_wait3A_322 : memref<1x128xi32, #tpu.memory_space<hbm>> -> memref<128xi32, #tpu.memory_space<hbm>>
      %dma_wait3A_324 = arith.constant 0 : i32
      %dma_wait3A_325 = tpu.memref_slice %arg6[%dma_wait3A_317, %dma_wait3A_324] : memref<4x128xi32, #tpu.memory_space<vmem>> -> memref<1x128xi32, #tpu.memory_space<vmem>>
      %dma_wait3A_326 = tpu.memref_squeeze %dma_wait3A_325 : memref<1x128xi32, #tpu.memory_space<vmem>> -> memref<128xi32, #tpu.memory_space<vmem>>
      %dma_wait3A_327 = arith.constant 0 : i32
      %dma_wait3A_328 = tpu.memref_slice %arg3[%add3A_316, %dma_wait3A_327] : memref<2560x128xi32, #tpu.memory_space<hbm>> -> memref<1x128xi32, #tpu.memory_space<hbm>>
      %dma_wait3A_329 = tpu.memref_squeeze %dma_wait3A_328 : memref<1x128xi32, #tpu.memory_space<hbm>> -> memref<128xi32, #tpu.memory_space<hbm>>
      tpu.wait_dma2 semaphore(%arg13 : memref<!tpu.dma_semaphore, #tpu.memory_space<semaphore_mem>>) src(%dma_wait3A_329 : memref<128xi32, #tpu.memory_space<hbm>>) dst(%dma_wait3A_326 : memref<128xi32, #tpu.memory_space<vmem>>)
      %add3A_330 = arith.addi %mul3A_2, %add3A_305 : i32
      %dma_wait3A_331 = arith.constant 2 : i32
      %dma_wait3A_332 = arith.constant 0 : i32
      %dma_wait3A_333 = tpu.memref_slice %arg7[%dma_wait3A_331, %dma_wait3A_332] : memref<4x128xi32, #tpu.memory_space<vmem>> -> memref<1x128xi32, #tpu.memory_space<vmem>>
      %dma_wait3A_334 = tpu.memref_squeeze %dma_wait3A_333 : memref<1x128xi32, #tpu.memory_space<vmem>> -> memref<128xi32, #tpu.memory_space<vmem>>
      %dma_wait3A_335 = arith.constant 0 : i32
      %dma_wait3A_336 = tpu.memref_slice %arg4[%add3A_330, %dma_wait3A_335] : memref<2560x128xi32, #tpu.memory_space<hbm>> -> memref<1x128xi32, #tpu.memory_space<hbm>>
      %dma_wait3A_337 = tpu.memref_squeeze %dma_wait3A_336 : memref<1x128xi32, #tpu.memory_space<hbm>> -> memref<128xi32, #tpu.memory_space<hbm>>
      %dma_wait3A_338 = arith.constant 0 : i32
      %dma_wait3A_339 = tpu.memref_slice %arg7[%dma_wait3A_331, %dma_wait3A_338] : memref<4x128xi32, #tpu.memory_space<vmem>> -> memref<1x128xi32, #tpu.memory_space<vmem>>
      %dma_wait3A_340 = tpu.memref_squeeze %dma_wait3A_339 : memref<1x128xi32, #tpu.memory_space<vmem>> -> memref<128xi32, #tpu.memory_space<vmem>>
      %dma_wait3A_341 = arith.constant 0 : i32
      %dma_wait3A_342 = tpu.memref_slice %arg4[%add3A_330, %dma_wait3A_341] : memref<2560x128xi32, #tpu.memory_space<hbm>> -> memref<1x128xi32, #tpu.memory_space<hbm>>
      %dma_wait3A_343 = tpu.memref_squeeze %dma_wait3A_342 : memref<1x128xi32, #tpu.memory_space<hbm>> -> memref<128xi32, #tpu.memory_space<hbm>>
      tpu.wait_dma2 semaphore(%arg13 : memref<!tpu.dma_semaphore, #tpu.memory_space<semaphore_mem>>) src(%dma_wait3A_343 : memref<128xi32, #tpu.memory_space<hbm>>) dst(%dma_wait3A_340 : memref<128xi32, #tpu.memory_space<vmem>>)
      %dma_start3A_344 = arith.constant 2 : i32
      %dma_start3A_345 = arith.constant 0 : i32
      %dma_start3A_346 = tpu.memref_slice %arg6[%dma_start3A_344, %dma_start3A_345] : memref<4x128xi32, #tpu.memory_space<vmem>> -> memref<1x128xi32, #tpu.memory_space<vmem>>
      %dma_start3A_347 = tpu.memref_squeeze %dma_start3A_346 : memref<1x128xi32, #tpu.memory_space<vmem>> -> memref<128xi32, #tpu.memory_space<vmem>>
      %dma_start3A_348 = arith.constant 0 : i32
      %dma_start3A_349 = arith.constant 0 : i32
      %dma_start3A_350 = tpu.memref_slice %arg2[%dma_start3A_348, %dma_start3A_349] : memref<10240x128xf32, #tpu.memory_space<hbm>> -> memref<10240x128xf32, #tpu.memory_space<hbm>>
      tpu.enqueue_indirect_dma source(%dma_start3A_350 : memref<10240x128xf32, #tpu.memory_space<hbm>>) target(%arg8 : memref<128x128xf32, #tpu.memory_space<vmem>>) offsets(%dma_start3A_347 : memref<128xi32, #tpu.memory_space<vmem>>) semaphore(%arg15 : memref<!tpu.dma_semaphore, #tpu.memory_space<semaphore_mem>>)
      %mul3A_351 = arith.constant 2 : i32
      %mul3A_352 = arith.muli %add3A_301, %mul3A_351 : i32
      %add3A_353 = arith.constant 1 : i32
      %add3A_354 = arith.addi %mul3A_352, %add3A_353 : i32
      %gt3A_355 = arith.constant 0 : i32
      %gt3A_356 = arith.cmpi sgt, %add3A_301, %gt3A_355 : i32
      %convert_element_type3A_357 = arith.extui %gt3A_356 : i1 to i32
      %cond3A_358 = arith.constant 0 : i32
      %cond3A_359 = arith.cmpi ne, %convert_element_type3A_357, %cond3A_358 : i32
      scf.if %cond3A_359 {
        %dma_wait3A_428 = arith.constant 3 : i32
        %dma_wait3A_429 = arith.constant 0 : i32
        %dma_wait3A_430 = tpu.memref_slice %arg7[%dma_wait3A_428, %dma_wait3A_429] : memref<4x128xi32, #tpu.memory_space<vmem>> -> memref<1x128xi32, #tpu.memory_space<vmem>>
        %dma_wait3A_431 = tpu.memref_squeeze %dma_wait3A_430 : memref<1x128xi32, #tpu.memory_space<vmem>> -> memref<128xi32, #tpu.memory_space<vmem>>
        %dma_wait3A_432 = arith.constant 0 : i32
        %dma_wait3A_433 = arith.constant 0 : i32
        %dma_wait3A_434 = tpu.memref_slice %arg10[%dma_wait3A_432, %dma_wait3A_433] : memref<10240x128xf32, #tpu.memory_space<vmem_shared>> -> memref<10240x128xf32, #tpu.memory_space<vmem_shared>>
        tpu.wait_indirect_dma semaphore(%arg18 : memref<!tpu.dma_semaphore, #tpu.memory_space<semaphore_mem>>) src(%arg9 : memref<128x128xf32, #tpu.memory_space<vmem>>) dst(%dma_wait3A_434 : memref<10240x128xf32, #tpu.memory_space<vmem_shared>>)
      } else {
      }
      %lt3A_360 = arith.constant 39 : i32
      %lt3A_361 = arith.cmpi slt, %add3A_301, %lt3A_360 : i32
      %convert_element_type3A_362 = arith.extui %lt3A_361 : i1 to i32
      %cond3A_363 = arith.constant 0 : i32
      %cond3A_364 = arith.cmpi ne, %convert_element_type3A_362, %cond3A_363 : i32
      scf.if %cond3A_364 {
        %add3A_428 = arith.addi %mul3A_2, %add3A_354 : i32
        %add3A_429 = arith.constant 2 : i32
        %add3A_430 = arith.addi %add3A_428, %add3A_429 : i32
        %dma_start3A_431 = arith.constant 1 : i32
        %dma_start3A_432 = arith.constant 0 : i32
        %dma_start3A_433 = tpu.memref_slice %arg6[%dma_start3A_431, %dma_start3A_432] : memref<4x128xi32, #tpu.memory_space<vmem>> -> memref<1x128xi32, #tpu.memory_space<vmem>>
        %dma_start3A_434 = tpu.memref_squeeze %dma_start3A_433 : memref<1x128xi32, #tpu.memory_space<vmem>> -> memref<128xi32, #tpu.memory_space<vmem>>
        %dma_start3A_435 = arith.constant 0 : i32
        %dma_start3A_436 = tpu.memref_slice %arg3[%add3A_430, %dma_start3A_435] : memref<2560x128xi32, #tpu.memory_space<hbm>> -> memref<1x128xi32, #tpu.memory_space<hbm>>
        %dma_start3A_437 = tpu.memref_squeeze %dma_start3A_436 : memref<1x128xi32, #tpu.memory_space<hbm>> -> memref<128xi32, #tpu.memory_space<hbm>>
        %dma_start3A_438 = arith.constant 0 : i32
        %dma_start3A_439 = tpu.memref_slice %arg6[%dma_start3A_431, %dma_start3A_438] : memref<4x128xi32, #tpu.memory_space<vmem>> -> memref<1x128xi32, #tpu.memory_space<vmem>>
        %dma_start3A_440 = tpu.memref_squeeze %dma_start3A_439 : memref<1x128xi32, #tpu.memory_space<vmem>> -> memref<128xi32, #tpu.memory_space<vmem>>
        %dma_start3A_441 = arith.constant 0 : i32
        %dma_start3A_442 = tpu.memref_slice %arg3[%add3A_430, %dma_start3A_441] : memref<2560x128xi32, #tpu.memory_space<hbm>> -> memref<1x128xi32, #tpu.memory_space<hbm>>
        %dma_start3A_443 = tpu.memref_squeeze %dma_start3A_442 : memref<1x128xi32, #tpu.memory_space<hbm>> -> memref<128xi32, #tpu.memory_space<hbm>>
        tpu.enqueue_dma source(%dma_start3A_443 : memref<128xi32, #tpu.memory_space<hbm>>) target(%dma_start3A_440 : memref<128xi32, #tpu.memory_space<vmem>>) target_semaphore(%arg12 : memref<!tpu.dma_semaphore, #tpu.memory_space<semaphore_mem>>)
        %add3A_444 = arith.addi %mul3A_2, %add3A_354 : i32
        %add3A_445 = arith.constant 2 : i32
        %add3A_446 = arith.addi %add3A_444, %add3A_445 : i32
        %dma_start3A_447 = arith.constant 1 : i32
        %dma_start3A_448 = arith.constant 0 : i32
        %dma_start3A_449 = tpu.memref_slice %arg7[%dma_start3A_447, %dma_start3A_448] : memref<4x128xi32, #tpu.memory_space<vmem>> -> memref<1x128xi32, #tpu.memory_space<vmem>>
        %dma_start3A_450 = tpu.memref_squeeze %dma_start3A_449 : memref<1x128xi32, #tpu.memory_space<vmem>> -> memref<128xi32, #tpu.memory_space<vmem>>
        %dma_start3A_451 = arith.constant 0 : i32
        %dma_start3A_452 = tpu.memref_slice %arg4[%add3A_446, %dma_start3A_451] : memref<2560x128xi32, #tpu.memory_space<hbm>> -> memref<1x128xi32, #tpu.memory_space<hbm>>
        %dma_start3A_453 = tpu.memref_squeeze %dma_start3A_452 : memref<1x128xi32, #tpu.memory_space<hbm>> -> memref<128xi32, #tpu.memory_space<hbm>>
        %dma_start3A_454 = arith.constant 0 : i32
        %dma_start3A_455 = tpu.memref_slice %arg7[%dma_start3A_447, %dma_start3A_454] : memref<4x128xi32, #tpu.memory_space<vmem>> -> memref<1x128xi32, #tpu.memory_space<vmem>>
        %dma_start3A_456 = tpu.memref_squeeze %dma_start3A_455 : memref<1x128xi32, #tpu.memory_space<vmem>> -> memref<128xi32, #tpu.memory_space<vmem>>
        %dma_start3A_457 = arith.constant 0 : i32
        %dma_start3A_458 = tpu.memref_slice %arg4[%add3A_446, %dma_start3A_457] : memref<2560x128xi32, #tpu.memory_space<hbm>> -> memref<1x128xi32, #tpu.memory_space<hbm>>
        %dma_start3A_459 = tpu.memref_squeeze %dma_start3A_458 : memref<1x128xi32, #tpu.memory_space<hbm>> -> memref<128xi32, #tpu.memory_space<hbm>>
        tpu.enqueue_dma source(%dma_start3A_459 : memref<128xi32, #tpu.memory_space<hbm>>) target(%dma_start3A_456 : memref<128xi32, #tpu.memory_space<vmem>>) target_semaphore(%arg12 : memref<!tpu.dma_semaphore, #tpu.memory_space<semaphore_mem>>)
      } else {
      }
      %add3A_365 = arith.addi %mul3A_2, %add3A_354 : i32
      %dma_wait3A_366 = arith.constant 3 : i32
      %dma_wait3A_367 = arith.constant 0 : i32
      %dma_wait3A_368 = tpu.memref_slice %arg6[%dma_wait3A_366, %dma_wait3A_367] : memref<4x128xi32, #tpu.memory_space<vmem>> -> memref<1x128xi32, #tpu.memory_space<vmem>>
      %dma_wait3A_369 = tpu.memref_squeeze %dma_wait3A_368 : memref<1x128xi32, #tpu.memory_space<vmem>> -> memref<128xi32, #tpu.memory_space<vmem>>
      %dma_wait3A_370 = arith.constant 0 : i32
      %dma_wait3A_371 = tpu.memref_slice %arg3[%add3A_365, %dma_wait3A_370] : memref<2560x128xi32, #tpu.memory_space<hbm>> -> memref<1x128xi32, #tpu.memory_space<hbm>>
      %dma_wait3A_372 = tpu.memref_squeeze %dma_wait3A_371 : memref<1x128xi32, #tpu.memory_space<hbm>> -> memref<128xi32, #tpu.memory_space<hbm>>
      %dma_wait3A_373 = arith.constant 0 : i32
      %dma_wait3A_374 = tpu.memref_slice %arg6[%dma_wait3A_366, %dma_wait3A_373] : memref<4x128xi32, #tpu.memory_space<vmem>> -> memref<1x128xi32, #tpu.memory_space<vmem>>
      %dma_wait3A_375 = tpu.memref_squeeze %dma_wait3A_374 : memref<1x128xi32, #tpu.memory_space<vmem>> -> memref<128xi32, #tpu.memory_space<vmem>>
      %dma_wait3A_376 = arith.constant 0 : i32
      %dma_wait3A_377 = tpu.memref_slice %arg3[%add3A_365, %dma_wait3A_376] : memref<2560x128xi32, #tpu.memory_space<hbm>> -> memref<1x128xi32, #tpu.memory_space<hbm>>
      %dma_wait3A_378 = tpu.memref_squeeze %dma_wait3A_377 : memref<1x128xi32, #tpu.memory_space<hbm>> -> memref<128xi32, #tpu.memory_space<hbm>>
      tpu.wait_dma2 semaphore(%arg14 : memref<!tpu.dma_semaphore, #tpu.memory_space<semaphore_mem>>) src(%dma_wait3A_378 : memref<128xi32, #tpu.memory_space<hbm>>) dst(%dma_wait3A_375 : memref<128xi32, #tpu.memory_space<vmem>>)
      %add3A_379 = arith.addi %mul3A_2, %add3A_354 : i32
      %dma_wait3A_380 = arith.constant 3 : i32
      %dma_wait3A_381 = arith.constant 0 : i32
      %dma_wait3A_382 = tpu.memref_slice %arg7[%dma_wait3A_380, %dma_wait3A_381] : memref<4x128xi32, #tpu.memory_space<vmem>> -> memref<1x128xi32, #tpu.memory_space<vmem>>
      %dma_wait3A_383 = tpu.memref_squeeze %dma_wait3A_382 : memref<1x128xi32, #tpu.memory_space<vmem>> -> memref<128xi32, #tpu.memory_space<vmem>>
      %dma_wait3A_384 = arith.constant 0 : i32
      %dma_wait3A_385 = tpu.memref_slice %arg4[%add3A_379, %dma_wait3A_384] : memref<2560x128xi32, #tpu.memory_space<hbm>> -> memref<1x128xi32, #tpu.memory_space<hbm>>
      %dma_wait3A_386 = tpu.memref_squeeze %dma_wait3A_385 : memref<1x128xi32, #tpu.memory_space<hbm>> -> memref<128xi32, #tpu.memory_space<hbm>>
      %dma_wait3A_387 = arith.constant 0 : i32
      %dma_wait3A_388 = tpu.memref_slice %arg7[%dma_wait3A_380, %dma_wait3A_387] : memref<4x128xi32, #tpu.memory_space<vmem>> -> memref<1x128xi32, #tpu.memory_space<vmem>>
      %dma_wait3A_389 = tpu.memref_squeeze %dma_wait3A_388 : memref<1x128xi32, #tpu.memory_space<vmem>> -> memref<128xi32, #tpu.memory_space<vmem>>
      %dma_wait3A_390 = arith.constant 0 : i32
      %dma_wait3A_391 = tpu.memref_slice %arg4[%add3A_379, %dma_wait3A_390] : memref<2560x128xi32, #tpu.memory_space<hbm>> -> memref<1x128xi32, #tpu.memory_space<hbm>>
      %dma_wait3A_392 = tpu.memref_squeeze %dma_wait3A_391 : memref<1x128xi32, #tpu.memory_space<hbm>> -> memref<128xi32, #tpu.memory_space<hbm>>
      tpu.wait_dma2 semaphore(%arg14 : memref<!tpu.dma_semaphore, #tpu.memory_space<semaphore_mem>>) src(%dma_wait3A_392 : memref<128xi32, #tpu.memory_space<hbm>>) dst(%dma_wait3A_389 : memref<128xi32, #tpu.memory_space<vmem>>)
      %dma_start3A_393 = arith.constant 3 : i32
      %dma_start3A_394 = arith.constant 0 : i32
      %dma_start3A_395 = tpu.memref_slice %arg6[%dma_start3A_393, %dma_start3A_394] : memref<4x128xi32, #tpu.memory_space<vmem>> -> memref<1x128xi32, #tpu.memory_space<vmem>>
      %dma_start3A_396 = tpu.memref_squeeze %dma_start3A_395 : memref<1x128xi32, #tpu.memory_space<vmem>> -> memref<128xi32, #tpu.memory_space<vmem>>
      %dma_start3A_397 = arith.constant 0 : i32
      %dma_start3A_398 = arith.constant 0 : i32
      %dma_start3A_399 = tpu.memref_slice %arg2[%dma_start3A_397, %dma_start3A_398] : memref<10240x128xf32, #tpu.memory_space<hbm>> -> memref<10240x128xf32, #tpu.memory_space<hbm>>
      tpu.enqueue_indirect_dma source(%dma_start3A_399 : memref<10240x128xf32, #tpu.memory_space<hbm>>) target(%arg9 : memref<128x128xf32, #tpu.memory_space<vmem>>) offsets(%dma_start3A_396 : memref<128xi32, #tpu.memory_space<vmem>>) semaphore(%arg16 : memref<!tpu.dma_semaphore, #tpu.memory_space<semaphore_mem>>)
      %dma_wait3A_400 = arith.constant 2 : i32
      %dma_wait3A_401 = arith.constant 0 : i32
      %dma_wait3A_402 = tpu.memref_slice %arg6[%dma_wait3A_400, %dma_wait3A_401] : memref<4x128xi32, #tpu.memory_space<vmem>> -> memref<1x128xi32, #tpu.memory_space<vmem>>
      %dma_wait3A_403 = tpu.memref_squeeze %dma_wait3A_402 : memref<1x128xi32, #tpu.memory_space<vmem>> -> memref<128xi32, #tpu.memory_space<vmem>>
      %dma_wait3A_404 = arith.constant 0 : i32
      %dma_wait3A_405 = arith.constant 0 : i32
      %dma_wait3A_406 = tpu.memref_slice %arg2[%dma_wait3A_404, %dma_wait3A_405] : memref<10240x128xf32, #tpu.memory_space<hbm>> -> memref<10240x128xf32, #tpu.memory_space<hbm>>
      tpu.wait_indirect_dma semaphore(%arg15 : memref<!tpu.dma_semaphore, #tpu.memory_space<semaphore_mem>>) src(%dma_wait3A_406 : memref<10240x128xf32, #tpu.memory_space<hbm>>) dst(%arg8 : memref<128x128xf32, #tpu.memory_space<vmem>>)
      %dma_start3A_407 = arith.constant 2 : i32
      %dma_start3A_408 = arith.constant 0 : i32
      %dma_start3A_409 = tpu.memref_slice %arg7[%dma_start3A_407, %dma_start3A_408] : memref<4x128xi32, #tpu.memory_space<vmem>> -> memref<1x128xi32, #tpu.memory_space<vmem>>
      %dma_start3A_410 = tpu.memref_squeeze %dma_start3A_409 : memref<1x128xi32, #tpu.memory_space<vmem>> -> memref<128xi32, #tpu.memory_space<vmem>>
      %dma_start3A_411 = arith.constant 0 : i32
      %dma_start3A_412 = arith.constant 0 : i32
      %dma_start3A_413 = tpu.memref_slice %arg10[%dma_start3A_411, %dma_start3A_412] : memref<10240x128xf32, #tpu.memory_space<vmem_shared>> -> memref<10240x128xf32, #tpu.memory_space<vmem_shared>>
      tpu.enqueue_indirect_dma source(%arg8 : memref<128x128xf32, #tpu.memory_space<vmem>>) target(%dma_start3A_413 : memref<10240x128xf32, #tpu.memory_space<vmem_shared>>) offsets(%dma_start3A_410 : memref<128xi32, #tpu.memory_space<vmem>>) semaphore(%arg17 : memref<!tpu.dma_semaphore, #tpu.memory_space<semaphore_mem>>) {add = true}
      %dma_wait3A_414 = arith.constant 3 : i32
      %dma_wait3A_415 = arith.constant 0 : i32
      %dma_wait3A_416 = tpu.memref_slice %arg6[%dma_wait3A_414, %dma_wait3A_415] : memref<4x128xi32, #tpu.memory_space<vmem>> -> memref<1x128xi32, #tpu.memory_space<vmem>>
      %dma_wait3A_417 = tpu.memref_squeeze %dma_wait3A_416 : memref<1x128xi32, #tpu.memory_space<vmem>> -> memref<128xi32, #tpu.memory_space<vmem>>
      %dma_wait3A_418 = arith.constant 0 : i32
      %dma_wait3A_419 = arith.constant 0 : i32
      %dma_wait3A_420 = tpu.memref_slice %arg2[%dma_wait3A_418, %dma_wait3A_419] : memref<10240x128xf32, #tpu.memory_space<hbm>> -> memref<10240x128xf32, #tpu.memory_space<hbm>>
      tpu.wait_indirect_dma semaphore(%arg16 : memref<!tpu.dma_semaphore, #tpu.memory_space<semaphore_mem>>) src(%dma_wait3A_420 : memref<10240x128xf32, #tpu.memory_space<hbm>>) dst(%arg9 : memref<128x128xf32, #tpu.memory_space<vmem>>)
      %dma_start3A_421 = arith.constant 3 : i32
      %dma_start3A_422 = arith.constant 0 : i32
      %dma_start3A_423 = tpu.memref_slice %arg7[%dma_start3A_421, %dma_start3A_422] : memref<4x128xi32, #tpu.memory_space<vmem>> -> memref<1x128xi32, #tpu.memory_space<vmem>>
      %dma_start3A_424 = tpu.memref_squeeze %dma_start3A_423 : memref<1x128xi32, #tpu.memory_space<vmem>> -> memref<128xi32, #tpu.memory_space<vmem>>
      %dma_start3A_425 = arith.constant 0 : i32
      %dma_start3A_426 = arith.constant 0 : i32
      %dma_start3A_427 = tpu.memref_slice %arg10[%dma_start3A_425, %dma_start3A_426] : memref<10240x128xf32, #tpu.memory_space<vmem_shared>> -> memref<10240x128xf32, #tpu.memory_space<vmem_shared>>
      tpu.enqueue_indirect_dma source(%arg9 : memref<128x128xf32, #tpu.memory_space<vmem>>) target(%dma_start3A_427 : memref<10240x128xf32, #tpu.memory_space<vmem_shared>>) offsets(%dma_start3A_424 : memref<128xi32, #tpu.memory_space<vmem>>) semaphore(%arg18 : memref<!tpu.dma_semaphore, #tpu.memory_space<semaphore_mem>>) {add = true}
    }
    %scan3A_152 = arith.constant 20 : i32
    %dma_wait3A = arith.constant 0 : i32
    %dma_wait3A_153 = arith.constant 0 : i32
    %dma_wait3A_154 = tpu.memref_slice %arg7[%dma_wait3A, %dma_wait3A_153] : memref<4x128xi32, #tpu.memory_space<vmem>> -> memref<1x128xi32, #tpu.memory_space<vmem>>
    %dma_wait3A_155 = tpu.memref_squeeze %dma_wait3A_154 : memref<1x128xi32, #tpu.memory_space<vmem>> -> memref<128xi32, #tpu.memory_space<vmem>>
    %dma_wait3A_156 = arith.constant 0 : i32
    %dma_wait3A_157 = arith.constant 0 : i32
    %dma_wait3A_158 = tpu.memref_slice %arg10[%dma_wait3A_156, %dma_wait3A_157] : memref<10240x128xf32, #tpu.memory_space<vmem_shared>> -> memref<10240x128xf32, #tpu.memory_space<vmem_shared>>
    tpu.wait_indirect_dma semaphore(%arg17 : memref<!tpu.dma_semaphore, #tpu.memory_space<semaphore_mem>>) src(%arg8 : memref<128x128xf32, #tpu.memory_space<vmem>>) dst(%dma_wait3A_158 : memref<10240x128xf32, #tpu.memory_space<vmem_shared>>)
    %dma_wait3A_159 = arith.constant 1 : i32
    %dma_wait3A_160 = arith.constant 0 : i32
    %dma_wait3A_161 = tpu.memref_slice %arg7[%dma_wait3A_159, %dma_wait3A_160] : memref<4x128xi32, #tpu.memory_space<vmem>> -> memref<1x128xi32, #tpu.memory_space<vmem>>
    %dma_wait3A_162 = tpu.memref_squeeze %dma_wait3A_161 : memref<1x128xi32, #tpu.memory_space<vmem>> -> memref<128xi32, #tpu.memory_space<vmem>>
    %dma_wait3A_163 = arith.constant 0 : i32
    %dma_wait3A_164 = arith.constant 0 : i32
    %dma_wait3A_165 = tpu.memref_slice %arg10[%dma_wait3A_163, %dma_wait3A_164] : memref<10240x128xf32, #tpu.memory_space<vmem_shared>> -> memref<10240x128xf32, #tpu.memory_space<vmem_shared>>
    tpu.wait_indirect_dma semaphore(%arg18 : memref<!tpu.dma_semaphore, #tpu.memory_space<semaphore_mem>>) src(%arg9 : memref<128x128xf32, #tpu.memory_space<vmem>>) dst(%dma_wait3A_165 : memref<10240x128xf32, #tpu.memory_space<vmem_shared>>)
    %barrier3A_166 = arith.constant 0 : index
    tpu.barrier barrier_id(%barrier3A_166)
    %mul3A_167 = arith.constant 640 : i32
    %mul3A_168 = arith.muli %arg1, %mul3A_167 : i32
    %mul3A_169 = arith.constant 640 : i32
    %mul3A_170 = arith.muli %arg1, %mul3A_169 : i32
    "tpu.region"() ({
      %run_scoped3A = tpu.sem_alloc : memref<!tpu.dma_semaphore, #tpu.memory_space<semaphore_mem>>
      %dma_start3A_171 = arith.constant 0 : i32
      %dma_start3A_172 = tpu.memref_slice %arg5[%arg0, %mul3A_170, %dma_start3A_171] : memref<2x10240x128xf32, #tpu.memory_space<hbm>> -> memref<1x640x128xf32, #tpu.memory_space<hbm>>
      %dma_start3A_173 = tpu.memref_squeeze %dma_start3A_172 : memref<1x640x128xf32, #tpu.memory_space<hbm>> -> memref<640x128xf32, #tpu.memory_space<hbm>>
      %dma_start3A_174 = arith.constant 0 : i32
      %dma_start3A_175 = tpu.memref_slice %arg10[%mul3A_168, %dma_start3A_174] : memref<10240x128xf32, #tpu.memory_space<vmem_shared>> -> memref<640x128xf32, #tpu.memory_space<vmem_shared>>
      tpu.enqueue_dma source(%dma_start3A_175 : memref<640x128xf32, #tpu.memory_space<vmem_shared>>) target(%dma_start3A_173 : memref<640x128xf32, #tpu.memory_space<hbm>>) target_semaphore(%run_scoped3A : memref<!tpu.dma_semaphore, #tpu.memory_space<semaphore_mem>>)
      %dma_wait3A_176 = arith.constant 0 : i32
      %dma_wait3A_177 = tpu.memref_slice %arg5[%arg0, %mul3A_170, %dma_wait3A_176] : memref<2x10240x128xf32, #tpu.memory_space<hbm>> -> memref<1x640x128xf32, #tpu.memory_space<hbm>>
      %dma_wait3A_178 = tpu.memref_squeeze %dma_wait3A_177 : memref<1x640x128xf32, #tpu.memory_space<hbm>> -> memref<640x128xf32, #tpu.memory_space<hbm>>
      %dma_wait3A_179 = arith.constant 0 : i32
      %dma_wait3A_180 = tpu.memref_slice %arg10[%mul3A_168, %dma_wait3A_179] : memref<10240x128xf32, #tpu.memory_space<vmem_shared>> -> memref<640x128xf32, #tpu.memory_space<vmem_shared>>
      tpu.wait_dma2 semaphore(%run_scoped3A : memref<!tpu.dma_semaphore, #tpu.memory_space<semaphore_mem>>) src(%dma_wait3A_180 : memref<640x128xf32, #tpu.memory_space<vmem_shared>>) dst(%dma_wait3A_178 : memref<640x128xf32, #tpu.memory_space<hbm>>)
      tpu.yield
    }) : () -> ()
    return
  }
}

#map = affine_map<(d0, d1) -> (0, 0)>
#map1 = affine_map<(d0, d1) -> (0, 0, 0)>
module attributes {stable_mosaic.version = 14 : i64} {
  func.func @_agg_body(%arg0: i32, %arg1: i32, %arg2: memref<10240x128xf32, #tpu.memory_space<hbm>>, %arg3: memref<2560x128xi32, #tpu.memory_space<hbm>>, %arg4: memref<2560x128xi32, #tpu.memory_space<hbm>>, %arg5: memref<2x10240x128xf32, #tpu.memory_space<hbm>>, %arg6: memref<4x128xi32, #tpu.memory_space<vmem>>, %arg7: memref<4x128xi32, #tpu.memory_space<vmem>>, %arg8: memref<128x128xf32, #tpu.memory_space<vmem>>, %arg9: memref<128x128xf32, #tpu.memory_space<vmem>>, %arg10: memref<10240x128xf32, #tpu.memory_space<vmem_shared>>, %arg11: memref<!tpu.dma_semaphore, #tpu.memory_space<semaphore_mem>>, %arg12: memref<!tpu.dma_semaphore, #tpu.memory_space<semaphore_mem>>, %arg13: memref<!tpu.dma_semaphore, #tpu.memory_space<semaphore_mem>>, %arg14: memref<!tpu.dma_semaphore, #tpu.memory_space<semaphore_mem>>, %arg15: memref<!tpu.dma_semaphore, #tpu.memory_space<semaphore_mem>>, %arg16: memref<!tpu.dma_semaphore, #tpu.memory_space<semaphore_mem>>, %arg17: memref<!tpu.dma_semaphore, #tpu.memory_space<semaphore_mem>>, %arg18: memref<!tpu.dma_semaphore, #tpu.memory_space<semaphore_mem>>) attributes {dimension_semantics = [#tpu.dimension_semantics<core_parallel>, #tpu.dimension_semantics<subcore_parallel>], iteration_bounds = array<i64: 2, 16>, scalar_prefetch = 0 : i64, scratch_operands = 13 : i64, tpu.core_type = #tpu.core_type<sc_vector_subcore>, window_params = [{transform_indices = #map}, {transform_indices = #map}, {transform_indices = #map}, {transform_indices = #map1}]} {
    %mul3A = arith.constant 16 : i32
    %mul3A_0 = arith.muli %arg0, %mul3A : i32
    %add3A = arith.addi %mul3A_0, %arg1 : i32
    %mul3A_1 = arith.constant 80 : i32
    %mul3A_2 = arith.muli %add3A, %mul3A_1 : i32
    %scan3A = arith.constant 0 : i32
    %scan3A_3 = arith.constant 0 : i32
    %scan3A_4 = arith.constant 1024 : i32
    %scan3A_5 = arith.addi %scan3A_3, %scan3A_4 : i32
    %scan3A_6 = arith.constant 1 : i32
    scf.for %scan3A_171 = %scan3A_3 to %scan3A_5 step %scan3A_6  : i32 {
      %broadcast_in_dim3A = arith.constant 0.000000e+00 : f32
      %broadcast_in_dim3A_172 = vector.broadcast %broadcast_in_dim3A : f32 to vector<16xf32>
      %jit3A = arith.constant 8 : i32
      %div3A = arith.divsi %scan3A_171, %jit3A : i32
      %sign3A = arith.constant 0 : i32
      %sign3A_173 = arith.cmpi sgt, %scan3A_171, %sign3A : i32
      %sign3A_174 = arith.extui %sign3A_173 : i1 to i32
      %sign3A_175 = arith.constant 0 : i32
      %sign3A_176 = arith.cmpi slt, %scan3A_171, %sign3A_175 : i32
      %sign3A_177 = arith.extui %sign3A_176 : i1 to i32
      %sign3A_178 = arith.subi %sign3A_174, %sign3A_177 : i32
      %sign3A_179 = arith.constant 0 : i32
      %sign3A_180 = arith.cmpi sgt, %jit3A, %sign3A_179 : i32
      %sign3A_181 = arith.extui %sign3A_180 : i1 to i32
      %sign3A_182 = arith.constant 0 : i32
      %sign3A_183 = arith.cmpi slt, %jit3A, %sign3A_182 : i32
      %sign3A_184 = arith.extui %sign3A_183 : i1 to i32
      %sign3A_185 = arith.subi %sign3A_181, %sign3A_184 : i32
      %ne3A = arith.cmpi ne, %sign3A_178, %sign3A_185 : i32
      %rem3A = arith.remsi %scan3A_171, %jit3A : i32
      %ne3A_186 = arith.constant 0 : i32
      %ne3A_187 = arith.cmpi ne, %rem3A, %ne3A_186 : i32
      %and3A = arith.andi %ne3A, %ne3A_187 : i1
      %sub3A = arith.constant 1 : i32
      %sub3A_188 = arith.subi %div3A, %sub3A : i32
      %select_n3A = arith.select %and3A, %sub3A_188, %div3A : i32
      %jit3A_189 = arith.constant 8 : i32
      %eq3A = arith.constant 0 : i32
      %eq3A_190 = arith.cmpi eq, %jit3A_189, %eq3A : i32
      %jit3A_191 = arith.constant 1 : i32
      %select_n3A_192 = arith.select %eq3A_190, %jit3A_191, %jit3A_189 : i32
      %rem3A_193 = arith.remsi %scan3A_171, %select_n3A_192 : i32
      %ne3A_194 = arith.constant 0 : i32
      %ne3A_195 = arith.cmpi ne, %rem3A_193, %ne3A_194 : i32
      %lt3A = arith.constant 0 : i32
      %lt3A_196 = arith.cmpi slt, %rem3A_193, %lt3A : i32
      %lt3A_197 = arith.constant 0 : i32
      %lt3A_198 = arith.cmpi slt, %select_n3A_192, %lt3A_197 : i32
      %ne3A_199 = arith.xori %lt3A_196, %lt3A_198 : i1
      %and3A_200 = arith.andi %ne3A_199, %ne3A_195 : i1
      %add3A_201 = arith.addi %rem3A_193, %select_n3A_192 : i32
      %select_n3A_202 = arith.select %and3A_200, %add3A_201, %rem3A_193 : i32
      %mul3A_203 = arith.constant 16 : i32
      %mul3A_204 = arith.muli %select_n3A_202, %mul3A_203 : i32
      %swap3A = arith.index_cast %select_n3A : i32 to index
      %swap3A_205 = arith.index_cast %mul3A_204 : i32 to index
      %swap3A_206 = tpu.vector_load %arg8[%swap3A, %swap3A_205] {strides = array<i32>} : memref<128x128xf32, #tpu.memory_space<vmem>>, vector<1x16xf32>,
      %swap3A_207 = vector.shape_cast %swap3A_206 : vector<1x16xf32> to vector<16xf32>
      %swap3A_208 = vector.shape_cast %broadcast_in_dim3A_172 : vector<16xf32> to vector<1x16xf32>
      tpu.vector_store %arg8[%swap3A, %swap3A_205], %swap3A_208 {strides = array<i32>} : memref<128x128xf32, #tpu.memory_space<vmem>>, vector<1x16xf32>,
    }
    %scan3A_7 = arith.constant 1024 : i32
    %mul3A_8 = arith.constant 640 : i32
    %mul3A_9 = arith.muli %arg1, %mul3A_8 : i32
    %add3A_10 = arith.constant 0 : i32
    %add3A_11 = arith.addi %mul3A_9, %add3A_10 : i32
    "tpu.region"() ({
      %run_scoped3A = tpu.sem_alloc : memref<!tpu.dma_semaphore, #tpu.memory_space<semaphore_mem>>
      %dma_start3A_171 = arith.constant 0 : i32
      %dma_start3A_172 = tpu.memref_slice %arg10[%add3A_11, %dma_start3A_171] : memref<10240x128xf32, #tpu.memory_space<vmem_shared>> -> memref<128x128xf32, #tpu.memory_space<vmem_shared>>
      %dma_start3A_173 = arith.constant 0 : i32
      %dma_start3A_174 = tpu.memref_slice %arg10[%add3A_11, %dma_start3A_173] : memref<10240x128xf32, #tpu.memory_space<vmem_shared>> -> memref<128x128xf32, #tpu.memory_space<vmem_shared>>
      tpu.enqueue_dma source(%arg8 : memref<128x128xf32, #tpu.memory_space<vmem>>) target(%dma_start3A_174 : memref<128x128xf32, #tpu.memory_space<vmem_shared>>) target_semaphore(%run_scoped3A : memref<!tpu.dma_semaphore, #tpu.memory_space<semaphore_mem>>)
      %dma_wait3A_175 = arith.constant 0 : i32
      %dma_wait3A_176 = tpu.memref_slice %arg10[%add3A_11, %dma_wait3A_175] : memref<10240x128xf32, #tpu.memory_space<vmem_shared>> -> memref<128x128xf32, #tpu.memory_space<vmem_shared>>
      %dma_wait3A_177 = arith.constant 0 : i32
      %dma_wait3A_178 = tpu.memref_slice %arg10[%add3A_11, %dma_wait3A_177] : memref<10240x128xf32, #tpu.memory_space<vmem_shared>> -> memref<128x128xf32, #tpu.memory_space<vmem_shared>>
      tpu.wait_dma2 semaphore(%run_scoped3A : memref<!tpu.dma_semaphore, #tpu.memory_space<semaphore_mem>>) src(%arg8 : memref<128x128xf32, #tpu.memory_space<vmem>>) dst(%dma_wait3A_178 : memref<128x128xf32, #tpu.memory_space<vmem_shared>>)
      tpu.yield
    }) : () -> ()
    %mul3A_12 = arith.constant 640 : i32
    %mul3A_13 = arith.muli %arg1, %mul3A_12 : i32
    %add3A_14 = arith.constant 128 : i32
    %add3A_15 = arith.addi %mul3A_13, %add3A_14 : i32
    "tpu.region"() ({
      %run_scoped3A = tpu.sem_alloc : memref<!tpu.dma_semaphore, #tpu.memory_space<semaphore_mem>>
      %dma_start3A_171 = arith.constant 0 : i32
      %dma_start3A_172 = tpu.memref_slice %arg10[%add3A_15, %dma_start3A_171] : memref<10240x128xf32, #tpu.memory_space<vmem_shared>> -> memref<128x128xf32, #tpu.memory_space<vmem_shared>>
      %dma_start3A_173 = arith.constant 0 : i32
      %dma_start3A_174 = tpu.memref_slice %arg10[%add3A_15, %dma_start3A_173] : memref<10240x128xf32, #tpu.memory_space<vmem_shared>> -> memref<128x128xf32, #tpu.memory_space<vmem_shared>>
      tpu.enqueue_dma source(%arg8 : memref<128x128xf32, #tpu.memory_space<vmem>>) target(%dma_start3A_174 : memref<128x128xf32, #tpu.memory_space<vmem_shared>>) target_semaphore(%run_scoped3A : memref<!tpu.dma_semaphore, #tpu.memory_space<semaphore_mem>>)
      %dma_wait3A_175 = arith.constant 0 : i32
      %dma_wait3A_176 = tpu.memref_slice %arg10[%add3A_15, %dma_wait3A_175] : memref<10240x128xf32, #tpu.memory_space<vmem_shared>> -> memref<128x128xf32, #tpu.memory_space<vmem_shared>>
      %dma_wait3A_177 = arith.constant 0 : i32
      %dma_wait3A_178 = tpu.memref_slice %arg10[%add3A_15, %dma_wait3A_177] : memref<10240x128xf32, #tpu.memory_space<vmem_shared>> -> memref<128x128xf32, #tpu.memory_space<vmem_shared>>
      tpu.wait_dma2 semaphore(%run_scoped3A : memref<!tpu.dma_semaphore, #tpu.memory_space<semaphore_mem>>) src(%arg8 : memref<128x128xf32, #tpu.memory_space<vmem>>) dst(%dma_wait3A_178 : memref<128x128xf32, #tpu.memory_space<vmem_shared>>)
      tpu.yield
    }) : () -> ()
    %mul3A_16 = arith.constant 640 : i32
    %mul3A_17 = arith.muli %arg1, %mul3A_16 : i32
    %add3A_18 = arith.constant 256 : i32
    %add3A_19 = arith.addi %mul3A_17, %add3A_18 : i32
    "tpu.region"() ({
      %run_scoped3A = tpu.sem_alloc : memref<!tpu.dma_semaphore, #tpu.memory_space<semaphore_mem>>
      %dma_start3A_171 = arith.constant 0 : i32
      %dma_start3A_172 = tpu.memref_slice %arg10[%add3A_19, %dma_start3A_171] : memref<10240x128xf32, #tpu.memory_space<vmem_shared>> -> memref<128x128xf32, #tpu.memory_space<vmem_shared>>
      %dma_start3A_173 = arith.constant 0 : i32
      %dma_start3A_174 = tpu.memref_slice %arg10[%add3A_19, %dma_start3A_173] : memref<10240x128xf32, #tpu.memory_space<vmem_shared>> -> memref<128x128xf32, #tpu.memory_space<vmem_shared>>
      tpu.enqueue_dma source(%arg8 : memref<128x128xf32, #tpu.memory_space<vmem>>) target(%dma_start3A_174 : memref<128x128xf32, #tpu.memory_space<vmem_shared>>) target_semaphore(%run_scoped3A : memref<!tpu.dma_semaphore, #tpu.memory_space<semaphore_mem>>)
      %dma_wait3A_175 = arith.constant 0 : i32
      %dma_wait3A_176 = tpu.memref_slice %arg10[%add3A_19, %dma_wait3A_175] : memref<10240x128xf32, #tpu.memory_space<vmem_shared>> -> memref<128x128xf32, #tpu.memory_space<vmem_shared>>
      %dma_wait3A_177 = arith.constant 0 : i32
      %dma_wait3A_178 = tpu.memref_slice %arg10[%add3A_19, %dma_wait3A_177] : memref<10240x128xf32, #tpu.memory_space<vmem_shared>> -> memref<128x128xf32, #tpu.memory_space<vmem_shared>>
      tpu.wait_dma2 semaphore(%run_scoped3A : memref<!tpu.dma_semaphore, #tpu.memory_space<semaphore_mem>>) src(%arg8 : memref<128x128xf32, #tpu.memory_space<vmem>>) dst(%dma_wait3A_178 : memref<128x128xf32, #tpu.memory_space<vmem_shared>>)
      tpu.yield
    }) : () -> ()
    %mul3A_20 = arith.constant 640 : i32
    %mul3A_21 = arith.muli %arg1, %mul3A_20 : i32
    %add3A_22 = arith.constant 384 : i32
    %add3A_23 = arith.addi %mul3A_21, %add3A_22 : i32
    "tpu.region"() ({
      %run_scoped3A = tpu.sem_alloc : memref<!tpu.dma_semaphore, #tpu.memory_space<semaphore_mem>>
      %dma_start3A_171 = arith.constant 0 : i32
      %dma_start3A_172 = tpu.memref_slice %arg10[%add3A_23, %dma_start3A_171] : memref<10240x128xf32, #tpu.memory_space<vmem_shared>> -> memref<128x128xf32, #tpu.memory_space<vmem_shared>>
      %dma_start3A_173 = arith.constant 0 : i32
      %dma_start3A_174 = tpu.memref_slice %arg10[%add3A_23, %dma_start3A_173] : memref<10240x128xf32, #tpu.memory_space<vmem_shared>> -> memref<128x128xf32, #tpu.memory_space<vmem_shared>>
      tpu.enqueue_dma source(%arg8 : memref<128x128xf32, #tpu.memory_space<vmem>>) target(%dma_start3A_174 : memref<128x128xf32, #tpu.memory_space<vmem_shared>>) target_semaphore(%run_scoped3A : memref<!tpu.dma_semaphore, #tpu.memory_space<semaphore_mem>>)
      %dma_wait3A_175 = arith.constant 0 : i32
      %dma_wait3A_176 = tpu.memref_slice %arg10[%add3A_23, %dma_wait3A_175] : memref<10240x128xf32, #tpu.memory_space<vmem_shared>> -> memref<128x128xf32, #tpu.memory_space<vmem_shared>>
      %dma_wait3A_177 = arith.constant 0 : i32
      %dma_wait3A_178 = tpu.memref_slice %arg10[%add3A_23, %dma_wait3A_177] : memref<10240x128xf32, #tpu.memory_space<vmem_shared>> -> memref<128x128xf32, #tpu.memory_space<vmem_shared>>
      tpu.wait_dma2 semaphore(%run_scoped3A : memref<!tpu.dma_semaphore, #tpu.memory_space<semaphore_mem>>) src(%arg8 : memref<128x128xf32, #tpu.memory_space<vmem>>) dst(%dma_wait3A_178 : memref<128x128xf32, #tpu.memory_space<vmem_shared>>)
      tpu.yield
    }) : () -> ()
    %mul3A_24 = arith.constant 640 : i32
    %mul3A_25 = arith.muli %arg1, %mul3A_24 : i32
    %add3A_26 = arith.constant 512 : i32
    %add3A_27 = arith.addi %mul3A_25, %add3A_26 : i32
    "tpu.region"() ({
      %run_scoped3A = tpu.sem_alloc : memref<!tpu.dma_semaphore, #tpu.memory_space<semaphore_mem>>
      %dma_start3A_171 = arith.constant 0 : i32
      %dma_start3A_172 = tpu.memref_slice %arg10[%add3A_27, %dma_start3A_171] : memref<10240x128xf32, #tpu.memory_space<vmem_shared>> -> memref<128x128xf32, #tpu.memory_space<vmem_shared>>
      %dma_start3A_173 = arith.constant 0 : i32
      %dma_start3A_174 = tpu.memref_slice %arg10[%add3A_27, %dma_start3A_173] : memref<10240x128xf32, #tpu.memory_space<vmem_shared>> -> memref<128x128xf32, #tpu.memory_space<vmem_shared>>
      tpu.enqueue_dma source(%arg8 : memref<128x128xf32, #tpu.memory_space<vmem>>) target(%dma_start3A_174 : memref<128x128xf32, #tpu.memory_space<vmem_shared>>) target_semaphore(%run_scoped3A : memref<!tpu.dma_semaphore, #tpu.memory_space<semaphore_mem>>)
      %dma_wait3A_175 = arith.constant 0 : i32
      %dma_wait3A_176 = tpu.memref_slice %arg10[%add3A_27, %dma_wait3A_175] : memref<10240x128xf32, #tpu.memory_space<vmem_shared>> -> memref<128x128xf32, #tpu.memory_space<vmem_shared>>
      %dma_wait3A_177 = arith.constant 0 : i32
      %dma_wait3A_178 = tpu.memref_slice %arg10[%add3A_27, %dma_wait3A_177] : memref<10240x128xf32, #tpu.memory_space<vmem_shared>> -> memref<128x128xf32, #tpu.memory_space<vmem_shared>>
      tpu.wait_dma2 semaphore(%run_scoped3A : memref<!tpu.dma_semaphore, #tpu.memory_space<semaphore_mem>>) src(%arg8 : memref<128x128xf32, #tpu.memory_space<vmem>>) dst(%dma_wait3A_178 : memref<128x128xf32, #tpu.memory_space<vmem_shared>>)
      tpu.yield
    }) : () -> ()
    %add3A_28 = arith.constant 0 : i32
    %add3A_29 = arith.addi %mul3A_2, %add3A_28 : i32
    %dma_start3A = arith.constant 0 : i32
    %dma_start3A_30 = arith.constant 0 : i32
    %dma_start3A_31 = tpu.memref_slice %arg6[%dma_start3A, %dma_start3A_30] : memref<4x128xi32, #tpu.memory_space<vmem>> -> memref<1x128xi32, #tpu.memory_space<vmem>>
    %dma_start3A_32 = tpu.memref_squeeze %dma_start3A_31 : memref<1x128xi32, #tpu.memory_space<vmem>> -> memref<128xi32, #tpu.memory_space<vmem>>
    %dma_start3A_33 = arith.constant 0 : i32
    %dma_start3A_34 = tpu.memref_slice %arg3[%add3A_29, %dma_start3A_33] : memref<2560x128xi32, #tpu.memory_space<hbm>> -> memref<1x128xi32, #tpu.memory_space<hbm>>
    %dma_start3A_35 = tpu.memref_squeeze %dma_start3A_34 : memref<1x128xi32, #tpu.memory_space<hbm>> -> memref<128xi32, #tpu.memory_space<hbm>>
    %dma_start3A_36 = arith.constant 0 : i32
    %dma_start3A_37 = tpu.memref_slice %arg6[%dma_start3A, %dma_start3A_36] : memref<4x128xi32, #tpu.memory_space<vmem>> -> memref<1x128xi32, #tpu.memory_space<vmem>>
    %dma_start3A_38 = tpu.memref_squeeze %dma_start3A_37 : memref<1x128xi32, #tpu.memory_space<vmem>> -> memref<128xi32, #tpu.memory_space<vmem>>
    %dma_start3A_39 = arith.constant 0 : i32
    %dma_start3A_40 = tpu.memref_slice %arg3[%add3A_29, %dma_start3A_39] : memref<2560x128xi32, #tpu.memory_space<hbm>> -> memref<1x128xi32, #tpu.memory_space<hbm>>
    %dma_start3A_41 = tpu.memref_squeeze %dma_start3A_40 : memref<1x128xi32, #tpu.memory_space<hbm>> -> memref<128xi32, #tpu.memory_space<hbm>>
    tpu.enqueue_dma source(%dma_start3A_41 : memref<128xi32, #tpu.memory_space<hbm>>) target(%dma_start3A_38 : memref<128xi32, #tpu.memory_space<vmem>>) target_semaphore(%arg11 : memref<!tpu.dma_semaphore, #tpu.memory_space<semaphore_mem>>)
    %add3A_42 = arith.constant 0 : i32
    %add3A_43 = arith.addi %mul3A_2, %add3A_42 : i32
    %dma_start3A_44 = arith.constant 0 : i32
    %dma_start3A_45 = arith.constant 0 : i32
    %dma_start3A_46 = tpu.memref_slice %arg7[%dma_start3A_44, %dma_start3A_45] : memref<4x128xi32, #tpu.memory_space<vmem>> -> memref<1x128xi32, #tpu.memory_space<vmem>>
    %dma_start3A_47 = tpu.memref_squeeze %dma_start3A_46 : memref<1x128xi32, #tpu.memory_space<vmem>> -> memref<128xi32, #tpu.memory_space<vmem>>
    %dma_start3A_48 = arith.constant 0 : i32
    %dma_start3A_49 = tpu.memref_slice %arg4[%add3A_43, %dma_start3A_48] : memref<2560x128xi32, #tpu.memory_space<hbm>> -> memref<1x128xi32, #tpu.memory_space<hbm>>
    %dma_start3A_50 = tpu.memref_squeeze %dma_start3A_49 : memref<1x128xi32, #tpu.memory_space<hbm>> -> memref<128xi32, #tpu.memory_space<hbm>>
    %dma_start3A_51 = arith.constant 0 : i32
    %dma_start3A_52 = tpu.memref_slice %arg7[%dma_start3A_44, %dma_start3A_51] : memref<4x128xi32, #tpu.memory_space<vmem>> -> memref<1x128xi32, #tpu.memory_space<vmem>>
    %dma_start3A_53 = tpu.memref_squeeze %dma_start3A_52 : memref<1x128xi32, #tpu.memory_space<vmem>> -> memref<128xi32, #tpu.memory_space<vmem>>
    %dma_start3A_54 = arith.constant 0 : i32
    %dma_start3A_55 = tpu.memref_slice %arg4[%add3A_43, %dma_start3A_54] : memref<2560x128xi32, #tpu.memory_space<hbm>> -> memref<1x128xi32, #tpu.memory_space<hbm>>
    %dma_start3A_56 = tpu.memref_squeeze %dma_start3A_55 : memref<1x128xi32, #tpu.memory_space<hbm>> -> memref<128xi32, #tpu.memory_space<hbm>>
    tpu.enqueue_dma source(%dma_start3A_56 : memref<128xi32, #tpu.memory_space<hbm>>) target(%dma_start3A_53 : memref<128xi32, #tpu.memory_space<vmem>>) target_semaphore(%arg11 : memref<!tpu.dma_semaphore, #tpu.memory_space<semaphore_mem>>)
    %add3A_57 = arith.constant 1 : i32
    %add3A_58 = arith.addi %mul3A_2, %add3A_57 : i32
    %dma_start3A_59 = arith.constant 1 : i32
    %dma_start3A_60 = arith.constant 0 : i32
    %dma_start3A_61 = tpu.memref_slice %arg6[%dma_start3A_59, %dma_start3A_60] : memref<4x128xi32, #tpu.memory_space<vmem>> -> memref<1x128xi32, #tpu.memory_space<vmem>>
    %dma_start3A_62 = tpu.memref_squeeze %dma_start3A_61 : memref<1x128xi32, #tpu.memory_space<vmem>> -> memref<128xi32, #tpu.memory_space<vmem>>
    %dma_start3A_63 = arith.constant 0 : i32
    %dma_start3A_64 = tpu.memref_slice %arg3[%add3A_58, %dma_start3A_63] : memref<2560x128xi32, #tpu.memory_space<hbm>> -> memref<1x128xi32, #tpu.memory_space<hbm>>
    %dma_start3A_65 = tpu.memref_squeeze %dma_start3A_64 : memref<1x128xi32, #tpu.memory_space<hbm>> -> memref<128xi32, #tpu.memory_space<hbm>>
    %dma_start3A_66 = arith.constant 0 : i32
    %dma_start3A_67 = tpu.memref_slice %arg6[%dma_start3A_59, %dma_start3A_66] : memref<4x128xi32, #tpu.memory_space<vmem>> -> memref<1x128xi32, #tpu.memory_space<vmem>>
    %dma_start3A_68 = tpu.memref_squeeze %dma_start3A_67 : memref<1x128xi32, #tpu.memory_space<vmem>> -> memref<128xi32, #tpu.memory_space<vmem>>
    %dma_start3A_69 = arith.constant 0 : i32
    %dma_start3A_70 = tpu.memref_slice %arg3[%add3A_58, %dma_start3A_69] : memref<2560x128xi32, #tpu.memory_space<hbm>> -> memref<1x128xi32, #tpu.memory_space<hbm>>
    %dma_start3A_71 = tpu.memref_squeeze %dma_start3A_70 : memref<1x128xi32, #tpu.memory_space<hbm>> -> memref<128xi32, #tpu.memory_space<hbm>>
    tpu.enqueue_dma source(%dma_start3A_71 : memref<128xi32, #tpu.memory_space<hbm>>) target(%dma_start3A_68 : memref<128xi32, #tpu.memory_space<vmem>>) target_semaphore(%arg12 : memref<!tpu.dma_semaphore, #tpu.memory_space<semaphore_mem>>)
    %add3A_72 = arith.constant 1 : i32
    %add3A_73 = arith.addi %mul3A_2, %add3A_72 : i32
    %dma_start3A_74 = arith.constant 1 : i32
    %dma_start3A_75 = arith.constant 0 : i32
    %dma_start3A_76 = tpu.memref_slice %arg7[%dma_start3A_74, %dma_start3A_75] : memref<4x128xi32, #tpu.memory_space<vmem>> -> memref<1x128xi32, #tpu.memory_space<vmem>>
    %dma_start3A_77 = tpu.memref_squeeze %dma_start3A_76 : memref<1x128xi32, #tpu.memory_space<vmem>> -> memref<128xi32, #tpu.memory_space<vmem>>
    %dma_start3A_78 = arith.constant 0 : i32
    %dma_start3A_79 = tpu.memref_slice %arg4[%add3A_73, %dma_start3A_78] : memref<2560x128xi32, #tpu.memory_space<hbm>> -> memref<1x128xi32, #tpu.memory_space<hbm>>
    %dma_start3A_80 = tpu.memref_squeeze %dma_start3A_79 : memref<1x128xi32, #tpu.memory_space<hbm>> -> memref<128xi32, #tpu.memory_space<hbm>>
    %dma_start3A_81 = arith.constant 0 : i32
    %dma_start3A_82 = tpu.memref_slice %arg7[%dma_start3A_74, %dma_start3A_81] : memref<4x128xi32, #tpu.memory_space<vmem>> -> memref<1x128xi32, #tpu.memory_space<vmem>>
    %dma_start3A_83 = tpu.memref_squeeze %dma_start3A_82 : memref<1x128xi32, #tpu.memory_space<vmem>> -> memref<128xi32, #tpu.memory_space<vmem>>
    %dma_start3A_84 = arith.constant 0 : i32
    %dma_start3A_85 = tpu.memref_slice %arg4[%add3A_73, %dma_start3A_84] : memref<2560x128xi32, #tpu.memory_space<hbm>> -> memref<1x128xi32, #tpu.memory_space<hbm>>
    %dma_start3A_86 = tpu.memref_squeeze %dma_start3A_85 : memref<1x128xi32, #tpu.memory_space<hbm>> -> memref<128xi32, #tpu.memory_space<hbm>>
    tpu.enqueue_dma source(%dma_start3A_86 : memref<128xi32, #tpu.memory_space<hbm>>) target(%dma_start3A_83 : memref<128xi32, #tpu.memory_space<vmem>>) target_semaphore(%arg12 : memref<!tpu.dma_semaphore, #tpu.memory_space<semaphore_mem>>)
    %add3A_87 = arith.constant 2 : i32
    %add3A_88 = arith.addi %mul3A_2, %add3A_87 : i32
    %dma_start3A_89 = arith.constant 2 : i32
    %dma_start3A_90 = arith.constant 0 : i32
    %dma_start3A_91 = tpu.memref_slice %arg6[%dma_start3A_89, %dma_start3A_90] : memref<4x128xi32, #tpu.memory_space<vmem>> -> memref<1x128xi32, #tpu.memory_space<vmem>>
    %dma_start3A_92 = tpu.memref_squeeze %dma_start3A_91 : memref<1x128xi32, #tpu.memory_space<vmem>> -> memref<128xi32, #tpu.memory_space<vmem>>
    %dma_start3A_93 = arith.constant 0 : i32
    %dma_start3A_94 = tpu.memref_slice %arg3[%add3A_88, %dma_start3A_93] : memref<2560x128xi32, #tpu.memory_space<hbm>> -> memref<1x128xi32, #tpu.memory_space<hbm>>
    %dma_start3A_95 = tpu.memref_squeeze %dma_start3A_94 : memref<1x128xi32, #tpu.memory_space<hbm>> -> memref<128xi32, #tpu.memory_space<hbm>>
    %dma_start3A_96 = arith.constant 0 : i32
    %dma_start3A_97 = tpu.memref_slice %arg6[%dma_start3A_89, %dma_start3A_96] : memref<4x128xi32, #tpu.memory_space<vmem>> -> memref<1x128xi32, #tpu.memory_space<vmem>>
    %dma_start3A_98 = tpu.memref_squeeze %dma_start3A_97 : memref<1x128xi32, #tpu.memory_space<vmem>> -> memref<128xi32, #tpu.memory_space<vmem>>
    %dma_start3A_99 = arith.constant 0 : i32
    %dma_start3A_100 = tpu.memref_slice %arg3[%add3A_88, %dma_start3A_99] : memref<2560x128xi32, #tpu.memory_space<hbm>> -> memref<1x128xi32, #tpu.memory_space<hbm>>
    %dma_start3A_101 = tpu.memref_squeeze %dma_start3A_100 : memref<1x128xi32, #tpu.memory_space<hbm>> -> memref<128xi32, #tpu.memory_space<hbm>>
    tpu.enqueue_dma source(%dma_start3A_101 : memref<128xi32, #tpu.memory_space<hbm>>) target(%dma_start3A_98 : memref<128xi32, #tpu.memory_space<vmem>>) target_semaphore(%arg13 : memref<!tpu.dma_semaphore, #tpu.memory_space<semaphore_mem>>)
    %add3A_102 = arith.constant 2 : i32
    %add3A_103 = arith.addi %mul3A_2, %add3A_102 : i32
    %dma_start3A_104 = arith.constant 2 : i32
    %dma_start3A_105 = arith.constant 0 : i32
    %dma_start3A_106 = tpu.memref_slice %arg7[%dma_start3A_104, %dma_start3A_105] : memref<4x128xi32, #tpu.memory_space<vmem>> -> memref<1x128xi32, #tpu.memory_space<vmem>>
    %dma_start3A_107 = tpu.memref_squeeze %dma_start3A_106 : memref<1x128xi32, #tpu.memory_space<vmem>> -> memref<128xi32, #tpu.memory_space<vmem>>
    %dma_start3A_108 = arith.constant 0 : i32
    %dma_start3A_109 = tpu.memref_slice %arg4[%add3A_103, %dma_start3A_108] : memref<2560x128xi32, #tpu.memory_space<hbm>> -> memref<1x128xi32, #tpu.memory_space<hbm>>
    %dma_start3A_110 = tpu.memref_squeeze %dma_start3A_109 : memref<1x128xi32, #tpu.memory_space<hbm>> -> memref<128xi32, #tpu.memory_space<hbm>>
    %dma_start3A_111 = arith.constant 0 : i32
    %dma_start3A_112 = tpu.memref_slice %arg7[%dma_start3A_104, %dma_start3A_111] : memref<4x128xi32, #tpu.memory_space<vmem>> -> memref<1x128xi32, #tpu.memory_space<vmem>>
    %dma_start3A_113 = tpu.memref_squeeze %dma_start3A_112 : memref<1x128xi32, #tpu.memory_space<vmem>> -> memref<128xi32, #tpu.memory_space<vmem>>
    %dma_start3A_114 = arith.constant 0 : i32
    %dma_start3A_115 = tpu.memref_slice %arg4[%add3A_103, %dma_start3A_114] : memref<2560x128xi32, #tpu.memory_space<hbm>> -> memref<1x128xi32, #tpu.memory_space<hbm>>
    %dma_start3A_116 = tpu.memref_squeeze %dma_start3A_115 : memref<1x128xi32, #tpu.memory_space<hbm>> -> memref<128xi32, #tpu.memory_space<hbm>>
    tpu.enqueue_dma source(%dma_start3A_116 : memref<128xi32, #tpu.memory_space<hbm>>) target(%dma_start3A_113 : memref<128xi32, #tpu.memory_space<vmem>>) target_semaphore(%arg13 : memref<!tpu.dma_semaphore, #tpu.memory_space<semaphore_mem>>)
    %add3A_117 = arith.constant 3 : i32
    %add3A_118 = arith.addi %mul3A_2, %add3A_117 : i32
    %dma_start3A_119 = arith.constant 3 : i32
    %dma_start3A_120 = arith.constant 0 : i32
    %dma_start3A_121 = tpu.memref_slice %arg6[%dma_start3A_119, %dma_start3A_120] : memref<4x128xi32, #tpu.memory_space<vmem>> -> memref<1x128xi32, #tpu.memory_space<vmem>>
    %dma_start3A_122 = tpu.memref_squeeze %dma_start3A_121 : memref<1x128xi32, #tpu.memory_space<vmem>> -> memref<128xi32, #tpu.memory_space<vmem>>
    %dma_start3A_123 = arith.constant 0 : i32
    %dma_start3A_124 = tpu.memref_slice %arg3[%add3A_118, %dma_start3A_123] : memref<2560x128xi32, #tpu.memory_space<hbm>> -> memref<1x128xi32, #tpu.memory_space<hbm>>
    %dma_start3A_125 = tpu.memref_squeeze %dma_start3A_124 : memref<1x128xi32, #tpu.memory_space<hbm>> -> memref<128xi32, #tpu.memory_space<hbm>>
    %dma_start3A_126 = arith.constant 0 : i32
    %dma_start3A_127 = tpu.memref_slice %arg6[%dma_start3A_119, %dma_start3A_126] : memref<4x128xi32, #tpu.memory_space<vmem>> -> memref<1x128xi32, #tpu.memory_space<vmem>>
    %dma_start3A_128 = tpu.memref_squeeze %dma_start3A_127 : memref<1x128xi32, #tpu.memory_space<vmem>> -> memref<128xi32, #tpu.memory_space<vmem>>
    %dma_start3A_129 = arith.constant 0 : i32
    %dma_start3A_130 = tpu.memref_slice %arg3[%add3A_118, %dma_start3A_129] : memref<2560x128xi32, #tpu.memory_space<hbm>> -> memref<1x128xi32, #tpu.memory_space<hbm>>
    %dma_start3A_131 = tpu.memref_squeeze %dma_start3A_130 : memref<1x128xi32, #tpu.memory_space<hbm>> -> memref<128xi32, #tpu.memory_space<hbm>>
    tpu.enqueue_dma source(%dma_start3A_131 : memref<128xi32, #tpu.memory_space<hbm>>) target(%dma_start3A_128 : memref<128xi32, #tpu.memory_space<vmem>>) target_semaphore(%arg14 : memref<!tpu.dma_semaphore, #tpu.memory_space<semaphore_mem>>)
    %add3A_132 = arith.constant 3 : i32
    %add3A_133 = arith.addi %mul3A_2, %add3A_132 : i32
    %dma_start3A_134 = arith.constant 3 : i32
    %dma_start3A_135 = arith.constant 0 : i32
    %dma_start3A_136 = tpu.memref_slice %arg7[%dma_start3A_134, %dma_start3A_135] : memref<4x128xi32, #tpu.memory_space<vmem>> -> memref<1x128xi32, #tpu.memory_space<vmem>>
    %dma_start3A_137 = tpu.memref_squeeze %dma_start3A_136 : memref<1x128xi32, #tpu.memory_space<vmem>> -> memref<128xi32, #tpu.memory_space<vmem>>
    %dma_start3A_138 = arith.constant 0 : i32
    %dma_start3A_139 = tpu.memref_slice %arg4[%add3A_133, %dma_start3A_138] : memref<2560x128xi32, #tpu.memory_space<hbm>> -> memref<1x128xi32, #tpu.memory_space<hbm>>
    %dma_start3A_140 = tpu.memref_squeeze %dma_start3A_139 : memref<1x128xi32, #tpu.memory_space<hbm>> -> memref<128xi32, #tpu.memory_space<hbm>>
    %dma_start3A_141 = arith.constant 0 : i32
    %dma_start3A_142 = tpu.memref_slice %arg7[%dma_start3A_134, %dma_start3A_141] : memref<4x128xi32, #tpu.memory_space<vmem>> -> memref<1x128xi32, #tpu.memory_space<vmem>>
    %dma_start3A_143 = tpu.memref_squeeze %dma_start3A_142 : memref<1x128xi32, #tpu.memory_space<vmem>> -> memref<128xi32, #tpu.memory_space<vmem>>
    %dma_start3A_144 = arith.constant 0 : i32
    %dma_start3A_145 = tpu.memref_slice %arg4[%add3A_133, %dma_start3A_144] : memref<2560x128xi32, #tpu.memory_space<hbm>> -> memref<1x128xi32, #tpu.memory_space<hbm>>
    %dma_start3A_146 = tpu.memref_squeeze %dma_start3A_145 : memref<1x128xi32, #tpu.memory_space<hbm>> -> memref<128xi32, #tpu.memory_space<hbm>>
    tpu.enqueue_dma source(%dma_start3A_146 : memref<128xi32, #tpu.memory_space<hbm>>) target(%dma_start3A_143 : memref<128xi32, #tpu.memory_space<vmem>>) target_semaphore(%arg14 : memref<!tpu.dma_semaphore, #tpu.memory_space<semaphore_mem>>)
    %barrier3A = arith.constant 0 : index
    tpu.barrier barrier_id(%barrier3A)
    %scan3A_147 = arith.constant 0 : i32
    %scan3A_148 = arith.constant 0 : i32
    %scan3A_149 = arith.constant 20 : i32
    %scan3A_150 = arith.addi %scan3A_148, %scan3A_149 : i32
    %scan3A_151 = arith.constant 1 : i32
    scf.for %scan3A_171 = %scan3A_148 to %scan3A_150 step %scan3A_151  : i32 {
      %mul3A_172 = arith.constant 2 : i32
      %mul3A_173 = arith.muli %scan3A_171, %mul3A_172 : i32
      %add3A_174 = arith.constant 0 : i32
      %add3A_175 = arith.addi %mul3A_173, %add3A_174 : i32
      %mul3A_176 = arith.constant 2 : i32
      %mul3A_177 = arith.muli %add3A_175, %mul3A_176 : i32
      %add3A_178 = arith.constant 0 : i32
      %add3A_179 = arith.addi %mul3A_177, %add3A_178 : i32
      %gt3A = arith.constant 0 : i32
      %gt3A_180 = arith.cmpi sgt, %add3A_175, %gt3A : i32
      %convert_element_type3A = arith.extui %gt3A_180 : i1 to i32
      %cond3A = arith.constant 0 : i32
      %cond3A_181 = arith.cmpi ne, %convert_element_type3A, %cond3A : i32
      scf.if %cond3A_181 {
        %dma_wait3A_428 = arith.constant 0 : i32
        %dma_wait3A_429 = arith.constant 0 : i32
        %dma_wait3A_430 = tpu.memref_slice %arg7[%dma_wait3A_428, %dma_wait3A_429] : memref<4x128xi32, #tpu.memory_space<vmem>> -> memref<1x128xi32, #tpu.memory_space<vmem>>
        %dma_wait3A_431 = tpu.memref_squeeze %dma_wait3A_430 : memref<1x128xi32, #tpu.memory_space<vmem>> -> memref<128xi32, #tpu.memory_space<vmem>>
        %dma_wait3A_432 = arith.constant 0 : i32
        %dma_wait3A_433 = arith.constant 0 : i32
        %dma_wait3A_434 = tpu.memref_slice %arg10[%dma_wait3A_432, %dma_wait3A_433] : memref<10240x128xf32, #tpu.memory_space<vmem_shared>> -> memref<10240x128xf32, #tpu.memory_space<vmem_shared>>
        tpu.wait_indirect_dma semaphore(%arg17 : memref<!tpu.dma_semaphore, #tpu.memory_space<semaphore_mem>>) src(%arg8 : memref<128x128xf32, #tpu.memory_space<vmem>>) dst(%dma_wait3A_434 : memref<10240x128xf32, #tpu.memory_space<vmem_shared>>)
      } else {
      }
      %lt3A = arith.constant 39 : i32
      %lt3A_182 = arith.cmpi slt, %add3A_175, %lt3A : i32
      %convert_element_type3A_183 = arith.extui %lt3A_182 : i1 to i32
      %cond3A_184 = arith.constant 0 : i32
      %cond3A_185 = arith.cmpi ne, %convert_element_type3A_183, %cond3A_184 : i32
      scf.if %cond3A_185 {
        %add3A_428 = arith.addi %mul3A_2, %add3A_179 : i32
        %add3A_429 = arith.constant 2 : i32
        %add3A_430 = arith.addi %add3A_428, %add3A_429 : i32
        %dma_start3A_431 = arith.constant 2 : i32
        %dma_start3A_432 = arith.constant 0 : i32
        %dma_start3A_433 = tpu.memref_slice %arg6[%dma_start3A_431, %dma_start3A_432] : memref<4x128xi32, #tpu.memory_space<vmem>> -> memref<1x128xi32, #tpu.memory_space<vmem>>
        %dma_start3A_434 = tpu.memref_squeeze %dma_start3A_433 : memref<1x128xi32, #tpu.memory_space<vmem>> -> memref<128xi32, #tpu.memory_space<vmem>>
        %dma_start3A_435 = arith.constant 0 : i32
        %dma_start3A_436 = tpu.memref_slice %arg3[%add3A_430, %dma_start3A_435] : memref<2560x128xi32, #tpu.memory_space<hbm>> -> memref<1x128xi32, #tpu.memory_space<hbm>>
        %dma_start3A_437 = tpu.memref_squeeze %dma_start3A_436 : memref<1x128xi32, #tpu.memory_space<hbm>> -> memref<128xi32, #tpu.memory_space<hbm>>
        %dma_start3A_438 = arith.constant 0 : i32
        %dma_start3A_439 = tpu.memref_slice %arg6[%dma_start3A_431, %dma_start3A_438] : memref<4x128xi32, #tpu.memory_space<vmem>> -> memref<1x128xi32, #tpu.memory_space<vmem>>
        %dma_start3A_440 = tpu.memref_squeeze %dma_start3A_439 : memref<1x128xi32, #tpu.memory_space<vmem>> -> memref<128xi32, #tpu.memory_space<vmem>>
        %dma_start3A_441 = arith.constant 0 : i32
        %dma_start3A_442 = tpu.memref_slice %arg3[%add3A_430, %dma_start3A_441] : memref<2560x128xi32, #tpu.memory_space<hbm>> -> memref<1x128xi32, #tpu.memory_space<hbm>>
        %dma_start3A_443 = tpu.memref_squeeze %dma_start3A_442 : memref<1x128xi32, #tpu.memory_space<hbm>> -> memref<128xi32, #tpu.memory_space<hbm>>
        tpu.enqueue_dma source(%dma_start3A_443 : memref<128xi32, #tpu.memory_space<hbm>>) target(%dma_start3A_440 : memref<128xi32, #tpu.memory_space<vmem>>) target_semaphore(%arg13 : memref<!tpu.dma_semaphore, #tpu.memory_space<semaphore_mem>>)
        %add3A_444 = arith.addi %mul3A_2, %add3A_179 : i32
        %add3A_445 = arith.constant 2 : i32
        %add3A_446 = arith.addi %add3A_444, %add3A_445 : i32
        %dma_start3A_447 = arith.constant 2 : i32
        %dma_start3A_448 = arith.constant 0 : i32
        %dma_start3A_449 = tpu.memref_slice %arg7[%dma_start3A_447, %dma_start3A_448] : memref<4x128xi32, #tpu.memory_space<vmem>> -> memref<1x128xi32, #tpu.memory_space<vmem>>
        %dma_start3A_450 = tpu.memref_squeeze %dma_start3A_449 : memref<1x128xi32, #tpu.memory_space<vmem>> -> memref<128xi32, #tpu.memory_space<vmem>>
        %dma_start3A_451 = arith.constant 0 : i32
        %dma_start3A_452 = tpu.memref_slice %arg4[%add3A_446, %dma_start3A_451] : memref<2560x128xi32, #tpu.memory_space<hbm>> -> memref<1x128xi32, #tpu.memory_space<hbm>>
        %dma_start3A_453 = tpu.memref_squeeze %dma_start3A_452 : memref<1x128xi32, #tpu.memory_space<hbm>> -> memref<128xi32, #tpu.memory_space<hbm>>
        %dma_start3A_454 = arith.constant 0 : i32
        %dma_start3A_455 = tpu.memref_slice %arg7[%dma_start3A_447, %dma_start3A_454] : memref<4x128xi32, #tpu.memory_space<vmem>> -> memref<1x128xi32, #tpu.memory_space<vmem>>
        %dma_start3A_456 = tpu.memref_squeeze %dma_start3A_455 : memref<1x128xi32, #tpu.memory_space<vmem>> -> memref<128xi32, #tpu.memory_space<vmem>>
        %dma_start3A_457 = arith.constant 0 : i32
        %dma_start3A_458 = tpu.memref_slice %arg4[%add3A_446, %dma_start3A_457] : memref<2560x128xi32, #tpu.memory_space<hbm>> -> memref<1x128xi32, #tpu.memory_space<hbm>>
        %dma_start3A_459 = tpu.memref_squeeze %dma_start3A_458 : memref<1x128xi32, #tpu.memory_space<hbm>> -> memref<128xi32, #tpu.memory_space<hbm>>
        tpu.enqueue_dma source(%dma_start3A_459 : memref<128xi32, #tpu.memory_space<hbm>>) target(%dma_start3A_456 : memref<128xi32, #tpu.memory_space<vmem>>) target_semaphore(%arg13 : memref<!tpu.dma_semaphore, #tpu.memory_space<semaphore_mem>>)
      } else {
      }
      %add3A_186 = arith.addi %mul3A_2, %add3A_179 : i32
      %dma_wait3A_187 = arith.constant 0 : i32
      %dma_wait3A_188 = arith.constant 0 : i32
      %dma_wait3A_189 = tpu.memref_slice %arg6[%dma_wait3A_187, %dma_wait3A_188] : memref<4x128xi32, #tpu.memory_space<vmem>> -> memref<1x128xi32, #tpu.memory_space<vmem>>
      %dma_wait3A_190 = tpu.memref_squeeze %dma_wait3A_189 : memref<1x128xi32, #tpu.memory_space<vmem>> -> memref<128xi32, #tpu.memory_space<vmem>>
      %dma_wait3A_191 = arith.constant 0 : i32
      %dma_wait3A_192 = tpu.memref_slice %arg3[%add3A_186, %dma_wait3A_191] : memref<2560x128xi32, #tpu.memory_space<hbm>> -> memref<1x128xi32, #tpu.memory_space<hbm>>
      %dma_wait3A_193 = tpu.memref_squeeze %dma_wait3A_192 : memref<1x128xi32, #tpu.memory_space<hbm>> -> memref<128xi32, #tpu.memory_space<hbm>>
      %dma_wait3A_194 = arith.constant 0 : i32
      %dma_wait3A_195 = tpu.memref_slice %arg6[%dma_wait3A_187, %dma_wait3A_194] : memref<4x128xi32, #tpu.memory_space<vmem>> -> memref<1x128xi32, #tpu.memory_space<vmem>>
      %dma_wait3A_196 = tpu.memref_squeeze %dma_wait3A_195 : memref<1x128xi32, #tpu.memory_space<vmem>> -> memref<128xi32, #tpu.memory_space<vmem>>
      %dma_wait3A_197 = arith.constant 0 : i32
      %dma_wait3A_198 = tpu.memref_slice %arg3[%add3A_186, %dma_wait3A_197] : memref<2560x128xi32, #tpu.memory_space<hbm>> -> memref<1x128xi32, #tpu.memory_space<hbm>>
      %dma_wait3A_199 = tpu.memref_squeeze %dma_wait3A_198 : memref<1x128xi32, #tpu.memory_space<hbm>> -> memref<128xi32, #tpu.memory_space<hbm>>
      tpu.wait_dma2 semaphore(%arg11 : memref<!tpu.dma_semaphore, #tpu.memory_space<semaphore_mem>>) src(%dma_wait3A_199 : memref<128xi32, #tpu.memory_space<hbm>>) dst(%dma_wait3A_196 : memref<128xi32, #tpu.memory_space<vmem>>)
      %add3A_200 = arith.addi %mul3A_2, %add3A_179 : i32
      %dma_wait3A_201 = arith.constant 0 : i32
      %dma_wait3A_202 = arith.constant 0 : i32
      %dma_wait3A_203 = tpu.memref_slice %arg7[%dma_wait3A_201, %dma_wait3A_202] : memref<4x128xi32, #tpu.memory_space<vmem>> -> memref<1x128xi32, #tpu.memory_space<vmem>>
      %dma_wait3A_204 = tpu.memref_squeeze %dma_wait3A_203 : memref<1x128xi32, #tpu.memory_space<vmem>> -> memref<128xi32, #tpu.memory_space<vmem>>
      %dma_wait3A_205 = arith.constant 0 : i32
      %dma_wait3A_206 = tpu.memref_slice %arg4[%add3A_200, %dma_wait3A_205] : memref<2560x128xi32, #tpu.memory_space<hbm>> -> memref<1x128xi32, #tpu.memory_space<hbm>>
      %dma_wait3A_207 = tpu.memref_squeeze %dma_wait3A_206 : memref<1x128xi32, #tpu.memory_space<hbm>> -> memref<128xi32, #tpu.memory_space<hbm>>
      %dma_wait3A_208 = arith.constant 0 : i32
      %dma_wait3A_209 = tpu.memref_slice %arg7[%dma_wait3A_201, %dma_wait3A_208] : memref<4x128xi32, #tpu.memory_space<vmem>> -> memref<1x128xi32, #tpu.memory_space<vmem>>
      %dma_wait3A_210 = tpu.memref_squeeze %dma_wait3A_209 : memref<1x128xi32, #tpu.memory_space<vmem>> -> memref<128xi32, #tpu.memory_space<vmem>>
      %dma_wait3A_211 = arith.constant 0 : i32
      %dma_wait3A_212 = tpu.memref_slice %arg4[%add3A_200, %dma_wait3A_211] : memref<2560x128xi32, #tpu.memory_space<hbm>> -> memref<1x128xi32, #tpu.memory_space<hbm>>
      %dma_wait3A_213 = tpu.memref_squeeze %dma_wait3A_212 : memref<1x128xi32, #tpu.memory_space<hbm>> -> memref<128xi32, #tpu.memory_space<hbm>>
      tpu.wait_dma2 semaphore(%arg11 : memref<!tpu.dma_semaphore, #tpu.memory_space<semaphore_mem>>) src(%dma_wait3A_213 : memref<128xi32, #tpu.memory_space<hbm>>) dst(%dma_wait3A_210 : memref<128xi32, #tpu.memory_space<vmem>>)
      %dma_start3A_214 = arith.constant 0 : i32
      %dma_start3A_215 = arith.constant 0 : i32
      %dma_start3A_216 = tpu.memref_slice %arg6[%dma_start3A_214, %dma_start3A_215] : memref<4x128xi32, #tpu.memory_space<vmem>> -> memref<1x128xi32, #tpu.memory_space<vmem>>
      %dma_start3A_217 = tpu.memref_squeeze %dma_start3A_216 : memref<1x128xi32, #tpu.memory_space<vmem>> -> memref<128xi32, #tpu.memory_space<vmem>>
      %dma_start3A_218 = arith.constant 0 : i32
      %dma_start3A_219 = arith.constant 0 : i32
      %dma_start3A_220 = tpu.memref_slice %arg2[%dma_start3A_218, %dma_start3A_219] : memref<10240x128xf32, #tpu.memory_space<hbm>> -> memref<10240x128xf32, #tpu.memory_space<hbm>>
      tpu.enqueue_indirect_dma source(%dma_start3A_220 : memref<10240x128xf32, #tpu.memory_space<hbm>>) target(%arg8 : memref<128x128xf32, #tpu.memory_space<vmem>>) offsets(%dma_start3A_217 : memref<128xi32, #tpu.memory_space<vmem>>) semaphore(%arg15 : memref<!tpu.dma_semaphore, #tpu.memory_space<semaphore_mem>>)
      %mul3A_221 = arith.constant 2 : i32
      %mul3A_222 = arith.muli %add3A_175, %mul3A_221 : i32
      %add3A_223 = arith.constant 1 : i32
      %add3A_224 = arith.addi %mul3A_222, %add3A_223 : i32
      %gt3A_225 = arith.constant 0 : i32
      %gt3A_226 = arith.cmpi sgt, %add3A_175, %gt3A_225 : i32
      %convert_element_type3A_227 = arith.extui %gt3A_226 : i1 to i32
      %cond3A_228 = arith.constant 0 : i32
      %cond3A_229 = arith.cmpi ne, %convert_element_type3A_227, %cond3A_228 : i32
      scf.if %cond3A_229 {
        %dma_wait3A_428 = arith.constant 1 : i32
        %dma_wait3A_429 = arith.constant 0 : i32
        %dma_wait3A_430 = tpu.memref_slice %arg7[%dma_wait3A_428, %dma_wait3A_429] : memref<4x128xi32, #tpu.memory_space<vmem>> -> memref<1x128xi32, #tpu.memory_space<vmem>>
        %dma_wait3A_431 = tpu.memref_squeeze %dma_wait3A_430 : memref<1x128xi32, #tpu.memory_space<vmem>> -> memref<128xi32, #tpu.memory_space<vmem>>
        %dma_wait3A_432 = arith.constant 0 : i32
        %dma_wait3A_433 = arith.constant 0 : i32
        %dma_wait3A_434 = tpu.memref_slice %arg10[%dma_wait3A_432, %dma_wait3A_433] : memref<10240x128xf32, #tpu.memory_space<vmem_shared>> -> memref<10240x128xf32, #tpu.memory_space<vmem_shared>>
        tpu.wait_indirect_dma semaphore(%arg18 : memref<!tpu.dma_semaphore, #tpu.memory_space<semaphore_mem>>) src(%arg9 : memref<128x128xf32, #tpu.memory_space<vmem>>) dst(%dma_wait3A_434 : memref<10240x128xf32, #tpu.memory_space<vmem_shared>>)
      } else {
      }
      %lt3A_230 = arith.constant 39 : i32
      %lt3A_231 = arith.cmpi slt, %add3A_175, %lt3A_230 : i32
      %convert_element_type3A_232 = arith.extui %lt3A_231 : i1 to i32
      %cond3A_233 = arith.constant 0 : i32
      %cond3A_234 = arith.cmpi ne, %convert_element_type3A_232, %cond3A_233 : i32
      scf.if %cond3A_234 {
        %add3A_428 = arith.addi %mul3A_2, %add3A_224 : i32
        %add3A_429 = arith.constant 2 : i32
        %add3A_430 = arith.addi %add3A_428, %add3A_429 : i32
        %dma_start3A_431 = arith.constant 3 : i32
        %dma_start3A_432 = arith.constant 0 : i32
        %dma_start3A_433 = tpu.memref_slice %arg6[%dma_start3A_431, %dma_start3A_432] : memref<4x128xi32, #tpu.memory_space<vmem>> -> memref<1x128xi32, #tpu.memory_space<vmem>>
        %dma_start3A_434 = tpu.memref_squeeze %dma_start3A_433 : memref<1x128xi32, #tpu.memory_space<vmem>> -> memref<128xi32, #tpu.memory_space<vmem>>
        %dma_start3A_435 = arith.constant 0 : i32
        %dma_start3A_436 = tpu.memref_slice %arg3[%add3A_430, %dma_start3A_435] : memref<2560x128xi32, #tpu.memory_space<hbm>> -> memref<1x128xi32, #tpu.memory_space<hbm>>
        %dma_start3A_437 = tpu.memref_squeeze %dma_start3A_436 : memref<1x128xi32, #tpu.memory_space<hbm>> -> memref<128xi32, #tpu.memory_space<hbm>>
        %dma_start3A_438 = arith.constant 0 : i32
        %dma_start3A_439 = tpu.memref_slice %arg6[%dma_start3A_431, %dma_start3A_438] : memref<4x128xi32, #tpu.memory_space<vmem>> -> memref<1x128xi32, #tpu.memory_space<vmem>>
        %dma_start3A_440 = tpu.memref_squeeze %dma_start3A_439 : memref<1x128xi32, #tpu.memory_space<vmem>> -> memref<128xi32, #tpu.memory_space<vmem>>
        %dma_start3A_441 = arith.constant 0 : i32
        %dma_start3A_442 = tpu.memref_slice %arg3[%add3A_430, %dma_start3A_441] : memref<2560x128xi32, #tpu.memory_space<hbm>> -> memref<1x128xi32, #tpu.memory_space<hbm>>
        %dma_start3A_443 = tpu.memref_squeeze %dma_start3A_442 : memref<1x128xi32, #tpu.memory_space<hbm>> -> memref<128xi32, #tpu.memory_space<hbm>>
        tpu.enqueue_dma source(%dma_start3A_443 : memref<128xi32, #tpu.memory_space<hbm>>) target(%dma_start3A_440 : memref<128xi32, #tpu.memory_space<vmem>>) target_semaphore(%arg14 : memref<!tpu.dma_semaphore, #tpu.memory_space<semaphore_mem>>)
        %add3A_444 = arith.addi %mul3A_2, %add3A_224 : i32
        %add3A_445 = arith.constant 2 : i32
        %add3A_446 = arith.addi %add3A_444, %add3A_445 : i32
        %dma_start3A_447 = arith.constant 3 : i32
        %dma_start3A_448 = arith.constant 0 : i32
        %dma_start3A_449 = tpu.memref_slice %arg7[%dma_start3A_447, %dma_start3A_448] : memref<4x128xi32, #tpu.memory_space<vmem>> -> memref<1x128xi32, #tpu.memory_space<vmem>>
        %dma_start3A_450 = tpu.memref_squeeze %dma_start3A_449 : memref<1x128xi32, #tpu.memory_space<vmem>> -> memref<128xi32, #tpu.memory_space<vmem>>
        %dma_start3A_451 = arith.constant 0 : i32
        %dma_start3A_452 = tpu.memref_slice %arg4[%add3A_446, %dma_start3A_451] : memref<2560x128xi32, #tpu.memory_space<hbm>> -> memref<1x128xi32, #tpu.memory_space<hbm>>
        %dma_start3A_453 = tpu.memref_squeeze %dma_start3A_452 : memref<1x128xi32, #tpu.memory_space<hbm>> -> memref<128xi32, #tpu.memory_space<hbm>>
        %dma_start3A_454 = arith.constant 0 : i32
        %dma_start3A_455 = tpu.memref_slice %arg7[%dma_start3A_447, %dma_start3A_454] : memref<4x128xi32, #tpu.memory_space<vmem>> -> memref<1x128xi32, #tpu.memory_space<vmem>>
        %dma_start3A_456 = tpu.memref_squeeze %dma_start3A_455 : memref<1x128xi32, #tpu.memory_space<vmem>> -> memref<128xi32, #tpu.memory_space<vmem>>
        %dma_start3A_457 = arith.constant 0 : i32
        %dma_start3A_458 = tpu.memref_slice %arg4[%add3A_446, %dma_start3A_457] : memref<2560x128xi32, #tpu.memory_space<hbm>> -> memref<1x128xi32, #tpu.memory_space<hbm>>
        %dma_start3A_459 = tpu.memref_squeeze %dma_start3A_458 : memref<1x128xi32, #tpu.memory_space<hbm>> -> memref<128xi32, #tpu.memory_space<hbm>>
        tpu.enqueue_dma source(%dma_start3A_459 : memref<128xi32, #tpu.memory_space<hbm>>) target(%dma_start3A_456 : memref<128xi32, #tpu.memory_space<vmem>>) target_semaphore(%arg14 : memref<!tpu.dma_semaphore, #tpu.memory_space<semaphore_mem>>)
      } else {
      }
      %add3A_235 = arith.addi %mul3A_2, %add3A_224 : i32
      %dma_wait3A_236 = arith.constant 1 : i32
      %dma_wait3A_237 = arith.constant 0 : i32
      %dma_wait3A_238 = tpu.memref_slice %arg6[%dma_wait3A_236, %dma_wait3A_237] : memref<4x128xi32, #tpu.memory_space<vmem>> -> memref<1x128xi32, #tpu.memory_space<vmem>>
      %dma_wait3A_239 = tpu.memref_squeeze %dma_wait3A_238 : memref<1x128xi32, #tpu.memory_space<vmem>> -> memref<128xi32, #tpu.memory_space<vmem>>
      %dma_wait3A_240 = arith.constant 0 : i32
      %dma_wait3A_241 = tpu.memref_slice %arg3[%add3A_235, %dma_wait3A_240] : memref<2560x128xi32, #tpu.memory_space<hbm>> -> memref<1x128xi32, #tpu.memory_space<hbm>>
      %dma_wait3A_242 = tpu.memref_squeeze %dma_wait3A_241 : memref<1x128xi32, #tpu.memory_space<hbm>> -> memref<128xi32, #tpu.memory_space<hbm>>
      %dma_wait3A_243 = arith.constant 0 : i32
      %dma_wait3A_244 = tpu.memref_slice %arg6[%dma_wait3A_236, %dma_wait3A_243] : memref<4x128xi32, #tpu.memory_space<vmem>> -> memref<1x128xi32, #tpu.memory_space<vmem>>
      %dma_wait3A_245 = tpu.memref_squeeze %dma_wait3A_244 : memref<1x128xi32, #tpu.memory_space<vmem>> -> memref<128xi32, #tpu.memory_space<vmem>>
      %dma_wait3A_246 = arith.constant 0 : i32
      %dma_wait3A_247 = tpu.memref_slice %arg3[%add3A_235, %dma_wait3A_246] : memref<2560x128xi32, #tpu.memory_space<hbm>> -> memref<1x128xi32, #tpu.memory_space<hbm>>
      %dma_wait3A_248 = tpu.memref_squeeze %dma_wait3A_247 : memref<1x128xi32, #tpu.memory_space<hbm>> -> memref<128xi32, #tpu.memory_space<hbm>>
      tpu.wait_dma2 semaphore(%arg12 : memref<!tpu.dma_semaphore, #tpu.memory_space<semaphore_mem>>) src(%dma_wait3A_248 : memref<128xi32, #tpu.memory_space<hbm>>) dst(%dma_wait3A_245 : memref<128xi32, #tpu.memory_space<vmem>>)
      %add3A_249 = arith.addi %mul3A_2, %add3A_224 : i32
      %dma_wait3A_250 = arith.constant 1 : i32
      %dma_wait3A_251 = arith.constant 0 : i32
      %dma_wait3A_252 = tpu.memref_slice %arg7[%dma_wait3A_250, %dma_wait3A_251] : memref<4x128xi32, #tpu.memory_space<vmem>> -> memref<1x128xi32, #tpu.memory_space<vmem>>
      %dma_wait3A_253 = tpu.memref_squeeze %dma_wait3A_252 : memref<1x128xi32, #tpu.memory_space<vmem>> -> memref<128xi32, #tpu.memory_space<vmem>>
      %dma_wait3A_254 = arith.constant 0 : i32
      %dma_wait3A_255 = tpu.memref_slice %arg4[%add3A_249, %dma_wait3A_254] : memref<2560x128xi32, #tpu.memory_space<hbm>> -> memref<1x128xi32, #tpu.memory_space<hbm>>
      %dma_wait3A_256 = tpu.memref_squeeze %dma_wait3A_255 : memref<1x128xi32, #tpu.memory_space<hbm>> -> memref<128xi32, #tpu.memory_space<hbm>>
      %dma_wait3A_257 = arith.constant 0 : i32
      %dma_wait3A_258 = tpu.memref_slice %arg7[%dma_wait3A_250, %dma_wait3A_257] : memref<4x128xi32, #tpu.memory_space<vmem>> -> memref<1x128xi32, #tpu.memory_space<vmem>>
      %dma_wait3A_259 = tpu.memref_squeeze %dma_wait3A_258 : memref<1x128xi32, #tpu.memory_space<vmem>> -> memref<128xi32, #tpu.memory_space<vmem>>
      %dma_wait3A_260 = arith.constant 0 : i32
      %dma_wait3A_261 = tpu.memref_slice %arg4[%add3A_249, %dma_wait3A_260] : memref<2560x128xi32, #tpu.memory_space<hbm>> -> memref<1x128xi32, #tpu.memory_space<hbm>>
      %dma_wait3A_262 = tpu.memref_squeeze %dma_wait3A_261 : memref<1x128xi32, #tpu.memory_space<hbm>> -> memref<128xi32, #tpu.memory_space<hbm>>
      tpu.wait_dma2 semaphore(%arg12 : memref<!tpu.dma_semaphore, #tpu.memory_space<semaphore_mem>>) src(%dma_wait3A_262 : memref<128xi32, #tpu.memory_space<hbm>>) dst(%dma_wait3A_259 : memref<128xi32, #tpu.memory_space<vmem>>)
      %dma_start3A_263 = arith.constant 1 : i32
      %dma_start3A_264 = arith.constant 0 : i32
      %dma_start3A_265 = tpu.memref_slice %arg6[%dma_start3A_263, %dma_start3A_264] : memref<4x128xi32, #tpu.memory_space<vmem>> -> memref<1x128xi32, #tpu.memory_space<vmem>>
      %dma_start3A_266 = tpu.memref_squeeze %dma_start3A_265 : memref<1x128xi32, #tpu.memory_space<vmem>> -> memref<128xi32, #tpu.memory_space<vmem>>
      %dma_start3A_267 = arith.constant 0 : i32
      %dma_start3A_268 = arith.constant 0 : i32
      %dma_start3A_269 = tpu.memref_slice %arg2[%dma_start3A_267, %dma_start3A_268] : memref<10240x128xf32, #tpu.memory_space<hbm>> -> memref<10240x128xf32, #tpu.memory_space<hbm>>
      tpu.enqueue_indirect_dma source(%dma_start3A_269 : memref<10240x128xf32, #tpu.memory_space<hbm>>) target(%arg9 : memref<128x128xf32, #tpu.memory_space<vmem>>) offsets(%dma_start3A_266 : memref<128xi32, #tpu.memory_space<vmem>>) semaphore(%arg16 : memref<!tpu.dma_semaphore, #tpu.memory_space<semaphore_mem>>)
      %dma_wait3A_270 = arith.constant 0 : i32
      %dma_wait3A_271 = arith.constant 0 : i32
      %dma_wait3A_272 = tpu.memref_slice %arg6[%dma_wait3A_270, %dma_wait3A_271] : memref<4x128xi32, #tpu.memory_space<vmem>> -> memref<1x128xi32, #tpu.memory_space<vmem>>
      %dma_wait3A_273 = tpu.memref_squeeze %dma_wait3A_272 : memref<1x128xi32, #tpu.memory_space<vmem>> -> memref<128xi32, #tpu.memory_space<vmem>>
      %dma_wait3A_274 = arith.constant 0 : i32
      %dma_wait3A_275 = arith.constant 0 : i32
      %dma_wait3A_276 = tpu.memref_slice %arg2[%dma_wait3A_274, %dma_wait3A_275] : memref<10240x128xf32, #tpu.memory_space<hbm>> -> memref<10240x128xf32, #tpu.memory_space<hbm>>
      tpu.wait_indirect_dma semaphore(%arg15 : memref<!tpu.dma_semaphore, #tpu.memory_space<semaphore_mem>>) src(%dma_wait3A_276 : memref<10240x128xf32, #tpu.memory_space<hbm>>) dst(%arg8 : memref<128x128xf32, #tpu.memory_space<vmem>>)
      %dma_start3A_277 = arith.constant 0 : i32
      %dma_start3A_278 = arith.constant 0 : i32
      %dma_start3A_279 = tpu.memref_slice %arg7[%dma_start3A_277, %dma_start3A_278] : memref<4x128xi32, #tpu.memory_space<vmem>> -> memref<1x128xi32, #tpu.memory_space<vmem>>
      %dma_start3A_280 = tpu.memref_squeeze %dma_start3A_279 : memref<1x128xi32, #tpu.memory_space<vmem>> -> memref<128xi32, #tpu.memory_space<vmem>>
      %dma_start3A_281 = arith.constant 0 : i32
      %dma_start3A_282 = arith.constant 0 : i32
      %dma_start3A_283 = tpu.memref_slice %arg10[%dma_start3A_281, %dma_start3A_282] : memref<10240x128xf32, #tpu.memory_space<vmem_shared>> -> memref<10240x128xf32, #tpu.memory_space<vmem_shared>>
      tpu.enqueue_indirect_dma source(%arg8 : memref<128x128xf32, #tpu.memory_space<vmem>>) target(%dma_start3A_283 : memref<10240x128xf32, #tpu.memory_space<vmem_shared>>) offsets(%dma_start3A_280 : memref<128xi32, #tpu.memory_space<vmem>>) semaphore(%arg17 : memref<!tpu.dma_semaphore, #tpu.memory_space<semaphore_mem>>) {add = true}
      %dma_wait3A_284 = arith.constant 1 : i32
      %dma_wait3A_285 = arith.constant 0 : i32
      %dma_wait3A_286 = tpu.memref_slice %arg6[%dma_wait3A_284, %dma_wait3A_285] : memref<4x128xi32, #tpu.memory_space<vmem>> -> memref<1x128xi32, #tpu.memory_space<vmem>>
      %dma_wait3A_287 = tpu.memref_squeeze %dma_wait3A_286 : memref<1x128xi32, #tpu.memory_space<vmem>> -> memref<128xi32, #tpu.memory_space<vmem>>
      %dma_wait3A_288 = arith.constant 0 : i32
      %dma_wait3A_289 = arith.constant 0 : i32
      %dma_wait3A_290 = tpu.memref_slice %arg2[%dma_wait3A_288, %dma_wait3A_289] : memref<10240x128xf32, #tpu.memory_space<hbm>> -> memref<10240x128xf32, #tpu.memory_space<hbm>>
      tpu.wait_indirect_dma semaphore(%arg16 : memref<!tpu.dma_semaphore, #tpu.memory_space<semaphore_mem>>) src(%dma_wait3A_290 : memref<10240x128xf32, #tpu.memory_space<hbm>>) dst(%arg9 : memref<128x128xf32, #tpu.memory_space<vmem>>)
      %dma_start3A_291 = arith.constant 1 : i32
      %dma_start3A_292 = arith.constant 0 : i32
      %dma_start3A_293 = tpu.memref_slice %arg7[%dma_start3A_291, %dma_start3A_292] : memref<4x128xi32, #tpu.memory_space<vmem>> -> memref<1x128xi32, #tpu.memory_space<vmem>>
      %dma_start3A_294 = tpu.memref_squeeze %dma_start3A_293 : memref<1x128xi32, #tpu.memory_space<vmem>> -> memref<128xi32, #tpu.memory_space<vmem>>
      %dma_start3A_295 = arith.constant 0 : i32
      %dma_start3A_296 = arith.constant 0 : i32
      %dma_start3A_297 = tpu.memref_slice %arg10[%dma_start3A_295, %dma_start3A_296] : memref<10240x128xf32, #tpu.memory_space<vmem_shared>> -> memref<10240x128xf32, #tpu.memory_space<vmem_shared>>
      tpu.enqueue_indirect_dma source(%arg9 : memref<128x128xf32, #tpu.memory_space<vmem>>) target(%dma_start3A_297 : memref<10240x128xf32, #tpu.memory_space<vmem_shared>>) offsets(%dma_start3A_294 : memref<128xi32, #tpu.memory_space<vmem>>) semaphore(%arg18 : memref<!tpu.dma_semaphore, #tpu.memory_space<semaphore_mem>>) {add = true}
      %mul3A_298 = arith.constant 2 : i32
      %mul3A_299 = arith.muli %scan3A_171, %mul3A_298 : i32
      %add3A_300 = arith.constant 1 : i32
      %add3A_301 = arith.addi %mul3A_299, %add3A_300 : i32
      %mul3A_302 = arith.constant 2 : i32
      %mul3A_303 = arith.muli %add3A_301, %mul3A_302 : i32
      %add3A_304 = arith.constant 0 : i32
      %add3A_305 = arith.addi %mul3A_303, %add3A_304 : i32
      %gt3A_306 = arith.constant 0 : i32
      %gt3A_307 = arith.cmpi sgt, %add3A_301, %gt3A_306 : i32
      %convert_element_type3A_308 = arith.extui %gt3A_307 : i1 to i32
      %cond3A_309 = arith.constant 0 : i32
      %cond3A_310 = arith.cmpi ne, %convert_element_type3A_308, %cond3A_309 : i32
      scf.if %cond3A_310 {
        %dma_wait3A_428 = arith.constant 2 : i32
        %dma_wait3A_429 = arith.constant 0 : i32
        %dma_wait3A_430 = tpu.memref_slice %arg7[%dma_wait3A_428, %dma_wait3A_429] : memref<4x128xi32, #tpu.memory_space<vmem>> -> memref<1x128xi32, #tpu.memory_space<vmem>>
        %dma_wait3A_431 = tpu.memref_squeeze %dma_wait3A_430 : memref<1x128xi32, #tpu.memory_space<vmem>> -> memref<128xi32, #tpu.memory_space<vmem>>
        %dma_wait3A_432 = arith.constant 0 : i32
        %dma_wait3A_433 = arith.constant 0 : i32
        %dma_wait3A_434 = tpu.memref_slice %arg10[%dma_wait3A_432, %dma_wait3A_433] : memref<10240x128xf32, #tpu.memory_space<vmem_shared>> -> memref<10240x128xf32, #tpu.memory_space<vmem_shared>>
        tpu.wait_indirect_dma semaphore(%arg17 : memref<!tpu.dma_semaphore, #tpu.memory_space<semaphore_mem>>) src(%arg8 : memref<128x128xf32, #tpu.memory_space<vmem>>) dst(%dma_wait3A_434 : memref<10240x128xf32, #tpu.memory_space<vmem_shared>>)
      } else {
      }
      %lt3A_311 = arith.constant 39 : i32
      %lt3A_312 = arith.cmpi slt, %add3A_301, %lt3A_311 : i32
      %convert_element_type3A_313 = arith.extui %lt3A_312 : i1 to i32
      %cond3A_314 = arith.constant 0 : i32
      %cond3A_315 = arith.cmpi ne, %convert_element_type3A_313, %cond3A_314 : i32
      scf.if %cond3A_315 {
        %add3A_428 = arith.addi %mul3A_2, %add3A_305 : i32
        %add3A_429 = arith.constant 2 : i32
        %add3A_430 = arith.addi %add3A_428, %add3A_429 : i32
        %dma_start3A_431 = arith.constant 0 : i32
        %dma_start3A_432 = arith.constant 0 : i32
        %dma_start3A_433 = tpu.memref_slice %arg6[%dma_start3A_431, %dma_start3A_432] : memref<4x128xi32, #tpu.memory_space<vmem>> -> memref<1x128xi32, #tpu.memory_space<vmem>>
        %dma_start3A_434 = tpu.memref_squeeze %dma_start3A_433 : memref<1x128xi32, #tpu.memory_space<vmem>> -> memref<128xi32, #tpu.memory_space<vmem>>
        %dma_start3A_435 = arith.constant 0 : i32
        %dma_start3A_436 = tpu.memref_slice %arg3[%add3A_430, %dma_start3A_435] : memref<2560x128xi32, #tpu.memory_space<hbm>> -> memref<1x128xi32, #tpu.memory_space<hbm>>
        %dma_start3A_437 = tpu.memref_squeeze %dma_start3A_436 : memref<1x128xi32, #tpu.memory_space<hbm>> -> memref<128xi32, #tpu.memory_space<hbm>>
        %dma_start3A_438 = arith.constant 0 : i32
        %dma_start3A_439 = tpu.memref_slice %arg6[%dma_start3A_431, %dma_start3A_438] : memref<4x128xi32, #tpu.memory_space<vmem>> -> memref<1x128xi32, #tpu.memory_space<vmem>>
        %dma_start3A_440 = tpu.memref_squeeze %dma_start3A_439 : memref<1x128xi32, #tpu.memory_space<vmem>> -> memref<128xi32, #tpu.memory_space<vmem>>
        %dma_start3A_441 = arith.constant 0 : i32
        %dma_start3A_442 = tpu.memref_slice %arg3[%add3A_430, %dma_start3A_441] : memref<2560x128xi32, #tpu.memory_space<hbm>> -> memref<1x128xi32, #tpu.memory_space<hbm>>
        %dma_start3A_443 = tpu.memref_squeeze %dma_start3A_442 : memref<1x128xi32, #tpu.memory_space<hbm>> -> memref<128xi32, #tpu.memory_space<hbm>>
        tpu.enqueue_dma source(%dma_start3A_443 : memref<128xi32, #tpu.memory_space<hbm>>) target(%dma_start3A_440 : memref<128xi32, #tpu.memory_space<vmem>>) target_semaphore(%arg11 : memref<!tpu.dma_semaphore, #tpu.memory_space<semaphore_mem>>)
        %add3A_444 = arith.addi %mul3A_2, %add3A_305 : i32
        %add3A_445 = arith.constant 2 : i32
        %add3A_446 = arith.addi %add3A_444, %add3A_445 : i32
        %dma_start3A_447 = arith.constant 0 : i32
        %dma_start3A_448 = arith.constant 0 : i32
        %dma_start3A_449 = tpu.memref_slice %arg7[%dma_start3A_447, %dma_start3A_448] : memref<4x128xi32, #tpu.memory_space<vmem>> -> memref<1x128xi32, #tpu.memory_space<vmem>>
        %dma_start3A_450 = tpu.memref_squeeze %dma_start3A_449 : memref<1x128xi32, #tpu.memory_space<vmem>> -> memref<128xi32, #tpu.memory_space<vmem>>
        %dma_start3A_451 = arith.constant 0 : i32
        %dma_start3A_452 = tpu.memref_slice %arg4[%add3A_446, %dma_start3A_451] : memref<2560x128xi32, #tpu.memory_space<hbm>> -> memref<1x128xi32, #tpu.memory_space<hbm>>
        %dma_start3A_453 = tpu.memref_squeeze %dma_start3A_452 : memref<1x128xi32, #tpu.memory_space<hbm>> -> memref<128xi32, #tpu.memory_space<hbm>>
        %dma_start3A_454 = arith.constant 0 : i32
        %dma_start3A_455 = tpu.memref_slice %arg7[%dma_start3A_447, %dma_start3A_454] : memref<4x128xi32, #tpu.memory_space<vmem>> -> memref<1x128xi32, #tpu.memory_space<vmem>>
        %dma_start3A_456 = tpu.memref_squeeze %dma_start3A_455 : memref<1x128xi32, #tpu.memory_space<vmem>> -> memref<128xi32, #tpu.memory_space<vmem>>
        %dma_start3A_457 = arith.constant 0 : i32
        %dma_start3A_458 = tpu.memref_slice %arg4[%add3A_446, %dma_start3A_457] : memref<2560x128xi32, #tpu.memory_space<hbm>> -> memref<1x128xi32, #tpu.memory_space<hbm>>
        %dma_start3A_459 = tpu.memref_squeeze %dma_start3A_458 : memref<1x128xi32, #tpu.memory_space<hbm>> -> memref<128xi32, #tpu.memory_space<hbm>>
        tpu.enqueue_dma source(%dma_start3A_459 : memref<128xi32, #tpu.memory_space<hbm>>) target(%dma_start3A_456 : memref<128xi32, #tpu.memory_space<vmem>>) target_semaphore(%arg11 : memref<!tpu.dma_semaphore, #tpu.memory_space<semaphore_mem>>)
      } else {
      }
      %add3A_316 = arith.addi %mul3A_2, %add3A_305 : i32
      %dma_wait3A_317 = arith.constant 2 : i32
      %dma_wait3A_318 = arith.constant 0 : i32
      %dma_wait3A_319 = tpu.memref_slice %arg6[%dma_wait3A_317, %dma_wait3A_318] : memref<4x128xi32, #tpu.memory_space<vmem>> -> memref<1x128xi32, #tpu.memory_space<vmem>>
      %dma_wait3A_320 = tpu.memref_squeeze %dma_wait3A_319 : memref<1x128xi32, #tpu.memory_space<vmem>> -> memref<128xi32, #tpu.memory_space<vmem>>
      %dma_wait3A_321 = arith.constant 0 : i32
      %dma_wait3A_322 = tpu.memref_slice %arg3[%add3A_316, %dma_wait3A_321] : memref<2560x128xi32, #tpu.memory_space<hbm>> -> memref<1x128xi32, #tpu.memory_space<hbm>>
      %dma_wait3A_323 = tpu.memref_squeeze %dma_wait3A_322 : memref<1x128xi32, #tpu.memory_space<hbm>> -> memref<128xi32, #tpu.memory_space<hbm>>
      %dma_wait3A_324 = arith.constant 0 : i32
      %dma_wait3A_325 = tpu.memref_slice %arg6[%dma_wait3A_317, %dma_wait3A_324] : memref<4x128xi32, #tpu.memory_space<vmem>> -> memref<1x128xi32, #tpu.memory_space<vmem>>
      %dma_wait3A_326 = tpu.memref_squeeze %dma_wait3A_325 : memref<1x128xi32, #tpu.memory_space<vmem>> -> memref<128xi32, #tpu.memory_space<vmem>>
      %dma_wait3A_327 = arith.constant 0 : i32
      %dma_wait3A_328 = tpu.memref_slice %arg3[%add3A_316, %dma_wait3A_327] : memref<2560x128xi32, #tpu.memory_space<hbm>> -> memref<1x128xi32, #tpu.memory_space<hbm>>
      %dma_wait3A_329 = tpu.memref_squeeze %dma_wait3A_328 : memref<1x128xi32, #tpu.memory_space<hbm>> -> memref<128xi32, #tpu.memory_space<hbm>>
      tpu.wait_dma2 semaphore(%arg13 : memref<!tpu.dma_semaphore, #tpu.memory_space<semaphore_mem>>) src(%dma_wait3A_329 : memref<128xi32, #tpu.memory_space<hbm>>) dst(%dma_wait3A_326 : memref<128xi32, #tpu.memory_space<vmem>>)
      %add3A_330 = arith.addi %mul3A_2, %add3A_305 : i32
      %dma_wait3A_331 = arith.constant 2 : i32
      %dma_wait3A_332 = arith.constant 0 : i32
      %dma_wait3A_333 = tpu.memref_slice %arg7[%dma_wait3A_331, %dma_wait3A_332] : memref<4x128xi32, #tpu.memory_space<vmem>> -> memref<1x128xi32, #tpu.memory_space<vmem>>
      %dma_wait3A_334 = tpu.memref_squeeze %dma_wait3A_333 : memref<1x128xi32, #tpu.memory_space<vmem>> -> memref<128xi32, #tpu.memory_space<vmem>>
      %dma_wait3A_335 = arith.constant 0 : i32
      %dma_wait3A_336 = tpu.memref_slice %arg4[%add3A_330, %dma_wait3A_335] : memref<2560x128xi32, #tpu.memory_space<hbm>> -> memref<1x128xi32, #tpu.memory_space<hbm>>
      %dma_wait3A_337 = tpu.memref_squeeze %dma_wait3A_336 : memref<1x128xi32, #tpu.memory_space<hbm>> -> memref<128xi32, #tpu.memory_space<hbm>>
      %dma_wait3A_338 = arith.constant 0 : i32
      %dma_wait3A_339 = tpu.memref_slice %arg7[%dma_wait3A_331, %dma_wait3A_338] : memref<4x128xi32, #tpu.memory_space<vmem>> -> memref<1x128xi32, #tpu.memory_space<vmem>>
      %dma_wait3A_340 = tpu.memref_squeeze %dma_wait3A_339 : memref<1x128xi32, #tpu.memory_space<vmem>> -> memref<128xi32, #tpu.memory_space<vmem>>
      %dma_wait3A_341 = arith.constant 0 : i32
      %dma_wait3A_342 = tpu.memref_slice %arg4[%add3A_330, %dma_wait3A_341] : memref<2560x128xi32, #tpu.memory_space<hbm>> -> memref<1x128xi32, #tpu.memory_space<hbm>>
      %dma_wait3A_343 = tpu.memref_squeeze %dma_wait3A_342 : memref<1x128xi32, #tpu.memory_space<hbm>> -> memref<128xi32, #tpu.memory_space<hbm>>
      tpu.wait_dma2 semaphore(%arg13 : memref<!tpu.dma_semaphore, #tpu.memory_space<semaphore_mem>>) src(%dma_wait3A_343 : memref<128xi32, #tpu.memory_space<hbm>>) dst(%dma_wait3A_340 : memref<128xi32, #tpu.memory_space<vmem>>)
      %dma_start3A_344 = arith.constant 2 : i32
      %dma_start3A_345 = arith.constant 0 : i32
      %dma_start3A_346 = tpu.memref_slice %arg6[%dma_start3A_344, %dma_start3A_345] : memref<4x128xi32, #tpu.memory_space<vmem>> -> memref<1x128xi32, #tpu.memory_space<vmem>>
      %dma_start3A_347 = tpu.memref_squeeze %dma_start3A_346 : memref<1x128xi32, #tpu.memory_space<vmem>> -> memref<128xi32, #tpu.memory_space<vmem>>
      %dma_start3A_348 = arith.constant 0 : i32
      %dma_start3A_349 = arith.constant 0 : i32
      %dma_start3A_350 = tpu.memref_slice %arg2[%dma_start3A_348, %dma_start3A_349] : memref<10240x128xf32, #tpu.memory_space<hbm>> -> memref<10240x128xf32, #tpu.memory_space<hbm>>
      tpu.enqueue_indirect_dma source(%dma_start3A_350 : memref<10240x128xf32, #tpu.memory_space<hbm>>) target(%arg8 : memref<128x128xf32, #tpu.memory_space<vmem>>) offsets(%dma_start3A_347 : memref<128xi32, #tpu.memory_space<vmem>>) semaphore(%arg15 : memref<!tpu.dma_semaphore, #tpu.memory_space<semaphore_mem>>)
      %mul3A_351 = arith.constant 2 : i32
      %mul3A_352 = arith.muli %add3A_301, %mul3A_351 : i32
      %add3A_353 = arith.constant 1 : i32
      %add3A_354 = arith.addi %mul3A_352, %add3A_353 : i32
      %gt3A_355 = arith.constant 0 : i32
      %gt3A_356 = arith.cmpi sgt, %add3A_301, %gt3A_355 : i32
      %convert_element_type3A_357 = arith.extui %gt3A_356 : i1 to i32
      %cond3A_358 = arith.constant 0 : i32
      %cond3A_359 = arith.cmpi ne, %convert_element_type3A_357, %cond3A_358 : i32
      scf.if %cond3A_359 {
        %dma_wait3A_428 = arith.constant 3 : i32
        %dma_wait3A_429 = arith.constant 0 : i32
        %dma_wait3A_430 = tpu.memref_slice %arg7[%dma_wait3A_428, %dma_wait3A_429] : memref<4x128xi32, #tpu.memory_space<vmem>> -> memref<1x128xi32, #tpu.memory_space<vmem>>
        %dma_wait3A_431 = tpu.memref_squeeze %dma_wait3A_430 : memref<1x128xi32, #tpu.memory_space<vmem>> -> memref<128xi32, #tpu.memory_space<vmem>>
        %dma_wait3A_432 = arith.constant 0 : i32
        %dma_wait3A_433 = arith.constant 0 : i32
        %dma_wait3A_434 = tpu.memref_slice %arg10[%dma_wait3A_432, %dma_wait3A_433] : memref<10240x128xf32, #tpu.memory_space<vmem_shared>> -> memref<10240x128xf32, #tpu.memory_space<vmem_shared>>
        tpu.wait_indirect_dma semaphore(%arg18 : memref<!tpu.dma_semaphore, #tpu.memory_space<semaphore_mem>>) src(%arg9 : memref<128x128xf32, #tpu.memory_space<vmem>>) dst(%dma_wait3A_434 : memref<10240x128xf32, #tpu.memory_space<vmem_shared>>)
      } else {
      }
      %lt3A_360 = arith.constant 39 : i32
      %lt3A_361 = arith.cmpi slt, %add3A_301, %lt3A_360 : i32
      %convert_element_type3A_362 = arith.extui %lt3A_361 : i1 to i32
      %cond3A_363 = arith.constant 0 : i32
      %cond3A_364 = arith.cmpi ne, %convert_element_type3A_362, %cond3A_363 : i32
      scf.if %cond3A_364 {
        %add3A_428 = arith.addi %mul3A_2, %add3A_354 : i32
        %add3A_429 = arith.constant 2 : i32
        %add3A_430 = arith.addi %add3A_428, %add3A_429 : i32
        %dma_start3A_431 = arith.constant 1 : i32
        %dma_start3A_432 = arith.constant 0 : i32
        %dma_start3A_433 = tpu.memref_slice %arg6[%dma_start3A_431, %dma_start3A_432] : memref<4x128xi32, #tpu.memory_space<vmem>> -> memref<1x128xi32, #tpu.memory_space<vmem>>
        %dma_start3A_434 = tpu.memref_squeeze %dma_start3A_433 : memref<1x128xi32, #tpu.memory_space<vmem>> -> memref<128xi32, #tpu.memory_space<vmem>>
        %dma_start3A_435 = arith.constant 0 : i32
        %dma_start3A_436 = tpu.memref_slice %arg3[%add3A_430, %dma_start3A_435] : memref<2560x128xi32, #tpu.memory_space<hbm>> -> memref<1x128xi32, #tpu.memory_space<hbm>>
        %dma_start3A_437 = tpu.memref_squeeze %dma_start3A_436 : memref<1x128xi32, #tpu.memory_space<hbm>> -> memref<128xi32, #tpu.memory_space<hbm>>
        %dma_start3A_438 = arith.constant 0 : i32
        %dma_start3A_439 = tpu.memref_slice %arg6[%dma_start3A_431, %dma_start3A_438] : memref<4x128xi32, #tpu.memory_space<vmem>> -> memref<1x128xi32, #tpu.memory_space<vmem>>
        %dma_start3A_440 = tpu.memref_squeeze %dma_start3A_439 : memref<1x128xi32, #tpu.memory_space<vmem>> -> memref<128xi32, #tpu.memory_space<vmem>>
        %dma_start3A_441 = arith.constant 0 : i32
        %dma_start3A_442 = tpu.memref_slice %arg3[%add3A_430, %dma_start3A_441] : memref<2560x128xi32, #tpu.memory_space<hbm>> -> memref<1x128xi32, #tpu.memory_space<hbm>>
        %dma_start3A_443 = tpu.memref_squeeze %dma_start3A_442 : memref<1x128xi32, #tpu.memory_space<hbm>> -> memref<128xi32, #tpu.memory_space<hbm>>
        tpu.enqueue_dma source(%dma_start3A_443 : memref<128xi32, #tpu.memory_space<hbm>>) target(%dma_start3A_440 : memref<128xi32, #tpu.memory_space<vmem>>) target_semaphore(%arg12 : memref<!tpu.dma_semaphore, #tpu.memory_space<semaphore_mem>>)
        %add3A_444 = arith.addi %mul3A_2, %add3A_354 : i32
        %add3A_445 = arith.constant 2 : i32
        %add3A_446 = arith.addi %add3A_444, %add3A_445 : i32
        %dma_start3A_447 = arith.constant 1 : i32
        %dma_start3A_448 = arith.constant 0 : i32
        %dma_start3A_449 = tpu.memref_slice %arg7[%dma_start3A_447, %dma_start3A_448] : memref<4x128xi32, #tpu.memory_space<vmem>> -> memref<1x128xi32, #tpu.memory_space<vmem>>
        %dma_start3A_450 = tpu.memref_squeeze %dma_start3A_449 : memref<1x128xi32, #tpu.memory_space<vmem>> -> memref<128xi32, #tpu.memory_space<vmem>>
        %dma_start3A_451 = arith.constant 0 : i32
        %dma_start3A_452 = tpu.memref_slice %arg4[%add3A_446, %dma_start3A_451] : memref<2560x128xi32, #tpu.memory_space<hbm>> -> memref<1x128xi32, #tpu.memory_space<hbm>>
        %dma_start3A_453 = tpu.memref_squeeze %dma_start3A_452 : memref<1x128xi32, #tpu.memory_space<hbm>> -> memref<128xi32, #tpu.memory_space<hbm>>
        %dma_start3A_454 = arith.constant 0 : i32
        %dma_start3A_455 = tpu.memref_slice %arg7[%dma_start3A_447, %dma_start3A_454] : memref<4x128xi32, #tpu.memory_space<vmem>> -> memref<1x128xi32, #tpu.memory_space<vmem>>
        %dma_start3A_456 = tpu.memref_squeeze %dma_start3A_455 : memref<1x128xi32, #tpu.memory_space<vmem>> -> memref<128xi32, #tpu.memory_space<vmem>>
        %dma_start3A_457 = arith.constant 0 : i32
        %dma_start3A_458 = tpu.memref_slice %arg4[%add3A_446, %dma_start3A_457] : memref<2560x128xi32, #tpu.memory_space<hbm>> -> memref<1x128xi32, #tpu.memory_space<hbm>>
        %dma_start3A_459 = tpu.memref_squeeze %dma_start3A_458 : memref<1x128xi32, #tpu.memory_space<hbm>> -> memref<128xi32, #tpu.memory_space<hbm>>
        tpu.enqueue_dma source(%dma_start3A_459 : memref<128xi32, #tpu.memory_space<hbm>>) target(%dma_start3A_456 : memref<128xi32, #tpu.memory_space<vmem>>) target_semaphore(%arg12 : memref<!tpu.dma_semaphore, #tpu.memory_space<semaphore_mem>>)
      } else {
      }
      %add3A_365 = arith.addi %mul3A_2, %add3A_354 : i32
      %dma_wait3A_366 = arith.constant 3 : i32
      %dma_wait3A_367 = arith.constant 0 : i32
      %dma_wait3A_368 = tpu.memref_slice %arg6[%dma_wait3A_366, %dma_wait3A_367] : memref<4x128xi32, #tpu.memory_space<vmem>> -> memref<1x128xi32, #tpu.memory_space<vmem>>
      %dma_wait3A_369 = tpu.memref_squeeze %dma_wait3A_368 : memref<1x128xi32, #tpu.memory_space<vmem>> -> memref<128xi32, #tpu.memory_space<vmem>>
      %dma_wait3A_370 = arith.constant 0 : i32
      %dma_wait3A_371 = tpu.memref_slice %arg3[%add3A_365, %dma_wait3A_370] : memref<2560x128xi32, #tpu.memory_space<hbm>> -> memref<1x128xi32, #tpu.memory_space<hbm>>
      %dma_wait3A_372 = tpu.memref_squeeze %dma_wait3A_371 : memref<1x128xi32, #tpu.memory_space<hbm>> -> memref<128xi32, #tpu.memory_space<hbm>>
      %dma_wait3A_373 = arith.constant 0 : i32
      %dma_wait3A_374 = tpu.memref_slice %arg6[%dma_wait3A_366, %dma_wait3A_373] : memref<4x128xi32, #tpu.memory_space<vmem>> -> memref<1x128xi32, #tpu.memory_space<vmem>>
      %dma_wait3A_375 = tpu.memref_squeeze %dma_wait3A_374 : memref<1x128xi32, #tpu.memory_space<vmem>> -> memref<128xi32, #tpu.memory_space<vmem>>
      %dma_wait3A_376 = arith.constant 0 : i32
      %dma_wait3A_377 = tpu.memref_slice %arg3[%add3A_365, %dma_wait3A_376] : memref<2560x128xi32, #tpu.memory_space<hbm>> -> memref<1x128xi32, #tpu.memory_space<hbm>>
      %dma_wait3A_378 = tpu.memref_squeeze %dma_wait3A_377 : memref<1x128xi32, #tpu.memory_space<hbm>> -> memref<128xi32, #tpu.memory_space<hbm>>
      tpu.wait_dma2 semaphore(%arg14 : memref<!tpu.dma_semaphore, #tpu.memory_space<semaphore_mem>>) src(%dma_wait3A_378 : memref<128xi32, #tpu.memory_space<hbm>>) dst(%dma_wait3A_375 : memref<128xi32, #tpu.memory_space<vmem>>)
      %add3A_379 = arith.addi %mul3A_2, %add3A_354 : i32
      %dma_wait3A_380 = arith.constant 3 : i32
      %dma_wait3A_381 = arith.constant 0 : i32
      %dma_wait3A_382 = tpu.memref_slice %arg7[%dma_wait3A_380, %dma_wait3A_381] : memref<4x128xi32, #tpu.memory_space<vmem>> -> memref<1x128xi32, #tpu.memory_space<vmem>>
      %dma_wait3A_383 = tpu.memref_squeeze %dma_wait3A_382 : memref<1x128xi32, #tpu.memory_space<vmem>> -> memref<128xi32, #tpu.memory_space<vmem>>
      %dma_wait3A_384 = arith.constant 0 : i32
      %dma_wait3A_385 = tpu.memref_slice %arg4[%add3A_379, %dma_wait3A_384] : memref<2560x128xi32, #tpu.memory_space<hbm>> -> memref<1x128xi32, #tpu.memory_space<hbm>>
      %dma_wait3A_386 = tpu.memref_squeeze %dma_wait3A_385 : memref<1x128xi32, #tpu.memory_space<hbm>> -> memref<128xi32, #tpu.memory_space<hbm>>
      %dma_wait3A_387 = arith.constant 0 : i32
      %dma_wait3A_388 = tpu.memref_slice %arg7[%dma_wait3A_380, %dma_wait3A_387] : memref<4x128xi32, #tpu.memory_space<vmem>> -> memref<1x128xi32, #tpu.memory_space<vmem>>
      %dma_wait3A_389 = tpu.memref_squeeze %dma_wait3A_388 : memref<1x128xi32, #tpu.memory_space<vmem>> -> memref<128xi32, #tpu.memory_space<vmem>>
      %dma_wait3A_390 = arith.constant 0 : i32
      %dma_wait3A_391 = tpu.memref_slice %arg4[%add3A_379, %dma_wait3A_390] : memref<2560x128xi32, #tpu.memory_space<hbm>> -> memref<1x128xi32, #tpu.memory_space<hbm>>
      %dma_wait3A_392 = tpu.memref_squeeze %dma_wait3A_391 : memref<1x128xi32, #tpu.memory_space<hbm>> -> memref<128xi32, #tpu.memory_space<hbm>>
      tpu.wait_dma2 semaphore(%arg14 : memref<!tpu.dma_semaphore, #tpu.memory_space<semaphore_mem>>) src(%dma_wait3A_392 : memref<128xi32, #tpu.memory_space<hbm>>) dst(%dma_wait3A_389 : memref<128xi32, #tpu.memory_space<vmem>>)
      %dma_start3A_393 = arith.constant 3 : i32
      %dma_start3A_394 = arith.constant 0 : i32
      %dma_start3A_395 = tpu.memref_slice %arg6[%dma_start3A_393, %dma_start3A_394] : memref<4x128xi32, #tpu.memory_space<vmem>> -> memref<1x128xi32, #tpu.memory_space<vmem>>
      %dma_start3A_396 = tpu.memref_squeeze %dma_start3A_395 : memref<1x128xi32, #tpu.memory_space<vmem>> -> memref<128xi32, #tpu.memory_space<vmem>>
      %dma_start3A_397 = arith.constant 0 : i32
      %dma_start3A_398 = arith.constant 0 : i32
      %dma_start3A_399 = tpu.memref_slice %arg2[%dma_start3A_397, %dma_start3A_398] : memref<10240x128xf32, #tpu.memory_space<hbm>> -> memref<10240x128xf32, #tpu.memory_space<hbm>>
      tpu.enqueue_indirect_dma source(%dma_start3A_399 : memref<10240x128xf32, #tpu.memory_space<hbm>>) target(%arg9 : memref<128x128xf32, #tpu.memory_space<vmem>>) offsets(%dma_start3A_396 : memref<128xi32, #tpu.memory_space<vmem>>) semaphore(%arg16 : memref<!tpu.dma_semaphore, #tpu.memory_space<semaphore_mem>>)
      %dma_wait3A_400 = arith.constant 2 : i32
      %dma_wait3A_401 = arith.constant 0 : i32
      %dma_wait3A_402 = tpu.memref_slice %arg6[%dma_wait3A_400, %dma_wait3A_401] : memref<4x128xi32, #tpu.memory_space<vmem>> -> memref<1x128xi32, #tpu.memory_space<vmem>>
      %dma_wait3A_403 = tpu.memref_squeeze %dma_wait3A_402 : memref<1x128xi32, #tpu.memory_space<vmem>> -> memref<128xi32, #tpu.memory_space<vmem>>
      %dma_wait3A_404 = arith.constant 0 : i32
      %dma_wait3A_405 = arith.constant 0 : i32
      %dma_wait3A_406 = tpu.memref_slice %arg2[%dma_wait3A_404, %dma_wait3A_405] : memref<10240x128xf32, #tpu.memory_space<hbm>> -> memref<10240x128xf32, #tpu.memory_space<hbm>>
      tpu.wait_indirect_dma semaphore(%arg15 : memref<!tpu.dma_semaphore, #tpu.memory_space<semaphore_mem>>) src(%dma_wait3A_406 : memref<10240x128xf32, #tpu.memory_space<hbm>>) dst(%arg8 : memref<128x128xf32, #tpu.memory_space<vmem>>)
      %dma_start3A_407 = arith.constant 2 : i32
      %dma_start3A_408 = arith.constant 0 : i32
      %dma_start3A_409 = tpu.memref_slice %arg7[%dma_start3A_407, %dma_start3A_408] : memref<4x128xi32, #tpu.memory_space<vmem>> -> memref<1x128xi32, #tpu.memory_space<vmem>>
      %dma_start3A_410 = tpu.memref_squeeze %dma_start3A_409 : memref<1x128xi32, #tpu.memory_space<vmem>> -> memref<128xi32, #tpu.memory_space<vmem>>
      %dma_start3A_411 = arith.constant 0 : i32
      %dma_start3A_412 = arith.constant 0 : i32
      %dma_start3A_413 = tpu.memref_slice %arg10[%dma_start3A_411, %dma_start3A_412] : memref<10240x128xf32, #tpu.memory_space<vmem_shared>> -> memref<10240x128xf32, #tpu.memory_space<vmem_shared>>
      tpu.enqueue_indirect_dma source(%arg8 : memref<128x128xf32, #tpu.memory_space<vmem>>) target(%dma_start3A_413 : memref<10240x128xf32, #tpu.memory_space<vmem_shared>>) offsets(%dma_start3A_410 : memref<128xi32, #tpu.memory_space<vmem>>) semaphore(%arg17 : memref<!tpu.dma_semaphore, #tpu.memory_space<semaphore_mem>>) {add = true}
      %dma_wait3A_414 = arith.constant 3 : i32
      %dma_wait3A_415 = arith.constant 0 : i32
      %dma_wait3A_416 = tpu.memref_slice %arg6[%dma_wait3A_414, %dma_wait3A_415] : memref<4x128xi32, #tpu.memory_space<vmem>> -> memref<1x128xi32, #tpu.memory_space<vmem>>
      %dma_wait3A_417 = tpu.memref_squeeze %dma_wait3A_416 : memref<1x128xi32, #tpu.memory_space<vmem>> -> memref<128xi32, #tpu.memory_space<vmem>>
      %dma_wait3A_418 = arith.constant 0 : i32
      %dma_wait3A_419 = arith.constant 0 : i32
      %dma_wait3A_420 = tpu.memref_slice %arg2[%dma_wait3A_418, %dma_wait3A_419] : memref<10240x128xf32, #tpu.memory_space<hbm>> -> memref<10240x128xf32, #tpu.memory_space<hbm>>
      tpu.wait_indirect_dma semaphore(%arg16 : memref<!tpu.dma_semaphore, #tpu.memory_space<semaphore_mem>>) src(%dma_wait3A_420 : memref<10240x128xf32, #tpu.memory_space<hbm>>) dst(%arg9 : memref<128x128xf32, #tpu.memory_space<vmem>>)
      %dma_start3A_421 = arith.constant 3 : i32
      %dma_start3A_422 = arith.constant 0 : i32
      %dma_start3A_423 = tpu.memref_slice %arg7[%dma_start3A_421, %dma_start3A_422] : memref<4x128xi32, #tpu.memory_space<vmem>> -> memref<1x128xi32, #tpu.memory_space<vmem>>
      %dma_start3A_424 = tpu.memref_squeeze %dma_start3A_423 : memref<1x128xi32, #tpu.memory_space<vmem>> -> memref<128xi32, #tpu.memory_space<vmem>>
      %dma_start3A_425 = arith.constant 0 : i32
      %dma_start3A_426 = arith.constant 0 : i32
      %dma_start3A_427 = tpu.memref_slice %arg10[%dma_start3A_425, %dma_start3A_426] : memref<10240x128xf32, #tpu.memory_space<vmem_shared>> -> memref<10240x128xf32, #tpu.memory_space<vmem_shared>>
      tpu.enqueue_indirect_dma source(%arg9 : memref<128x128xf32, #tpu.memory_space<vmem>>) target(%dma_start3A_427 : memref<10240x128xf32, #tpu.memory_space<vmem_shared>>) offsets(%dma_start3A_424 : memref<128xi32, #tpu.memory_space<vmem>>) semaphore(%arg18 : memref<!tpu.dma_semaphore, #tpu.memory_space<semaphore_mem>>) {add = true}
    }
    %scan3A_152 = arith.constant 20 : i32
    %dma_wait3A = arith.constant 0 : i32
    %dma_wait3A_153 = arith.constant 0 : i32
    %dma_wait3A_154 = tpu.memref_slice %arg7[%dma_wait3A, %dma_wait3A_153] : memref<4x128xi32, #tpu.memory_space<vmem>> -> memref<1x128xi32, #tpu.memory_space<vmem>>
    %dma_wait3A_155 = tpu.memref_squeeze %dma_wait3A_154 : memref<1x128xi32, #tpu.memory_space<vmem>> -> memref<128xi32, #tpu.memory_space<vmem>>
    %dma_wait3A_156 = arith.constant 0 : i32
    %dma_wait3A_157 = arith.constant 0 : i32
    %dma_wait3A_158 = tpu.memref_slice %arg10[%dma_wait3A_156, %dma_wait3A_157] : memref<10240x128xf32, #tpu.memory_space<vmem_shared>> -> memref<10240x128xf32, #tpu.memory_space<vmem_shared>>
    tpu.wait_indirect_dma semaphore(%arg17 : memref<!tpu.dma_semaphore, #tpu.memory_space<semaphore_mem>>) src(%arg8 : memref<128x128xf32, #tpu.memory_space<vmem>>) dst(%dma_wait3A_158 : memref<10240x128xf32, #tpu.memory_space<vmem_shared>>)
    %dma_wait3A_159 = arith.constant 1 : i32
    %dma_wait3A_160 = arith.constant 0 : i32
    %dma_wait3A_161 = tpu.memref_slice %arg7[%dma_wait3A_159, %dma_wait3A_160] : memref<4x128xi32, #tpu.memory_space<vmem>> -> memref<1x128xi32, #tpu.memory_space<vmem>>
    %dma_wait3A_162 = tpu.memref_squeeze %dma_wait3A_161 : memref<1x128xi32, #tpu.memory_space<vmem>> -> memref<128xi32, #tpu.memory_space<vmem>>
    %dma_wait3A_163 = arith.constant 0 : i32
    %dma_wait3A_164 = arith.constant 0 : i32
    %dma_wait3A_165 = tpu.memref_slice %arg10[%dma_wait3A_163, %dma_wait3A_164] : memref<10240x128xf32, #tpu.memory_space<vmem_shared>> -> memref<10240x128xf32, #tpu.memory_space<vmem_shared>>
    tpu.wait_indirect_dma semaphore(%arg18 : memref<!tpu.dma_semaphore, #tpu.memory_space<semaphore_mem>>) src(%arg9 : memref<128x128xf32, #tpu.memory_space<vmem>>) dst(%dma_wait3A_165 : memref<10240x128xf32, #tpu.memory_space<vmem_shared>>)
    %barrier3A_166 = arith.constant 0 : index
    tpu.barrier barrier_id(%barrier3A_166)
    %mul3A_167 = arith.constant 640 : i32
    %mul3A_168 = arith.muli %arg1, %mul3A_167 : i32
    %mul3A_169 = arith.constant 640 : i32
    %mul3A_170 = arith.muli %arg1, %mul3A_169 : i32
    "tpu.region"() ({
      %run_scoped3A = tpu.sem_alloc : memref<!tpu.dma_semaphore, #tpu.memory_space<semaphore_mem>>
      %dma_start3A_171 = arith.constant 0 : i32
      %dma_start3A_172 = tpu.memref_slice %arg5[%arg0, %mul3A_170, %dma_start3A_171] : memref<2x10240x128xf32, #tpu.memory_space<hbm>> -> memref<1x640x128xf32, #tpu.memory_space<hbm>>
      %dma_start3A_173 = tpu.memref_squeeze %dma_start3A_172 : memref<1x640x128xf32, #tpu.memory_space<hbm>> -> memref<640x128xf32, #tpu.memory_space<hbm>>
      %dma_start3A_174 = arith.constant 0 : i32
      %dma_start3A_175 = tpu.memref_slice %arg10[%mul3A_168, %dma_start3A_174] : memref<10240x128xf32, #tpu.memory_space<vmem_shared>> -> memref<640x128xf32, #tpu.memory_space<vmem_shared>>
      tpu.enqueue_dma source(%dma_start3A_175 : memref<640x128xf32, #tpu.memory_space<vmem_shared>>) target(%dma_start3A_173 : memref<640x128xf32, #tpu.memory_space<hbm>>) target_semaphore(%run_scoped3A : memref<!tpu.dma_semaphore, #tpu.memory_space<semaphore_mem>>)
      %dma_wait3A_176 = arith.constant 0 : i32
      %dma_wait3A_177 = tpu.memref_slice %arg5[%arg0, %mul3A_170, %dma_wait3A_176] : memref<2x10240x128xf32, #tpu.memory_space<hbm>> -> memref<1x640x128xf32, #tpu.memory_space<hbm>>
      %dma_wait3A_178 = tpu.memref_squeeze %dma_wait3A_177 : memref<1x640x128xf32, #tpu.memory_space<hbm>> -> memref<640x128xf32, #tpu.memory_space<hbm>>
      %dma_wait3A_179 = arith.constant 0 : i32
      %dma_wait3A_180 = tpu.memref_slice %arg10[%mul3A_168, %dma_wait3A_179] : memref<10240x128xf32, #tpu.memory_space<vmem_shared>> -> memref<640x128xf32, #tpu.memory_space<vmem_shared>>
      tpu.wait_dma2 semaphore(%run_scoped3A : memref<!tpu.dma_semaphore, #tpu.memory_space<semaphore_mem>>) src(%dma_wait3A_180 : memref<640x128xf32, #tpu.memory_space<vmem_shared>>) dst(%dma_wait3A_178 : memref<640x128xf32, #tpu.memory_space<hbm>>)
      tpu.yield
    }) : () -> ()
    return
  }
}

module attributes {stable_mosaic.version = 14 : i64} {
  func.func @_prep_tc_body(%arg0: i32, %arg1: memref<512x128xf32, #tpu.memory_space<vmem>>, %arg2: memref<512x1xf32, #tpu.memory_space<vmem>>, %arg3: memref<512x128xf32, #tpu.memory_space<vmem>>) attributes {dimension_semantics = [#tpu.dimension_semantics<arbitrary>], iteration_bounds = array<i64: 20>, scalar_prefetch = 0 : i64, scratch_operands = 0 : i64, tpu.core_type = #tpu.core_type<tc>, window_params = [{transform_indices = @transform_0, window_bounds = array<i64: 512, 128>}, {transform_indices = @transform_1, window_bounds = array<i64: 512, 1>}, {transform_indices = @transform_2, window_bounds = array<i64: 512, 128>}]} {
    %get3A = arith.constant 0 : index
    %get3A_0 = arith.constant 0 : index
    %get3A_1 = vector.load %arg1[%get3A, %get3A_0] : memref<512x128xf32, #tpu.memory_space<vmem>>, vector<512x128xf32>
    %get3A_2 = arith.constant 0 : index
    %get3A_3 = arith.constant 0 : index
    %get3A_4 = vector.load %arg2[%get3A_2, %get3A_3] : memref<512x1xf32, #tpu.memory_space<vmem>>, vector<512x1xf32>
    %mul3A = vector.broadcast %get3A_4 : vector<512x1xf32> to vector<512x128xf32>
    %mul3A_5 = arith.mulf %get3A_1, %mul3A : vector<512x128xf32>
    %swap3A = arith.constant 0 : index
    %swap3A_6 = arith.constant 0 : index
    %swap3A_7 = vector.load %arg3[%swap3A, %swap3A_6] : memref<512x128xf32, #tpu.memory_space<vmem>>, vector<512x128xf32>
    tpu.vector_store %arg3[%swap3A, %swap3A_6], %mul3A_5 {strides = array<i32>} : memref<512x128xf32, #tpu.memory_space<vmem>>, vector<512x128xf32>,
    return
  }
  func.func @transform_0(%arg0: i32) -> (i32, i32) {
    %c0_i32 = arith.constant 0 : i32
    %c0_i32_0 = arith.constant 0 : i32
    return %arg0, %c0_i32 : i32, i32
  }
  func.func @transform_1(%arg0: i32) -> (i32, i32) {
    %c0_i32 = arith.constant 0 : i32
    %c0_i32_0 = arith.constant 0 : i32
    return %arg0, %c0_i32 : i32, i32
  }
  func.func @transform_2(%arg0: i32) -> (i32, i32) {
    %c0_i32 = arith.constant 0 : i32
    %c0_i32_0 = arith.constant 0 : i32
    return %arg0, %c0_i32 : i32, i32
  }
}

module attributes {stable_mosaic.version = 14 : i64} {
  func.func @_layer_tc_body(%arg0: i32, %arg1: memref<2x512x128xf32, #tpu.memory_space<vmem>>, %arg2: memref<512x1xf32, #tpu.memory_space<vmem>>, %arg3: memref<512x1xf32, #tpu.memory_space<vmem>>, %arg4: memref<128x128xf32, #tpu.memory_space<vmem>>, %arg5: memref<1x128xf32, #tpu.memory_space<vmem>>, %arg6: memref<1x128xf32, #tpu.memory_space<vmem>>, %arg7: memref<1x128xf32, #tpu.memory_space<vmem>>, %arg8: memref<512x128xf32, #tpu.memory_space<vmem>>) attributes {dimension_semantics = [#tpu.dimension_semantics<arbitrary>], iteration_bounds = array<i64: 20>, scalar_prefetch = 0 : i64, scratch_operands = 0 : i64, tpu.core_type = #tpu.core_type<tc>, window_params = [{transform_indices = @transform_0, window_bounds = array<i64: 2, 512, 128>}, {transform_indices = @transform_1, window_bounds = array<i64: 512, 1>}, {transform_indices = @transform_2, window_bounds = array<i64: 512, 1>}, {pipeline_mode = #tpu.pipeline_mode<synchronous>, transform_indices = @transform_3, window_bounds = array<i64: 128, 128>}, {pipeline_mode = #tpu.pipeline_mode<synchronous>, transform_indices = @transform_4, window_bounds = array<i64: 1, 128>}, {pipeline_mode = #tpu.pipeline_mode<synchronous>, transform_indices = @transform_5, window_bounds = array<i64: 1, 128>}, {pipeline_mode = #tpu.pipeline_mode<synchronous>, transform_indices = @transform_6, window_bounds = array<i64: 1, 128>}, {transform_indices = @transform_7, window_bounds = array<i64: 512, 128>}]} {
    %get3A = arith.constant 0 : index
    %get3A_0 = arith.constant 0 : index
    %get3A_1 = arith.constant 0 : index
    %get3A_2 = vector.load %arg1[%get3A, %get3A_0, %get3A_1] : memref<2x512x128xf32, #tpu.memory_space<vmem>>, vector<1x512x128xf32>
    %get3A_3 = vector.shape_cast %get3A_2 : vector<1x512x128xf32> to vector<512x128xf32>
    %get3A_4 = arith.constant 1 : index
    %get3A_5 = arith.constant 0 : index
    %get3A_6 = arith.constant 0 : index
    %get3A_7 = vector.load %arg1[%get3A_4, %get3A_5, %get3A_6] : memref<2x512x128xf32, #tpu.memory_space<vmem>>, vector<1x512x128xf32>
    %get3A_8 = vector.shape_cast %get3A_7 : vector<1x512x128xf32> to vector<512x128xf32>
    %add3A = arith.addf %get3A_3, %get3A_8 : vector<512x128xf32>
    %get3A_9 = arith.constant 0 : index
    %get3A_10 = arith.constant 0 : index
    %get3A_11 = vector.load %arg2[%get3A_9, %get3A_10] : memref<512x1xf32, #tpu.memory_space<vmem>>, vector<512x1xf32>
    %mul3A = vector.broadcast %get3A_11 : vector<512x1xf32> to vector<512x128xf32>
    %mul3A_12 = arith.mulf %add3A, %mul3A : vector<512x128xf32>
    %get3A_13 = arith.constant 0 : index
    %get3A_14 = arith.constant 0 : index
    %get3A_15 = vector.load %arg4[%get3A_13, %get3A_14] : memref<128x128xf32, #tpu.memory_space<vmem>>, vector<128x128xf32>
    %dot_general3A = arith.constant dense<0.000000e+00> : vector<512x128xf32>
    %dot_general3A_16 = tpu.matmul %mul3A_12, %get3A_15, %dot_general3A {dimension_numbers = #tpu.dot_dimension_numbers<[1], [0], [0], [1], [0, 0, 1, 1], [], []>, transpose_lhs_hint = false} : vector<512x128xf32>, vector<128x128xf32>, vector<512x128xf32> -> vector<512x128xf32>
    %get3A_17 = arith.constant 0 : index
    %get3A_18 = arith.constant 0 : index
    %get3A_19 = vector.load %arg5[%get3A_17, %get3A_18] : memref<1x128xf32, #tpu.memory_space<vmem>>, vector<1x128xf32>
    %add3A_20 = vector.broadcast %get3A_19 : vector<1x128xf32> to vector<512x128xf32>
    %add3A_21 = arith.addf %dot_general3A_16, %add3A_20 : vector<512x128xf32>
    %gt3A = arith.constant 0.000000e+00 : f32
    %gt3A_22 = vector.broadcast %gt3A : f32 to vector<512x128xf32>
    %gt3A_23 = arith.cmpf ogt, %add3A_21, %gt3A_22 : vector<512x128xf32>
    %min3A = arith.constant 0.000000e+00 : f32
    %min3A_24 = vector.broadcast %min3A : f32 to vector<512x128xf32>
    %min3A_25 = arith.minimumf %add3A_21, %min3A_24 : vector<512x128xf32>
    %exp3A = math.exp %min3A_25 : vector<512x128xf32>
    %sub3A = arith.constant 1.000000e+00 : f32
    %sub3A_26 = vector.broadcast %sub3A : f32 to vector<512x128xf32>
    %sub3A_27 = arith.subf %exp3A, %sub3A_26 : vector<512x128xf32>
    %select_n3A = arith.select %gt3A_23, %add3A_21, %sub3A_27 : vector<512x128xi1>, vector<512x128xf32>
    %reduce_sum3A = arith.constant dense<0.000000e+00> : vector<512xf32>
    %reduce_sum3A_28 = vector.multi_reduction <add>, %select_n3A, %reduce_sum3A [1] : vector<512x128xf32> to vector<512xf32>
    %broadcast_in_dim3A = vector.shape_cast %reduce_sum3A_28 : vector<512xf32> to vector<512x1xf32>
    %div3A = arith.constant 1.280000e+02 : f32
    %div3A_29 = vector.broadcast %div3A : f32 to vector<512x1xf32>
    %div3A_30 = arith.divf %broadcast_in_dim3A, %div3A_29 : vector<512x1xf32>
    %sub3A_31 = vector.broadcast %div3A_30 : vector<512x1xf32> to vector<512x128xf32>
    %sub3A_32 = arith.subf %select_n3A, %sub3A_31 : vector<512x128xf32>
    %mul3A_33 = arith.mulf %sub3A_32, %sub3A_32 : vector<512x128xf32>
    %reduce_sum3A_34 = arith.constant dense<0.000000e+00> : vector<512xf32>
    %reduce_sum3A_35 = vector.multi_reduction <add>, %mul3A_33, %reduce_sum3A_34 [1] : vector<512x128xf32> to vector<512xf32>
    %broadcast_in_dim3A_36 = vector.shape_cast %reduce_sum3A_35 : vector<512xf32> to vector<512x1xf32>
    %div3A_37 = arith.constant 1.280000e+02 : f32
    %div3A_38 = vector.broadcast %div3A_37 : f32 to vector<512x1xf32>
    %div3A_39 = arith.divf %broadcast_in_dim3A_36, %div3A_38 : vector<512x1xf32>
    %add3A_40 = arith.constant 9.99999974E-6 : f32
    %add3A_41 = vector.broadcast %add3A_40 : f32 to vector<512x1xf32>
    %add3A_42 = arith.addf %div3A_39, %add3A_41 : vector<512x1xf32>
    %rsqrt3A = math.rsqrt %add3A_42 : vector<512x1xf32>
    %mul3A_43 = vector.broadcast %rsqrt3A : vector<512x1xf32> to vector<512x128xf32>
    %mul3A_44 = arith.mulf %sub3A_32, %mul3A_43 : vector<512x128xf32>
    %get3A_45 = arith.constant 0 : index
    %get3A_46 = arith.constant 0 : index
    %get3A_47 = vector.load %arg6[%get3A_45, %get3A_46] : memref<1x128xf32, #tpu.memory_space<vmem>>, vector<1x128xf32>
    %mul3A_48 = vector.broadcast %get3A_47 : vector<1x128xf32> to vector<512x128xf32>
    %mul3A_49 = arith.mulf %mul3A_44, %mul3A_48 : vector<512x128xf32>
    %get3A_50 = arith.constant 0 : index
    %get3A_51 = arith.constant 0 : index
    %get3A_52 = vector.load %arg7[%get3A_50, %get3A_51] : memref<1x128xf32, #tpu.memory_space<vmem>>, vector<1x128xf32>
    %add3A_53 = vector.broadcast %get3A_52 : vector<1x128xf32> to vector<512x128xf32>
    %add3A_54 = arith.addf %mul3A_49, %add3A_53 : vector<512x128xf32>
    %get3A_55 = arith.constant 0 : index
    %get3A_56 = arith.constant 0 : index
    %get3A_57 = vector.load %arg3[%get3A_55, %get3A_56] : memref<512x1xf32, #tpu.memory_space<vmem>>, vector<512x1xf32>
    %mul3A_58 = vector.broadcast %get3A_57 : vector<512x1xf32> to vector<512x128xf32>
    %mul3A_59 = arith.mulf %add3A_54, %mul3A_58 : vector<512x128xf32>
    %swap3A = arith.constant 0 : index
    %swap3A_60 = arith.constant 0 : index
    %swap3A_61 = vector.load %arg8[%swap3A, %swap3A_60] : memref<512x128xf32, #tpu.memory_space<vmem>>, vector<512x128xf32>
    tpu.vector_store %arg8[%swap3A, %swap3A_60], %mul3A_59 {strides = array<i32>} : memref<512x128xf32, #tpu.memory_space<vmem>>, vector<512x128xf32>,
    return
  }
  func.func @transform_0(%arg0: i32) -> (i32, i32, i32) {
    %c0_i32 = arith.constant 0 : i32
    %c0_i32_0 = arith.constant 0 : i32
    %c0_i32_1 = arith.constant 0 : i32
    return %c0_i32, %arg0, %c0_i32_0 : i32, i32, i32
  }
  func.func @transform_1(%arg0: i32) -> (i32, i32) {
    %c0_i32 = arith.constant 0 : i32
    %c0_i32_0 = arith.constant 0 : i32
    return %arg0, %c0_i32 : i32, i32
  }
  func.func @transform_2(%arg0: i32) -> (i32, i32) {
    %c0_i32 = arith.constant 0 : i32
    %c0_i32_0 = arith.constant 0 : i32
    return %arg0, %c0_i32 : i32, i32
  }
  func.func @transform_3(%arg0: i32) -> (i32, i32) {
    %c0_i32 = arith.constant 0 : i32
    %c0_i32_0 = arith.constant 0 : i32
    %c0_i32_1 = arith.constant 0 : i32
    return %c0_i32, %c0_i32_0 : i32, i32
  }
  func.func @transform_4(%arg0: i32) -> (i32, i32) {
    %c0_i32 = arith.constant 0 : i32
    %c0_i32_0 = arith.constant 0 : i32
    %c0_i32_1 = arith.constant 0 : i32
    return %c0_i32, %c0_i32_0 : i32, i32
  }
  func.func @transform_5(%arg0: i32) -> (i32, i32) {
    %c0_i32 = arith.constant 0 : i32
    %c0_i32_0 = arith.constant 0 : i32
    %c0_i32_1 = arith.constant 0 : i32
    return %c0_i32, %c0_i32_0 : i32, i32
  }
  func.func @transform_6(%arg0: i32) -> (i32, i32) {
    %c0_i32 = arith.constant 0 : i32
    %c0_i32_0 = arith.constant 0 : i32
    %c0_i32_1 = arith.constant 0 : i32
    return %c0_i32, %c0_i32_0 : i32, i32
  }
  func.func @transform_7(%arg0: i32) -> (i32, i32) {
    %c0_i32 = arith.constant 0 : i32
    %c0_i32_0 = arith.constant 0 : i32
    return %arg0, %c0_i32 : i32, i32
  }
}

module attributes {stable_mosaic.version = 14 : i64} {
  func.func @_final_tc_body(%arg0: i32, %arg1: memref<2x512x128xf32, #tpu.memory_space<vmem>>, %arg2: memref<512x1xf32, #tpu.memory_space<vmem>>, %arg3: memref<128x128xf32, #tpu.memory_space<vmem>>, %arg4: memref<1x128xf32, #tpu.memory_space<vmem>>, %arg5: memref<512x128xf32, #tpu.memory_space<vmem>>) attributes {dimension_semantics = [#tpu.dimension_semantics<arbitrary>], iteration_bounds = array<i64: 20>, scalar_prefetch = 0 : i64, scratch_operands = 0 : i64, tpu.core_type = #tpu.core_type<tc>, window_params = [{transform_indices = @transform_0, window_bounds = array<i64: 2, 512, 128>}, {transform_indices = @transform_1, window_bounds = array<i64: 512, 1>}, {pipeline_mode = #tpu.pipeline_mode<synchronous>, transform_indices = @transform_2, window_bounds = array<i64: 128, 128>}, {pipeline_mode = #tpu.pipeline_mode<synchronous>, transform_indices = @transform_3, window_bounds = array<i64: 1, 128>}, {transform_indices = @transform_4, window_bounds = array<i64: 512, 128>}]} {
    %get3A = arith.constant 0 : index
    %get3A_0 = arith.constant 0 : index
    %get3A_1 = arith.constant 0 : index
    %get3A_2 = vector.load %arg1[%get3A, %get3A_0, %get3A_1] : memref<2x512x128xf32, #tpu.memory_space<vmem>>, vector<1x512x128xf32>
    %get3A_3 = vector.shape_cast %get3A_2 : vector<1x512x128xf32> to vector<512x128xf32>
    %get3A_4 = arith.constant 1 : index
    %get3A_5 = arith.constant 0 : index
    %get3A_6 = arith.constant 0 : index
    %get3A_7 = vector.load %arg1[%get3A_4, %get3A_5, %get3A_6] : memref<2x512x128xf32, #tpu.memory_space<vmem>>, vector<1x512x128xf32>
    %get3A_8 = vector.shape_cast %get3A_7 : vector<1x512x128xf32> to vector<512x128xf32>
    %add3A = arith.addf %get3A_3, %get3A_8 : vector<512x128xf32>
    %get3A_9 = arith.constant 0 : index
    %get3A_10 = arith.constant 0 : index
    %get3A_11 = vector.load %arg2[%get3A_9, %get3A_10] : memref<512x1xf32, #tpu.memory_space<vmem>>, vector<512x1xf32>
    %mul3A = vector.broadcast %get3A_11 : vector<512x1xf32> to vector<512x128xf32>
    %mul3A_12 = arith.mulf %add3A, %mul3A : vector<512x128xf32>
    %get3A_13 = arith.constant 0 : index
    %get3A_14 = arith.constant 0 : index
    %get3A_15 = vector.load %arg3[%get3A_13, %get3A_14] : memref<128x128xf32, #tpu.memory_space<vmem>>, vector<128x128xf32>
    %dot_general3A = arith.constant dense<0.000000e+00> : vector<512x128xf32>
    %dot_general3A_16 = tpu.matmul %mul3A_12, %get3A_15, %dot_general3A {dimension_numbers = #tpu.dot_dimension_numbers<[1], [0], [0], [1], [0, 0, 1, 1], [], []>, transpose_lhs_hint = false} : vector<512x128xf32>, vector<128x128xf32>, vector<512x128xf32> -> vector<512x128xf32>
    %get3A_17 = arith.constant 0 : index
    %get3A_18 = arith.constant 0 : index
    %get3A_19 = vector.load %arg4[%get3A_17, %get3A_18] : memref<1x128xf32, #tpu.memory_space<vmem>>, vector<1x128xf32>
    %add3A_20 = vector.broadcast %get3A_19 : vector<1x128xf32> to vector<512x128xf32>
    %add3A_21 = arith.addf %dot_general3A_16, %add3A_20 : vector<512x128xf32>
    %swap3A = arith.constant 0 : index
    %swap3A_22 = arith.constant 0 : index
    %swap3A_23 = vector.load %arg5[%swap3A, %swap3A_22] : memref<512x128xf32, #tpu.memory_space<vmem>>, vector<512x128xf32>
    tpu.vector_store %arg5[%swap3A, %swap3A_22], %add3A_21 {strides = array<i32>} : memref<512x128xf32, #tpu.memory_space<vmem>>, vector<512x128xf32>,
    return
  }
  func.func @transform_0(%arg0: i32) -> (i32, i32, i32) {
    %c0_i32 = arith.constant 0 : i32
    %c0_i32_0 = arith.constant 0 : i32
    %c0_i32_1 = arith.constant 0 : i32
    return %c0_i32, %arg0, %c0_i32_0 : i32, i32, i32
  }
  func.func @transform_1(%arg0: i32) -> (i32, i32) {
    %c0_i32 = arith.constant 0 : i32
    %c0_i32_0 = arith.constant 0 : i32
    return %arg0, %c0_i32 : i32, i32
  }
  func.func @transform_2(%arg0: i32) -> (i32, i32) {
    %c0_i32 = arith.constant 0 : i32
    %c0_i32_0 = arith.constant 0 : i32
    %c0_i32_1 = arith.constant 0 : i32
    return %c0_i32, %c0_i32_0 : i32, i32
  }
  func.func @transform_3(%arg0: i32) -> (i32, i32) {
    %c0_i32 = arith.constant 0 : i32
    %c0_i32_0 = arith.constant 0 : i32
    %c0_i32_1 = arith.constant 0 : i32
    return %c0_i32, %c0_i32_0 : i32, i32
  }
  func.func @transform_4(%arg0: i32) -> (i32, i32) {
    %c0_i32 = arith.constant 0 : i32
    %c0_i32_0 = arith.constant 0 : i32
    return %arg0, %c0_i32 : i32, i32
  }
}

</mosaic_0001>

<sc_bundles>
// kernel: kernel.10.cloned.1.call-start
scs
__scs_entry_jumppad:
0x0: {  	(pc) =	sbr.rel $0x88, $3  }
0x1: {  	(tag) =	ssettag $0x0;
	lr =	simm.s32 $0x1  }
0x2: {  	[smem:$0x3F95] =	sst lr;
	_ =	strace $0xD0000000  }
0x3: {  	_ = 	snop  }
0x4: {  	_ = 	snop  }
0x5: {  	_ = 	snop  }
0x6: {  	_ = 	snop  }
0x7: {  	_ = 	snop  }
__scs_overlays_trampoline_lowered:
0x8: {  	[smem:$0x3FA4] =	sst s0  }
0x9: {  	[smem:$0x3FA5] =	sst s1  }
0xa: {  	[smem:$0x3FA6] =	sst s2  }
0xb: {  	[smem:$0x3FA7] =	sst s3  }
0xc: {  	[smem:$0x3FA8] =	sst s4  }
0xd: {  	[smem:$0x3FA9] =	sst s5  }
0xe: {  	[smem:$0x3FAA] =	sst s6  }
0xf: {  	[smem:$0x3FAB] =	sst s7  }
0x10: {  	[smem:$0x3FAC] =	sst s8  }
0x11: {  	[smem:$0x3FAD] =	sst s9;
	s0 =	simm.s32 @!p0 $0x0  }
0x12: {  	s1 =	sld [smem:$0x3F93];
	s0 =	simm.s32 @p0 $0x1  }
0x13: {  	[smem:$0x3FAE] =	sst s0;
	s0 =	simm.s32 @!p1 $0x0  }
0x14: {  	s2 =	sld [smem:$0x3F92];
	s0 =	simm.s32 @p1 $0x1  }
0x15: {  	[smem:$0x3FAF] =	sst s0;
	s0 =	simm.s32 @!p2 $0x0  }
0x16: {  	s3 =	sld [smem:$0x3FDB];
	s0 =	simm.s32 @p2 $0x1  }
0x17: {  	s4 =	simm.s32 $0x1BF5;
	[smem:$0x3FB1] =	sst s0  }
0x18: {  	s0 =	sld [smem:$0x3F94];
	_ =	swait.ge [sflag:s4], $0x0  }
0x19: {  	s7 =	sld [smem:$0x3F95]  }
0x1a: {  	s8 =	sadd.s32 $0xFFFFE003, lr  }
0x1b: {  	s9 =	sadd.s32 $0xFFFFFEF7, lr;
	s5 =	simm.s32 $0xFFFFFFFF;
	p2 =	slt.u32 s8, $0xFFFFF086  }
0x1c: {  	p1 =	slt.u32 s9, $0xF7A;
	s5 =	simm.s32 @!p2 $0x0  }
0x1d: {  	s5 =	simm.s32 @p1 $0x1;
	p0 =	seq.s32 s7, s2  }
0x1e: {  	s7 =	smul.u32 @!p0 $0xF7A, s2;
	p2 =	seq.s32 @!p0 s5, $0x0  }
0x1f: {  	s9 =	smul.u32 $0xF7A, s1;
	s8 =	simm.s32 @!p0 $0x1BF5;
	p2 =	por !p2, p0  }
0x20: {  	[sflag:s8] =	ssyncset.s32 @!p0 $0xFFFFF086;
	s6 =	sadd.s32 @!p0 s3, s7;
	s7 =	simm.s32 @!p0 $0x108  }
0x21: {  	s3 =	sadd.s32 s3, s9;
	s6 =	sadd.s32 @!p0 $0x88, s6;
	s7 =	simm.s32 @p2 $0x1082  }
0x22: {  	[simem:s7], [sflag:s8] =	dma.local @!p0 [hbm:s6], $0xF7A  }
0x23: {  	s9 =	sor.u32 $0xD0000000, s2;
	s6 =	simm.s32 $0x108;
	_ =	swait.ge @!p0 [sflag:s8], $0x0  }
0x24: {  	s3 =	sadd.s32 $0x88, s3;
	s6 =	simm.s32 @!p1 $0x1082;
	[sflag:s4] =	ssyncset.s32 $0xFFFFF086  }
0x25: {  	[simem:s6], [sflag:s4] =	dma.local [hbm:s3], $0xF7A  }
0x26: {  	[smem:$0x3F95] =	sst s1;
	(tag) =	ssettag s2;
	_ =	strace s9  }
0x27: {  	s1 =	sld [smem:$0x3FA5]  }
0x28: {  	s2 =	sld [smem:$0x3FA6]  }
0x29: {  	s4 =	sld [smem:$0x3FA8]  }
0x2a: {  	p0 =	seq.s32 s5, $0x0;
	s5 =	sld [smem:$0x3FA9]  }
0x2b: {  	s6 =	sld [smem:$0x3FAA]  }
0x2c: {  	s7 =	sld [smem:$0x3FAB]  }
0x2d: {  	s3 =	simm.s32 $0x108;
	s8 =	sld [smem:$0x3FAC]  }
0x2e: {  	s3 =	simm.s32 @!p0 $0x1082;
	s9 =	sld [smem:$0x3FAD]  }
0x2f: {  	lr =	sadd.s32 s0, s3;
	s0 =	sld [smem:$0x3FA4]  }
0x30: {  	s3 =	sld [smem:$0x3FA7]  }
0x31: {  	[smem:$0x3FB0] =	sst s10  }
0x32: {  	s10 =	sld [smem:$0x3FAE];
	_ =	sdelay $0x3  }
0x33: {  	p0 =	seq.s32 s10, $0x1;
	s10 =	sld [smem:$0x3FB0];
	_ =	sdelay $0x3  }
0x34: {  	[smem:$0x3FB0] =	sst s10  }
0x35: {  	s10 =	sld [smem:$0x3FAF];
	_ =	sdelay $0x3  }
0x36: {  	p1 =	seq.s32 s10, $0x1;
	s10 =	sld [smem:$0x3FB0];
	_ =	sdelay $0x3  }
0x37: {  	[smem:$0x3FB0] =	sst s10  }
0x38: {  	s10 =	sld [smem:$0x3FB1]  }
0x39: {  	_ = 	snop;
	(pc) =	sbr.ind lr, $3  }
0x3a: {  	_ = 	snop  }
0x3b: {  	_ = 	snop  }
0x3c: {  	p2 =	seq.s32 s10, $0x1;
	s10 =	sld [smem:$0x3FB0]  }
0x3d: {  	_ =	shalt  }
0x3e: {  	_ =	shalt  }
0x3f: {  	_ =	shalt  }
0x40: {  	_ =	shalt  }
0x41: {  	_ =	shalt  }
0x42: {  	_ =	shalt  }
0x43: {  	_ =	shalt  }
0x44: {  	_ =	shalt  }
0x45: {  	_ =	shalt  }
0x46: {  	_ =	shalt  }
0x47: {  	_ =	shalt  }
0x48: {  	_ =	shalt  }
0x49: {  	_ =	shalt  }
0x4a: {  	_ =	shalt  }
0x4b: {  	_ =	shalt  }
0x4c: {  	_ =	shalt  }
0x4d: {  	_ =	shalt  }
0x4e: {  	_ =	shalt  }
0x4f: {  	_ =	shalt  }
0x50: {  	_ =	shalt  }
0x51: {  	_ =	shalt  }
0x52: {  	_ =	shalt  }
0x53: {  	_ =	shalt  }
0x54: {  	_ =	shalt  }
0x55: {  	_ =	shalt  }
0x56: {  	_ =	shalt  }
0x57: {  	_ =	shalt  }
0x58: {  	_ =	shalt  }
0x59: {  	_ =	shalt  }
0x5a: {  	_ =	shalt  }
0x5b: {  	_ =	shalt  }
0x5c: {  	_ =	shalt  }
0x5d: {  	_ =	shalt  }
0x5e: {  	_ =	shalt  }
0x5f: {  	_ =	shalt  }
0x60: {  	_ =	shalt  }
0x61: {  	_ =	shalt  }
0x62: {  	_ =	shalt  }
0x63: {  	_ =	shalt  }
0x64: {  	_ =	shalt  }
0x65: {  	_ =	shalt  }
0x66: {  	_ =	shalt  }
0x67: {  	_ =	shalt  }
0x68: {  	_ =	shalt  }
0x69: {  	_ =	shalt  }
0x6a: {  	_ =	shalt  }
0x6b: {  	_ =	shalt  }
0x6c: {  	_ =	shalt  }
0x6d: {  	_ =	shalt  }
0x6e: {  	_ =	shalt  }
0x6f: {  	_ =	shalt  }
0x70: {  	_ =	shalt  }
0x71: {  	_ =	shalt  }
0x72: {  	_ =	shalt  }
0x73: {  	_ =	shalt  }
0x74: {  	_ =	shalt  }
0x75: {  	_ =	shalt  }
0x76: {  	_ =	shalt  }
0x77: {  	_ =	shalt  }
0x78: {  	_ =	shalt  }
0x79: {  	_ =	shalt  }
0x7a: {  	_ =	shalt  }
0x7b: {  	_ =	shalt  }
0x7c: {  	_ =	shalt  }
0x7d: {  	_ =	shalt  }
0x7e: {  	_ =	shalt  }
0x7f: {  	_ =	shalt  }
0x80: {  	_ =	shalt  }
0x81: {  	_ =	shalt  }
0x82: {  	_ =	shalt  }
0x83: {  	_ =	shalt  }
0x84: {  	_ =	shalt  }
0x85: {  	_ =	shalt  }
0x86: {  	_ =	shalt  }
0x87: {  	_ =	shalt  }
.Lfunc_end0:
.L_simem_size_0:
called_computation_lowered:
.L_overlay_start_0:
0x88: {  	s2 =	sld [smem:$0x3FD9]  }
0x89: {  	s3 =	sld [smem:$0x3FFE];
	_ =	sdelay $0x1  }
0x8a: {  	s1 =	srdreg.scid  }
0x8b: {  	s0 =	sand.u32 $0x1, s1  }
0x8c: {  	s17 =	sshll.u32 s0, $0xA;
	s2 =	sadd.s32 s3, s2  }
0x8d: {  	s2 =	sadd.s32 s2, s17  }
0x8e: {  	[smem:$0x3FBC] =	sst s2  }
0x8f: {  	_ = 	snop  }
0x90: {  	s2 =	sld [smem:$0x3FD0];
	(tm) =	ssettm $0x1  }
0x91: {  	s18 =	sld [smem:$0x3FFB];
	_ =	sdelay $0x3  }
0x92: {  	_ =	strace s18  }
0x93: {  	s3 =	sld [smem:$0x3FFC];
	_ =	sdelay $0x3  }
0x94: {  	_ =	strace s3  }
0x95: {  	s3 =	sld [smem:$0x3FFD];
	_ =	sdelay $0x3  }
0x96: {  	_ =	strace s3  }
0x97: {  	_ =	strace $0x8FFFFFFF  }
0x98: {  	s19 =	sld [smem:$0x3FDB];
	_ =	sdelay $0x1  }
0x99: {  	s4 =	simm.s32 $_scs_section_size  }
0x9a: {  	s5 =	simm.s32 $_size__tile_overlayer_lowered;
	s6 =	simm.s32 $_tile_overlayer_lowered  }
0x9b: {  	s22 =	simm.s32 $0x1BFF;
	s21 =	sshll.u32 s6, $0x1;
	s3 =	sadd.s32 s4, s19  }
0x9c: {  	s7 =	simm.s32 $0x0;
	s20 =	sshll.u32 s5, $0x1;
	s5 =	sadd.s32 s21, s3  }
0x9d: {  	[timem:s7], [sflag:s22] =	dma.local [hbm:s5], s20  }
0x9e: {  	_ =	swait.ge [sflag:s22], s20  }
0x9f: {  	s4 =	ssub.s32 $0x0, s20;
	[sflag:s22] =	ssyncset.done $0x0  }
0xa0: {  	[sflag:s22] =	ssyncadd.s32 s4;
	_ =	sdelay $0x1  }
0xa1: {  	s23 =	simm.s32 $0x1B8B  }
0xa2: {  	_ =	swait.ge [sflag:s23], $0x1  }
0xa3: {  	[sflag:s23] =	ssyncset.done $0x0  }
0xa4: {  	s25 =	simm.s32 $0x1B8E;
	s24 =	sld [smem:$0x3FFE];
	[sflag:s23] =	ssyncadd.s32 $0xFFFFFFFF  }
0xa5: {  	s26 =	simm.s32 $execute0_lowered;
	[smem:$0x3FD2] =	sst s25  }
0xa6: {  	s5 =	sshll.u32 s26, $0x1;
	_ =	strace $0x80000046;
	[dreg:$0x1] =	wrdreg $0xFFFFFFFF  }
0xa7: {  	s28 =	simm.s32 $_size_execute0_lowered;
	s3 =	sadd.s32 s3, s5;
	[dreg:$0x0] =	wrdreg $0x0  }
0xa8: {  	s5 =	sshll.u32 s28, $0x1;
	[dreg:$0x2] =	wrdreg s3  }
0xa9: {  	[dreg:$0x3] =	wrdreg s5  }
0xaa: {  	[dreg:$0x4] =	wrdreg $0xC0  }
0xab: {  	_ =	task [dreg:s7], $0x5FFFF  }
0xac: {  	[dreg:$0x1] =	wrdreg $0xFFFFFFFF  }
0xad: {  	[dreg:$0x0] =	wrdreg $0x60  }
0xae: {  	[dreg:$0x2] =	wrdreg s24  }
0xaf: {  	[dreg:$0x3] =	wrdreg s2  }
0xb0: {  	[dreg:$0x4] =	wrdreg $0x53000  }
0xb1: {  	[dreg:$0x5] =	wrdreg $0x55800  }
0xb2: {  	[dreg:$0x6] =	wrdreg $0x9  }
0xb3: {  	_ =	task.clear_ibuf [dreg:s7], $0x7FFFF;
	_ =	strace $0x90000046  }
0xb4: {  	s29 =	simm.s32 $0x9;
	_ =	strace $0x80000048  }
0xb5: {  	_ =	swait.ge [sflag:s29], $0x1  }
0xb6: {  	[sflag:s29] =	ssyncadd.s32 $0xFFFFFFFF  }
0xb7: {  	_ =	strace $0x90000048  }
0xb8: {  	_ =	sfence  }
0xb9: {  	s30 =	sld [smem:$0x0];
	_ =	sdelay $0x2  }
0xba: {  	s31 =	sshll.u32 s1, $0xD;
	s1 =	sshrl.u32 s1, $0x2  }
0xbb: {  	s3 =	sand.u32 $0x4000, s31;
	s1 =	sadd.s32 s1, s30  }
0xbc: {  	s0 =	sor.u32 s3, s0;
	s1 =	sshll.u32 s1, $0x11  }
0xbd: {  	s0 =	sor.u32 s1, s0  }
0xbe: {  	s0 =	sadd.s32 $0x8F2B, s0  }
0xbf: {  	[sflag:s0] =	ssyncadd.remote.s32 $0x1  }
0xc0: {  	_ =	sfence.sel $0xFFFF  }
0xc1: {  	[dreg:$0x0] =	wrdreg $0xFFFFFFFF;
	(pc) =	sbr.abs _section_cstart, $3  }
0xc2: {  	[dreg:$0x1] =	wrdreg $0xFFFFFFFF  }
0xc3: {  	_ =	task.clear_ibuf [dreg:s7], $0x2FFFF;
	_ =	strace $0x9FFFFFFF  }
0xc4: {  	(tm) =	ssettm $0x7FFFFFFF  }
0xc5: {  	_ =	shalt  }
tec
execute0_lowered:
.L_overlay_start_1:
0x0: {  	(tag) =	ssettag $0x1  }
0x1: {  	s5 =	rddreg [dreg:$0x0]  }
0x2: {  	s7 =	rddreg [dreg:$0x1]  }
0x3: {  	s0 =	srdreg.scid;
	s2 =	rddreg [dreg:$0x2]  }
0x4: {  	s3 =	rddreg [dreg:$0x3];
	s4 =	simm.s32 $0x0;
	s15 =	simm.s32 $0x80  }
0x5: {  	s16 =	simm.s32 $0x5000;
	s17 =	simm.s32 $0x1;
	s20 =	simm.s32 $0x20  }
0x6: {  	s21 =	simm.s32 $0x10;
	s6 =	sand.u32 $0x1, s0;
	s0 =	stileid.u32  }
0x7: {  	s22 =	simm.s32 $0x0;
	[smem:$0x7FF] =	sst s4;
	s9 =	smul.u32 $0x5000, s6  }
0x8: {  	s1 =	sshll.u32 s6, $0x4;
	s10 =	smul.u32 $0x500, s0;
	s6 =	ssub.s32 $0x2, s6  }
0x9: {  	s12 =	smul.u32 $0x280, s0;
	s18 =	sshll.u32 s0, $0x6;
	s1 =	sor.u32 s0, s1  }
0xa: {  	s31 =	sshrl.u32 s6, $0x1;
	s18 =	sor.u32 $0x1C02, s18;
	s8 =	smul.u32 $0x500, s1  }
0xb: {  	s1 =	rddreg [dreg:$0x4];
	_ =	strace $0x80000047;
	s9 =	sadd.s32 s10, s9  }
0xc: {  	s14 =	ssub.s32 s6, s31;
	s9 =	sshrl.u32 s9, $0x3;
	s11 =	sadd.s32 s8, s5  }
0xd: {  	s13 =	sadd.s32 s9, s5;
	s6 =	sadd.s32 s7, s8;
	s7 =	sadd.s32 s12, s2  }
0xe: {  	s8 =	sadd.s32 s12, s3;
	s12 =	simm.s32 $0x2;
	s5 =	sadd.s32 $0x3000, s11  }
0xf: {  	s9 =	sadd.s32 $0xD000, s13;
	s10 =	sadd.s32 $0xD010, s13;
	s11 =	smax.u32 s14, $0x1  }
0x10: {  	v0 =	vimm.f32 $1.000000000e+00;
	v1 =	vimm.f32 $0.0e+00;
	s13 =	simm.s32 $0x2800;
	s14 =	simm.s32 $0x5080;
	s19 =	sshrl.u32 s7, $0x3  }
.LBB2_1:
0x11: {  	[tilespmem:s4], [sflag:$0x2] =	stream.linear.gather [hbm4b:s5+s4], $0x2800, $0x38;
	[tilespmem:$0x5800] =	vst v63  }
0x12: {  	_ =	swait.ge [sflag:s12], $0x2800  }
0x13: {  	[sflag:s12] =	ssyncset.done $0x0  }
0x14: {  	[sflag:s12] =	ssyncadd.s32 $0xFFFFD800  }
0x15: {  	[tilespmem:s13], [sflag:$0x2] =	stream.linear.gather [hbm4b:s6+s4], $0x2800, $0x38;
	[tilespmem:$0x5800] =	vst v63  }
0x16: {  	_ =	swait.ge [sflag:s12], $0x2800  }
0x17: {  	[sflag:s12] =	ssyncset.done $0x0  }
0x18: {  	[sflag:s12] =	ssyncadd.s32 $0xFFFFD800  }
0x19: {  	[tilespmem:$0x5000] =	vst v0  }
0x1a: {  	[tilespmem:$0x5010] =	vst v0  }
0x1b: {  	[tilespmem:$0x5020] =	vst v0  }
0x1c: {  	[tilespmem:$0x5030] =	vst v0  }
0x1d: {  	[tilespmem:$0x5040] =	vst v0  }
0x1e: {  	[tilespmem:$0x5050] =	vst v0  }
0x1f: {  	[tilespmem:$0x5060] =	vst v0  }
0x20: {  	[tilespmem:$0x5070] =	vst v0  }
0x21: {  	[tilespmem:$0x5080] =	vst v1  }
0x22: {  	[tilespmem:$0x5090] =	vst v1  }
0x23: {  	[tilespmem:$0x50A0] =	vst v1  }
0x24: {  	[tilespmem:$0x50B0] =	vst v1  }
0x25: {  	[tilespmem:$0x50C0] =	vst v1  }
0x26: {  	[tilespmem:$0x50D0] =	vst v1  }
0x27: {  	[tilespmem:$0x50E0] =	vst v1  }
0x28: {  	[tilespmem:$0x50F0] =	vst v1  }
0x29: {  	[tilespmem:$0x5100] =	vst v1  }
0x2a: {  	[tilespmem:$0x5110] =	vst v1  }
0x2b: {  	[tilespmem:$0x5120] =	vst v1  }
0x2c: {  	[tilespmem:$0x5130] =	vst v1  }
0x2d: {  	[tilespmem:$0x5140] =	vst v1  }
0x2e: {  	[tilespmem:$0x5150] =	vst v1  }
0x2f: {  	[tilespmem:$0x5160] =	vst v1  }
0x30: {  	[tilespmem:$0x5170] =	vst v1  }
0x31: {  	[tilespmem:$0x5180] =	vst v1  }
0x32: {  	[tilespmem:$0x5190] =	vst v1  }
0x33: {  	[tilespmem:$0x51A0] =	vst v1  }
0x34: {  	[tilespmem:$0x51B0] =	vst v1  }
0x35: {  	[tilespmem:$0x51C0] =	vst v1  }
0x36: {  	[tilespmem:$0x51D0] =	vst v1  }
0x37: {  	[tilespmem:$0x51E0] =	vst v1  }
0x38: {  	[tilespmem:$0x51F0] =	vst v1  }
0x39: {  	[tilespmem:$0x5200] =	vst v1  }
0x3a: {  	[tilespmem:$0x5210] =	vst v1  }
0x3b: {  	[tilespmem:$0x5220] =	vst v1  }
0x3c: {  	[tilespmem:$0x5230] =	vst v1  }
0x3d: {  	[tilespmem:$0x5240] =	vst v1  }
0x3e: {  	[tilespmem:$0x5250] =	vst v1  }
0x3f: {  	[tilespmem:$0x5260] =	vst v1  }
0x40: {  	[tilespmem:$0x5270] =	vst v1  }
0x41: {  	[tilespmem:$0x5280] =	vst v1  }
0x42: {  	[tilespmem:$0x5290] =	vst v1  }
0x43: {  	[tilespmem:$0x52A0] =	vst v1  }
0x44: {  	[tilespmem:$0x52B0] =	vst v1  }
0x45: {  	[tilespmem:$0x52C0] =	vst v1  }
0x46: {  	[tilespmem:$0x52D0] =	vst v1  }
0x47: {  	[tilespmem:$0x52E0] =	vst v1  }
0x48: {  	[tilespmem:$0x52F0] =	vst v1  }
0x49: {  	[spmem:s7] =	stream.linear.scatter [tilespmem:s14], [sflag:$0x2], $0x280, $0x38;
	[tilespmem:$0x5800] =	vst v63  }
0x4a: {  	_ =	swait.ge [sflag:s12], $0x280  }
0x4b: {  	[sflag:s12] =	ssyncset.done $0x0  }
0x4c: {  	[sflag:s12] =	ssyncadd.s32 $0xFFFFFD80  }
0x4d: {  	[spmem:s8] =	stream.linear.scatter [tilespmem:s14], [sflag:$0x2], $0x280, $0x38;
	[tilespmem:$0x5800] =	vst v63  }
0x4e: {  	_ =	swait.ge [sflag:s12], $0x280  }
0x4f: {  	[sflag:s12] =	ssyncset.done $0x0  }
0x50: {  	[sflag:s12] =	ssyncadd.s32 $0xFFFFFD80  }
0x51: {  	s23 =	simm.s32 $0x0;
	[bflag:$0x0] =	sbarrier.arrive $0xFFFF  }
0x52: {  	[spmem:s2] =	stream.indirect.scatter.add.f32 [tilespmem:s16], [sflag:$0x1], $0x1, s23, s15, $0xb8;
	[tilespmem:$0x5800] =	vst v63  }
0x53: {  	s24 =	simm.s32 $0x2800;
	s23 =	simm.s32 $0x200  }
.LBB2_2:
0x54: {  	[spmem:s3] =	stream.indirect.scatter.add.f32 [tilespmem:s16], [sflag:$0x1], $0x1, s24, s15, $0xb8;
	[tilespmem:$0x5800] =	vst v63  }
0x55: {  	s24 =	smov.u32 s23;
	p0 =	sne.s32 s23, $0x9E00  }
.Ltmp0:
0x56: {  	s23 =	sadd.s32 $0x200, s23;
	(pc) =	sbr.rel @p0 .LBB2_2-.Ltmp0, $4  }
0x57: {  	_ = 	snop  }
0x58: {  	s24 =	sshra.s32 s24, $0x2  }
0x59: {  	[spmem:s2] =	stream.indirect.scatter.add.f32 [tilespmem:s16], [sflag:$0x1], $0x1, s24, s15, $0xb8;
	[tilespmem:$0x5800] =	vst v63  }
0x5a: {  	s24 =	sadd.s32 $0x2800, s24  }
0x5b: {  	[spmem:s3] =	stream.indirect.scatter.add.f32 [tilespmem:s16], [sflag:$0x1], $0x1, s24, s15, $0xb8;
	[tilespmem:$0x5800] =	vst v63  }
0x5c: {  	_ =	swait.ge [sflag:s17], $0x80  }
0x5d: {  	[sflag:s17] =	ssyncset.done $0x0  }
0x5e: {  	[sflag:s17] =	ssyncadd.s32 $0xFFFFFF80  }
0x5f: {  	_ =	swait.ge [sflag:s17], $0x80  }
0x60: {  	s23 =	simm.s32 $0x4F;
	[sflag:s17] =	ssyncset.done $0x0  }
.LBB2_4:
0x61: {  	p0 =	sne.s32 s23, $0x1;
	s23 =	sadd.s32 $0xFFFFFFFF, s23;
	[sflag:s17] =	ssyncadd.s32 $0xFFFFFF80  }
.Ltmp1:
0x62: {  	_ =	swait.ge [sflag:s17], $0x80;
	(pc) =	sbr.rel @p0 .LBB2_4-.Ltmp1, $4  }
0x63: {  	[sflag:s17] =	ssyncset.done $0x0  }
0x64: {  	[sflag:s17] =	ssyncadd.s32 $0xFFFFFF80  }
0x65: {  	_ =	swait.ge [sflag:s17], $0x80  }
0x66: {  	[sflag:s17] =	ssyncset.done $0x0  }
0x67: {  	[sflag:s17] =	ssyncadd.s32 $0xFFFFFF80  }
0x68: {  	[bflag:$0x0] =	sbarrier.arrive $0xFFFF  }
0x69: {  	[hbm:s9@s20], [sflag:s18] =	dma.strided [spmem:s19@s21], $0x50, s17, $0x10   }
0x6a: {  	s22 =	sadd.s32 $0x1, s22;
	_ =	swait.ge [sflag:s12], $0x50  }
0x6b: {  	p0 =	sne.s32 s22, s11;
	[sflag:s12] =	ssyncset.done $0x0  }
.Ltmp2:
0x6c: {  	s23 =	sshrl.u32 s8, $0x3;
	[sflag:s12] =	ssyncadd.s32 $0xFFFFFFB0;
	(pc) =	sbr.rel @p0 .LBB2_1-.Ltmp2, $4  }
0x6d: {  	[hbm:s10@s20], [sflag:s18] =	dma.strided [spmem:s23@s21], $0x50, s17, $0x10   }
0x6e: {  	_ =	swait.ge [sflag:s12], $0x50  }
0x6f: {  	[sflag:s12] =	ssyncset.done $0x0  }
0x70: {  	[sflag:s12] =	ssyncadd.s32 $0xFFFFFFB0  }
0x71: {  	_ =	sfence.sel $0x180000  }
0x72: {  	[bflag:$0x0] =	sbarrier.arrive $0xFFFF  }
0x73: {  	p0 =	sne.s32 s0, $0x0;
	_ =	strace $0x90000047  }
0x74: {  	s0 =	sadd.s32 @!p0 $0x100000, s1;
	[bflag:$0x2] =	sbarrier.arrive $0xFFFF  }
0x75: {  	[sflag:s0] =	ssyncadd.tile.s32 @!p0 $0x1;
	_ =	shalt  }
.Lfunc_end2:
_tile_overlayer_lowered:
.L_overlay_start_2:
0x76: {  	(tag) =	ssettag $0x2  }
0x77: {  	s0 =	rddreg [dreg:$0x0];
	s2 =	stileid.u32  }
0x78: {  	s1 =	rddreg [dreg:$0x1];
	p0 =	sne.s32 s2, $0x0  }
0x79: {  	s3 =	rddreg [dreg:$0x2];
	[bflag:$0x3] =	sbarrier.arrive $0xFFFF;
	s2 =	simm.s32 @!p0 $0x1C02  }
0x7a: {  	[timem:s3], [sflag:s2] =	dma.local @!p0 [hbm:s0], s1  }
0x7b: {  	s0 =	simm.s32 @!p0 $0x2  }
0x7c: {  	_ =	swait.ge @!p0 [sflag:s0], s1  }
0x7d: {  	s1 =	ssub.s32 @!p0 $0x0, s1;
	[sflag:s0] =	ssyncset.done @!p0 $0x0  }
0x7e: {  	[sflag:s0] =	ssyncadd.s32 @!p0 s1  }
0x7f: {  	[bflag:$0x3] =	sbarrier.arrive $0xFFFF  }
0x80: {  	_ =	shalt  }

// kernel: kernel.13.cloned.1.call-start
scs
__scs_entry_jumppad:
0x0: {  	(pc) =	sbr.rel $0x88, $3  }
0x1: {  	(tag) =	ssettag $0x0;
	lr =	simm.s32 $0x1  }
0x2: {  	[smem:$0x3F95] =	sst lr;
	_ =	strace $0xD0000000  }
0x3: {  	_ = 	snop  }
0x4: {  	_ = 	snop  }
0x5: {  	_ = 	snop  }
0x6: {  	_ = 	snop  }
0x7: {  	_ = 	snop  }
__scs_overlays_trampoline_lowered:
0x8: {  	[smem:$0x3FA4] =	sst s0  }
0x9: {  	[smem:$0x3FA5] =	sst s1  }
0xa: {  	[smem:$0x3FA6] =	sst s2  }
0xb: {  	[smem:$0x3FA7] =	sst s3  }
0xc: {  	[smem:$0x3FA8] =	sst s4  }
0xd: {  	[smem:$0x3FA9] =	sst s5  }
0xe: {  	[smem:$0x3FAA] =	sst s6  }
0xf: {  	[smem:$0x3FAB] =	sst s7  }
0x10: {  	[smem:$0x3FAC] =	sst s8  }
0x11: {  	[smem:$0x3FAD] =	sst s9;
	s0 =	simm.s32 @!p0 $0x0  }
0x12: {  	s1 =	sld [smem:$0x3F93];
	s0 =	simm.s32 @p0 $0x1  }
0x13: {  	[smem:$0x3FAE] =	sst s0;
	s0 =	simm.s32 @!p1 $0x0  }
0x14: {  	s2 =	sld [smem:$0x3F92];
	s0 =	simm.s32 @p1 $0x1  }
0x15: {  	[smem:$0x3FAF] =	sst s0;
	s0 =	simm.s32 @!p2 $0x0  }
0x16: {  	s3 =	sld [smem:$0x3FDB];
	s0 =	simm.s32 @p2 $0x1  }
0x17: {  	s4 =	simm.s32 $0x1BF5;
	[smem:$0x3FB1] =	sst s0  }
0x18: {  	s0 =	sld [smem:$0x3F94];
	_ =	swait.ge [sflag:s4], $0x0  }
0x19: {  	s7 =	sld [smem:$0x3F95]  }
0x1a: {  	s8 =	sadd.s32 $0xFFFFE003, lr  }
0x1b: {  	s9 =	sadd.s32 $0xFFFFFEF7, lr;
	s5 =	simm.s32 $0xFFFFFFFF;
	p2 =	slt.u32 s8, $0xFFFFF086  }
0x1c: {  	p1 =	slt.u32 s9, $0xF7A;
	s5 =	simm.s32 @!p2 $0x0  }
0x1d: {  	s5 =	simm.s32 @p1 $0x1;
	p0 =	seq.s32 s7, s2  }
0x1e: {  	s7 =	smul.u32 @!p0 $0xF7A, s2;
	p2 =	seq.s32 @!p0 s5, $0x0  }
0x1f: {  	s9 =	smul.u32 $0xF7A, s1;
	s8 =	simm.s32 @!p0 $0x1BF5;
	p2 =	por !p2, p0  }
0x20: {  	[sflag:s8] =	ssyncset.s32 @!p0 $0xFFFFF086;
	s6 =	sadd.s32 @!p0 s3, s7;
	s7 =	simm.s32 @!p0 $0x108  }
0x21: {  	s3 =	sadd.s32 s3, s9;
	s6 =	sadd.s32 @!p0 $0x88, s6;
	s7 =	simm.s32 @p2 $0x1082  }
0x22: {  	[simem:s7], [sflag:s8] =	dma.local @!p0 [hbm:s6], $0xF7A  }
0x23: {  	s9 =	sor.u32 $0xD0000000, s2;
	s6 =	simm.s32 $0x108;
	_ =	swait.ge @!p0 [sflag:s8], $0x0  }
0x24: {  	s3 =	sadd.s32 $0x88, s3;
	s6 =	simm.s32 @!p1 $0x1082;
	[sflag:s4] =	ssyncset.s32 $0xFFFFF086  }
0x25: {  	[simem:s6], [sflag:s4] =	dma.local [hbm:s3], $0xF7A  }
0x26: {  	[smem:$0x3F95] =	sst s1;
	(tag) =	ssettag s2;
	_ =	strace s9  }
0x27: {  	s1 =	sld [smem:$0x3FA5]  }
0x28: {  	s2 =	sld [smem:$0x3FA6]  }
0x29: {  	s4 =	sld [smem:$0x3FA8]  }
0x2a: {  	p0 =	seq.s32 s5, $0x0;
	s5 =	sld [smem:$0x3FA9]  }
0x2b: {  	s6 =	sld [smem:$0x3FAA]  }
0x2c: {  	s7 =	sld [smem:$0x3FAB]  }
0x2d: {  	s3 =	simm.s32 $0x108;
	s8 =	sld [smem:$0x3FAC]  }
0x2e: {  	s3 =	simm.s32 @!p0 $0x1082;
	s9 =	sld [smem:$0x3FAD]  }
0x2f: {  	lr =	sadd.s32 s0, s3;
	s0 =	sld [smem:$0x3FA4]  }
0x30: {  	s3 =	sld [smem:$0x3FA7]  }
0x31: {  	[smem:$0x3FB0] =	sst s10  }
0x32: {  	s10 =	sld [smem:$0x3FAE];
	_ =	sdelay $0x3  }
0x33: {  	p0 =	seq.s32 s10, $0x1;
	s10 =	sld [smem:$0x3FB0];
	_ =	sdelay $0x3  }
0x34: {  	[smem:$0x3FB0] =	sst s10  }
0x35: {  	s10 =	sld [smem:$0x3FAF];
	_ =	sdelay $0x3  }
0x36: {  	p1 =	seq.s32 s10, $0x1;
	s10 =	sld [smem:$0x3FB0];
	_ =	sdelay $0x3  }
0x37: {  	[smem:$0x3FB0] =	sst s10  }
0x38: {  	s10 =	sld [smem:$0x3FB1]  }
0x39: {  	_ = 	snop;
	(pc) =	sbr.ind lr, $3  }
0x3a: {  	_ = 	snop  }
0x3b: {  	_ = 	snop  }
0x3c: {  	p2 =	seq.s32 s10, $0x1;
	s10 =	sld [smem:$0x3FB0]  }
0x3d: {  	_ =	shalt  }
0x3e: {  	_ =	shalt  }
0x3f: {  	_ =	shalt  }
0x40: {  	_ =	shalt  }
0x41: {  	_ =	shalt  }
0x42: {  	_ =	shalt  }
0x43: {  	_ =	shalt  }
0x44: {  	_ =	shalt  }
0x45: {  	_ =	shalt  }
0x46: {  	_ =	shalt  }
0x47: {  	_ =	shalt  }
0x48: {  	_ =	shalt  }
0x49: {  	_ =	shalt  }
0x4a: {  	_ =	shalt  }
0x4b: {  	_ =	shalt  }
0x4c: {  	_ =	shalt  }
0x4d: {  	_ =	shalt  }
0x4e: {  	_ =	shalt  }
0x4f: {  	_ =	shalt  }
0x50: {  	_ =	shalt  }
0x51: {  	_ =	shalt  }
0x52: {  	_ =	shalt  }
0x53: {  	_ =	shalt  }
0x54: {  	_ =	shalt  }
0x55: {  	_ =	shalt  }
0x56: {  	_ =	shalt  }
0x57: {  	_ =	shalt  }
0x58: {  	_ =	shalt  }
0x59: {  	_ =	shalt  }
0x5a: {  	_ =	shalt  }
0x5b: {  	_ =	shalt  }
0x5c: {  	_ =	shalt  }
0x5d: {  	_ =	shalt  }
0x5e: {  	_ =	shalt  }
0x5f: {  	_ =	shalt  }
0x60: {  	_ =	shalt  }
0x61: {  	_ =	shalt  }
0x62: {  	_ =	shalt  }
0x63: {  	_ =	shalt  }
0x64: {  	_ =	shalt  }
0x65: {  	_ =	shalt  }
0x66: {  	_ =	shalt  }
0x67: {  	_ =	shalt  }
0x68: {  	_ =	shalt  }
0x69: {  	_ =	shalt  }
0x6a: {  	_ =	shalt  }
0x6b: {  	_ =	shalt  }
0x6c: {  	_ =	shalt  }
0x6d: {  	_ =	shalt  }
0x6e: {  	_ =	shalt  }
0x6f: {  	_ =	shalt  }
0x70: {  	_ =	shalt  }
0x71: {  	_ =	shalt  }
0x72: {  	_ =	shalt  }
0x73: {  	_ =	shalt  }
0x74: {  	_ =	shalt  }
0x75: {  	_ =	shalt  }
0x76: {  	_ =	shalt  }
0x77: {  	_ =	shalt  }
0x78: {  	_ =	shalt  }
0x79: {  	_ =	shalt  }
0x7a: {  	_ =	shalt  }
0x7b: {  	_ =	shalt  }
0x7c: {  	_ =	shalt  }
0x7d: {  	_ =	shalt  }
0x7e: {  	_ =	shalt  }
0x7f: {  	_ =	shalt  }
0x80: {  	_ =	shalt  }
0x81: {  	_ =	shalt  }
0x82: {  	_ =	shalt  }
0x83: {  	_ =	shalt  }
0x84: {  	_ =	shalt  }
0x85: {  	_ =	shalt  }
0x86: {  	_ =	shalt  }
0x87: {  	_ =	shalt  }
.Lfunc_end0:
.L_simem_size_0:
called_computation.1_lowered:
.L_overlay_start_0:
0x88: {  	s2 =	sld [smem:$0x3FD9]  }
0x89: {  	s3 =	sld [smem:$0x3FFE];
	_ =	sdelay $0x1  }
0x8a: {  	s1 =	srdreg.scid  }
0x8b: {  	s0 =	sand.u32 $0x1, s1  }
0x8c: {  	s17 =	sshll.u32 s0, $0xA;
	s2 =	sadd.s32 s3, s2  }
0x8d: {  	s2 =	sadd.s32 s2, s17  }
0x8e: {  	[smem:$0x3FBC] =	sst s2  }
0x8f: {  	_ = 	snop  }
0x90: {  	s2 =	sld [smem:$0x3FD0];
	(tm) =	ssettm $0x1  }
0x91: {  	s18 =	sld [smem:$0x3FFB];
	_ =	sdelay $0x3  }
0x92: {  	_ =	strace s18  }
0x93: {  	s3 =	sld [smem:$0x3FFC];
	_ =	sdelay $0x3  }
0x94: {  	_ =	strace s3  }
0x95: {  	s3 =	sld [smem:$0x3FFD];
	_ =	sdelay $0x3  }
0x96: {  	_ =	strace s3  }
0x97: {  	_ =	strace $0x8FFFFFFF  }
0x98: {  	s19 =	sld [smem:$0x3FDB];
	_ =	sdelay $0x1  }
0x99: {  	s4 =	simm.s32 $_scs_section_size  }
0x9a: {  	s5 =	simm.s32 $_size__tile_overlayer_lowered;
	s6 =	simm.s32 $_tile_overlayer_lowered  }
0x9b: {  	s22 =	simm.s32 $0x1BFF;
	s21 =	sshll.u32 s6, $0x1;
	s3 =	sadd.s32 s4, s19  }
0x9c: {  	s7 =	simm.s32 $0x0;
	s20 =	sshll.u32 s5, $0x1;
	s5 =	sadd.s32 s21, s3  }
0x9d: {  	[timem:s7], [sflag:s22] =	dma.local [hbm:s5], s20  }
0x9e: {  	_ =	swait.ge [sflag:s22], s20  }
0x9f: {  	s4 =	ssub.s32 $0x0, s20;
	[sflag:s22] =	ssyncset.done $0x0  }
0xa0: {  	[sflag:s22] =	ssyncadd.s32 s4;
	_ =	sdelay $0x1  }
0xa1: {  	s23 =	simm.s32 $0x1B8B  }
0xa2: {  	_ =	swait.ge [sflag:s23], $0x1  }
0xa3: {  	[sflag:s23] =	ssyncset.done $0x0  }
0xa4: {  	s25 =	simm.s32 $0x1B8E;
	s24 =	sld [smem:$0x3FFE];
	[sflag:s23] =	ssyncadd.s32 $0xFFFFFFFF  }
0xa5: {  	s26 =	simm.s32 $execute0_lowered;
	[smem:$0x3FD2] =	sst s25  }
0xa6: {  	s5 =	sshll.u32 s26, $0x1;
	_ =	strace $0x80000049;
	[dreg:$0x1] =	wrdreg $0xFFFFFFFF  }
0xa7: {  	s28 =	simm.s32 $_size_execute0_lowered;
	s3 =	sadd.s32 s3, s5;
	[dreg:$0x0] =	wrdreg $0x0  }
0xa8: {  	s5 =	sshll.u32 s28, $0x1;
	[dreg:$0x2] =	wrdreg s3  }
0xa9: {  	[dreg:$0x3] =	wrdreg s5  }
0xaa: {  	[dreg:$0x4] =	wrdreg $0xC0  }
0xab: {  	_ =	task [dreg:s7], $0x5FFFF  }
0xac: {  	[dreg:$0x1] =	wrdreg $0xFFFFFFFF  }
0xad: {  	[dreg:$0x0] =	wrdreg $0x60  }
0xae: {  	[dreg:$0x2] =	wrdreg s24  }
0xaf: {  	[dreg:$0x3] =	wrdreg s2  }
0xb0: {  	[dreg:$0x4] =	wrdreg $0x84000  }
0xb1: {  	[dreg:$0x5] =	wrdreg $0x9  }
0xb2: {  	_ =	task.clear_ibuf [dreg:s7], $0x6FFFF;
	_ =	strace $0x90000049  }
0xb3: {  	s29 =	simm.s32 $0x9;
	_ =	strace $0x8000004B  }
0xb4: {  	_ =	swait.ge [sflag:s29], $0x1  }
0xb5: {  	[sflag:s29] =	ssyncadd.s32 $0xFFFFFFFF  }
0xb6: {  	_ =	strace $0x9000004B  }
0xb7: {  	_ =	sfence  }
0xb8: {  	s30 =	sld [smem:$0x0];
	_ =	sdelay $0x2  }
0xb9: {  	s31 =	sshll.u32 s1, $0xD;
	s1 =	sshrl.u32 s1, $0x2  }
0xba: {  	s3 =	sand.u32 $0x4000, s31;
	s1 =	sadd.s32 s1, s30  }
0xbb: {  	s0 =	sor.u32 s3, s0;
	s1 =	sshll.u32 s1, $0x11  }
0xbc: {  	s0 =	sor.u32 s1, s0  }
0xbd: {  	s0 =	sadd.s32 $0x8F2B, s0  }
0xbe: {  	[sflag:s0] =	ssyncadd.remote.s32 $0x1  }
0xbf: {  	_ =	sfence.sel $0xFFFF  }
0xc0: {  	[dreg:$0x0] =	wrdreg $0xFFFFFFFF;
	(pc) =	sbr.abs _section_cstart, $3  }
0xc1: {  	[dreg:$0x1] =	wrdreg $0xFFFFFFFF  }
0xc2: {  	_ =	task.clear_ibuf [dreg:s7], $0x2FFFF;
	_ =	strace $0x9FFFFFFF  }
0xc3: {  	(tm) =	ssettm $0x7FFFFFFF  }
tec
execute0_lowered:
.L_overlay_start_1:
0x0: {  	(tag) =	ssettag $0x1  }
0x1: {  	s0 =	rddreg [dreg:$0x0]  }
0x2: {  	s2 =	rddreg [dreg:$0x1];
	s1 =	srdreg.scid  }
0x3: {  	s3 =	rddreg [dreg:$0x2];
	s11 =	stileid.u32;
	s4 =	simm.s32 $0x0  }
0x4: {  	s28 =	simm.s32 $0x280;
	s29 =	simm.s32 $0x100;
	s30 =	simm.s32 $0x300  }
0x5: {  	s31 =	simm.s32 $0x180;
	s1 =	sand.u32 $0x1, s1;
	s7 =	smul.u32 $0x14000, s11  }
0x6: {  	[smem:$0x7FF] =	sst s4;
	s5 =	sadd.s32 $0xD000, s0;
	s8 =	smul.u32 $0x50000, s11  }
0x7: {  	s6 =	smul.u32 $0x140000, s1;
	_ =	strace $0x8000004A;
	s24 =	ssub.s32 $0x2, s1  }
0x8: {  	s9 =	sshll.u32 s1, $0x4;
	s1 =	smul.u32 $0x5000, s1;
	s10 =	sshrl.u32 s24, $0x1  }
0x9: {  	s9 =	sor.u32 s11, s9;
	s8 =	sshrl.u32 s8, $0x2;
	s11 =	smul.u32 $0x500, s11  }
0xa: {  	s7 =	sadd.s32 s7, s6;
	s6 =	sadd.s32 $0x3000, s0;
	s15 =	sadd.s32 s8, s3  }
0xb: {  	s10 =	ssub.s32 s24, s10;
	s26 =	sadd.s32 $0x4000, s15;
	[dreg:$0x6] =	wrdreg s15  }
0xc: {  	s25 =	smul.u32 $0x500, s9;
	s9 =	sadd.s32 $0x8000, s15;
	[dreg:$0x7] =	wrdreg s26  }
0xd: {  	s7 =	sshrl.u32 s7, $0x3;
	s12 =	sadd.s32 $0xC000, s15;
	[dreg:$0x8] =	wrdreg s9  }
0xe: {  	s13 =	sadd.s32 $0x10000, s15;
	s0 =	sadd.s32 s7, s0;
	[dreg:$0x9] =	wrdreg s12  }
0xf: {  	[dreg:$0xa] =	wrdreg s13;
	s14 =	sadd.s32 s6, s25;
	s16 =	sadd.s32 s2, s25  }
0x10: {  	s9 =	sor.u32 $0x10, s25;
	s19 =	sor.u32 $0x20, s25;
	[dreg:$0xb] =	wrdreg s14  }
0x11: {  	s8 =	sor.u32 $0x30, s25;
	s26 =	smax.u32 s10, $0x1;
	[dreg:$0xc] =	wrdreg s16  }
0x12: {  	s10 =	simm.s32 $0x5;
	s17 =	sadd.s32 s6, s9;
	[dreg:$0x14] =	wrdreg s26  }
0x13: {  	s12 =	simm.s32 $0x7;
	s18 =	sadd.s32 s2, s9;
	[dreg:$0xd] =	wrdreg s17  }
0x14: {  	s13 =	simm.s32 $0x4;
	s20 =	sadd.s32 s6, s19;
	[dreg:$0xe] =	wrdreg s18  }
0x15: {  	s21 =	sadd.s32 s2, s19;
	s22 =	sadd.s32 s6, s8;
	[dreg:$0xf] =	wrdreg s20  }
0x16: {  	s24 =	sadd.s32 s2, s8;
	s0 =	sadd.s32 $0x35000, s0;
	[dreg:$0x10] =	wrdreg s21  }
0x17: {  	s14 =	simm.s32 $0x9;
	s26 =	simm.s32 $0x80;
	[dreg:$0x11] =	wrdreg s22  }
0x18: {  	s8 =	simm.s32 $0x2;
	s9 =	simm.s32 $0x4400;
	[dreg:$0x12] =	wrdreg s24  }
0x19: {  	s16 =	simm.s32 $0x0;
	s17 =	sadd.s32 s11, s1;
	[dreg:$0x13] =	wrdreg s0  }
0x1a: {  	s24 =	simm.s32 $0x200;
	s0 =	simm.s32 $0x380;
	s23 =	sadd.s32 s6, s17  }
0x1b: {  	s1 =	simm.s32 $0x1;
	s25 =	sadd.s32 s2, s17;
	[dreg:$0x4] =	wrdreg s23  }
0x1c: {  	v0 =	vimm.f32 $0.0e+00;
	s11 =	simm.s32 $0x6;
	[dreg:$0x5] =	wrdreg s25;
	s23 =	simm.s32 $0x400  }
.LBB2_1:
0x1d: {  	s25 =	sand.u32 $0xFE00, s4  }
0x1e: {  	[dreg:$0x15] =	wrdreg s16;
	s18 =	sand.u32 $0x70, s4;
	s19 =	sshrl.u32 s25, $0x2  }
0x1f: {  	s16 =	simm.s32 $0x40;
	s19 =	sor.u32 s18, s19;
	s18 =	simm.s32 $0x0  }
.LBB2_2:
0x20: {  	p0 =	sne.s32 s16, $0xFFC0  }
0x21: {  	[tilespmem:s19+$0x400] =	vst v0;
	s18 =	sadd.s32 $0x10, s18;
	s19 =	smov.u32 s16;
	s16 =	sadd.s32 $0x40, s16  }
.Ltmp0:
0x22: {  	(pc) =	sbr.rel @p0 .LBB2_2-.Ltmp0, $4  }
0x23: {  	_ = 	snop  }
0x24: {  	s19 =	sand.u32 $0xFE00, s19  }
0x25: {  	s20 =	sand.u32 $0x70, s18;
	s19 =	sshrl.u32 s19, $0x2  }
0x26: {  	s19 =	sor.u32 s20, s19  }
0x27: {  	[tilespmem:s19+$0x400] =	vst v0  }
0x28: {  	[spmem:s15] =	stream.linear.scatter [tilespmem:s23], [sflag:$0x9], $0x4000, $0x38;
	[tilespmem:$0x1C400] =	vst v63  }
0x29: {  	_ =	swait.ge [sflag:s14], $0x4000  }
0x2a: {  	[sflag:s14] =	ssyncset.done $0x0  }
0x2b: {  	s7 =	rddreg [dreg:$0x7];
	[sflag:s14] =	ssyncadd.s32 $0xFFFFC000  }
0x2c: {  	[spmem:s7] =	stream.linear.scatter [tilespmem:s23], [sflag:$0x9], $0x4000, $0x38;
	[tilespmem:$0x1C400] =	vst v63  }
0x2d: {  	_ =	swait.ge [sflag:s14], $0x4000  }
0x2e: {  	[sflag:s14] =	ssyncset.done $0x0  }
0x2f: {  	s19 =	rddreg [dreg:$0x8];
	[sflag:s14] =	ssyncadd.s32 $0xFFFFC000  }
0x30: {  	[spmem:s19] =	stream.linear.scatter [tilespmem:s23], [sflag:$0x9], $0x4000, $0x38;
	[tilespmem:$0x1C400] =	vst v63  }
0x31: {  	_ =	swait.ge [sflag:s14], $0x4000  }
0x32: {  	[sflag:s14] =	ssyncset.done $0x0  }
0x33: {  	s20 =	rddreg [dreg:$0x9];
	[sflag:s14] =	ssyncadd.s32 $0xFFFFC000  }
0x34: {  	[spmem:s20] =	stream.linear.scatter [tilespmem:s23], [sflag:$0x9], $0x4000, $0x38;
	[tilespmem:$0x1C400] =	vst v63  }
0x35: {  	_ =	swait.ge [sflag:s14], $0x4000  }
0x36: {  	[sflag:s14] =	ssyncset.done $0x0  }
0x37: {  	s21 =	rddreg [dreg:$0xa];
	[sflag:s14] =	ssyncadd.s32 $0xFFFFC000  }
0x38: {  	[spmem:s21] =	stream.linear.scatter [tilespmem:s23], [sflag:$0x9], $0x4000, $0x38;
	[tilespmem:$0x1C400] =	vst v63  }
0x39: {  	_ =	swait.ge [sflag:s14], $0x4000  }
0x3a: {  	[sflag:s14] =	ssyncset.done $0x0  }
0x3b: {  	s16 =	simm.s32 $0x0;
	s22 =	rddreg [dreg:$0xb];
	[sflag:s14] =	ssyncadd.s32 $0xFFFFC000  }
0x3c: {  	[tilespmem:s16], [sflag:$0x1] =	stream.linear.gather [hbm4b:s22+s16], $0x80, $0x38;
	[tilespmem:$0x1C400] =	vst v63  }
0x3d: {  	s25 =	rddreg [dreg:$0xc]  }
0x3e: {  	[tilespmem:s24], [sflag:$0x1] =	stream.linear.gather [hbm4b:s25+s16], $0x80, $0x38;
	[tilespmem:$0x1C400] =	vst v63  }
0x3f: {  	s14 =	rddreg [dreg:$0xd]  }
0x40: {  	[tilespmem:s26], [sflag:$0x2] =	stream.linear.gather [hbm4b:s14+s16], $0x80, $0x38;
	[tilespmem:$0x1C400] =	vst v63  }
0x41: {  	s15 =	rddreg [dreg:$0xe]  }
0x42: {  	[tilespmem:s28], [sflag:$0x2] =	stream.linear.gather [hbm4b:s15+s16], $0x80, $0x38;
	[tilespmem:$0x1C400] =	vst v63  }
0x43: {  	s18 =	rddreg [dreg:$0xf]  }
0x44: {  	[tilespmem:s29], [sflag:$0x3] =	stream.linear.gather [hbm4b:s18+s16], $0x80, $0x38;
	[tilespmem:$0x1C400] =	vst v63  }
0x45: {  	s19 =	rddreg [dreg:$0x10]  }
0x46: {  	[tilespmem:s30], [sflag:$0x3] =	stream.linear.gather [hbm4b:s19+s16], $0x80, $0x38;
	[tilespmem:$0x1C400] =	vst v63  }
0x47: {  	p0 =	por $0x1, $0x1;
	s20 =	rddreg [dreg:$0x11];
	s18 =	sadd.s32 $0x0, s17  }
0x48: {  	[tilespmem:s31], [sflag:$0x4] =	stream.linear.gather [hbm4b:s20+s16], $0x80, $0x38;
	[tilespmem:$0x1C400] =	vst v63  }
0x49: {  	p0 =	por p0, p0;
	s21 =	rddreg [dreg:$0x12];
	s18 =	sand.u32 $0xFFFFF80, s18  }
0x4a: {  	[tilespmem:s0], [sflag:$0x4] =	stream.linear.gather [hbm4b:s21+s16], $0x80, $0x38;
	[tilespmem:$0x1C400] =	vst v63  }
0x4b: {  	s19 =	simm.s32 @!p0 $0x7;
	s16 =	sand.u32 $0x40, s16;
	[bflag:$0x0] =	sbarrier.arrive $0xFFFF  }
0x4c: {  	s16 =	sor.u32 s18, s16;
	_ =	swait.ge @!p0 [sflag:s19], $0x4000  }
0x4d: {  	s18 =	sor.u32 $0x20, s16;
	[sflag:s19] =	ssyncset.done @!p0 $0x0  }
0x4e: {  	s22 =	sadd.s32 s6, s18;
	[sflag:s19] =	ssyncadd.s32 @!p0 $0xFFFFC000  }
0x4f: {  	[tilespmem:s29], [sflag:$0x3] =	stream.linear.gather [hbm4b:s22+s4], $0x80, $0x38;
	[tilespmem:$0x1C400] =	vst v63  }
0x50: {  	s18 =	sadd.s32 s2, s18  }
0x51: {  	[tilespmem:s30], [sflag:$0x3] =	stream.linear.gather [hbm4b:s18+s4], $0x80, $0x38;
	[tilespmem:$0x1C400] =	vst v63  }
0x52: {  	_ =	swait.ge [sflag:s1], $0x80  }
0x53: {  	[sflag:s1] =	ssyncset.done $0x0  }
0x54: {  	[sflag:s1] =	ssyncadd.s32 $0xFFFFFF80  }
0x55: {  	_ =	swait.ge [sflag:s1], $0x80  }
0x56: {  	[sflag:s1] =	ssyncset.done $0x0  }
0x57: {  	s18 =	simm.s32 @!p0 $0x8;
	[sflag:s1] =	ssyncadd.s32 $0xFFFFFF80  }
0x58: {  	[tilespmem:s23], [sflag:$0x5] =	stream.indirect.gather [hbm4b:s5+s26], $0x80, s4, s26, $0xb8;
	[tilespmem:$0x1C400] =	vst v63  }
0x59: {  	_ =	swait.ge @!p0 [sflag:s18], $0x4000  }
0x5a: {  	s16 =	sor.u32 $0x30, s16;
	[sflag:s18] =	ssyncset.done @!p0 $0x0  }
0x5b: {  	s25 =	sadd.s32 s6, s16;
	[sflag:s18] =	ssyncadd.s32 @!p0 $0xFFFFC000  }
0x5c: {  	[tilespmem:s31], [sflag:$0x4] =	stream.linear.gather [hbm4b:s25+s4], $0x80, $0x38;
	[tilespmem:$0x1C400] =	vst v63  }
0x5d: {  	s16 =	sadd.s32 s2, s16  }
0x5e: {  	[tilespmem:s0], [sflag:$0x4] =	stream.linear.gather [hbm4b:s16+s4], $0x80, $0x38;
	[tilespmem:$0x1C400] =	vst v63  }
0x5f: {  	_ =	swait.ge [sflag:s8], $0x80  }
0x60: {  	[sflag:s8] =	ssyncset.done $0x0  }
0x61: {  	[sflag:s8] =	ssyncadd.s32 $0xFFFFFF80  }
0x62: {  	_ =	swait.ge [sflag:s8], $0x80  }
0x63: {  	[sflag:s8] =	ssyncset.done $0x0  }
0x64: {  	[sflag:s8] =	ssyncadd.s32 $0xFFFFFF80  }
0x65: {  	[tilespmem:s9], [sflag:$0x6] =	stream.indirect.gather [hbm4b:s5+s26], $0x80, s26, s26, $0xb8;
	[tilespmem:$0x1C400] =	vst v63  }
0x66: {  	_ =	swait.ge [sflag:s10], $0x4000  }
0x67: {  	[sflag:s10] =	ssyncset.done $0x0  }
0x68: {  	[sflag:s10] =	ssyncadd.s32 $0xFFFFC000  }
0x69: {  	[spmem:s3] =	stream.indirect.scatter.add.f32 [tilespmem:s23], [sflag:$0x7], $0x80, s24, s26, $0xb8;
	[tilespmem:$0x1C400] =	vst v63  }
0x6a: {  	_ =	swait.ge [sflag:s11], $0x4000  }
0x6b: {  	[sflag:s11] =	ssyncset.done $0x0  }
0x6c: {  	[sflag:s11] =	ssyncadd.s32 $0xFFFFC000  }
0x6d: {  	[spmem:s3] =	stream.indirect.scatter.add.f32 [tilespmem:s9], [sflag:$0x8], $0x80, s28, s26, $0xb8;
	[tilespmem:$0x1C400] =	vst v63  }
0x6e: {  	_ =	swait.ge [sflag:s12], $0x4000  }
0x6f: {  	p0 =	por $0x0, $0x0;
	[sflag:s12] =	ssyncset.done $0x0  }
0x70: {  	s16 =	simm.s32 @p0 $0x3;
	[sflag:s12] =	ssyncadd.s32 $0xFFFFC000  }
0x71: {  	_ =	swait.ge @p0 [sflag:s16], $0x80  }
0x72: {  	[sflag:s16] =	ssyncset.done @p0 $0x0  }
0x73: {  	[sflag:s16] =	ssyncadd.s32 @p0 $0xFFFFFF80  }
0x74: {  	_ =	swait.ge @p0 [sflag:s16], $0x80  }
0x75: {  	s18 =	simm.s32 @p0 $0x400;
	s19 =	simm.s32 @p0 $0x8;
	[sflag:s16] =	ssyncset.done @p0 $0x0  }
0x76: {  	s20 =	simm.s32 @p0 $0x100;
	[sflag:s16] =	ssyncadd.s32 @p0 $0xFFFFFF80;
	s16 =	simm.s32 @p0 $0x80  }
0x77: {  	[tilespmem:s18], [sflag:$0x5] =	stream.indirect.gather @p0 [hbm4b:s5+s16], $0x80, s20, s16, $0xb8;
	[tilespmem:$0x1C400] =	vst v63  }
0x78: {  	_ =	swait.ge @p0 [sflag:s19], $0x4000  }
0x79: {  	s20 =	simm.s32 @!p0 $0x0;
	s16 =	rddreg [dreg:$0x4]  }
0x7a: {  	s18 =	rddreg [dreg:$0x5];
	[sflag:s19] =	ssyncset.done @p0 $0x0;
	s16 =	sadd.s32 @!p0 $0x0, s16  }
0x7b: {  	[sflag:s19] =	ssyncadd.s32 @p0 $0xFFFFC000;
	s18 =	sadd.s32 @!p0 $0x0, s18;
	s19 =	sadd.s32 @!p0 $0x40, s16  }
0x7c: {  	[tilespmem:s20], [sflag:$0x1] =	stream.linear.gather @!p0 [hbm4b:s19+s20], $0x80, $0x38;
	[tilespmem:$0x1C400] =	vst v63  }
0x7d: {  	s21 =	simm.s32 @!p0 $0x200;
	s22 =	simm.s32 @!p0 $0x3;
	s19 =	sadd.s32 @!p0 $0x40, s18  }
0x7e: {  	[tilespmem:s21], [sflag:$0x1] =	stream.linear.gather @!p0 [hbm4b:s19+s20], $0x80, $0x38;
	[tilespmem:$0x1C400] =	vst v63  }
0x7f: {  	_ =	swait.ge @!p0 [sflag:s22], $0x80  }
0x80: {  	[sflag:s22] =	ssyncset.done @!p0 $0x0  }
0x81: {  	[sflag:s22] =	ssyncadd.s32 @!p0 $0xFFFFFF80  }
0x82: {  	_ =	swait.ge @!p0 [sflag:s22], $0x80  }
0x83: {  	s19 =	simm.s32 @!p0 $0x400;
	[sflag:s22] =	ssyncset.done @!p0 $0x0  }
0x84: {  	s21 =	simm.s32 @!p0 $0x80;
	[sflag:s22] =	ssyncadd.s32 @!p0 $0xFFFFFF80;
	s22 =	simm.s32 @!p0 $0x100  }
0x85: {  	[tilespmem:s19], [sflag:$0x5] =	stream.indirect.gather @!p0 [hbm4b:s5+s21], $0x80, s22, s21, $0xb8;
	[tilespmem:$0x1C400] =	vst v63  }
0x86: {  	s19 =	simm.s32 @!p0 $0x8  }
0x87: {  	_ =	swait.ge @!p0 [sflag:s19], $0x4000  }
0x88: {  	[sflag:s19] =	ssyncset.done @!p0 $0x0  }
0x89: {  	s16 =	sadd.s32 @!p0 $0x50, s16;
	[sflag:s19] =	ssyncadd.s32 @!p0 $0xFFFFC000  }
0x8a: {  	[tilespmem:s21], [sflag:$0x2] =	stream.linear.gather @!p0 [hbm4b:s16+s20], $0x80, $0x38;
	[tilespmem:$0x1C400] =	vst v63  }
0x8b: {  	s16 =	sadd.s32 @!p0 $0x50, s18;
	s18 =	simm.s32 @!p0 $0x280  }
0x8c: {  	[tilespmem:s18], [sflag:$0x2] =	stream.linear.gather @!p0 [hbm4b:s16+s20], $0x80, $0x38;
	[tilespmem:$0x1C400] =	vst v63  }
0x8d: {  	_ =	swait.ge [sflag:s13], $0x80  }
0x8e: {  	[sflag:s13] =	ssyncset.done $0x0  }
0x8f: {  	[sflag:s13] =	ssyncadd.s32 $0xFFFFFF80  }
0x90: {  	_ =	swait.ge [sflag:s13], $0x80  }
0x91: {  	[sflag:s13] =	ssyncset.done $0x0  }
0x92: {  	[sflag:s13] =	ssyncadd.s32 $0xFFFFFF80  }
0x93: {  	[tilespmem:s9], [sflag:$0x6] =	stream.indirect.gather [hbm4b:s5+s26], $0x80, s31, s26, $0xb8;
	[tilespmem:$0x1C400] =	vst v63  }
0x94: {  	_ =	swait.ge [sflag:s10], $0x4000  }
0x95: {  	[sflag:s10] =	ssyncset.done $0x0  }
0x96: {  	p6 =	por $0x0, $0x0;
	[sflag:s10] =	ssyncadd.s32 $0xFFFFC000  }
0x97: {  	[spmem:s3] =	stream.indirect.scatter.add.f32 [tilespmem:s23], [sflag:$0x7], $0x80, s30, s26, $0xb8;
	[tilespmem:$0x1C400] =	vst v63  }
0x98: {  	s19 =	sadd.s32 $0x40, s17;
	s16 =	simm.s32 $0x40;
	_ =	swait.ge [sflag:s11], $0x4000  }
0x99: {  	s20 =	simm.s32 $0x80;
	p0 =	por p6, p6;
	[sflag:s11] =	ssyncset.done $0x0  }
0x9a: {  	s18 =	simm.s32 $0x3;
	s22 =	sand.u32 $0x40, s16;
	[sflag:s11] =	ssyncadd.s32 $0xFFFFC000  }
.LBB2_4:
0x9b: {  	[spmem:s3] =	stream.indirect.scatter.add.f32 [tilespmem:s9], [sflag:$0x8], $0x80, s0, s26, $0xb8;
	[tilespmem:$0x1C400] =	vst v63  }
0x9c: {  	s14 =	simm.s32 @!p0 $0x7;
	s7 =	sand.u32 $0xFFFFF80, s19  }
0x9d: {  	_ =	swait.ge @!p0 [sflag:s14], $0x4000;
	s7 =	sor.u32 s7, s22  }
0x9e: {  	[sflag:s14] =	ssyncset.done @!p0 $0x0;
	s22 =	sor.u32 $0x20, s7  }
0x9f: {  	[sflag:s14] =	ssyncadd.s32 @!p0 $0xFFFFC000;
	s15 =	sadd.s32 s6, s22  }
0xa0: {  	[tilespmem:s29], [sflag:$0x3] =	stream.linear.gather [hbm4b:s15+s4], $0x80, $0x38;
	[tilespmem:$0x1C400] =	vst v63  }
0xa1: {  	s22 =	sadd.s32 s2, s22  }
0xa2: {  	[tilespmem:s30], [sflag:$0x3] =	stream.linear.gather [hbm4b:s22+s4], $0x80, $0x38;
	[tilespmem:$0x1C400] =	vst v63  }
0xa3: {  	_ =	swait.ge [sflag:s1], $0x80  }
0xa4: {  	[sflag:s1] =	ssyncset.done $0x0  }
0xa5: {  	[sflag:s1] =	ssyncadd.s32 $0xFFFFFF80  }
0xa6: {  	_ =	swait.ge [sflag:s1], $0x80  }
0xa7: {  	[sflag:s1] =	ssyncset.done $0x0  }
0xa8: {  	s14 =	simm.s32 @!p0 $0x8;
	[sflag:s1] =	ssyncadd.s32 $0xFFFFFF80  }
0xa9: {  	[tilespmem:s23], [sflag:$0x5] =	stream.indirect.gather [hbm4b:s5+s26], $0x80, s4, s26, $0xb8;
	[tilespmem:$0x1C400] =	vst v63  }
0xaa: {  	_ =	swait.ge @!p0 [sflag:s14], $0x4000  }
0xab: {  	s7 =	sor.u32 $0x30, s7;
	[sflag:s14] =	ssyncset.done @!p0 $0x0  }
0xac: {  	s25 =	sadd.s32 s6, s7;
	[sflag:s14] =	ssyncadd.s32 @!p0 $0xFFFFC000  }
0xad: {  	[tilespmem:s31], [sflag:$0x4] =	stream.linear.gather [hbm4b:s25+s4], $0x80, $0x38;
	[tilespmem:$0x1C400] =	vst v63  }
0xae: {  	s7 =	sadd.s32 s2, s7  }
0xaf: {  	[tilespmem:s0], [sflag:$0x4] =	stream.linear.gather [hbm4b:s7+s4], $0x80, $0x38;
	[tilespmem:$0x1C400] =	vst v63  }
0xb0: {  	_ =	swait.ge [sflag:s8], $0x80  }
0xb1: {  	[sflag:s8] =	ssyncset.done $0x0  }
0xb2: {  	[sflag:s8] =	ssyncadd.s32 $0xFFFFFF80  }
0xb3: {  	_ =	swait.ge [sflag:s8], $0x80  }
0xb4: {  	[sflag:s8] =	ssyncset.done $0x0  }
0xb5: {  	[sflag:s8] =	ssyncadd.s32 $0xFFFFFF80  }
0xb6: {  	[tilespmem:s9], [sflag:$0x6] =	stream.indirect.gather [hbm4b:s5+s26], $0x80, s26, s26, $0xb8;
	[tilespmem:$0x1C400] =	vst v63  }
0xb7: {  	_ =	swait.ge [sflag:s10], $0x4000  }
0xb8: {  	[sflag:s10] =	ssyncset.done $0x0  }
0xb9: {  	[sflag:s10] =	ssyncadd.s32 $0xFFFFC000  }
0xba: {  	[spmem:s3] =	stream.indirect.scatter.add.f32 [tilespmem:s23], [sflag:$0x7], $0x80, s24, s26, $0xb8;
	[tilespmem:$0x1C400] =	vst v63  }
0xbb: {  	_ =	swait.ge [sflag:s11], $0x4000  }
0xbc: {  	[sflag:s11] =	ssyncset.done $0x0  }
0xbd: {  	[sflag:s11] =	ssyncadd.s32 $0xFFFFC000  }
0xbe: {  	[spmem:s3] =	stream.indirect.scatter.add.f32 [tilespmem:s9], [sflag:$0x8], $0x80, s28, s26, $0xb8;
	[tilespmem:$0x1C400] =	vst v63  }
0xbf: {  	p2 =	seq.s32 s20, $0x0;
	_ =	swait.ge [sflag:s12], $0x4000  }
0xc0: {  	p0 =	por p2, p2;
	p2 =	sgt.u32 s18, $0x26;
	[sflag:s12] =	ssyncset.done $0x0  }
0xc1: {  	s7 =	simm.s32 @p2 $0x3;
	[sflag:s12] =	ssyncadd.s32 $0xFFFFC000  }
0xc2: {  	_ =	swait.ge @p2 [sflag:s7], $0x80  }
0xc3: {  	[sflag:s7] =	ssyncset.done @p2 $0x0  }
0xc4: {  	[sflag:s7] =	ssyncadd.s32 @p2 $0xFFFFFF80  }
0xc5: {  	_ =	swait.ge @p2 [sflag:s7], $0x80  }
0xc6: {  	s14 =	simm.s32 @p2 $0x400;
	s22 =	simm.s32 @p2 $0x8;
	[sflag:s7] =	ssyncset.done @p2 $0x0  }
0xc7: {  	s15 =	simm.s32 @p2 $0x100;
	[sflag:s7] =	ssyncadd.s32 @p2 $0xFFFFFF80;
	s7 =	simm.s32 @p2 $0x80  }
0xc8: {  	[tilespmem:s14], [sflag:$0x5] =	stream.indirect.gather @p2 [hbm4b:s5+s7], $0x80, s15, s7, $0xb8;
	[tilespmem:$0x1C400] =	vst v63  }
0xc9: {  	_ =	swait.ge @p2 [sflag:s22], $0x4000  }
0xca: {  	s15 =	simm.s32 @!p2 $0x0;
	s7 =	rddreg [dreg:$0x4]  }
0xcb: {  	s14 =	rddreg [dreg:$0x5];
	[sflag:s22] =	ssyncset.done @p2 $0x0;
	s7 =	sadd.s32 @!p2 s16, s7  }
0xcc: {  	[sflag:s22] =	ssyncadd.s32 @p2 $0xFFFFC000;
	s14 =	sadd.s32 @!p2 s16, s14;
	s22 =	sadd.s32 @!p2 $0x40, s7  }
0xcd: {  	[tilespmem:s15], [sflag:$0x1] =	stream.linear.gather @!p2 [hbm4b:s22+s15], $0x80, $0x38;
	[tilespmem:$0x1C400] =	vst v63  }
0xce: {  	s24 =	simm.s32 @!p2 $0x3;
	s16 =	sadd.s32 @!p2 $0x40, s14;
	s22 =	simm.s32 @!p2 $0x200  }
0xcf: {  	[tilespmem:s22], [sflag:$0x1] =	stream.linear.gather @!p2 [hbm4b:s16+s15], $0x80, $0x38;
	[tilespmem:$0x1C400] =	vst v63  }
0xd0: {  	_ =	swait.ge @!p2 [sflag:s24], $0x80  }
0xd1: {  	[sflag:s24] =	ssyncset.done @!p2 $0x0  }
0xd2: {  	[sflag:s24] =	ssyncadd.s32 @!p2 $0xFFFFFF80  }
0xd3: {  	s21 =	smov.u32 s20;
	s25 =	simm.s32 @!p2 $0x100;
	_ =	swait.ge @!p2 [sflag:s24], $0x80  }
0xd4: {  	s16 =	smov.u32 s21;
	s21 =	simm.s32 @!p2 $0x400;
	[sflag:s24] =	ssyncset.done @!p2 $0x0  }
0xd5: {  	s22 =	simm.s32 @!p2 $0x8;
	[sflag:s24] =	ssyncadd.s32 @!p2 $0xFFFFFF80;
	s24 =	simm.s32 @!p2 $0x80  }
0xd6: {  	[tilespmem:s21], [sflag:$0x5] =	stream.indirect.gather @!p2 [hbm4b:s5+s24], $0x80, s25, s24, $0xb8;
	[tilespmem:$0x1C400] =	vst v63  }
0xd7: {  	_ =	swait.ge @!p2 [sflag:s22], $0x4000  }
0xd8: {  	[sflag:s22] =	ssyncset.done @!p2 $0x0  }
0xd9: {  	s7 =	sadd.s32 @!p2 $0x50, s7;
	[sflag:s22] =	ssyncadd.s32 @!p2 $0xFFFFC000  }
0xda: {  	[tilespmem:s24], [sflag:$0x2] =	stream.linear.gather @!p2 [hbm4b:s7+s15], $0x80, $0x38;
	[tilespmem:$0x1C400] =	vst v63  }
0xdb: {  	s7 =	sadd.s32 @!p2 $0x50, s14;
	s14 =	simm.s32 @!p2 $0x280  }
0xdc: {  	[tilespmem:s14], [sflag:$0x2] =	stream.linear.gather @!p2 [hbm4b:s7+s15], $0x80, $0x38;
	[tilespmem:$0x1C400] =	vst v63  }
0xdd: {  	_ =	swait.ge [sflag:s13], $0x80  }
0xde: {  	[sflag:s13] =	ssyncset.done $0x0  }
0xdf: {  	[sflag:s13] =	ssyncadd.s32 $0xFFFFFF80  }
0xe0: {  	_ =	swait.ge [sflag:s13], $0x80  }
0xe1: {  	[sflag:s13] =	ssyncset.done $0x0  }
0xe2: {  	[sflag:s13] =	ssyncadd.s32 $0xFFFFFF80  }
0xe3: {  	[tilespmem:s9], [sflag:$0x6] =	stream.indirect.gather [hbm4b:s5+s26], $0x80, s31, s26, $0xb8;
	[tilespmem:$0x1C400] =	vst v63  }
0xe4: {  	s19 =	sadd.s32 s20, s17;
	s20 =	sadd.s32 $0x40, s20;
	_ =	swait.ge [sflag:s10], $0x4000  }
0xe5: {  	p1 =	sne.s32 s20, $0x500;
	[sflag:s10] =	ssyncset.done $0x0  }
.Ltmp1:
0xe6: {  	[sflag:s10] =	ssyncadd.s32 $0xFFFFC000;
	(pc) =	sbr.rel @p1 .LBB2_4-.Ltmp1, $4  }
0xe7: {  	[spmem:s3] =	stream.indirect.scatter.add.f32 [tilespmem:s23], [sflag:$0x7], $0x80, s30, s26, $0xb8;
	[tilespmem:$0x1C400] =	vst v63  }
0xe8: {  	_ =	swait.ge [sflag:s11], $0x4000  }
0xe9: {  	s18 =	sadd.s32 $0x2, s18;
	[sflag:s11] =	ssyncset.done $0x0  }
0xea: {  	s22 =	sand.u32 $0x40, s16;
	s24 =	simm.s32 $0x200;
	[sflag:s11] =	ssyncadd.s32 $0xFFFFC000  }
0xeb: {  	[spmem:s3] =	stream.indirect.scatter.add.f32 [tilespmem:s9], [sflag:$0x8], $0x80, s0, s26, $0xb8;
	[tilespmem:$0x1C400] =	vst v63  }
0xec: {  	s7 =	simm.s32 @!p0 $0x7;
	s14 =	sand.u32 $0xFFFFF80, s19  }
0xed: {  	_ =	swait.ge @!p0 [sflag:s7], $0x4000;
	s14 =	sor.u32 s14, s22  }
0xee: {  	[sflag:s7] =	ssyncset.done @!p0 $0x0;
	s15 =	sor.u32 $0x20, s14  }
0xef: {  	[sflag:s7] =	ssyncadd.s32 @!p0 $0xFFFFC000;
	s21 =	sadd.s32 s6, s15  }
0xf0: {  	[tilespmem:s29], [sflag:$0x3] =	stream.linear.gather [hbm4b:s21+s4], $0x80, $0x38;
	[tilespmem:$0x1C400] =	vst v63  }
0xf1: {  	s22 =	sadd.s32 s2, s15  }
0xf2: {  	[tilespmem:s30], [sflag:$0x3] =	stream.linear.gather [hbm4b:s22+s4], $0x80, $0x38;
	[tilespmem:$0x1C400] =	vst v63  }
0xf3: {  	_ =	swait.ge [sflag:s1], $0x80  }
0xf4: {  	[sflag:s1] =	ssyncset.done $0x0  }
0xf5: {  	[sflag:s1] =	ssyncadd.s32 $0xFFFFFF80  }
0xf6: {  	_ =	swait.ge [sflag:s1], $0x80  }
0xf7: {  	[sflag:s1] =	ssyncset.done $0x0  }
0xf8: {  	s7 =	simm.s32 @!p0 $0x8;
	[sflag:s1] =	ssyncadd.s32 $0xFFFFFF80  }
0xf9: {  	[tilespmem:s23], [sflag:$0x5] =	stream.indirect.gather [hbm4b:s5+s26], $0x80, s4, s26, $0xb8;
	[tilespmem:$0x1C400] =	vst v63  }
0xfa: {  	_ =	swait.ge @!p0 [sflag:s7], $0x4000  }
0xfb: {  	s14 =	sor.u32 $0x30, s14;
	[sflag:s7] =	ssyncset.done @!p0 $0x0  }
0xfc: {  	s25 =	sadd.s32 s6, s14;
	[sflag:s7] =	ssyncadd.s32 @!p0 $0xFFFFC000  }
0xfd: {  	[tilespmem:s31], [sflag:$0x4] =	stream.linear.gather [hbm4b:s25+s4], $0x80, $0x38;
	[tilespmem:$0x1C400] =	vst v63  }
0xfe: {  	s15 =	sadd.s32 s2, s14  }
0xff: {  	[tilespmem:s0], [sflag:$0x4] =	stream.linear.gather [hbm4b:s15+s4], $0x80, $0x38;
	[tilespmem:$0x1C400] =	vst v63  }
0x100: {  	_ =	swait.ge [sflag:s8], $0x80  }
0x101: {  	[sflag:s8] =	ssyncset.done $0x0  }
0x102: {  	[sflag:s8] =	ssyncadd.s32 $0xFFFFFF80  }
0x103: {  	_ =	swait.ge [sflag:s8], $0x80  }
0x104: {  	[sflag:s8] =	ssyncset.done $0x0  }
0x105: {  	[sflag:s8] =	ssyncadd.s32 $0xFFFFFF80  }
0x106: {  	[tilespmem:s9], [sflag:$0x6] =	stream.indirect.gather [hbm4b:s5+s26], $0x80, s26, s26, $0xb8;
	[tilespmem:$0x1C400] =	vst v63  }
0x107: {  	_ =	swait.ge [sflag:s10], $0x4000  }
0x108: {  	[sflag:s10] =	ssyncset.done $0x0  }
0x109: {  	[sflag:s10] =	ssyncadd.s32 $0xFFFFC000  }
0x10a: {  	[spmem:s3] =	stream.indirect.scatter.add.f32 [tilespmem:s23], [sflag:$0x7], $0x80, s24, s26, $0xb8;
	[tilespmem:$0x1C400] =	vst v63  }
0x10b: {  	_ =	swait.ge [sflag:s11], $0x4000  }
0x10c: {  	[sflag:s11] =	ssyncset.done $0x0  }
0x10d: {  	[sflag:s11] =	ssyncadd.s32 $0xFFFFC000  }
0x10e: {  	[spmem:s3] =	stream.indirect.scatter.add.f32 [tilespmem:s9], [sflag:$0x8], $0x80, s28, s26, $0xb8;
	[tilespmem:$0x1C400] =	vst v63  }
0x10f: {  	_ =	swait.ge [sflag:s12], $0x4000  }
0x110: {  	p0 =	sgt.u32 s18, $0x26;
	[sflag:s12] =	ssyncset.done $0x0  }
0x111: {  	s7 =	simm.s32 @p0 $0x3;
	[sflag:s12] =	ssyncadd.s32 $0xFFFFC000  }
0x112: {  	_ =	swait.ge @p0 [sflag:s7], $0x80  }
0x113: {  	[sflag:s7] =	ssyncset.done @p0 $0x0  }
0x114: {  	[sflag:s7] =	ssyncadd.s32 @p0 $0xFFFFFF80  }
0x115: {  	_ =	swait.ge @p0 [sflag:s7], $0x80  }
0x116: {  	s14 =	simm.s32 @p0 $0x400;
	s18 =	simm.s32 @p0 $0x100;
	[sflag:s7] =	ssyncset.done @p0 $0x0  }
0x117: {  	s15 =	simm.s32 @p0 $0x8;
	[sflag:s7] =	ssyncadd.s32 @p0 $0xFFFFFF80;
	s7 =	simm.s32 @p0 $0x80  }
0x118: {  	[tilespmem:s14], [sflag:$0x5] =	stream.indirect.gather @p0 [hbm4b:s5+s7], $0x80, s18, s7, $0xb8;
	[tilespmem:$0x1C400] =	vst v63  }
0x119: {  	_ =	swait.ge @p0 [sflag:s15], $0x4000  }
0x11a: {  	s18 =	simm.s32 @!p0 $0x0;
	s7 =	rddreg [dreg:$0x4]  }
0x11b: {  	s14 =	rddreg [dreg:$0x5];
	[sflag:s15] =	ssyncset.done @p0 $0x0;
	s7 =	sadd.s32 @!p0 s16, s7  }
0x11c: {  	[sflag:s15] =	ssyncadd.s32 @p0 $0xFFFFC000;
	s14 =	sadd.s32 @!p0 s16, s14;
	s15 =	sadd.s32 @!p0 $0x40, s7  }
0x11d: {  	[tilespmem:s18], [sflag:$0x1] =	stream.linear.gather @!p0 [hbm4b:s15+s18], $0x80, $0x38;
	[tilespmem:$0x1C400] =	vst v63  }
0x11e: {  	s19 =	simm.s32 @!p0 $0x3;
	s16 =	simm.s32 @!p0 $0x200;
	s15 =	sadd.s32 @!p0 $0x40, s14  }
0x11f: {  	[tilespmem:s16], [sflag:$0x1] =	stream.linear.gather @!p0 [hbm4b:s15+s18], $0x80, $0x38;
	[tilespmem:$0x1C400] =	vst v63  }
0x120: {  	_ =	swait.ge @!p0 [sflag:s19], $0x80  }
0x121: {  	[sflag:s19] =	ssyncset.done @!p0 $0x0  }
0x122: {  	[sflag:s19] =	ssyncadd.s32 @!p0 $0xFFFFFF80  }
0x123: {  	_ =	swait.ge @!p0 [sflag:s19], $0x80  }
0x124: {  	s15 =	simm.s32 @!p0 $0x400;
	[sflag:s19] =	ssyncset.done @!p0 $0x0  }
0x125: {  	s16 =	simm.s32 @!p0 $0x80;
	[sflag:s19] =	ssyncadd.s32 @!p0 $0xFFFFFF80;
	s19 =	simm.s32 @!p0 $0x100  }
0x126: {  	[tilespmem:s15], [sflag:$0x5] =	stream.indirect.gather @!p0 [hbm4b:s5+s16], $0x80, s19, s16, $0xb8;
	[tilespmem:$0x1C400] =	vst v63  }
0x127: {  	s15 =	simm.s32 @!p0 $0x8  }
0x128: {  	_ =	swait.ge @!p0 [sflag:s15], $0x4000  }
0x129: {  	[sflag:s15] =	ssyncset.done @!p0 $0x0  }
0x12a: {  	s7 =	sadd.s32 @!p0 $0x50, s7;
	[sflag:s15] =	ssyncadd.s32 @!p0 $0xFFFFC000  }
0x12b: {  	[tilespmem:s16], [sflag:$0x2] =	stream.linear.gather @!p0 [hbm4b:s7+s18], $0x80, $0x38;
	[tilespmem:$0x1C400] =	vst v63  }
0x12c: {  	s7 =	sadd.s32 @!p0 $0x50, s14;
	s14 =	simm.s32 @!p0 $0x280  }
0x12d: {  	[tilespmem:s14], [sflag:$0x2] =	stream.linear.gather @!p0 [hbm4b:s7+s18], $0x80, $0x38;
	[tilespmem:$0x1C400] =	vst v63  }
0x12e: {  	_ =	swait.ge [sflag:s13], $0x80  }
0x12f: {  	[sflag:s13] =	ssyncset.done $0x0  }
0x130: {  	[sflag:s13] =	ssyncadd.s32 $0xFFFFFF80  }
0x131: {  	_ =	swait.ge [sflag:s13], $0x80  }
0x132: {  	[sflag:s13] =	ssyncset.done $0x0  }
0x133: {  	[sflag:s13] =	ssyncadd.s32 $0xFFFFFF80  }
0x134: {  	[tilespmem:s9], [sflag:$0x6] =	stream.indirect.gather [hbm4b:s5+s26], $0x80, s31, s26, $0xb8;
	[tilespmem:$0x1C400] =	vst v63  }
0x135: {  	_ =	swait.ge [sflag:s10], $0x4000  }
0x136: {  	[sflag:s10] =	ssyncset.done $0x0  }
0x137: {  	[sflag:s10] =	ssyncadd.s32 $0xFFFFC000  }
0x138: {  	[spmem:s3] =	stream.indirect.scatter.add.f32 [tilespmem:s23], [sflag:$0x7], $0x80, s30, s26, $0xb8;
	[tilespmem:$0x1C400] =	vst v63  }
0x139: {  	_ =	swait.ge [sflag:s11], $0x4000  }
0x13a: {  	[sflag:s11] =	ssyncset.done $0x0  }
0x13b: {  	[sflag:s11] =	ssyncadd.s32 $0xFFFFC000  }
0x13c: {  	[spmem:s3] =	stream.indirect.scatter.add.f32 [tilespmem:s9], [sflag:$0x8], $0x80, s0, s26, $0xb8;
	[tilespmem:$0x1C400] =	vst v63  }
0x13d: {  	_ =	swait.ge [sflag:s12], $0x4000  }
0x13e: {  	[sflag:s12] =	ssyncset.done $0x0  }
0x13f: {  	s18 =	simm.s32 $0x8;
	[sflag:s12] =	ssyncadd.s32 $0xFFFFC000  }
0x140: {  	_ =	swait.ge [sflag:s18], $0x4000  }
0x141: {  	[sflag:s18] =	ssyncset.done $0x0  }
0x142: {  	[sflag:s18] =	ssyncadd.s32 $0xFFFFC000  }
0x143: {  	s19 =	stileid.u32;
	[bflag:$0x0] =	sbarrier.arrive $0xFFFF  }
0x144: {  	s7 =	sshll.u32 s19, $0x6;
	s14 =	simm.s32 $0x9;
	s15 =	rddreg [dreg:$0x6]  }
0x145: {  	s7 =	sor.u32 $0x1C09, s7;
	s21 =	rddreg [dreg:$0x13];
	s20 =	sshrl.u32 s15, $0x3  }
0x146: {  	[hbm:s21], [sflag:s7] =	dma.local [spmem:s20], $0x2800  }
0x147: {  	_ =	swait.ge [sflag:s14], $0x2800  }
0x148: {  	s22 =	rddreg [dreg:$0x15]  }
0x149: {  	s25 =	rddreg [dreg:$0x14];
	s16 =	sadd.s32 $0x1, s22  }
0x14a: {  	p0 =	sne.s32 s16, s25  }
.Ltmp2:
0x14b: {  	_ = 	snop;
	(pc) =	sbr.rel @p0 .LBB2_1-.Ltmp2, $3  }
0x14c: {  	_ =	sdelay $0x1  }
0x14d: {  	[sflag:s14] =	ssyncset.done $0x0  }
0x14e: {  	[sflag:s14] =	ssyncadd.s32 $0xFFFFD800  }
0x14f: {  	_ =	sfence.sel $0x180000  }
0x150: {  	[bflag:$0x0] =	sbarrier.arrive $0xFFFF  }
0x151: {  	_ =	strace $0x9000004A  }
0x152: {  	s0 =	stileid.u32;
	[bflag:$0x2] =	sbarrier.arrive $0xFFFF  }
0x153: {  	p0 =	sne.s32 s0, $0x0;
	s0 =	rddreg [dreg:$0x3]  }
0x154: {  	s0 =	sadd.s32 @!p0 $0x100000, s0  }
0x155: {  	[sflag:s0] =	ssyncadd.tile.s32 @!p0 $0x1;
	_ =	shalt  }
.Lfunc_end2:
_tile_overlayer_lowered:
.L_overlay_start_2:
0x156: {  	(tag) =	ssettag $0x2  }
0x157: {  	s0 =	rddreg [dreg:$0x0];
	s2 =	stileid.u32  }
0x158: {  	s1 =	rddreg [dreg:$0x1];
	p0 =	sne.s32 s2, $0x0  }
0x159: {  	s3 =	rddreg [dreg:$0x2];
	[bflag:$0x3] =	sbarrier.arrive $0xFFFF;
	s2 =	simm.s32 @!p0 $0x1C09  }
0x15a: {  	[timem:s3], [sflag:s2] =	dma.local @!p0 [hbm:s0], s1  }
0x15b: {  	s0 =	simm.s32 @!p0 $0x9  }
0x15c: {  	_ =	swait.ge @!p0 [sflag:s0], s1  }
0x15d: {  	s1 =	ssub.s32 @!p0 $0x0, s1;
	[sflag:s0] =	ssyncset.done @!p0 $0x0  }
0x15e: {  	[sflag:s0] =	ssyncadd.s32 @!p0 s1  }
0x15f: {  	[bflag:$0x3] =	sbarrier.arrive $0xFFFF  }
0x160: {  	_ =	shalt  }

// kernel: kernel.16.cloned.1.call-start
scs
__scs_entry_jumppad:
0x0: {  	(pc) =	sbr.rel $0x88, $3  }
0x1: {  	(tag) =	ssettag $0x0;
	lr =	simm.s32 $0x1  }
0x2: {  	[smem:$0x3F95] =	sst lr;
	_ =	strace $0xD0000000  }
0x3: {  	_ = 	snop  }
0x4: {  	_ = 	snop  }
0x5: {  	_ = 	snop  }
0x6: {  	_ = 	snop  }
0x7: {  	_ = 	snop  }
__scs_overlays_trampoline_lowered:
0x8: {  	[smem:$0x3FA4] =	sst s0  }
0x9: {  	[smem:$0x3FA5] =	sst s1  }
0xa: {  	[smem:$0x3FA6] =	sst s2  }
0xb: {  	[smem:$0x3FA7] =	sst s3  }
0xc: {  	[smem:$0x3FA8] =	sst s4  }
0xd: {  	[smem:$0x3FA9] =	sst s5  }
0xe: {  	[smem:$0x3FAA] =	sst s6  }
0xf: {  	[smem:$0x3FAB] =	sst s7  }
0x10: {  	[smem:$0x3FAC] =	sst s8  }
0x11: {  	[smem:$0x3FAD] =	sst s9;
	s0 =	simm.s32 @!p0 $0x0  }
0x12: {  	s1 =	sld [smem:$0x3F93];
	s0 =	simm.s32 @p0 $0x1  }
0x13: {  	[smem:$0x3FAE] =	sst s0;
	s0 =	simm.s32 @!p1 $0x0  }
0x14: {  	s2 =	sld [smem:$0x3F92];
	s0 =	simm.s32 @p1 $0x1  }
0x15: {  	[smem:$0x3FAF] =	sst s0;
	s0 =	simm.s32 @!p2 $0x0  }
0x16: {  	s3 =	sld [smem:$0x3FDB];
	s0 =	simm.s32 @p2 $0x1  }
0x17: {  	s4 =	simm.s32 $0x1BF5;
	[smem:$0x3FB1] =	sst s0  }
0x18: {  	s0 =	sld [smem:$0x3F94];
	_ =	swait.ge [sflag:s4], $0x0  }
0x19: {  	s7 =	sld [smem:$0x3F95]  }
0x1a: {  	s8 =	sadd.s32 $0xFFFFE003, lr  }
0x1b: {  	s9 =	sadd.s32 $0xFFFFFEF7, lr;
	s5 =	simm.s32 $0xFFFFFFFF;
	p2 =	slt.u32 s8, $0xFFFFF086  }
0x1c: {  	p1 =	slt.u32 s9, $0xF7A;
	s5 =	simm.s32 @!p2 $0x0  }
0x1d: {  	s5 =	simm.s32 @p1 $0x1;
	p0 =	seq.s32 s7, s2  }
0x1e: {  	s7 =	smul.u32 @!p0 $0xF7A, s2;
	p2 =	seq.s32 @!p0 s5, $0x0  }
0x1f: {  	s9 =	smul.u32 $0xF7A, s1;
	s8 =	simm.s32 @!p0 $0x1BF5;
	p2 =	por !p2, p0  }
0x20: {  	[sflag:s8] =	ssyncset.s32 @!p0 $0xFFFFF086;
	s6 =	sadd.s32 @!p0 s3, s7;
	s7 =	simm.s32 @!p0 $0x108  }
0x21: {  	s3 =	sadd.s32 s3, s9;
	s6 =	sadd.s32 @!p0 $0x88, s6;
	s7 =	simm.s32 @p2 $0x1082  }
0x22: {  	[simem:s7], [sflag:s8] =	dma.local @!p0 [hbm:s6], $0xF7A  }
0x23: {  	s9 =	sor.u32 $0xD0000000, s2;
	s6 =	simm.s32 $0x108;
	_ =	swait.ge @!p0 [sflag:s8], $0x0  }
0x24: {  	s3 =	sadd.s32 $0x88, s3;
	s6 =	simm.s32 @!p1 $0x1082;
	[sflag:s4] =	ssyncset.s32 $0xFFFFF086  }
0x25: {  	[simem:s6], [sflag:s4] =	dma.local [hbm:s3], $0xF7A  }
0x26: {  	[smem:$0x3F95] =	sst s1;
	(tag) =	ssettag s2;
	_ =	strace s9  }
0x27: {  	s1 =	sld [smem:$0x3FA5]  }
0x28: {  	s2 =	sld [smem:$0x3FA6]  }
0x29: {  	s4 =	sld [smem:$0x3FA8]  }
0x2a: {  	p0 =	seq.s32 s5, $0x0;
	s5 =	sld [smem:$0x3FA9]  }
0x2b: {  	s6 =	sld [smem:$0x3FAA]  }
0x2c: {  	s7 =	sld [smem:$0x3FAB]  }
0x2d: {  	s3 =	simm.s32 $0x108;
	s8 =	sld [smem:$0x3FAC]  }
0x2e: {  	s3 =	simm.s32 @!p0 $0x1082;
	s9 =	sld [smem:$0x3FAD]  }
0x2f: {  	lr =	sadd.s32 s0, s3;
	s0 =	sld [smem:$0x3FA4]  }
0x30: {  	s3 =	sld [smem:$0x3FA7]  }
0x31: {  	[smem:$0x3FB0] =	sst s10  }
0x32: {  	s10 =	sld [smem:$0x3FAE];
	_ =	sdelay $0x3  }
0x33: {  	p0 =	seq.s32 s10, $0x1;
	s10 =	sld [smem:$0x3FB0];
	_ =	sdelay $0x3  }
0x34: {  	[smem:$0x3FB0] =	sst s10  }
0x35: {  	s10 =	sld [smem:$0x3FAF];
	_ =	sdelay $0x3  }
0x36: {  	p1 =	seq.s32 s10, $0x1;
	s10 =	sld [smem:$0x3FB0];
	_ =	sdelay $0x3  }
0x37: {  	[smem:$0x3FB0] =	sst s10  }
0x38: {  	s10 =	sld [smem:$0x3FB1]  }
0x39: {  	_ = 	snop;
	(pc) =	sbr.ind lr, $3  }
0x3a: {  	_ = 	snop  }
0x3b: {  	_ = 	snop  }
0x3c: {  	p2 =	seq.s32 s10, $0x1;
	s10 =	sld [smem:$0x3FB0]  }
0x3d: {  	_ =	shalt  }
0x3e: {  	_ =	shalt  }
0x3f: {  	_ =	shalt  }
0x40: {  	_ =	shalt  }
0x41: {  	_ =	shalt  }
0x42: {  	_ =	shalt  }
0x43: {  	_ =	shalt  }
0x44: {  	_ =	shalt  }
0x45: {  	_ =	shalt  }
0x46: {  	_ =	shalt  }
0x47: {  	_ =	shalt  }
0x48: {  	_ =	shalt  }
0x49: {  	_ =	shalt  }
0x4a: {  	_ =	shalt  }
0x4b: {  	_ =	shalt  }
0x4c: {  	_ =	shalt  }
0x4d: {  	_ =	shalt  }
0x4e: {  	_ =	shalt  }
0x4f: {  	_ =	shalt  }
0x50: {  	_ =	shalt  }
0x51: {  	_ =	shalt  }
0x52: {  	_ =	shalt  }
0x53: {  	_ =	shalt  }
0x54: {  	_ =	shalt  }
0x55: {  	_ =	shalt  }
0x56: {  	_ =	shalt  }
0x57: {  	_ =	shalt  }
0x58: {  	_ =	shalt  }
0x59: {  	_ =	shalt  }
0x5a: {  	_ =	shalt  }
0x5b: {  	_ =	shalt  }
0x5c: {  	_ =	shalt  }
0x5d: {  	_ =	shalt  }
0x5e: {  	_ =	shalt  }
0x5f: {  	_ =	shalt  }
0x60: {  	_ =	shalt  }
0x61: {  	_ =	shalt  }
0x62: {  	_ =	shalt  }
0x63: {  	_ =	shalt  }
0x64: {  	_ =	shalt  }
0x65: {  	_ =	shalt  }
0x66: {  	_ =	shalt  }
0x67: {  	_ =	shalt  }
0x68: {  	_ =	shalt  }
0x69: {  	_ =	shalt  }
0x6a: {  	_ =	shalt  }
0x6b: {  	_ =	shalt  }
0x6c: {  	_ =	shalt  }
0x6d: {  	_ =	shalt  }
0x6e: {  	_ =	shalt  }
0x6f: {  	_ =	shalt  }
0x70: {  	_ =	shalt  }
0x71: {  	_ =	shalt  }
0x72: {  	_ =	shalt  }
0x73: {  	_ =	shalt  }
0x74: {  	_ =	shalt  }
0x75: {  	_ =	shalt  }
0x76: {  	_ =	shalt  }
0x77: {  	_ =	shalt  }
0x78: {  	_ =	shalt  }
0x79: {  	_ =	shalt  }
0x7a: {  	_ =	shalt  }
0x7b: {  	_ =	shalt  }
0x7c: {  	_ =	shalt  }
0x7d: {  	_ =	shalt  }
0x7e: {  	_ =	shalt  }
0x7f: {  	_ =	shalt  }
0x80: {  	_ =	shalt  }
0x81: {  	_ =	shalt  }
0x82: {  	_ =	shalt  }
0x83: {  	_ =	shalt  }
0x84: {  	_ =	shalt  }
0x85: {  	_ =	shalt  }
0x86: {  	_ =	shalt  }
0x87: {  	_ =	shalt  }
.Lfunc_end0:
.L_simem_size_0:
called_computation.2_lowered:
.L_overlay_start_0:
0x88: {  	s2 =	sld [smem:$0x3FD9]  }
0x89: {  	s3 =	sld [smem:$0x3FFE];
	_ =	sdelay $0x1  }
0x8a: {  	s1 =	srdreg.scid  }
0x8b: {  	s0 =	sand.u32 $0x1, s1  }
0x8c: {  	s17 =	sshll.u32 s0, $0xA;
	s2 =	sadd.s32 s3, s2  }
0x8d: {  	s2 =	sadd.s32 s2, s17  }
0x8e: {  	[smem:$0x3FBC] =	sst s2  }
0x8f: {  	_ = 	snop  }
0x90: {  	s2 =	sld [smem:$0x3FD0];
	(tm) =	ssettm $0x1  }
0x91: {  	s18 =	sld [smem:$0x3FFB];
	_ =	sdelay $0x3  }
0x92: {  	_ =	strace s18  }
0x93: {  	s3 =	sld [smem:$0x3FFC];
	_ =	sdelay $0x3  }
0x94: {  	_ =	strace s3  }
0x95: {  	s3 =	sld [smem:$0x3FFD];
	_ =	sdelay $0x3  }
0x96: {  	_ =	strace s3  }
0x97: {  	_ =	strace $0x8FFFFFFF  }
0x98: {  	s19 =	sld [smem:$0x3FDB];
	_ =	sdelay $0x1  }
0x99: {  	s4 =	simm.s32 $_scs_section_size  }
0x9a: {  	s5 =	simm.s32 $_size__tile_overlayer_lowered;
	s6 =	simm.s32 $_tile_overlayer_lowered  }
0x9b: {  	s22 =	simm.s32 $0x1BFF;
	s21 =	sshll.u32 s6, $0x1;
	s3 =	sadd.s32 s4, s19  }
0x9c: {  	s7 =	simm.s32 $0x0;
	s20 =	sshll.u32 s5, $0x1;
	s5 =	sadd.s32 s21, s3  }
0x9d: {  	[timem:s7], [sflag:s22] =	dma.local [hbm:s5], s20  }
0x9e: {  	_ =	swait.ge [sflag:s22], s20  }
0x9f: {  	s4 =	ssub.s32 $0x0, s20;
	[sflag:s22] =	ssyncset.done $0x0  }
0xa0: {  	[sflag:s22] =	ssyncadd.s32 s4;
	_ =	sdelay $0x1  }
0xa1: {  	s23 =	simm.s32 $0x1B8B  }
0xa2: {  	_ =	swait.ge [sflag:s23], $0x1  }
0xa3: {  	[sflag:s23] =	ssyncset.done $0x0  }
0xa4: {  	s25 =	simm.s32 $0x1B8E;
	s24 =	sld [smem:$0x3FFE];
	[sflag:s23] =	ssyncadd.s32 $0xFFFFFFFF  }
0xa5: {  	s26 =	simm.s32 $execute0_lowered;
	[smem:$0x3FD2] =	sst s25  }
0xa6: {  	s5 =	sshll.u32 s26, $0x1;
	_ =	strace $0x8000004C;
	[dreg:$0x1] =	wrdreg $0xFFFFFFFF  }
0xa7: {  	s28 =	simm.s32 $_size_execute0_lowered;
	s3 =	sadd.s32 s3, s5;
	[dreg:$0x0] =	wrdreg $0x0  }
0xa8: {  	s5 =	sshll.u32 s28, $0x1;
	[dreg:$0x2] =	wrdreg s3  }
0xa9: {  	[dreg:$0x3] =	wrdreg s5  }
0xaa: {  	[dreg:$0x4] =	wrdreg $0xC0  }
0xab: {  	_ =	task [dreg:s7], $0x5FFFF  }
0xac: {  	[dreg:$0x1] =	wrdreg $0xFFFFFFFF  }
0xad: {  	[dreg:$0x0] =	wrdreg $0x60  }
0xae: {  	[dreg:$0x2] =	wrdreg s24  }
0xaf: {  	[dreg:$0x3] =	wrdreg s2  }
0xb0: {  	[dreg:$0x4] =	wrdreg $0x84000  }
0xb1: {  	[dreg:$0x5] =	wrdreg $0x9  }
0xb2: {  	_ =	task.clear_ibuf [dreg:s7], $0x6FFFF;
	_ =	strace $0x9000004C  }
0xb3: {  	s29 =	simm.s32 $0x9;
	_ =	strace $0x8000004E  }
0xb4: {  	_ =	swait.ge [sflag:s29], $0x1  }
0xb5: {  	[sflag:s29] =	ssyncadd.s32 $0xFFFFFFFF  }
0xb6: {  	_ =	strace $0x9000004E  }
0xb7: {  	_ =	sfence  }
0xb8: {  	s30 =	sld [smem:$0x0];
	_ =	sdelay $0x2  }
0xb9: {  	s31 =	sshll.u32 s1, $0xD;
	s1 =	sshrl.u32 s1, $0x2  }
0xba: {  	s3 =	sand.u32 $0x4000, s31;
	s1 =	sadd.s32 s1, s30  }
0xbb: {  	s0 =	sor.u32 s3, s0;
	s1 =	sshll.u32 s1, $0x11  }
0xbc: {  	s0 =	sor.u32 s1, s0  }
0xbd: {  	s0 =	sadd.s32 $0x8F2B, s0  }
0xbe: {  	[sflag:s0] =	ssyncadd.remote.s32 $0x1  }
0xbf: {  	_ =	sfence.sel $0xFFFF  }
0xc0: {  	[dreg:$0x0] =	wrdreg $0xFFFFFFFF;
	(pc) =	sbr.abs _section_cstart, $3  }
0xc1: {  	[dreg:$0x1] =	wrdreg $0xFFFFFFFF  }
0xc2: {  	_ =	task.clear_ibuf [dreg:s7], $0x2FFFF;
	_ =	strace $0x9FFFFFFF  }
0xc3: {  	(tm) =	ssettm $0x7FFFFFFF  }
tec
execute0_lowered:
.L_overlay_start_1:
0x0: {  	(tag) =	ssettag $0x1  }
0x1: {  	s0 =	rddreg [dreg:$0x0]  }
0x2: {  	s2 =	rddreg [dreg:$0x1];
	s1 =	srdreg.scid  }
0x3: {  	s3 =	rddreg [dreg:$0x2];
	s11 =	stileid.u32;
	s4 =	simm.s32 $0x0  }
0x4: {  	s28 =	simm.s32 $0x280;
	s29 =	simm.s32 $0x100;
	s30 =	simm.s32 $0x300  }
0x5: {  	s31 =	simm.s32 $0x180;
	s1 =	sand.u32 $0x1, s1;
	s7 =	smul.u32 $0x14000, s11  }
0x6: {  	[smem:$0x7FF] =	sst s4;
	s5 =	sadd.s32 $0xD000, s0;
	s8 =	smul.u32 $0x50000, s11  }
0x7: {  	s6 =	smul.u32 $0x140000, s1;
	_ =	strace $0x8000004D;
	s24 =	ssub.s32 $0x2, s1  }
0x8: {  	s9 =	sshll.u32 s1, $0x4;
	s1 =	smul.u32 $0x5000, s1;
	s10 =	sshrl.u32 s24, $0x1  }
0x9: {  	s9 =	sor.u32 s11, s9;
	s8 =	sshrl.u32 s8, $0x2;
	s11 =	smul.u32 $0x500, s11  }
0xa: {  	s7 =	sadd.s32 s7, s6;
	s6 =	sadd.s32 $0x3000, s0;
	s15 =	sadd.s32 s8, s3  }
0xb: {  	s10 =	ssub.s32 s24, s10;
	s26 =	sadd.s32 $0x4000, s15;
	[dreg:$0x6] =	wrdreg s15  }
0xc: {  	s25 =	smul.u32 $0x500, s9;
	s9 =	sadd.s32 $0x8000, s15;
	[dreg:$0x7] =	wrdreg s26  }
0xd: {  	s7 =	sshrl.u32 s7, $0x3;
	s12 =	sadd.s32 $0xC000, s15;
	[dreg:$0x8] =	wrdreg s9  }
0xe: {  	s13 =	sadd.s32 $0x10000, s15;
	s0 =	sadd.s32 s7, s0;
	[dreg:$0x9] =	wrdreg s12  }
0xf: {  	[dreg:$0xa] =	wrdreg s13;
	s14 =	sadd.s32 s6, s25;
	s16 =	sadd.s32 s2, s25  }
0x10: {  	s9 =	sor.u32 $0x10, s25;
	s19 =	sor.u32 $0x20, s25;
	[dreg:$0xb] =	wrdreg s14  }
0x11: {  	s8 =	sor.u32 $0x30, s25;
	s26 =	smax.u32 s10, $0x1;
	[dreg:$0xc] =	wrdreg s16  }
0x12: {  	s10 =	simm.s32 $0x5;
	s17 =	sadd.s32 s6, s9;
	[dreg:$0x14] =	wrdreg s26  }
0x13: {  	s12 =	simm.s32 $0x7;
	s18 =	sadd.s32 s2, s9;
	[dreg:$0xd] =	wrdreg s17  }
0x14: {  	s13 =	simm.s32 $0x4;
	s20 =	sadd.s32 s6, s19;
	[dreg:$0xe] =	wrdreg s18  }
0x15: {  	s21 =	sadd.s32 s2, s19;
	s22 =	sadd.s32 s6, s8;
	[dreg:$0xf] =	wrdreg s20  }
0x16: {  	s24 =	sadd.s32 s2, s8;
	s0 =	sadd.s32 $0x35000, s0;
	[dreg:$0x10] =	wrdreg s21  }
0x17: {  	s14 =	simm.s32 $0x9;
	s26 =	simm.s32 $0x80;
	[dreg:$0x11] =	wrdreg s22  }
0x18: {  	s8 =	simm.s32 $0x2;
	s9 =	simm.s32 $0x4400;
	[dreg:$0x12] =	wrdreg s24  }
0x19: {  	s16 =	simm.s32 $0x0;
	s17 =	sadd.s32 s11, s1;
	[dreg:$0x13] =	wrdreg s0  }
0x1a: {  	s24 =	simm.s32 $0x200;
	s0 =	simm.s32 $0x380;
	s23 =	sadd.s32 s6, s17  }
0x1b: {  	s1 =	simm.s32 $0x1;
	s25 =	sadd.s32 s2, s17;
	[dreg:$0x4] =	wrdreg s23  }
0x1c: {  	v0 =	vimm.f32 $0.0e+00;
	s11 =	simm.s32 $0x6;
	[dreg:$0x5] =	wrdreg s25;
	s23 =	simm.s32 $0x400  }
.LBB2_1:
0x1d: {  	s25 =	sand.u32 $0xFE00, s4  }
0x1e: {  	[dreg:$0x15] =	wrdreg s16;
	s18 =	sand.u32 $0x70, s4;
	s19 =	sshrl.u32 s25, $0x2  }
0x1f: {  	s16 =	simm.s32 $0x40;
	s19 =	sor.u32 s18, s19;
	s18 =	simm.s32 $0x0  }
.LBB2_2:
0x20: {  	p0 =	sne.s32 s16, $0xFFC0  }
0x21: {  	[tilespmem:s19+$0x400] =	vst v0;
	s18 =	sadd.s32 $0x10, s18;
	s19 =	smov.u32 s16;
	s16 =	sadd.s32 $0x40, s16  }
.Ltmp0:
0x22: {  	(pc) =	sbr.rel @p0 .LBB2_2-.Ltmp0, $4  }
0x23: {  	_ = 	snop  }
0x24: {  	s19 =	sand.u32 $0xFE00, s19  }
0x25: {  	s20 =	sand.u32 $0x70, s18;
	s19 =	sshrl.u32 s19, $0x2  }
0x26: {  	s19 =	sor.u32 s20, s19  }
0x27: {  	[tilespmem:s19+$0x400] =	vst v0  }
0x28: {  	[spmem:s15] =	stream.linear.scatter [tilespmem:s23], [sflag:$0x9], $0x4000, $0x38;
	[tilespmem:$0x1C400] =	vst v63  }
0x29: {  	_ =	swait.ge [sflag:s14], $0x4000  }
0x2a: {  	[sflag:s14] =	ssyncset.done $0x0  }
0x2b: {  	s7 =	rddreg [dreg:$0x7];
	[sflag:s14] =	ssyncadd.s32 $0xFFFFC000  }
0x2c: {  	[spmem:s7] =	stream.linear.scatter [tilespmem:s23], [sflag:$0x9], $0x4000, $0x38;
	[tilespmem:$0x1C400] =	vst v63  }
0x2d: {  	_ =	swait.ge [sflag:s14], $0x4000  }
0x2e: {  	[sflag:s14] =	ssyncset.done $0x0  }
0x2f: {  	s19 =	rddreg [dreg:$0x8];
	[sflag:s14] =	ssyncadd.s32 $0xFFFFC000  }
0x30: {  	[spmem:s19] =	stream.linear.scatter [tilespmem:s23], [sflag:$0x9], $0x4000, $0x38;
	[tilespmem:$0x1C400] =	vst v63  }
0x31: {  	_ =	swait.ge [sflag:s14], $0x4000  }
0x32: {  	[sflag:s14] =	ssyncset.done $0x0  }
0x33: {  	s20 =	rddreg [dreg:$0x9];
	[sflag:s14] =	ssyncadd.s32 $0xFFFFC000  }
0x34: {  	[spmem:s20] =	stream.linear.scatter [tilespmem:s23], [sflag:$0x9], $0x4000, $0x38;
	[tilespmem:$0x1C400] =	vst v63  }
0x35: {  	_ =	swait.ge [sflag:s14], $0x4000  }
0x36: {  	[sflag:s14] =	ssyncset.done $0x0  }
0x37: {  	s21 =	rddreg [dreg:$0xa];
	[sflag:s14] =	ssyncadd.s32 $0xFFFFC000  }
0x38: {  	[spmem:s21] =	stream.linear.scatter [tilespmem:s23], [sflag:$0x9], $0x4000, $0x38;
	[tilespmem:$0x1C400] =	vst v63  }
0x39: {  	_ =	swait.ge [sflag:s14], $0x4000  }
0x3a: {  	[sflag:s14] =	ssyncset.done $0x0  }
0x3b: {  	s16 =	simm.s32 $0x0;
	s22 =	rddreg [dreg:$0xb];
	[sflag:s14] =	ssyncadd.s32 $0xFFFFC000  }
0x3c: {  	[tilespmem:s16], [sflag:$0x1] =	stream.linear.gather [hbm4b:s22+s16], $0x80, $0x38;
	[tilespmem:$0x1C400] =	vst v63  }
0x3d: {  	s25 =	rddreg [dreg:$0xc]  }
0x3e: {  	[tilespmem:s24], [sflag:$0x1] =	stream.linear.gather [hbm4b:s25+s16], $0x80, $0x38;
	[tilespmem:$0x1C400] =	vst v63  }
0x3f: {  	s14 =	rddreg [dreg:$0xd]  }
0x40: {  	[tilespmem:s26], [sflag:$0x2] =	stream.linear.gather [hbm4b:s14+s16], $0x80, $0x38;
	[tilespmem:$0x1C400] =	vst v63  }
0x41: {  	s15 =	rddreg [dreg:$0xe]  }
0x42: {  	[tilespmem:s28], [sflag:$0x2] =	stream.linear.gather [hbm4b:s15+s16], $0x80, $0x38;
	[tilespmem:$0x1C400] =	vst v63  }
0x43: {  	s18 =	rddreg [dreg:$0xf]  }
0x44: {  	[tilespmem:s29], [sflag:$0x3] =	stream.linear.gather [hbm4b:s18+s16], $0x80, $0x38;
	[tilespmem:$0x1C400] =	vst v63  }
0x45: {  	s19 =	rddreg [dreg:$0x10]  }
0x46: {  	[tilespmem:s30], [sflag:$0x3] =	stream.linear.gather [hbm4b:s19+s16], $0x80, $0x38;
	[tilespmem:$0x1C400] =	vst v63  }
0x47: {  	p0 =	por $0x1, $0x1;
	s20 =	rddreg [dreg:$0x11];
	s18 =	sadd.s32 $0x0, s17  }
0x48: {  	[tilespmem:s31], [sflag:$0x4] =	stream.linear.gather [hbm4b:s20+s16], $0x80, $0x38;
	[tilespmem:$0x1C400] =	vst v63  }
0x49: {  	p0 =	por p0, p0;
	s21 =	rddreg [dreg:$0x12];
	s18 =	sand.u32 $0xFFFFF80, s18  }
0x4a: {  	[tilespmem:s0], [sflag:$0x4] =	stream.linear.gather [hbm4b:s21+s16], $0x80, $0x38;
	[tilespmem:$0x1C400] =	vst v63  }
0x4b: {  	s19 =	simm.s32 @!p0 $0x7;
	s16 =	sand.u32 $0x40, s16;
	[bflag:$0x0] =	sbarrier.arrive $0xFFFF  }
0x4c: {  	s16 =	sor.u32 s18, s16;
	_ =	swait.ge @!p0 [sflag:s19], $0x4000  }
0x4d: {  	s18 =	sor.u32 $0x20, s16;
	[sflag:s19] =	ssyncset.done @!p0 $0x0  }
0x4e: {  	s22 =	sadd.s32 s6, s18;
	[sflag:s19] =	ssyncadd.s32 @!p0 $0xFFFFC000  }
0x4f: {  	[tilespmem:s29], [sflag:$0x3] =	stream.linear.gather [hbm4b:s22+s4], $0x80, $0x38;
	[tilespmem:$0x1C400] =	vst v63  }
0x50: {  	s18 =	sadd.s32 s2, s18  }
0x51: {  	[tilespmem:s30], [sflag:$0x3] =	stream.linear.gather [hbm4b:s18+s4], $0x80, $0x38;
	[tilespmem:$0x1C400] =	vst v63  }
0x52: {  	_ =	swait.ge [sflag:s1], $0x80  }
0x53: {  	[sflag:s1] =	ssyncset.done $0x0  }
0x54: {  	[sflag:s1] =	ssyncadd.s32 $0xFFFFFF80  }
0x55: {  	_ =	swait.ge [sflag:s1], $0x80  }
0x56: {  	[sflag:s1] =	ssyncset.done $0x0  }
0x57: {  	s18 =	simm.s32 @!p0 $0x8;
	[sflag:s1] =	ssyncadd.s32 $0xFFFFFF80  }
0x58: {  	[tilespmem:s23], [sflag:$0x5] =	stream.indirect.gather [hbm4b:s5+s26], $0x80, s4, s26, $0xb8;
	[tilespmem:$0x1C400] =	vst v63  }
0x59: {  	_ =	swait.ge @!p0 [sflag:s18], $0x4000  }
0x5a: {  	s16 =	sor.u32 $0x30, s16;
	[sflag:s18] =	ssyncset.done @!p0 $0x0  }
0x5b: {  	s25 =	sadd.s32 s6, s16;
	[sflag:s18] =	ssyncadd.s32 @!p0 $0xFFFFC000  }
0x5c: {  	[tilespmem:s31], [sflag:$0x4] =	stream.linear.gather [hbm4b:s25+s4], $0x80, $0x38;
	[tilespmem:$0x1C400] =	vst v63  }
0x5d: {  	s16 =	sadd.s32 s2, s16  }
0x5e: {  	[tilespmem:s0], [sflag:$0x4] =	stream.linear.gather [hbm4b:s16+s4], $0x80, $0x38;
	[tilespmem:$0x1C400] =	vst v63  }
0x5f: {  	_ =	swait.ge [sflag:s8], $0x80  }
0x60: {  	[sflag:s8] =	ssyncset.done $0x0  }
0x61: {  	[sflag:s8] =	ssyncadd.s32 $0xFFFFFF80  }
0x62: {  	_ =	swait.ge [sflag:s8], $0x80  }
0x63: {  	[sflag:s8] =	ssyncset.done $0x0  }
0x64: {  	[sflag:s8] =	ssyncadd.s32 $0xFFFFFF80  }
0x65: {  	[tilespmem:s9], [sflag:$0x6] =	stream.indirect.gather [hbm4b:s5+s26], $0x80, s26, s26, $0xb8;
	[tilespmem:$0x1C400] =	vst v63  }
0x66: {  	_ =	swait.ge [sflag:s10], $0x4000  }
0x67: {  	[sflag:s10] =	ssyncset.done $0x0  }
0x68: {  	[sflag:s10] =	ssyncadd.s32 $0xFFFFC000  }
0x69: {  	[spmem:s3] =	stream.indirect.scatter.add.f32 [tilespmem:s23], [sflag:$0x7], $0x80, s24, s26, $0xb8;
	[tilespmem:$0x1C400] =	vst v63  }
0x6a: {  	_ =	swait.ge [sflag:s11], $0x4000  }
0x6b: {  	[sflag:s11] =	ssyncset.done $0x0  }
0x6c: {  	[sflag:s11] =	ssyncadd.s32 $0xFFFFC000  }
0x6d: {  	[spmem:s3] =	stream.indirect.scatter.add.f32 [tilespmem:s9], [sflag:$0x8], $0x80, s28, s26, $0xb8;
	[tilespmem:$0x1C400] =	vst v63  }
0x6e: {  	_ =	swait.ge [sflag:s12], $0x4000  }
0x6f: {  	p0 =	por $0x0, $0x0;
	[sflag:s12] =	ssyncset.done $0x0  }
0x70: {  	s16 =	simm.s32 @p0 $0x3;
	[sflag:s12] =	ssyncadd.s32 $0xFFFFC000  }
0x71: {  	_ =	swait.ge @p0 [sflag:s16], $0x80  }
0x72: {  	[sflag:s16] =	ssyncset.done @p0 $0x0  }
0x73: {  	[sflag:s16] =	ssyncadd.s32 @p0 $0xFFFFFF80  }
0x74: {  	_ =	swait.ge @p0 [sflag:s16], $0x80  }
0x75: {  	s18 =	simm.s32 @p0 $0x400;
	s19 =	simm.s32 @p0 $0x8;
	[sflag:s16] =	ssyncset.done @p0 $0x0  }
0x76: {  	s20 =	simm.s32 @p0 $0x100;
	[sflag:s16] =	ssyncadd.s32 @p0 $0xFFFFFF80;
	s16 =	simm.s32 @p0 $0x80  }
0x77: {  	[tilespmem:s18], [sflag:$0x5] =	stream.indirect.gather @p0 [hbm4b:s5+s16], $0x80, s20, s16, $0xb8;
	[tilespmem:$0x1C400] =	vst v63  }
0x78: {  	_ =	swait.ge @p0 [sflag:s19], $0x4000  }
0x79: {  	s20 =	simm.s32 @!p0 $0x0;
	s16 =	rddreg [dreg:$0x4]  }
0x7a: {  	s18 =	rddreg [dreg:$0x5];
	[sflag:s19] =	ssyncset.done @p0 $0x0;
	s16 =	sadd.s32 @!p0 $0x0, s16  }
0x7b: {  	[sflag:s19] =	ssyncadd.s32 @p0 $0xFFFFC000;
	s18 =	sadd.s32 @!p0 $0x0, s18;
	s19 =	sadd.s32 @!p0 $0x40, s16  }
0x7c: {  	[tilespmem:s20], [sflag:$0x1] =	stream.linear.gather @!p0 [hbm4b:s19+s20], $0x80, $0x38;
	[tilespmem:$0x1C400] =	vst v63  }
0x7d: {  	s21 =	simm.s32 @!p0 $0x200;
	s22 =	simm.s32 @!p0 $0x3;
	s19 =	sadd.s32 @!p0 $0x40, s18  }
0x7e: {  	[tilespmem:s21], [sflag:$0x1] =	stream.linear.gather @!p0 [hbm4b:s19+s20], $0x80, $0x38;
	[tilespmem:$0x1C400] =	vst v63  }
0x7f: {  	_ =	swait.ge @!p0 [sflag:s22], $0x80  }
0x80: {  	[sflag:s22] =	ssyncset.done @!p0 $0x0  }
0x81: {  	[sflag:s22] =	ssyncadd.s32 @!p0 $0xFFFFFF80  }
0x82: {  	_ =	swait.ge @!p0 [sflag:s22], $0x80  }
0x83: {  	s19 =	simm.s32 @!p0 $0x400;
	[sflag:s22] =	ssyncset.done @!p0 $0x0  }
0x84: {  	s21 =	simm.s32 @!p0 $0x80;
	[sflag:s22] =	ssyncadd.s32 @!p0 $0xFFFFFF80;
	s22 =	simm.s32 @!p0 $0x100  }
0x85: {  	[tilespmem:s19], [sflag:$0x5] =	stream.indirect.gather @!p0 [hbm4b:s5+s21], $0x80, s22, s21, $0xb8;
	[tilespmem:$0x1C400] =	vst v63  }
0x86: {  	s19 =	simm.s32 @!p0 $0x8  }
0x87: {  	_ =	swait.ge @!p0 [sflag:s19], $0x4000  }
0x88: {  	[sflag:s19] =	ssyncset.done @!p0 $0x0  }
0x89: {  	s16 =	sadd.s32 @!p0 $0x50, s16;
	[sflag:s19] =	ssyncadd.s32 @!p0 $0xFFFFC000  }
0x8a: {  	[tilespmem:s21], [sflag:$0x2] =	stream.linear.gather @!p0 [hbm4b:s16+s20], $0x80, $0x38;
	[tilespmem:$0x1C400] =	vst v63  }
0x8b: {  	s16 =	sadd.s32 @!p0 $0x50, s18;
	s18 =	simm.s32 @!p0 $0x280  }
0x8c: {  	[tilespmem:s18], [sflag:$0x2] =	stream.linear.gather @!p0 [hbm4b:s16+s20], $0x80, $0x38;
	[tilespmem:$0x1C400] =	vst v63  }
0x8d: {  	_ =	swait.ge [sflag:s13], $0x80  }
0x8e: {  	[sflag:s13] =	ssyncset.done $0x0  }
0x8f: {  	[sflag:s13] =	ssyncadd.s32 $0xFFFFFF80  }
0x90: {  	_ =	swait.ge [sflag:s13], $0x80  }
0x91: {  	[sflag:s13] =	ssyncset.done $0x0  }
0x92: {  	[sflag:s13] =	ssyncadd.s32 $0xFFFFFF80  }
0x93: {  	[tilespmem:s9], [sflag:$0x6] =	stream.indirect.gather [hbm4b:s5+s26], $0x80, s31, s26, $0xb8;
	[tilespmem:$0x1C400] =	vst v63  }
0x94: {  	_ =	swait.ge [sflag:s10], $0x4000  }
0x95: {  	[sflag:s10] =	ssyncset.done $0x0  }
0x96: {  	p6 =	por $0x0, $0x0;
	[sflag:s10] =	ssyncadd.s32 $0xFFFFC000  }
0x97: {  	[spmem:s3] =	stream.indirect.scatter.add.f32 [tilespmem:s23], [sflag:$0x7], $0x80, s30, s26, $0xb8;
	[tilespmem:$0x1C400] =	vst v63  }
0x98: {  	s19 =	sadd.s32 $0x40, s17;
	s16 =	simm.s32 $0x40;
	_ =	swait.ge [sflag:s11], $0x4000  }
0x99: {  	s20 =	simm.s32 $0x80;
	p0 =	por p6, p6;
	[sflag:s11] =	ssyncset.done $0x0  }
0x9a: {  	s18 =	simm.s32 $0x3;
	s22 =	sand.u32 $0x40, s16;
	[sflag:s11] =	ssyncadd.s32 $0xFFFFC000  }
.LBB2_4:
0x9b: {  	[spmem:s3] =	stream.indirect.scatter.add.f32 [tilespmem:s9], [sflag:$0x8], $0x80, s0, s26, $0xb8;
	[tilespmem:$0x1C400] =	vst v63  }
0x9c: {  	s14 =	simm.s32 @!p0 $0x7;
	s7 =	sand.u32 $0xFFFFF80, s19  }
0x9d: {  	_ =	swait.ge @!p0 [sflag:s14], $0x4000;
	s7 =	sor.u32 s7, s22  }
0x9e: {  	[sflag:s14] =	ssyncset.done @!p0 $0x0;
	s22 =	sor.u32 $0x20, s7  }
0x9f: {  	[sflag:s14] =	ssyncadd.s32 @!p0 $0xFFFFC000;
	s15 =	sadd.s32 s6, s22  }
0xa0: {  	[tilespmem:s29], [sflag:$0x3] =	stream.linear.gather [hbm4b:s15+s4], $0x80, $0x38;
	[tilespmem:$0x1C400] =	vst v63  }
0xa1: {  	s22 =	sadd.s32 s2, s22  }
0xa2: {  	[tilespmem:s30], [sflag:$0x3] =	stream.linear.gather [hbm4b:s22+s4], $0x80, $0x38;
	[tilespmem:$0x1C400] =	vst v63  }
0xa3: {  	_ =	swait.ge [sflag:s1], $0x80  }
0xa4: {  	[sflag:s1] =	ssyncset.done $0x0  }
0xa5: {  	[sflag:s1] =	ssyncadd.s32 $0xFFFFFF80  }
0xa6: {  	_ =	swait.ge [sflag:s1], $0x80  }
0xa7: {  	[sflag:s1] =	ssyncset.done $0x0  }
0xa8: {  	s14 =	simm.s32 @!p0 $0x8;
	[sflag:s1] =	ssyncadd.s32 $0xFFFFFF80  }
0xa9: {  	[tilespmem:s23], [sflag:$0x5] =	stream.indirect.gather [hbm4b:s5+s26], $0x80, s4, s26, $0xb8;
	[tilespmem:$0x1C400] =	vst v63  }
0xaa: {  	_ =	swait.ge @!p0 [sflag:s14], $0x4000  }
0xab: {  	s7 =	sor.u32 $0x30, s7;
	[sflag:s14] =	ssyncset.done @!p0 $0x0  }
0xac: {  	s25 =	sadd.s32 s6, s7;
	[sflag:s14] =	ssyncadd.s32 @!p0 $0xFFFFC000  }
0xad: {  	[tilespmem:s31], [sflag:$0x4] =	stream.linear.gather [hbm4b:s25+s4], $0x80, $0x38;
	[tilespmem:$0x1C400] =	vst v63  }
0xae: {  	s7 =	sadd.s32 s2, s7  }
0xaf: {  	[tilespmem:s0], [sflag:$0x4] =	stream.linear.gather [hbm4b:s7+s4], $0x80, $0x38;
	[tilespmem:$0x1C400] =	vst v63  }
0xb0: {  	_ =	swait.ge [sflag:s8], $0x80  }
0xb1: {  	[sflag:s8] =	ssyncset.done $0x0  }
0xb2: {  	[sflag:s8] =	ssyncadd.s32 $0xFFFFFF80  }
0xb3: {  	_ =	swait.ge [sflag:s8], $0x80  }
0xb4: {  	[sflag:s8] =	ssyncset.done $0x0  }
0xb5: {  	[sflag:s8] =	ssyncadd.s32 $0xFFFFFF80  }
0xb6: {  	[tilespmem:s9], [sflag:$0x6] =	stream.indirect.gather [hbm4b:s5+s26], $0x80, s26, s26, $0xb8;
	[tilespmem:$0x1C400] =	vst v63  }
0xb7: {  	_ =	swait.ge [sflag:s10], $0x4000  }
0xb8: {  	[sflag:s10] =	ssyncset.done $0x0  }
0xb9: {  	[sflag:s10] =	ssyncadd.s32 $0xFFFFC000  }
0xba: {  	[spmem:s3] =	stream.indirect.scatter.add.f32 [tilespmem:s23], [sflag:$0x7], $0x80, s24, s26, $0xb8;
	[tilespmem:$0x1C400] =	vst v63  }
0xbb: {  	_ =	swait.ge [sflag:s11], $0x4000  }
0xbc: {  	[sflag:s11] =	ssyncset.done $0x0  }
0xbd: {  	[sflag:s11] =	ssyncadd.s32 $0xFFFFC000  }
0xbe: {  	[spmem:s3] =	stream.indirect.scatter.add.f32 [tilespmem:s9], [sflag:$0x8], $0x80, s28, s26, $0xb8;
	[tilespmem:$0x1C400] =	vst v63  }
0xbf: {  	p2 =	seq.s32 s20, $0x0;
	_ =	swait.ge [sflag:s12], $0x4000  }
0xc0: {  	p0 =	por p2, p2;
	p2 =	sgt.u32 s18, $0x26;
	[sflag:s12] =	ssyncset.done $0x0  }
0xc1: {  	s7 =	simm.s32 @p2 $0x3;
	[sflag:s12] =	ssyncadd.s32 $0xFFFFC000  }
0xc2: {  	_ =	swait.ge @p2 [sflag:s7], $0x80  }
0xc3: {  	[sflag:s7] =	ssyncset.done @p2 $0x0  }
0xc4: {  	[sflag:s7] =	ssyncadd.s32 @p2 $0xFFFFFF80  }
0xc5: {  	_ =	swait.ge @p2 [sflag:s7], $0x80  }
0xc6: {  	s14 =	simm.s32 @p2 $0x400;
	s22 =	simm.s32 @p2 $0x8;
	[sflag:s7] =	ssyncset.done @p2 $0x0  }
0xc7: {  	s15 =	simm.s32 @p2 $0x100;
	[sflag:s7] =	ssyncadd.s32 @p2 $0xFFFFFF80;
	s7 =	simm.s32 @p2 $0x80  }
0xc8: {  	[tilespmem:s14], [sflag:$0x5] =	stream.indirect.gather @p2 [hbm4b:s5+s7], $0x80, s15, s7, $0xb8;
	[tilespmem:$0x1C400] =	vst v63  }
0xc9: {  	_ =	swait.ge @p2 [sflag:s22], $0x4000  }
0xca: {  	s15 =	simm.s32 @!p2 $0x0;
	s7 =	rddreg [dreg:$0x4]  }
0xcb: {  	s14 =	rddreg [dreg:$0x5];
	[sflag:s22] =	ssyncset.done @p2 $0x0;
	s7 =	sadd.s32 @!p2 s16, s7  }
0xcc: {  	[sflag:s22] =	ssyncadd.s32 @p2 $0xFFFFC000;
	s14 =	sadd.s32 @!p2 s16, s14;
	s22 =	sadd.s32 @!p2 $0x40, s7  }
0xcd: {  	[tilespmem:s15], [sflag:$0x1] =	stream.linear.gather @!p2 [hbm4b:s22+s15], $0x80, $0x38;
	[tilespmem:$0x1C400] =	vst v63  }
0xce: {  	s24 =	simm.s32 @!p2 $0x3;
	s16 =	sadd.s32 @!p2 $0x40, s14;
	s22 =	simm.s32 @!p2 $0x200  }
0xcf: {  	[tilespmem:s22], [sflag:$0x1] =	stream.linear.gather @!p2 [hbm4b:s16+s15], $0x80, $0x38;
	[tilespmem:$0x1C400] =	vst v63  }
0xd0: {  	_ =	swait.ge @!p2 [sflag:s24], $0x80  }
0xd1: {  	[sflag:s24] =	ssyncset.done @!p2 $0x0  }
0xd2: {  	[sflag:s24] =	ssyncadd.s32 @!p2 $0xFFFFFF80  }
0xd3: {  	s21 =	smov.u32 s20;
	s25 =	simm.s32 @!p2 $0x100;
	_ =	swait.ge @!p2 [sflag:s24], $0x80  }
0xd4: {  	s16 =	smov.u32 s21;
	s21 =	simm.s32 @!p2 $0x400;
	[sflag:s24] =	ssyncset.done @!p2 $0x0  }
0xd5: {  	s22 =	simm.s32 @!p2 $0x8;
	[sflag:s24] =	ssyncadd.s32 @!p2 $0xFFFFFF80;
	s24 =	simm.s32 @!p2 $0x80  }
0xd6: {  	[tilespmem:s21], [sflag:$0x5] =	stream.indirect.gather @!p2 [hbm4b:s5+s24], $0x80, s25, s24, $0xb8;
	[tilespmem:$0x1C400] =	vst v63  }
0xd7: {  	_ =	swait.ge @!p2 [sflag:s22], $0x4000  }
0xd8: {  	[sflag:s22] =	ssyncset.done @!p2 $0x0  }
0xd9: {  	s7 =	sadd.s32 @!p2 $0x50, s7;
	[sflag:s22] =	ssyncadd.s32 @!p2 $0xFFFFC000  }
0xda: {  	[tilespmem:s24], [sflag:$0x2] =	stream.linear.gather @!p2 [hbm4b:s7+s15], $0x80, $0x38;
	[tilespmem:$0x1C400] =	vst v63  }
0xdb: {  	s7 =	sadd.s32 @!p2 $0x50, s14;
	s14 =	simm.s32 @!p2 $0x280  }
0xdc: {  	[tilespmem:s14], [sflag:$0x2] =	stream.linear.gather @!p2 [hbm4b:s7+s15], $0x80, $0x38;
	[tilespmem:$0x1C400] =	vst v63  }
0xdd: {  	_ =	swait.ge [sflag:s13], $0x80  }
0xde: {  	[sflag:s13] =	ssyncset.done $0x0  }
0xdf: {  	[sflag:s13] =	ssyncadd.s32 $0xFFFFFF80  }
0xe0: {  	_ =	swait.ge [sflag:s13], $0x80  }
0xe1: {  	[sflag:s13] =	ssyncset.done $0x0  }
0xe2: {  	[sflag:s13] =	ssyncadd.s32 $0xFFFFFF80  }
0xe3: {  	[tilespmem:s9], [sflag:$0x6] =	stream.indirect.gather [hbm4b:s5+s26], $0x80, s31, s26, $0xb8;
	[tilespmem:$0x1C400] =	vst v63  }
0xe4: {  	s19 =	sadd.s32 s20, s17;
	s20 =	sadd.s32 $0x40, s20;
	_ =	swait.ge [sflag:s10], $0x4000  }
0xe5: {  	p1 =	sne.s32 s20, $0x500;
	[sflag:s10] =	ssyncset.done $0x0  }
.Ltmp1:
0xe6: {  	[sflag:s10] =	ssyncadd.s32 $0xFFFFC000;
	(pc) =	sbr.rel @p1 .LBB2_4-.Ltmp1, $4  }
0xe7: {  	[spmem:s3] =	stream.indirect.scatter.add.f32 [tilespmem:s23], [sflag:$0x7], $0x80, s30, s26, $0xb8;
	[tilespmem:$0x1C400] =	vst v63  }
0xe8: {  	_ =	swait.ge [sflag:s11], $0x4000  }
0xe9: {  	s18 =	sadd.s32 $0x2, s18;
	[sflag:s11] =	ssyncset.done $0x0  }
0xea: {  	s22 =	sand.u32 $0x40, s16;
	s24 =	simm.s32 $0x200;
	[sflag:s11] =	ssyncadd.s32 $0xFFFFC000  }
0xeb: {  	[spmem:s3] =	stream.indirect.scatter.add.f32 [tilespmem:s9], [sflag:$0x8], $0x80, s0, s26, $0xb8;
	[tilespmem:$0x1C400] =	vst v63  }
0xec: {  	s7 =	simm.s32 @!p0 $0x7;
	s14 =	sand.u32 $0xFFFFF80, s19  }
0xed: {  	_ =	swait.ge @!p0 [sflag:s7], $0x4000;
	s14 =	sor.u32 s14, s22  }
0xee: {  	[sflag:s7] =	ssyncset.done @!p0 $0x0;
	s15 =	sor.u32 $0x20, s14  }
0xef: {  	[sflag:s7] =	ssyncadd.s32 @!p0 $0xFFFFC000;
	s21 =	sadd.s32 s6, s15  }
0xf0: {  	[tilespmem:s29], [sflag:$0x3] =	stream.linear.gather [hbm4b:s21+s4], $0x80, $0x38;
	[tilespmem:$0x1C400] =	vst v63  }
0xf1: {  	s22 =	sadd.s32 s2, s15  }
0xf2: {  	[tilespmem:s30], [sflag:$0x3] =	stream.linear.gather [hbm4b:s22+s4], $0x80, $0x38;
	[tilespmem:$0x1C400] =	vst v63  }
0xf3: {  	_ =	swait.ge [sflag:s1], $0x80  }
0xf4: {  	[sflag:s1] =	ssyncset.done $0x0  }
0xf5: {  	[sflag:s1] =	ssyncadd.s32 $0xFFFFFF80  }
0xf6: {  	_ =	swait.ge [sflag:s1], $0x80  }
0xf7: {  	[sflag:s1] =	ssyncset.done $0x0  }
0xf8: {  	s7 =	simm.s32 @!p0 $0x8;
	[sflag:s1] =	ssyncadd.s32 $0xFFFFFF80  }
0xf9: {  	[tilespmem:s23], [sflag:$0x5] =	stream.indirect.gather [hbm4b:s5+s26], $0x80, s4, s26, $0xb8;
	[tilespmem:$0x1C400] =	vst v63  }
0xfa: {  	_ =	swait.ge @!p0 [sflag:s7], $0x4000  }
0xfb: {  	s14 =	sor.u32 $0x30, s14;
	[sflag:s7] =	ssyncset.done @!p0 $0x0  }
0xfc: {  	s25 =	sadd.s32 s6, s14;
	[sflag:s7] =	ssyncadd.s32 @!p0 $0xFFFFC000  }
0xfd: {  	[tilespmem:s31], [sflag:$0x4] =	stream.linear.gather [hbm4b:s25+s4], $0x80, $0x38;
	[tilespmem:$0x1C400] =	vst v63  }
0xfe: {  	s15 =	sadd.s32 s2, s14  }
0xff: {  	[tilespmem:s0], [sflag:$0x4] =	stream.linear.gather [hbm4b:s15+s4], $0x80, $0x38;
	[tilespmem:$0x1C400] =	vst v63  }
0x100: {  	_ =	swait.ge [sflag:s8], $0x80  }
0x101: {  	[sflag:s8] =	ssyncset.done $0x0  }
0x102: {  	[sflag:s8] =	ssyncadd.s32 $0xFFFFFF80  }
0x103: {  	_ =	swait.ge [sflag:s8], $0x80  }
0x104: {  	[sflag:s8] =	ssyncset.done $0x0  }
0x105: {  	[sflag:s8] =	ssyncadd.s32 $0xFFFFFF80  }
0x106: {  	[tilespmem:s9], [sflag:$0x6] =	stream.indirect.gather [hbm4b:s5+s26], $0x80, s26, s26, $0xb8;
	[tilespmem:$0x1C400] =	vst v63  }
0x107: {  	_ =	swait.ge [sflag:s10], $0x4000  }
0x108: {  	[sflag:s10] =	ssyncset.done $0x0  }
0x109: {  	[sflag:s10] =	ssyncadd.s32 $0xFFFFC000  }
0x10a: {  	[spmem:s3] =	stream.indirect.scatter.add.f32 [tilespmem:s23], [sflag:$0x7], $0x80, s24, s26, $0xb8;
	[tilespmem:$0x1C400] =	vst v63  }
0x10b: {  	_ =	swait.ge [sflag:s11], $0x4000  }
0x10c: {  	[sflag:s11] =	ssyncset.done $0x0  }
0x10d: {  	[sflag:s11] =	ssyncadd.s32 $0xFFFFC000  }
0x10e: {  	[spmem:s3] =	stream.indirect.scatter.add.f32 [tilespmem:s9], [sflag:$0x8], $0x80, s28, s26, $0xb8;
	[tilespmem:$0x1C400] =	vst v63  }
0x10f: {  	_ =	swait.ge [sflag:s12], $0x4000  }
0x110: {  	p0 =	sgt.u32 s18, $0x26;
	[sflag:s12] =	ssyncset.done $0x0  }
0x111: {  	s7 =	simm.s32 @p0 $0x3;
	[sflag:s12] =	ssyncadd.s32 $0xFFFFC000  }
0x112: {  	_ =	swait.ge @p0 [sflag:s7], $0x80  }
0x113: {  	[sflag:s7] =	ssyncset.done @p0 $0x0  }
0x114: {  	[sflag:s7] =	ssyncadd.s32 @p0 $0xFFFFFF80  }
0x115: {  	_ =	swait.ge @p0 [sflag:s7], $0x80  }
0x116: {  	s14 =	simm.s32 @p0 $0x400;
	s18 =	simm.s32 @p0 $0x100;
	[sflag:s7] =	ssyncset.done @p0 $0x0  }
0x117: {  	s15 =	simm.s32 @p0 $0x8;
	[sflag:s7] =	ssyncadd.s32 @p0 $0xFFFFFF80;
	s7 =	simm.s32 @p0 $0x80  }
0x118: {  	[tilespmem:s14], [sflag:$0x5] =	stream.indirect.gather @p0 [hbm4b:s5+s7], $0x80, s18, s7, $0xb8;
	[tilespmem:$0x1C400] =	vst v63  }
0x119: {  	_ =	swait.ge @p0 [sflag:s15], $0x4000  }
0x11a: {  	s18 =	simm.s32 @!p0 $0x0;
	s7 =	rddreg [dreg:$0x4]  }
0x11b: {  	s14 =	rddreg [dreg:$0x5];
	[sflag:s15] =	ssyncset.done @p0 $0x0;
	s7 =	sadd.s32 @!p0 s16, s7  }
0x11c: {  	[sflag:s15] =	ssyncadd.s32 @p0 $0xFFFFC000;
	s14 =	sadd.s32 @!p0 s16, s14;
	s15 =	sadd.s32 @!p0 $0x40, s7  }
0x11d: {  	[tilespmem:s18], [sflag:$0x1] =	stream.linear.gather @!p0 [hbm4b:s15+s18], $0x80, $0x38;
	[tilespmem:$0x1C400] =	vst v63  }
0x11e: {  	s19 =	simm.s32 @!p0 $0x3;
	s16 =	simm.s32 @!p0 $0x200;
	s15 =	sadd.s32 @!p0 $0x40, s14  }
0x11f: {  	[tilespmem:s16], [sflag:$0x1] =	stream.linear.gather @!p0 [hbm4b:s15+s18], $0x80, $0x38;
	[tilespmem:$0x1C400] =	vst v63  }
0x120: {  	_ =	swait.ge @!p0 [sflag:s19], $0x80  }
0x121: {  	[sflag:s19] =	ssyncset.done @!p0 $0x0  }
0x122: {  	[sflag:s19] =	ssyncadd.s32 @!p0 $0xFFFFFF80  }
0x123: {  	_ =	swait.ge @!p0 [sflag:s19], $0x80  }
0x124: {  	s15 =	simm.s32 @!p0 $0x400;
	[sflag:s19] =	ssyncset.done @!p0 $0x0  }
0x125: {  	s16 =	simm.s32 @!p0 $0x80;
	[sflag:s19] =	ssyncadd.s32 @!p0 $0xFFFFFF80;
	s19 =	simm.s32 @!p0 $0x100  }
0x126: {  	[tilespmem:s15], [sflag:$0x5] =	stream.indirect.gather @!p0 [hbm4b:s5+s16], $0x80, s19, s16, $0xb8;
	[tilespmem:$0x1C400] =	vst v63  }
0x127: {  	s15 =	simm.s32 @!p0 $0x8  }
0x128: {  	_ =	swait.ge @!p0 [sflag:s15], $0x4000  }
0x129: {  	[sflag:s15] =	ssyncset.done @!p0 $0x0  }
0x12a: {  	s7 =	sadd.s32 @!p0 $0x50, s7;
	[sflag:s15] =	ssyncadd.s32 @!p0 $0xFFFFC000  }
0x12b: {  	[tilespmem:s16], [sflag:$0x2] =	stream.linear.gather @!p0 [hbm4b:s7+s18], $0x80, $0x38;
	[tilespmem:$0x1C400] =	vst v63  }
0x12c: {  	s7 =	sadd.s32 @!p0 $0x50, s14;
	s14 =	simm.s32 @!p0 $0x280  }
0x12d: {  	[tilespmem:s14], [sflag:$0x2] =	stream.linear.gather @!p0 [hbm4b:s7+s18], $0x80, $0x38;
	[tilespmem:$0x1C400] =	vst v63  }
0x12e: {  	_ =	swait.ge [sflag:s13], $0x80  }
0x12f: {  	[sflag:s13] =	ssyncset.done $0x0  }
0x130: {  	[sflag:s13] =	ssyncadd.s32 $0xFFFFFF80  }
0x131: {  	_ =	swait.ge [sflag:s13], $0x80  }
0x132: {  	[sflag:s13] =	ssyncset.done $0x0  }
0x133: {  	[sflag:s13] =	ssyncadd.s32 $0xFFFFFF80  }
0x134: {  	[tilespmem:s9], [sflag:$0x6] =	stream.indirect.gather [hbm4b:s5+s26], $0x80, s31, s26, $0xb8;
	[tilespmem:$0x1C400] =	vst v63  }
0x135: {  	_ =	swait.ge [sflag:s10], $0x4000  }
0x136: {  	[sflag:s10] =	ssyncset.done $0x0  }
0x137: {  	[sflag:s10] =	ssyncadd.s32 $0xFFFFC000  }
0x138: {  	[spmem:s3] =	stream.indirect.scatter.add.f32 [tilespmem:s23], [sflag:$0x7], $0x80, s30, s26, $0xb8;
	[tilespmem:$0x1C400] =	vst v63  }
0x139: {  	_ =	swait.ge [sflag:s11], $0x4000  }
0x13a: {  	[sflag:s11] =	ssyncset.done $0x0  }
0x13b: {  	[sflag:s11] =	ssyncadd.s32 $0xFFFFC000  }
0x13c: {  	[spmem:s3] =	stream.indirect.scatter.add.f32 [tilespmem:s9], [sflag:$0x8], $0x80, s0, s26, $0xb8;
	[tilespmem:$0x1C400] =	vst v63  }
0x13d: {  	_ =	swait.ge [sflag:s12], $0x4000  }
0x13e: {  	[sflag:s12] =	ssyncset.done $0x0  }
0x13f: {  	s18 =	simm.s32 $0x8;
	[sflag:s12] =	ssyncadd.s32 $0xFFFFC000  }
0x140: {  	_ =	swait.ge [sflag:s18], $0x4000  }
0x141: {  	[sflag:s18] =	ssyncset.done $0x0  }
0x142: {  	[sflag:s18] =	ssyncadd.s32 $0xFFFFC000  }
0x143: {  	s19 =	stileid.u32;
	[bflag:$0x0] =	sbarrier.arrive $0xFFFF  }
0x144: {  	s7 =	sshll.u32 s19, $0x6;
	s14 =	simm.s32 $0x9;
	s15 =	rddreg [dreg:$0x6]  }
0x145: {  	s7 =	sor.u32 $0x1C09, s7;
	s21 =	rddreg [dreg:$0x13];
	s20 =	sshrl.u32 s15, $0x3  }
0x146: {  	[hbm:s21], [sflag:s7] =	dma.local [spmem:s20], $0x2800  }
0x147: {  	_ =	swait.ge [sflag:s14], $0x2800  }
0x148: {  	s22 =	rddreg [dreg:$0x15]  }
0x149: {  	s25 =	rddreg [dreg:$0x14];
	s16 =	sadd.s32 $0x1, s22  }
0x14a: {  	p0 =	sne.s32 s16, s25  }
.Ltmp2:
0x14b: {  	_ = 	snop;
	(pc) =	sbr.rel @p0 .LBB2_1-.Ltmp2, $3  }
0x14c: {  	_ =	sdelay $0x1  }
0x14d: {  	[sflag:s14] =	ssyncset.done $0x0  }
0x14e: {  	[sflag:s14] =	ssyncadd.s32 $0xFFFFD800  }
0x14f: {  	_ =	sfence.sel $0x180000  }
0x150: {  	[bflag:$0x0] =	sbarrier.arrive $0xFFFF  }
0x151: {  	_ =	strace $0x9000004D  }
0x152: {  	s0 =	stileid.u32;
	[bflag:$0x2] =	sbarrier.arrive $0xFFFF  }
0x153: {  	p0 =	sne.s32 s0, $0x0;
	s0 =	rddreg [dreg:$0x3]  }
0x154: {  	s0 =	sadd.s32 @!p0 $0x100000, s0  }
0x155: {  	[sflag:s0] =	ssyncadd.tile.s32 @!p0 $0x1;
	_ =	shalt  }
.Lfunc_end2:
_tile_overlayer_lowered:
.L_overlay_start_2:
0x156: {  	(tag) =	ssettag $0x2  }
0x157: {  	s0 =	rddreg [dreg:$0x0];
	s2 =	stileid.u32  }
0x158: {  	s1 =	rddreg [dreg:$0x1];
	p0 =	sne.s32 s2, $0x0  }
0x159: {  	s3 =	rddreg [dreg:$0x2];
	[bflag:$0x3] =	sbarrier.arrive $0xFFFF;
	s2 =	simm.s32 @!p0 $0x1C09  }
0x15a: {  	[timem:s3], [sflag:s2] =	dma.local @!p0 [hbm:s0], s1  }
0x15b: {  	s0 =	simm.s32 @!p0 $0x9  }
0x15c: {  	_ =	swait.ge @!p0 [sflag:s0], s1  }
0x15d: {  	s1 =	ssub.s32 @!p0 $0x0, s1;
	[sflag:s0] =	ssyncset.done @!p0 $0x0  }
0x15e: {  	[sflag:s0] =	ssyncadd.s32 @!p0 s1  }
0x15f: {  	[bflag:$0x3] =	sbarrier.arrive $0xFFFF  }
0x160: {  	_ =	shalt  }

// kernel: kernel.19.cloned.1.call-start
scs
__scs_entry_jumppad:
0x0: {  	(pc) =	sbr.rel $0x88, $3  }
0x1: {  	(tag) =	ssettag $0x0;
	lr =	simm.s32 $0x1  }
0x2: {  	[smem:$0x3F95] =	sst lr;
	_ =	strace $0xD0000000  }
0x3: {  	_ = 	snop  }
0x4: {  	_ = 	snop  }
0x5: {  	_ = 	snop  }
0x6: {  	_ = 	snop  }
0x7: {  	_ = 	snop  }
__scs_overlays_trampoline_lowered:
0x8: {  	[smem:$0x3FA4] =	sst s0  }
0x9: {  	[smem:$0x3FA5] =	sst s1  }
0xa: {  	[smem:$0x3FA6] =	sst s2  }
0xb: {  	[smem:$0x3FA7] =	sst s3  }
0xc: {  	[smem:$0x3FA8] =	sst s4  }
0xd: {  	[smem:$0x3FA9] =	sst s5  }
0xe: {  	[smem:$0x3FAA] =	sst s6  }
0xf: {  	[smem:$0x3FAB] =	sst s7  }
0x10: {  	[smem:$0x3FAC] =	sst s8  }
0x11: {  	[smem:$0x3FAD] =	sst s9;
	s0 =	simm.s32 @!p0 $0x0  }
0x12: {  	s1 =	sld [smem:$0x3F93];
	s0 =	simm.s32 @p0 $0x1  }
0x13: {  	[smem:$0x3FAE] =	sst s0;
	s0 =	simm.s32 @!p1 $0x0  }
0x14: {  	s2 =	sld [smem:$0x3F92];
	s0 =	simm.s32 @p1 $0x1  }
0x15: {  	[smem:$0x3FAF] =	sst s0;
	s0 =	simm.s32 @!p2 $0x0  }
0x16: {  	s3 =	sld [smem:$0x3FDB];
	s0 =	simm.s32 @p2 $0x1  }
0x17: {  	s4 =	simm.s32 $0x1BF5;
	[smem:$0x3FB1] =	sst s0  }
0x18: {  	s0 =	sld [smem:$0x3F94];
	_ =	swait.ge [sflag:s4], $0x0  }
0x19: {  	s7 =	sld [smem:$0x3F95]  }
0x1a: {  	s8 =	sadd.s32 $0xFFFFE003, lr  }
0x1b: {  	s9 =	sadd.s32 $0xFFFFFEF7, lr;
	s5 =	simm.s32 $0xFFFFFFFF;
	p2 =	slt.u32 s8, $0xFFFFF086  }
0x1c: {  	p1 =	slt.u32 s9, $0xF7A;
	s5 =	simm.s32 @!p2 $0x0  }
0x1d: {  	s5 =	simm.s32 @p1 $0x1;
	p0 =	seq.s32 s7, s2  }
0x1e: {  	s7 =	smul.u32 @!p0 $0xF7A, s2;
	p2 =	seq.s32 @!p0 s5, $0x0  }
0x1f: {  	s9 =	smul.u32 $0xF7A, s1;
	s8 =	simm.s32 @!p0 $0x1BF5;
	p2 =	por !p2, p0  }
0x20: {  	[sflag:s8] =	ssyncset.s32 @!p0 $0xFFFFF086;
	s6 =	sadd.s32 @!p0 s3, s7;
	s7 =	simm.s32 @!p0 $0x108  }
0x21: {  	s3 =	sadd.s32 s3, s9;
	s6 =	sadd.s32 @!p0 $0x88, s6;
	s7 =	simm.s32 @p2 $0x1082  }
0x22: {  	[simem:s7], [sflag:s8] =	dma.local @!p0 [hbm:s6], $0xF7A  }
0x23: {  	s9 =	sor.u32 $0xD0000000, s2;
	s6 =	simm.s32 $0x108;
	_ =	swait.ge @!p0 [sflag:s8], $0x0  }
0x24: {  	s3 =	sadd.s32 $0x88, s3;
	s6 =	simm.s32 @!p1 $0x1082;
	[sflag:s4] =	ssyncset.s32 $0xFFFFF086  }
0x25: {  	[simem:s6], [sflag:s4] =	dma.local [hbm:s3], $0xF7A  }
0x26: {  	[smem:$0x3F95] =	sst s1;
	(tag) =	ssettag s2;
	_ =	strace s9  }
0x27: {  	s1 =	sld [smem:$0x3FA5]  }
0x28: {  	s2 =	sld [smem:$0x3FA6]  }
0x29: {  	s4 =	sld [smem:$0x3FA8]  }
0x2a: {  	p0 =	seq.s32 s5, $0x0;
	s5 =	sld [smem:$0x3FA9]  }
0x2b: {  	s6 =	sld [smem:$0x3FAA]  }
0x2c: {  	s7 =	sld [smem:$0x3FAB]  }
0x2d: {  	s3 =	simm.s32 $0x108;
	s8 =	sld [smem:$0x3FAC]  }
0x2e: {  	s3 =	simm.s32 @!p0 $0x1082;
	s9 =	sld [smem:$0x3FAD]  }
0x2f: {  	lr =	sadd.s32 s0, s3;
	s0 =	sld [smem:$0x3FA4]  }
0x30: {  	s3 =	sld [smem:$0x3FA7]  }
0x31: {  	[smem:$0x3FB0] =	sst s10  }
0x32: {  	s10 =	sld [smem:$0x3FAE];
	_ =	sdelay $0x3  }
0x33: {  	p0 =	seq.s32 s10, $0x1;
	s10 =	sld [smem:$0x3FB0];
	_ =	sdelay $0x3  }
0x34: {  	[smem:$0x3FB0] =	sst s10  }
0x35: {  	s10 =	sld [smem:$0x3FAF];
	_ =	sdelay $0x3  }
0x36: {  	p1 =	seq.s32 s10, $0x1;
	s10 =	sld [smem:$0x3FB0];
	_ =	sdelay $0x3  }
0x37: {  	[smem:$0x3FB0] =	sst s10  }
0x38: {  	s10 =	sld [smem:$0x3FB1]  }
0x39: {  	_ = 	snop;
	(pc) =	sbr.ind lr, $3  }
0x3a: {  	_ = 	snop  }
0x3b: {  	_ = 	snop  }
0x3c: {  	p2 =	seq.s32 s10, $0x1;
	s10 =	sld [smem:$0x3FB0]  }
0x3d: {  	_ =	shalt  }
0x3e: {  	_ =	shalt  }
0x3f: {  	_ =	shalt  }
0x40: {  	_ =	shalt  }
0x41: {  	_ =	shalt  }
0x42: {  	_ =	shalt  }
0x43: {  	_ =	shalt  }
0x44: {  	_ =	shalt  }
0x45: {  	_ =	shalt  }
0x46: {  	_ =	shalt  }
0x47: {  	_ =	shalt  }
0x48: {  	_ =	shalt  }
0x49: {  	_ =	shalt  }
0x4a: {  	_ =	shalt  }
0x4b: {  	_ =	shalt  }
0x4c: {  	_ =	shalt  }
0x4d: {  	_ =	shalt  }
0x4e: {  	_ =	shalt  }
0x4f: {  	_ =	shalt  }
0x50: {  	_ =	shalt  }
0x51: {  	_ =	shalt  }
0x52: {  	_ =	shalt  }
0x53: {  	_ =	shalt  }
0x54: {  	_ =	shalt  }
0x55: {  	_ =	shalt  }
0x56: {  	_ =	shalt  }
0x57: {  	_ =	shalt  }
0x58: {  	_ =	shalt  }
0x59: {  	_ =	shalt  }
0x5a: {  	_ =	shalt  }
0x5b: {  	_ =	shalt  }
0x5c: {  	_ =	shalt  }
0x5d: {  	_ =	shalt  }
0x5e: {  	_ =	shalt  }
0x5f: {  	_ =	shalt  }
0x60: {  	_ =	shalt  }
0x61: {  	_ =	shalt  }
0x62: {  	_ =	shalt  }
0x63: {  	_ =	shalt  }
0x64: {  	_ =	shalt  }
0x65: {  	_ =	shalt  }
0x66: {  	_ =	shalt  }
0x67: {  	_ =	shalt  }
0x68: {  	_ =	shalt  }
0x69: {  	_ =	shalt  }
0x6a: {  	_ =	shalt  }
0x6b: {  	_ =	shalt  }
0x6c: {  	_ =	shalt  }
0x6d: {  	_ =	shalt  }
0x6e: {  	_ =	shalt  }
0x6f: {  	_ =	shalt  }
0x70: {  	_ =	shalt  }
0x71: {  	_ =	shalt  }
0x72: {  	_ =	shalt  }
0x73: {  	_ =	shalt  }
0x74: {  	_ =	shalt  }
0x75: {  	_ =	shalt  }
0x76: {  	_ =	shalt  }
0x77: {  	_ =	shalt  }
0x78: {  	_ =	shalt  }
0x79: {  	_ =	shalt  }
0x7a: {  	_ =	shalt  }
0x7b: {  	_ =	shalt  }
0x7c: {  	_ =	shalt  }
0x7d: {  	_ =	shalt  }
0x7e: {  	_ =	shalt  }
0x7f: {  	_ =	shalt  }
0x80: {  	_ =	shalt  }
0x81: {  	_ =	shalt  }
0x82: {  	_ =	shalt  }
0x83: {  	_ =	shalt  }
0x84: {  	_ =	shalt  }
0x85: {  	_ =	shalt  }
0x86: {  	_ =	shalt  }
0x87: {  	_ =	shalt  }
.Lfunc_end0:
.L_simem_size_0:
called_computation.3_lowered:
.L_overlay_start_0:
0x88: {  	s2 =	sld [smem:$0x3FD9]  }
0x89: {  	s3 =	sld [smem:$0x3FFE];
	_ =	sdelay $0x1  }
0x8a: {  	s1 =	srdreg.scid  }
0x8b: {  	s0 =	sand.u32 $0x1, s1  }
0x8c: {  	s17 =	sshll.u32 s0, $0xA;
	s2 =	sadd.s32 s3, s2  }
0x8d: {  	s2 =	sadd.s32 s2, s17  }
0x8e: {  	[smem:$0x3FBC] =	sst s2  }
0x8f: {  	_ = 	snop  }
0x90: {  	s2 =	sld [smem:$0x3FD0];
	(tm) =	ssettm $0x1  }
0x91: {  	s18 =	sld [smem:$0x3FFB];
	_ =	sdelay $0x3  }
0x92: {  	_ =	strace s18  }
0x93: {  	s3 =	sld [smem:$0x3FFC];
	_ =	sdelay $0x3  }
0x94: {  	_ =	strace s3  }
0x95: {  	s3 =	sld [smem:$0x3FFD];
	_ =	sdelay $0x3  }
0x96: {  	_ =	strace s3  }
0x97: {  	_ =	strace $0x8FFFFFFF  }
0x98: {  	s19 =	sld [smem:$0x3FDB];
	_ =	sdelay $0x1  }
0x99: {  	s4 =	simm.s32 $_scs_section_size  }
0x9a: {  	s5 =	simm.s32 $_size__tile_overlayer_lowered;
	s6 =	simm.s32 $_tile_overlayer_lowered  }
0x9b: {  	s22 =	simm.s32 $0x1BFF;
	s21 =	sshll.u32 s6, $0x1;
	s3 =	sadd.s32 s4, s19  }
0x9c: {  	s7 =	simm.s32 $0x0;
	s20 =	sshll.u32 s5, $0x1;
	s5 =	sadd.s32 s21, s3  }
0x9d: {  	[timem:s7], [sflag:s22] =	dma.local [hbm:s5], s20  }
0x9e: {  	_ =	swait.ge [sflag:s22], s20  }
0x9f: {  	s4 =	ssub.s32 $0x0, s20;
	[sflag:s22] =	ssyncset.done $0x0  }
0xa0: {  	[sflag:s22] =	ssyncadd.s32 s4;
	_ =	sdelay $0x1  }
0xa1: {  	s23 =	simm.s32 $0x1B8B  }
0xa2: {  	_ =	swait.ge [sflag:s23], $0x1  }
0xa3: {  	[sflag:s23] =	ssyncset.done $0x0  }
0xa4: {  	s25 =	simm.s32 $0x1B8E;
	s24 =	sld [smem:$0x3FFE];
	[sflag:s23] =	ssyncadd.s32 $0xFFFFFFFF  }
0xa5: {  	s26 =	simm.s32 $execute0_lowered;
	[smem:$0x3FD2] =	sst s25  }
0xa6: {  	s5 =	sshll.u32 s26, $0x1;
	_ =	strace $0x8000004F;
	[dreg:$0x1] =	wrdreg $0xFFFFFFFF  }
0xa7: {  	s28 =	simm.s32 $_size_execute0_lowered;
	s3 =	sadd.s32 s3, s5;
	[dreg:$0x0] =	wrdreg $0x0  }
0xa8: {  	s5 =	sshll.u32 s28, $0x1;
	[dreg:$0x2] =	wrdreg s3  }
0xa9: {  	[dreg:$0x3] =	wrdreg s5  }
0xaa: {  	[dreg:$0x4] =	wrdreg $0xC0  }
0xab: {  	_ =	task [dreg:s7], $0x5FFFF  }
0xac: {  	[dreg:$0x1] =	wrdreg $0xFFFFFFFF  }
0xad: {  	[dreg:$0x0] =	wrdreg $0x60  }
0xae: {  	[dreg:$0x2] =	wrdreg s24  }
0xaf: {  	[dreg:$0x3] =	wrdreg s2  }
0xb0: {  	[dreg:$0x4] =	wrdreg $0x84000  }
0xb1: {  	[dreg:$0x5] =	wrdreg $0x9  }
0xb2: {  	_ =	task.clear_ibuf [dreg:s7], $0x6FFFF;
	_ =	strace $0x9000004F  }
0xb3: {  	s29 =	simm.s32 $0x9;
	_ =	strace $0x80000051  }
0xb4: {  	_ =	swait.ge [sflag:s29], $0x1  }
0xb5: {  	[sflag:s29] =	ssyncadd.s32 $0xFFFFFFFF  }
0xb6: {  	_ =	strace $0x90000051  }
0xb7: {  	_ =	sfence  }
0xb8: {  	s30 =	sld [smem:$0x0];
	_ =	sdelay $0x2  }
0xb9: {  	s31 =	sshll.u32 s1, $0xD;
	s1 =	sshrl.u32 s1, $0x2  }
0xba: {  	s3 =	sand.u32 $0x4000, s31;
	s1 =	sadd.s32 s1, s30  }
0xbb: {  	s0 =	sor.u32 s3, s0;
	s1 =	sshll.u32 s1, $0x11  }
0xbc: {  	s0 =	sor.u32 s1, s0  }
0xbd: {  	s0 =	sadd.s32 $0x8F2B, s0  }
0xbe: {  	[sflag:s0] =	ssyncadd.remote.s32 $0x1  }
0xbf: {  	_ =	sfence.sel $0xFFFF  }
0xc0: {  	[dreg:$0x0] =	wrdreg $0xFFFFFFFF;
	(pc) =	sbr.abs _section_cstart, $3  }
0xc1: {  	[dreg:$0x1] =	wrdreg $0xFFFFFFFF  }
0xc2: {  	_ =	task.clear_ibuf [dreg:s7], $0x2FFFF;
	_ =	strace $0x9FFFFFFF  }
0xc3: {  	(tm) =	ssettm $0x7FFFFFFF  }
tec
execute0_lowered:
.L_overlay_start_1:
0x0: {  	(tag) =	ssettag $0x1  }
0x1: {  	s0 =	rddreg [dreg:$0x0]  }
0x2: {  	s2 =	rddreg [dreg:$0x1];
	s1 =	srdreg.scid  }
0x3: {  	s3 =	rddreg [dreg:$0x2];
	s11 =	stileid.u32;
	s4 =	simm.s32 $0x0  }
0x4: {  	s28 =	simm.s32 $0x280;
	s29 =	simm.s32 $0x100;
	s30 =	simm.s32 $0x300  }
0x5: {  	s31 =	simm.s32 $0x180;
	s1 =	sand.u32 $0x1, s1;
	s7 =	smul.u32 $0x14000, s11  }
0x6: {  	[smem:$0x7FF] =	sst s4;
	s5 =	sadd.s32 $0xD000, s0;
	s8 =	smul.u32 $0x50000, s11  }
0x7: {  	s6 =	smul.u32 $0x140000, s1;
	_ =	strace $0x80000050;
	s24 =	ssub.s32 $0x2, s1  }
0x8: {  	s9 =	sshll.u32 s1, $0x4;
	s1 =	smul.u32 $0x5000, s1;
	s10 =	sshrl.u32 s24, $0x1  }
0x9: {  	s9 =	sor.u32 s11, s9;
	s8 =	sshrl.u32 s8, $0x2;
	s11 =	smul.u32 $0x500, s11  }
0xa: {  	s7 =	sadd.s32 s7, s6;
	s6 =	sadd.s32 $0x3000, s0;
	s15 =	sadd.s32 s8, s3  }
0xb: {  	s10 =	ssub.s32 s24, s10;
	s26 =	sadd.s32 $0x4000, s15;
	[dreg:$0x6] =	wrdreg s15  }
0xc: {  	s25 =	smul.u32 $0x500, s9;
	s9 =	sadd.s32 $0x8000, s15;
	[dreg:$0x7] =	wrdreg s26  }
0xd: {  	s7 =	sshrl.u32 s7, $0x3;
	s12 =	sadd.s32 $0xC000, s15;
	[dreg:$0x8] =	wrdreg s9  }
0xe: {  	s13 =	sadd.s32 $0x10000, s15;
	s0 =	sadd.s32 s7, s0;
	[dreg:$0x9] =	wrdreg s12  }
0xf: {  	[dreg:$0xa] =	wrdreg s13;
	s14 =	sadd.s32 s6, s25;
	s16 =	sadd.s32 s2, s25  }
0x10: {  	s9 =	sor.u32 $0x10, s25;
	s19 =	sor.u32 $0x20, s25;
	[dreg:$0xb] =	wrdreg s14  }
0x11: {  	s8 =	sor.u32 $0x30, s25;
	s26 =	smax.u32 s10, $0x1;
	[dreg:$0xc] =	wrdreg s16  }
0x12: {  	s10 =	simm.s32 $0x5;
	s17 =	sadd.s32 s6, s9;
	[dreg:$0x14] =	wrdreg s26  }
0x13: {  	s12 =	simm.s32 $0x7;
	s18 =	sadd.s32 s2, s9;
	[dreg:$0xd] =	wrdreg s17  }
0x14: {  	s13 =	simm.s32 $0x4;
	s20 =	sadd.s32 s6, s19;
	[dreg:$0xe] =	wrdreg s18  }
0x15: {  	s21 =	sadd.s32 s2, s19;
	s22 =	sadd.s32 s6, s8;
	[dreg:$0xf] =	wrdreg s20  }
0x16: {  	s24 =	sadd.s32 s2, s8;
	s0 =	sadd.s32 $0x35000, s0;
	[dreg:$0x10] =	wrdreg s21  }
0x17: {  	s14 =	simm.s32 $0x9;
	s26 =	simm.s32 $0x80;
	[dreg:$0x11] =	wrdreg s22  }
0x18: {  	s8 =	simm.s32 $0x2;
	s9 =	simm.s32 $0x4400;
	[dreg:$0x12] =	wrdreg s24  }
0x19: {  	s16 =	simm.s32 $0x0;
	s17 =	sadd.s32 s11, s1;
	[dreg:$0x13] =	wrdreg s0  }
0x1a: {  	s24 =	simm.s32 $0x200;
	s0 =	simm.s32 $0x380;
	s23 =	sadd.s32 s6, s17  }
0x1b: {  	s1 =	simm.s32 $0x1;
	s25 =	sadd.s32 s2, s17;
	[dreg:$0x4] =	wrdreg s23  }
0x1c: {  	v0 =	vimm.f32 $0.0e+00;
	s11 =	simm.s32 $0x6;
	[dreg:$0x5] =	wrdreg s25;
	s23 =	simm.s32 $0x400  }
.LBB2_1:
0x1d: {  	s25 =	sand.u32 $0xFE00, s4  }
0x1e: {  	[dreg:$0x15] =	wrdreg s16;
	s18 =	sand.u32 $0x70, s4;
	s19 =	sshrl.u32 s25, $0x2  }
0x1f: {  	s16 =	simm.s32 $0x40;
	s19 =	sor.u32 s18, s19;
	s18 =	simm.s32 $0x0  }
.LBB2_2:
0x20: {  	p0 =	sne.s32 s16, $0xFFC0  }
0x21: {  	[tilespmem:s19+$0x400] =	vst v0;
	s18 =	sadd.s32 $0x10, s18;
	s19 =	smov.u32 s16;
	s16 =	sadd.s32 $0x40, s16  }
.Ltmp0:
0x22: {  	(pc) =	sbr.rel @p0 .LBB2_2-.Ltmp0, $4  }
0x23: {  	_ = 	snop  }
0x24: {  	s19 =	sand.u32 $0xFE00, s19  }
0x25: {  	s20 =	sand.u32 $0x70, s18;
	s19 =	sshrl.u32 s19, $0x2  }
0x26: {  	s19 =	sor.u32 s20, s19  }
0x27: {  	[tilespmem:s19+$0x400] =	vst v0  }
0x28: {  	[spmem:s15] =	stream.linear.scatter [tilespmem:s23], [sflag:$0x9], $0x4000, $0x38;
	[tilespmem:$0x1C400] =	vst v63  }
0x29: {  	_ =	swait.ge [sflag:s14], $0x4000  }
0x2a: {  	[sflag:s14] =	ssyncset.done $0x0  }
0x2b: {  	s7 =	rddreg [dreg:$0x7];
	[sflag:s14] =	ssyncadd.s32 $0xFFFFC000  }
0x2c: {  	[spmem:s7] =	stream.linear.scatter [tilespmem:s23], [sflag:$0x9], $0x4000, $0x38;
	[tilespmem:$0x1C400] =	vst v63  }
0x2d: {  	_ =	swait.ge [sflag:s14], $0x4000  }
0x2e: {  	[sflag:s14] =	ssyncset.done $0x0  }
0x2f: {  	s19 =	rddreg [dreg:$0x8];
	[sflag:s14] =	ssyncadd.s32 $0xFFFFC000  }
0x30: {  	[spmem:s19] =	stream.linear.scatter [tilespmem:s23], [sflag:$0x9], $0x4000, $0x38;
	[tilespmem:$0x1C400] =	vst v63  }
0x31: {  	_ =	swait.ge [sflag:s14], $0x4000  }
0x32: {  	[sflag:s14] =	ssyncset.done $0x0  }
0x33: {  	s20 =	rddreg [dreg:$0x9];
	[sflag:s14] =	ssyncadd.s32 $0xFFFFC000  }
0x34: {  	[spmem:s20] =	stream.linear.scatter [tilespmem:s23], [sflag:$0x9], $0x4000, $0x38;
	[tilespmem:$0x1C400] =	vst v63  }
0x35: {  	_ =	swait.ge [sflag:s14], $0x4000  }
0x36: {  	[sflag:s14] =	ssyncset.done $0x0  }
0x37: {  	s21 =	rddreg [dreg:$0xa];
	[sflag:s14] =	ssyncadd.s32 $0xFFFFC000  }
0x38: {  	[spmem:s21] =	stream.linear.scatter [tilespmem:s23], [sflag:$0x9], $0x4000, $0x38;
	[tilespmem:$0x1C400] =	vst v63  }
0x39: {  	_ =	swait.ge [sflag:s14], $0x4000  }
0x3a: {  	[sflag:s14] =	ssyncset.done $0x0  }
0x3b: {  	s16 =	simm.s32 $0x0;
	s22 =	rddreg [dreg:$0xb];
	[sflag:s14] =	ssyncadd.s32 $0xFFFFC000  }
0x3c: {  	[tilespmem:s16], [sflag:$0x1] =	stream.linear.gather [hbm4b:s22+s16], $0x80, $0x38;
	[tilespmem:$0x1C400] =	vst v63  }
0x3d: {  	s25 =	rddreg [dreg:$0xc]  }
0x3e: {  	[tilespmem:s24], [sflag:$0x1] =	stream.linear.gather [hbm4b:s25+s16], $0x80, $0x38;
	[tilespmem:$0x1C400] =	vst v63  }
0x3f: {  	s14 =	rddreg [dreg:$0xd]  }
0x40: {  	[tilespmem:s26], [sflag:$0x2] =	stream.linear.gather [hbm4b:s14+s16], $0x80, $0x38;
	[tilespmem:$0x1C400] =	vst v63  }
0x41: {  	s15 =	rddreg [dreg:$0xe]  }
0x42: {  	[tilespmem:s28], [sflag:$0x2] =	stream.linear.gather [hbm4b:s15+s16], $0x80, $0x38;
	[tilespmem:$0x1C400] =	vst v63  }
0x43: {  	s18 =	rddreg [dreg:$0xf]  }
0x44: {  	[tilespmem:s29], [sflag:$0x3] =	stream.linear.gather [hbm4b:s18+s16], $0x80, $0x38;
	[tilespmem:$0x1C400] =	vst v63  }
0x45: {  	s19 =	rddreg [dreg:$0x10]  }
0x46: {  	[tilespmem:s30], [sflag:$0x3] =	stream.linear.gather [hbm4b:s19+s16], $0x80, $0x38;
	[tilespmem:$0x1C400] =	vst v63  }
0x47: {  	p0 =	por $0x1, $0x1;
	s20 =	rddreg [dreg:$0x11];
	s18 =	sadd.s32 $0x0, s17  }
0x48: {  	[tilespmem:s31], [sflag:$0x4] =	stream.linear.gather [hbm4b:s20+s16], $0x80, $0x38;
	[tilespmem:$0x1C400] =	vst v63  }
0x49: {  	p0 =	por p0, p0;
	s21 =	rddreg [dreg:$0x12];
	s18 =	sand.u32 $0xFFFFF80, s18  }
0x4a: {  	[tilespmem:s0], [sflag:$0x4] =	stream.linear.gather [hbm4b:s21+s16], $0x80, $0x38;
	[tilespmem:$0x1C400] =	vst v63  }
0x4b: {  	s19 =	simm.s32 @!p0 $0x7;
	s16 =	sand.u32 $0x40, s16;
	[bflag:$0x0] =	sbarrier.arrive $0xFFFF  }
0x4c: {  	s16 =	sor.u32 s18, s16;
	_ =	swait.ge @!p0 [sflag:s19], $0x4000  }
0x4d: {  	s18 =	sor.u32 $0x20, s16;
	[sflag:s19] =	ssyncset.done @!p0 $0x0  }
0x4e: {  	s22 =	sadd.s32 s6, s18;
	[sflag:s19] =	ssyncadd.s32 @!p0 $0xFFFFC000  }
0x4f: {  	[tilespmem:s29], [sflag:$0x3] =	stream.linear.gather [hbm4b:s22+s4], $0x80, $0x38;
	[tilespmem:$0x1C400] =	vst v63  }
0x50: {  	s18 =	sadd.s32 s2, s18  }
0x51: {  	[tilespmem:s30], [sflag:$0x3] =	stream.linear.gather [hbm4b:s18+s4], $0x80, $0x38;
	[tilespmem:$0x1C400] =	vst v63  }
0x52: {  	_ =	swait.ge [sflag:s1], $0x80  }
0x53: {  	[sflag:s1] =	ssyncset.done $0x0  }
0x54: {  	[sflag:s1] =	ssyncadd.s32 $0xFFFFFF80  }
0x55: {  	_ =	swait.ge [sflag:s1], $0x80  }
0x56: {  	[sflag:s1] =	ssyncset.done $0x0  }
0x57: {  	s18 =	simm.s32 @!p0 $0x8;
	[sflag:s1] =	ssyncadd.s32 $0xFFFFFF80  }
0x58: {  	[tilespmem:s23], [sflag:$0x5] =	stream.indirect.gather [hbm4b:s5+s26], $0x80, s4, s26, $0xb8;
	[tilespmem:$0x1C400] =	vst v63  }
0x59: {  	_ =	swait.ge @!p0 [sflag:s18], $0x4000  }
0x5a: {  	s16 =	sor.u32 $0x30, s16;
	[sflag:s18] =	ssyncset.done @!p0 $0x0  }
0x5b: {  	s25 =	sadd.s32 s6, s16;
	[sflag:s18] =	ssyncadd.s32 @!p0 $0xFFFFC000  }
0x5c: {  	[tilespmem:s31], [sflag:$0x4] =	stream.linear.gather [hbm4b:s25+s4], $0x80, $0x38;
	[tilespmem:$0x1C400] =	vst v63  }
0x5d: {  	s16 =	sadd.s32 s2, s16  }
0x5e: {  	[tilespmem:s0], [sflag:$0x4] =	stream.linear.gather [hbm4b:s16+s4], $0x80, $0x38;
	[tilespmem:$0x1C400] =	vst v63  }
0x5f: {  	_ =	swait.ge [sflag:s8], $0x80  }
0x60: {  	[sflag:s8] =	ssyncset.done $0x0  }
0x61: {  	[sflag:s8] =	ssyncadd.s32 $0xFFFFFF80  }
0x62: {  	_ =	swait.ge [sflag:s8], $0x80  }
0x63: {  	[sflag:s8] =	ssyncset.done $0x0  }
0x64: {  	[sflag:s8] =	ssyncadd.s32 $0xFFFFFF80  }
0x65: {  	[tilespmem:s9], [sflag:$0x6] =	stream.indirect.gather [hbm4b:s5+s26], $0x80, s26, s26, $0xb8;
	[tilespmem:$0x1C400] =	vst v63  }
0x66: {  	_ =	swait.ge [sflag:s10], $0x4000  }
0x67: {  	[sflag:s10] =	ssyncset.done $0x0  }
0x68: {  	[sflag:s10] =	ssyncadd.s32 $0xFFFFC000  }
0x69: {  	[spmem:s3] =	stream.indirect.scatter.add.f32 [tilespmem:s23], [sflag:$0x7], $0x80, s24, s26, $0xb8;
	[tilespmem:$0x1C400] =	vst v63  }
0x6a: {  	_ =	swait.ge [sflag:s11], $0x4000  }
0x6b: {  	[sflag:s11] =	ssyncset.done $0x0  }
0x6c: {  	[sflag:s11] =	ssyncadd.s32 $0xFFFFC000  }
0x6d: {  	[spmem:s3] =	stream.indirect.scatter.add.f32 [tilespmem:s9], [sflag:$0x8], $0x80, s28, s26, $0xb8;
	[tilespmem:$0x1C400] =	vst v63  }
0x6e: {  	_ =	swait.ge [sflag:s12], $0x4000  }
0x6f: {  	p0 =	por $0x0, $0x0;
	[sflag:s12] =	ssyncset.done $0x0  }
0x70: {  	s16 =	simm.s32 @p0 $0x3;
	[sflag:s12] =	ssyncadd.s32 $0xFFFFC000  }
0x71: {  	_ =	swait.ge @p0 [sflag:s16], $0x80  }
0x72: {  	[sflag:s16] =	ssyncset.done @p0 $0x0  }
0x73: {  	[sflag:s16] =	ssyncadd.s32 @p0 $0xFFFFFF80  }
0x74: {  	_ =	swait.ge @p0 [sflag:s16], $0x80  }
0x75: {  	s18 =	simm.s32 @p0 $0x400;
	s19 =	simm.s32 @p0 $0x8;
	[sflag:s16] =	ssyncset.done @p0 $0x0  }
0x76: {  	s20 =	simm.s32 @p0 $0x100;
	[sflag:s16] =	ssyncadd.s32 @p0 $0xFFFFFF80;
	s16 =	simm.s32 @p0 $0x80  }
0x77: {  	[tilespmem:s18], [sflag:$0x5] =	stream.indirect.gather @p0 [hbm4b:s5+s16], $0x80, s20, s16, $0xb8;
	[tilespmem:$0x1C400] =	vst v63  }
0x78: {  	_ =	swait.ge @p0 [sflag:s19], $0x4000  }
0x79: {  	s20 =	simm.s32 @!p0 $0x0;
	s16 =	rddreg [dreg:$0x4]  }
0x7a: {  	s18 =	rddreg [dreg:$0x5];
	[sflag:s19] =	ssyncset.done @p0 $0x0;
	s16 =	sadd.s32 @!p0 $0x0, s16  }
0x7b: {  	[sflag:s19] =	ssyncadd.s32 @p0 $0xFFFFC000;
	s18 =	sadd.s32 @!p0 $0x0, s18;
	s19 =	sadd.s32 @!p0 $0x40, s16  }
0x7c: {  	[tilespmem:s20], [sflag:$0x1] =	stream.linear.gather @!p0 [hbm4b:s19+s20], $0x80, $0x38;
	[tilespmem:$0x1C400] =	vst v63  }
0x7d: {  	s21 =	simm.s32 @!p0 $0x200;
	s22 =	simm.s32 @!p0 $0x3;
	s19 =	sadd.s32 @!p0 $0x40, s18  }
0x7e: {  	[tilespmem:s21], [sflag:$0x1] =	stream.linear.gather @!p0 [hbm4b:s19+s20], $0x80, $0x38;
	[tilespmem:$0x1C400] =	vst v63  }
0x7f: {  	_ =	swait.ge @!p0 [sflag:s22], $0x80  }
0x80: {  	[sflag:s22] =	ssyncset.done @!p0 $0x0  }
0x81: {  	[sflag:s22] =	ssyncadd.s32 @!p0 $0xFFFFFF80  }
0x82: {  	_ =	swait.ge @!p0 [sflag:s22], $0x80  }
0x83: {  	s19 =	simm.s32 @!p0 $0x400;
	[sflag:s22] =	ssyncset.done @!p0 $0x0  }
0x84: {  	s21 =	simm.s32 @!p0 $0x80;
	[sflag:s22] =	ssyncadd.s32 @!p0 $0xFFFFFF80;
	s22 =	simm.s32 @!p0 $0x100  }
0x85: {  	[tilespmem:s19], [sflag:$0x5] =	stream.indirect.gather @!p0 [hbm4b:s5+s21], $0x80, s22, s21, $0xb8;
	[tilespmem:$0x1C400] =	vst v63  }
0x86: {  	s19 =	simm.s32 @!p0 $0x8  }
0x87: {  	_ =	swait.ge @!p0 [sflag:s19], $0x4000  }
0x88: {  	[sflag:s19] =	ssyncset.done @!p0 $0x0  }
0x89: {  	s16 =	sadd.s32 @!p0 $0x50, s16;
	[sflag:s19] =	ssyncadd.s32 @!p0 $0xFFFFC000  }
0x8a: {  	[tilespmem:s21], [sflag:$0x2] =	stream.linear.gather @!p0 [hbm4b:s16+s20], $0x80, $0x38;
	[tilespmem:$0x1C400] =	vst v63  }
0x8b: {  	s16 =	sadd.s32 @!p0 $0x50, s18;
	s18 =	simm.s32 @!p0 $0x280  }
0x8c: {  	[tilespmem:s18], [sflag:$0x2] =	stream.linear.gather @!p0 [hbm4b:s16+s20], $0x80, $0x38;
	[tilespmem:$0x1C400] =	vst v63  }
0x8d: {  	_ =	swait.ge [sflag:s13], $0x80  }
0x8e: {  	[sflag:s13] =	ssyncset.done $0x0  }
0x8f: {  	[sflag:s13] =	ssyncadd.s32 $0xFFFFFF80  }
0x90: {  	_ =	swait.ge [sflag:s13], $0x80  }
0x91: {  	[sflag:s13] =	ssyncset.done $0x0  }
0x92: {  	[sflag:s13] =	ssyncadd.s32 $0xFFFFFF80  }
0x93: {  	[tilespmem:s9], [sflag:$0x6] =	stream.indirect.gather [hbm4b:s5+s26], $0x80, s31, s26, $0xb8;
	[tilespmem:$0x1C400] =	vst v63  }
0x94: {  	_ =	swait.ge [sflag:s10], $0x4000  }
0x95: {  	[sflag:s10] =	ssyncset.done $0x0  }
0x96: {  	p6 =	por $0x0, $0x0;
	[sflag:s10] =	ssyncadd.s32 $0xFFFFC000  }
0x97: {  	[spmem:s3] =	stream.indirect.scatter.add.f32 [tilespmem:s23], [sflag:$0x7], $0x80, s30, s26, $0xb8;
	[tilespmem:$0x1C400] =	vst v63  }
0x98: {  	s19 =	sadd.s32 $0x40, s17;
	s16 =	simm.s32 $0x40;
	_ =	swait.ge [sflag:s11], $0x4000  }
0x99: {  	s20 =	simm.s32 $0x80;
	p0 =	por p6, p6;
	[sflag:s11] =	ssyncset.done $0x0  }
0x9a: {  	s18 =	simm.s32 $0x3;
	s22 =	sand.u32 $0x40, s16;
	[sflag:s11] =	ssyncadd.s32 $0xFFFFC000  }
.LBB2_4:
0x9b: {  	[spmem:s3] =	stream.indirect.scatter.add.f32 [tilespmem:s9], [sflag:$0x8], $0x80, s0, s26, $0xb8;
	[tilespmem:$0x1C400] =	vst v63  }
0x9c: {  	s14 =	simm.s32 @!p0 $0x7;
	s7 =	sand.u32 $0xFFFFF80, s19  }
0x9d: {  	_ =	swait.ge @!p0 [sflag:s14], $0x4000;
	s7 =	sor.u32 s7, s22  }
0x9e: {  	[sflag:s14] =	ssyncset.done @!p0 $0x0;
	s22 =	sor.u32 $0x20, s7  }
0x9f: {  	[sflag:s14] =	ssyncadd.s32 @!p0 $0xFFFFC000;
	s15 =	sadd.s32 s6, s22  }
0xa0: {  	[tilespmem:s29], [sflag:$0x3] =	stream.linear.gather [hbm4b:s15+s4], $0x80, $0x38;
	[tilespmem:$0x1C400] =	vst v63  }
0xa1: {  	s22 =	sadd.s32 s2, s22  }
0xa2: {  	[tilespmem:s30], [sflag:$0x3] =	stream.linear.gather [hbm4b:s22+s4], $0x80, $0x38;
	[tilespmem:$0x1C400] =	vst v63  }
0xa3: {  	_ =	swait.ge [sflag:s1], $0x80  }
0xa4: {  	[sflag:s1] =	ssyncset.done $0x0  }
0xa5: {  	[sflag:s1] =	ssyncadd.s32 $0xFFFFFF80  }
0xa6: {  	_ =	swait.ge [sflag:s1], $0x80  }
0xa7: {  	[sflag:s1] =	ssyncset.done $0x0  }
0xa8: {  	s14 =	simm.s32 @!p0 $0x8;
	[sflag:s1] =	ssyncadd.s32 $0xFFFFFF80  }
0xa9: {  	[tilespmem:s23], [sflag:$0x5] =	stream.indirect.gather [hbm4b:s5+s26], $0x80, s4, s26, $0xb8;
	[tilespmem:$0x1C400] =	vst v63  }
0xaa: {  	_ =	swait.ge @!p0 [sflag:s14], $0x4000  }
0xab: {  	s7 =	sor.u32 $0x30, s7;
	[sflag:s14] =	ssyncset.done @!p0 $0x0  }
0xac: {  	s25 =	sadd.s32 s6, s7;
	[sflag:s14] =	ssyncadd.s32 @!p0 $0xFFFFC000  }
0xad: {  	[tilespmem:s31], [sflag:$0x4] =	stream.linear.gather [hbm4b:s25+s4], $0x80, $0x38;
	[tilespmem:$0x1C400] =	vst v63  }
0xae: {  	s7 =	sadd.s32 s2, s7  }
0xaf: {  	[tilespmem:s0], [sflag:$0x4] =	stream.linear.gather [hbm4b:s7+s4], $0x80, $0x38;
	[tilespmem:$0x1C400] =	vst v63  }
0xb0: {  	_ =	swait.ge [sflag:s8], $0x80  }
0xb1: {  	[sflag:s8] =	ssyncset.done $0x0  }
0xb2: {  	[sflag:s8] =	ssyncadd.s32 $0xFFFFFF80  }
0xb3: {  	_ =	swait.ge [sflag:s8], $0x80  }
0xb4: {  	[sflag:s8] =	ssyncset.done $0x0  }
0xb5: {  	[sflag:s8] =	ssyncadd.s32 $0xFFFFFF80  }
0xb6: {  	[tilespmem:s9], [sflag:$0x6] =	stream.indirect.gather [hbm4b:s5+s26], $0x80, s26, s26, $0xb8;
	[tilespmem:$0x1C400] =	vst v63  }
0xb7: {  	_ =	swait.ge [sflag:s10], $0x4000  }
0xb8: {  	[sflag:s10] =	ssyncset.done $0x0  }
0xb9: {  	[sflag:s10] =	ssyncadd.s32 $0xFFFFC000  }
0xba: {  	[spmem:s3] =	stream.indirect.scatter.add.f32 [tilespmem:s23], [sflag:$0x7], $0x80, s24, s26, $0xb8;
	[tilespmem:$0x1C400] =	vst v63  }
0xbb: {  	_ =	swait.ge [sflag:s11], $0x4000  }
0xbc: {  	[sflag:s11] =	ssyncset.done $0x0  }
0xbd: {  	[sflag:s11] =	ssyncadd.s32 $0xFFFFC000  }
0xbe: {  	[spmem:s3] =	stream.indirect.scatter.add.f32 [tilespmem:s9], [sflag:$0x8], $0x80, s28, s26, $0xb8;
	[tilespmem:$0x1C400] =	vst v63  }
0xbf: {  	p2 =	seq.s32 s20, $0x0;
	_ =	swait.ge [sflag:s12], $0x4000  }
0xc0: {  	p0 =	por p2, p2;
	p2 =	sgt.u32 s18, $0x26;
	[sflag:s12] =	ssyncset.done $0x0  }
0xc1: {  	s7 =	simm.s32 @p2 $0x3;
	[sflag:s12] =	ssyncadd.s32 $0xFFFFC000  }
0xc2: {  	_ =	swait.ge @p2 [sflag:s7], $0x80  }
0xc3: {  	[sflag:s7] =	ssyncset.done @p2 $0x0  }
0xc4: {  	[sflag:s7] =	ssyncadd.s32 @p2 $0xFFFFFF80  }
0xc5: {  	_ =	swait.ge @p2 [sflag:s7], $0x80  }
0xc6: {  	s14 =	simm.s32 @p2 $0x400;
	s22 =	simm.s32 @p2 $0x8;
	[sflag:s7] =	ssyncset.done @p2 $0x0  }
0xc7: {  	s15 =	simm.s32 @p2 $0x100;
	[sflag:s7] =	ssyncadd.s32 @p2 $0xFFFFFF80;
	s7 =	simm.s32 @p2 $0x80  }
0xc8: {  	[tilespmem:s14], [sflag:$0x5] =	stream.indirect.gather @p2 [hbm4b:s5+s7], $0x80, s15, s7, $0xb8;
	[tilespmem:$0x1C400] =	vst v63  }
0xc9: {  	_ =	swait.ge @p2 [sflag:s22], $0x4000  }
0xca: {  	s15 =	simm.s32 @!p2 $0x0;
	s7 =	rddreg [dreg:$0x4]  }
0xcb: {  	s14 =	rddreg [dreg:$0x5];
	[sflag:s22] =	ssyncset.done @p2 $0x0;
	s7 =	sadd.s32 @!p2 s16, s7  }
0xcc: {  	[sflag:s22] =	ssyncadd.s32 @p2 $0xFFFFC000;
	s14 =	sadd.s32 @!p2 s16, s14;
	s22 =	sadd.s32 @!p2 $0x40, s7  }
0xcd: {  	[tilespmem:s15], [sflag:$0x1] =	stream.linear.gather @!p2 [hbm4b:s22+s15], $0x80, $0x38;
	[tilespmem:$0x1C400] =	vst v63  }
0xce: {  	s24 =	simm.s32 @!p2 $0x3;
	s16 =	sadd.s32 @!p2 $0x40, s14;
	s22 =	simm.s32 @!p2 $0x200  }
0xcf: {  	[tilespmem:s22], [sflag:$0x1] =	stream.linear.gather @!p2 [hbm4b:s16+s15], $0x80, $0x38;
	[tilespmem:$0x1C400] =	vst v63  }
0xd0: {  	_ =	swait.ge @!p2 [sflag:s24], $0x80  }
0xd1: {  	[sflag:s24] =	ssyncset.done @!p2 $0x0  }
0xd2: {  	[sflag:s24] =	ssyncadd.s32 @!p2 $0xFFFFFF80  }
0xd3: {  	s21 =	smov.u32 s20;
	s25 =	simm.s32 @!p2 $0x100;
	_ =	swait.ge @!p2 [sflag:s24], $0x80  }
0xd4: {  	s16 =	smov.u32 s21;
	s21 =	simm.s32 @!p2 $0x400;
	[sflag:s24] =	ssyncset.done @!p2 $0x0  }
0xd5: {  	s22 =	simm.s32 @!p2 $0x8;
	[sflag:s24] =	ssyncadd.s32 @!p2 $0xFFFFFF80;
	s24 =	simm.s32 @!p2 $0x80  }
0xd6: {  	[tilespmem:s21], [sflag:$0x5] =	stream.indirect.gather @!p2 [hbm4b:s5+s24], $0x80, s25, s24, $0xb8;
	[tilespmem:$0x1C400] =	vst v63  }
0xd7: {  	_ =	swait.ge @!p2 [sflag:s22], $0x4000  }
0xd8: {  	[sflag:s22] =	ssyncset.done @!p2 $0x0  }
0xd9: {  	s7 =	sadd.s32 @!p2 $0x50, s7;
	[sflag:s22] =	ssyncadd.s32 @!p2 $0xFFFFC000  }
0xda: {  	[tilespmem:s24], [sflag:$0x2] =	stream.linear.gather @!p2 [hbm4b:s7+s15], $0x80, $0x38;
	[tilespmem:$0x1C400] =	vst v63  }
0xdb: {  	s7 =	sadd.s32 @!p2 $0x50, s14;
	s14 =	simm.s32 @!p2 $0x280  }
0xdc: {  	[tilespmem:s14], [sflag:$0x2] =	stream.linear.gather @!p2 [hbm4b:s7+s15], $0x80, $0x38;
	[tilespmem:$0x1C400] =	vst v63  }
0xdd: {  	_ =	swait.ge [sflag:s13], $0x80  }
0xde: {  	[sflag:s13] =	ssyncset.done $0x0  }
0xdf: {  	[sflag:s13] =	ssyncadd.s32 $0xFFFFFF80  }
0xe0: {  	_ =	swait.ge [sflag:s13], $0x80  }
0xe1: {  	[sflag:s13] =	ssyncset.done $0x0  }
0xe2: {  	[sflag:s13] =	ssyncadd.s32 $0xFFFFFF80  }
0xe3: {  	[tilespmem:s9], [sflag:$0x6] =	stream.indirect.gather [hbm4b:s5+s26], $0x80, s31, s26, $0xb8;
	[tilespmem:$0x1C400] =	vst v63  }
0xe4: {  	s19 =	sadd.s32 s20, s17;
	s20 =	sadd.s32 $0x40, s20;
	_ =	swait.ge [sflag:s10], $0x4000  }
0xe5: {  	p1 =	sne.s32 s20, $0x500;
	[sflag:s10] =	ssyncset.done $0x0  }
.Ltmp1:
0xe6: {  	[sflag:s10] =	ssyncadd.s32 $0xFFFFC000;
	(pc) =	sbr.rel @p1 .LBB2_4-.Ltmp1, $4  }
0xe7: {  	[spmem:s3] =	stream.indirect.scatter.add.f32 [tilespmem:s23], [sflag:$0x7], $0x80, s30, s26, $0xb8;
	[tilespmem:$0x1C400] =	vst v63  }
0xe8: {  	_ =	swait.ge [sflag:s11], $0x4000  }
0xe9: {  	s18 =	sadd.s32 $0x2, s18;
	[sflag:s11] =	ssyncset.done $0x0  }
0xea: {  	s22 =	sand.u32 $0x40, s16;
	s24 =	simm.s32 $0x200;
	[sflag:s11] =	ssyncadd.s32 $0xFFFFC000  }
0xeb: {  	[spmem:s3] =	stream.indirect.scatter.add.f32 [tilespmem:s9], [sflag:$0x8], $0x80, s0, s26, $0xb8;
	[tilespmem:$0x1C400] =	vst v63  }
0xec: {  	s7 =	simm.s32 @!p0 $0x7;
	s14 =	sand.u32 $0xFFFFF80, s19  }
0xed: {  	_ =	swait.ge @!p0 [sflag:s7], $0x4000;
	s14 =	sor.u32 s14, s22  }
0xee: {  	[sflag:s7] =	ssyncset.done @!p0 $0x0;
	s15 =	sor.u32 $0x20, s14  }
0xef: {  	[sflag:s7] =	ssyncadd.s32 @!p0 $0xFFFFC000;
	s21 =	sadd.s32 s6, s15  }
0xf0: {  	[tilespmem:s29], [sflag:$0x3] =	stream.linear.gather [hbm4b:s21+s4], $0x80, $0x38;
	[tilespmem:$0x1C400] =	vst v63  }
0xf1: {  	s22 =	sadd.s32 s2, s15  }
0xf2: {  	[tilespmem:s30], [sflag:$0x3] =	stream.linear.gather [hbm4b:s22+s4], $0x80, $0x38;
	[tilespmem:$0x1C400] =	vst v63  }
0xf3: {  	_ =	swait.ge [sflag:s1], $0x80  }
0xf4: {  	[sflag:s1] =	ssyncset.done $0x0  }
0xf5: {  	[sflag:s1] =	ssyncadd.s32 $0xFFFFFF80  }
0xf6: {  	_ =	swait.ge [sflag:s1], $0x80  }
0xf7: {  	[sflag:s1] =	ssyncset.done $0x0  }
0xf8: {  	s7 =	simm.s32 @!p0 $0x8;
	[sflag:s1] =	ssyncadd.s32 $0xFFFFFF80  }
0xf9: {  	[tilespmem:s23], [sflag:$0x5] =	stream.indirect.gather [hbm4b:s5+s26], $0x80, s4, s26, $0xb8;
	[tilespmem:$0x1C400] =	vst v63  }
0xfa: {  	_ =	swait.ge @!p0 [sflag:s7], $0x4000  }
0xfb: {  	s14 =	sor.u32 $0x30, s14;
	[sflag:s7] =	ssyncset.done @!p0 $0x0  }
0xfc: {  	s25 =	sadd.s32 s6, s14;
	[sflag:s7] =	ssyncadd.s32 @!p0 $0xFFFFC000  }
0xfd: {  	[tilespmem:s31], [sflag:$0x4] =	stream.linear.gather [hbm4b:s25+s4], $0x80, $0x38;
	[tilespmem:$0x1C400] =	vst v63  }
0xfe: {  	s15 =	sadd.s32 s2, s14  }
0xff: {  	[tilespmem:s0], [sflag:$0x4] =	stream.linear.gather [hbm4b:s15+s4], $0x80, $0x38;
	[tilespmem:$0x1C400] =	vst v63  }
0x100: {  	_ =	swait.ge [sflag:s8], $0x80  }
0x101: {  	[sflag:s8] =	ssyncset.done $0x0  }
0x102: {  	[sflag:s8] =	ssyncadd.s32 $0xFFFFFF80  }
0x103: {  	_ =	swait.ge [sflag:s8], $0x80  }
0x104: {  	[sflag:s8] =	ssyncset.done $0x0  }
0x105: {  	[sflag:s8] =	ssyncadd.s32 $0xFFFFFF80  }
0x106: {  	[tilespmem:s9], [sflag:$0x6] =	stream.indirect.gather [hbm4b:s5+s26], $0x80, s26, s26, $0xb8;
	[tilespmem:$0x1C400] =	vst v63  }
0x107: {  	_ =	swait.ge [sflag:s10], $0x4000  }
0x108: {  	[sflag:s10] =	ssyncset.done $0x0  }
0x109: {  	[sflag:s10] =	ssyncadd.s32 $0xFFFFC000  }
0x10a: {  	[spmem:s3] =	stream.indirect.scatter.add.f32 [tilespmem:s23], [sflag:$0x7], $0x80, s24, s26, $0xb8;
	[tilespmem:$0x1C400] =	vst v63  }
0x10b: {  	_ =	swait.ge [sflag:s11], $0x4000  }
0x10c: {  	[sflag:s11] =	ssyncset.done $0x0  }
0x10d: {  	[sflag:s11] =	ssyncadd.s32 $0xFFFFC000  }
0x10e: {  	[spmem:s3] =	stream.indirect.scatter.add.f32 [tilespmem:s9], [sflag:$0x8], $0x80, s28, s26, $0xb8;
	[tilespmem:$0x1C400] =	vst v63  }
0x10f: {  	_ =	swait.ge [sflag:s12], $0x4000  }
0x110: {  	p0 =	sgt.u32 s18, $0x26;
	[sflag:s12] =	ssyncset.done $0x0  }
0x111: {  	s7 =	simm.s32 @p0 $0x3;
	[sflag:s12] =	ssyncadd.s32 $0xFFFFC000  }
0x112: {  	_ =	swait.ge @p0 [sflag:s7], $0x80  }
0x113: {  	[sflag:s7] =	ssyncset.done @p0 $0x0  }
0x114: {  	[sflag:s7] =	ssyncadd.s32 @p0 $0xFFFFFF80  }
0x115: {  	_ =	swait.ge @p0 [sflag:s7], $0x80  }
0x116: {  	s14 =	simm.s32 @p0 $0x400;
	s18 =	simm.s32 @p0 $0x100;
	[sflag:s7] =	ssyncset.done @p0 $0x0  }
0x117: {  	s15 =	simm.s32 @p0 $0x8;
	[sflag:s7] =	ssyncadd.s32 @p0 $0xFFFFFF80;
	s7 =	simm.s32 @p0 $0x80  }
0x118: {  	[tilespmem:s14], [sflag:$0x5] =	stream.indirect.gather @p0 [hbm4b:s5+s7], $0x80, s18, s7, $0xb8;
	[tilespmem:$0x1C400] =	vst v63  }
0x119: {  	_ =	swait.ge @p0 [sflag:s15], $0x4000  }
0x11a: {  	s18 =	simm.s32 @!p0 $0x0;
	s7 =	rddreg [dreg:$0x4]  }
0x11b: {  	s14 =	rddreg [dreg:$0x5];
	[sflag:s15] =	ssyncset.done @p0 $0x0;
	s7 =	sadd.s32 @!p0 s16, s7  }
0x11c: {  	[sflag:s15] =	ssyncadd.s32 @p0 $0xFFFFC000;
	s14 =	sadd.s32 @!p0 s16, s14;
	s15 =	sadd.s32 @!p0 $0x40, s7  }
0x11d: {  	[tilespmem:s18], [sflag:$0x1] =	stream.linear.gather @!p0 [hbm4b:s15+s18], $0x80, $0x38;
	[tilespmem:$0x1C400] =	vst v63  }
0x11e: {  	s19 =	simm.s32 @!p0 $0x3;
	s16 =	simm.s32 @!p0 $0x200;
	s15 =	sadd.s32 @!p0 $0x40, s14  }
0x11f: {  	[tilespmem:s16], [sflag:$0x1] =	stream.linear.gather @!p0 [hbm4b:s15+s18], $0x80, $0x38;
	[tilespmem:$0x1C400] =	vst v63  }
0x120: {  	_ =	swait.ge @!p0 [sflag:s19], $0x80  }
0x121: {  	[sflag:s19] =	ssyncset.done @!p0 $0x0  }
0x122: {  	[sflag:s19] =	ssyncadd.s32 @!p0 $0xFFFFFF80  }
0x123: {  	_ =	swait.ge @!p0 [sflag:s19], $0x80  }
0x124: {  	s15 =	simm.s32 @!p0 $0x400;
	[sflag:s19] =	ssyncset.done @!p0 $0x0  }
0x125: {  	s16 =	simm.s32 @!p0 $0x80;
	[sflag:s19] =	ssyncadd.s32 @!p0 $0xFFFFFF80;
	s19 =	simm.s32 @!p0 $0x100  }
0x126: {  	[tilespmem:s15], [sflag:$0x5] =	stream.indirect.gather @!p0 [hbm4b:s5+s16], $0x80, s19, s16, $0xb8;
	[tilespmem:$0x1C400] =	vst v63  }
0x127: {  	s15 =	simm.s32 @!p0 $0x8  }
0x128: {  	_ =	swait.ge @!p0 [sflag:s15], $0x4000  }
0x129: {  	[sflag:s15] =	ssyncset.done @!p0 $0x0  }
0x12a: {  	s7 =	sadd.s32 @!p0 $0x50, s7;
	[sflag:s15] =	ssyncadd.s32 @!p0 $0xFFFFC000  }
0x12b: {  	[tilespmem:s16], [sflag:$0x2] =	stream.linear.gather @!p0 [hbm4b:s7+s18], $0x80, $0x38;
	[tilespmem:$0x1C400] =	vst v63  }
0x12c: {  	s7 =	sadd.s32 @!p0 $0x50, s14;
	s14 =	simm.s32 @!p0 $0x280  }
0x12d: {  	[tilespmem:s14], [sflag:$0x2] =	stream.linear.gather @!p0 [hbm4b:s7+s18], $0x80, $0x38;
	[tilespmem:$0x1C400] =	vst v63  }
0x12e: {  	_ =	swait.ge [sflag:s13], $0x80  }
0x12f: {  	[sflag:s13] =	ssyncset.done $0x0  }
0x130: {  	[sflag:s13] =	ssyncadd.s32 $0xFFFFFF80  }
0x131: {  	_ =	swait.ge [sflag:s13], $0x80  }
0x132: {  	[sflag:s13] =	ssyncset.done $0x0  }
0x133: {  	[sflag:s13] =	ssyncadd.s32 $0xFFFFFF80  }
0x134: {  	[tilespmem:s9], [sflag:$0x6] =	stream.indirect.gather [hbm4b:s5+s26], $0x80, s31, s26, $0xb8;
	[tilespmem:$0x1C400] =	vst v63  }
0x135: {  	_ =	swait.ge [sflag:s10], $0x4000  }
0x136: {  	[sflag:s10] =	ssyncset.done $0x0  }
0x137: {  	[sflag:s10] =	ssyncadd.s32 $0xFFFFC000  }
0x138: {  	[spmem:s3] =	stream.indirect.scatter.add.f32 [tilespmem:s23], [sflag:$0x7], $0x80, s30, s26, $0xb8;
	[tilespmem:$0x1C400] =	vst v63  }
0x139: {  	_ =	swait.ge [sflag:s11], $0x4000  }
0x13a: {  	[sflag:s11] =	ssyncset.done $0x0  }
0x13b: {  	[sflag:s11] =	ssyncadd.s32 $0xFFFFC000  }
0x13c: {  	[spmem:s3] =	stream.indirect.scatter.add.f32 [tilespmem:s9], [sflag:$0x8], $0x80, s0, s26, $0xb8;
	[tilespmem:$0x1C400] =	vst v63  }
0x13d: {  	_ =	swait.ge [sflag:s12], $0x4000  }
0x13e: {  	[sflag:s12] =	ssyncset.done $0x0  }
0x13f: {  	s18 =	simm.s32 $0x8;
	[sflag:s12] =	ssyncadd.s32 $0xFFFFC000  }
0x140: {  	_ =	swait.ge [sflag:s18], $0x4000  }
0x141: {  	[sflag:s18] =	ssyncset.done $0x0  }
0x142: {  	[sflag:s18] =	ssyncadd.s32 $0xFFFFC000  }
0x143: {  	s19 =	stileid.u32;
	[bflag:$0x0] =	sbarrier.arrive $0xFFFF  }
0x144: {  	s7 =	sshll.u32 s19, $0x6;
	s14 =	simm.s32 $0x9;
	s15 =	rddreg [dreg:$0x6]  }
0x145: {  	s7 =	sor.u32 $0x1C09, s7;
	s21 =	rddreg [dreg:$0x13];
	s20 =	sshrl.u32 s15, $0x3  }
0x146: {  	[hbm:s21], [sflag:s7] =	dma.local [spmem:s20], $0x2800  }
0x147: {  	_ =	swait.ge [sflag:s14], $0x2800  }
0x148: {  	s22 =	rddreg [dreg:$0x15]  }
0x149: {  	s25 =	rddreg [dreg:$0x14];
	s16 =	sadd.s32 $0x1, s22  }
0x14a: {  	p0 =	sne.s32 s16, s25  }
.Ltmp2:
0x14b: {  	_ = 	snop;
	(pc) =	sbr.rel @p0 .LBB2_1-.Ltmp2, $3  }
0x14c: {  	_ =	sdelay $0x1  }
0x14d: {  	[sflag:s14] =	ssyncset.done $0x0  }
0x14e: {  	[sflag:s14] =	ssyncadd.s32 $0xFFFFD800  }
0x14f: {  	_ =	sfence.sel $0x180000  }
0x150: {  	[bflag:$0x0] =	sbarrier.arrive $0xFFFF  }
0x151: {  	_ =	strace $0x90000050  }
0x152: {  	s0 =	stileid.u32;
	[bflag:$0x2] =	sbarrier.arrive $0xFFFF  }
0x153: {  	p0 =	sne.s32 s0, $0x0;
	s0 =	rddreg [dreg:$0x3]  }
0x154: {  	s0 =	sadd.s32 @!p0 $0x100000, s0  }
0x155: {  	[sflag:s0] =	ssyncadd.tile.s32 @!p0 $0x1;
	_ =	shalt  }
.Lfunc_end2:
_tile_overlayer_lowered:
.L_overlay_start_2:
0x156: {  	(tag) =	ssettag $0x2  }
0x157: {  	s0 =	rddreg [dreg:$0x0];
	s2 =	stileid.u32  }
0x158: {  	s1 =	rddreg [dreg:$0x1];
	p0 =	sne.s32 s2, $0x0  }
0x159: {  	s3 =	rddreg [dreg:$0x2];
	[bflag:$0x3] =	sbarrier.arrive $0xFFFF;
	s2 =	simm.s32 @!p0 $0x1C09  }
0x15a: {  	[timem:s3], [sflag:s2] =	dma.local @!p0 [hbm:s0], s1  }
0x15b: {  	s0 =	simm.s32 @!p0 $0x9  }
0x15c: {  	_ =	swait.ge @!p0 [sflag:s0], s1  }
0x15d: {  	s1 =	ssub.s32 @!p0 $0x0, s1;
	[sflag:s0] =	ssyncset.done @!p0 $0x0  }
0x15e: {  	[sflag:s0] =	ssyncadd.s32 @!p0 s1  }
0x15f: {  	[bflag:$0x3] =	sbarrier.arrive $0xFFFF  }
0x160: {  	_ =	shalt  }

</sc_bundles>
